<compile_context>
chip_gen: v7x
topology: tpu7x:2x2x1
jax: 0.10.2.dev20260603
libtpu: 0.0.44.dev20260713+nightly
codegen_flags: <defaults>
</compile_context>

<pallas_src>
import functools

import jax
import jax.numpy as jnp
from jax import lax
from jax.experimental import pallas as pl
from jax.experimental.pallas import tpu as pltpu
from jax.experimental.pallas import tpu_sc as plsc


def _lrelu(v):
    return jnp.where(v >= 0, v, 0.2 * v)


def _prep_body(x_ref, wa_ref, w2_ref, b2_ref, ba_ref, t_ref, wc_ref, bc_ref):
    oh = w2_ref.shape[0]
    wa = wa_ref[...]
    wa_m = wa[:oh, :]
    wa_x = wa[oh:, :]
    t_ref[...] = jnp.dot(x_ref[...], wa_x, preferred_element_type=jnp.float32)
    wc_ref[...] = jnp.dot(w2_ref[...], wa_m, preferred_element_type=jnp.float32)
    bc_ref[...] = (
        jnp.dot(b2_ref[...], wa_m, preferred_element_type=jnp.float32) + ba_ref[...]
    )


def _pass1_body(
    xs_ref, ea_ref, tt_ref, w1_ref, b1_ref, wc_ref, bc_ref,
    out_ref, m_ref, z_ref, macc, sacc,
):
    nin = xs_ref.shape[1]
    w1 = w1_ref[...]
    xb = xs_ref[...].astype(jnp.bfloat16)
    eb = ea_ref[...]
    pre = (
        jnp.dot(xb, w1[:nin, :], preferred_element_type=jnp.float32)
        + jnp.dot(eb, w1[nin:, :], preferred_element_type=jnp.float32)
        + b1_ref[...]
    )
    h = _lrelu(pre).astype(jnp.bfloat16)
    l = (
        jnp.dot(h, wc_ref[...], preferred_element_type=jnp.float32)
        + bc_ref[...]
        + tt_ref[...]
    )
    out_ref[...] = l

    i = pl.program_id(0)
    bm = jnp.max(l, axis=0, keepdims=True)

    @pl.when(i == 0)
    def _init():
        macc[...] = bm
        sacc[...] = jnp.sum(jnp.exp(l - bm), axis=0, keepdims=True)

    @pl.when(i > 0)
    def _update():
        mo = macc[...]
        mn = jnp.maximum(mo, bm)
        sacc[...] = sacc[...] * jnp.exp(mo - mn) + jnp.sum(
            jnp.exp(l - mn), axis=0, keepdims=True
        )
        macc[...] = mn

    m_ref[...] = macc[...]
    z_ref[...] = sacc[...]


def _pass2_body(
    xs_ref, ea_ref, l_ref, m0_ref, z0_ref, m1_ref, z1_ref, w1_ref, b1_ref,
    w2_ref, sel_ref, out_ref,
):
    nin = xs_ref.shape[1]
    out = out_ref.shape[1]
    w1 = w1_ref[...]
    xb = xs_ref[...].astype(jnp.bfloat16)
    eb = ea_ref[...]
    pre = (
        jnp.dot(xb, w1[:nin, :], preferred_element_type=jnp.float32)
        + jnp.dot(eb, w1[nin:, :], preferred_element_type=jnp.float32)
        + b1_ref[...]
    )
    h = _lrelu(pre).astype(jnp.bfloat16)
    mo0 = m0_ref[...]
    mo1 = m1_ref[...]
    mg = jnp.maximum(mo0, mo1)
    zg = z0_ref[...] * jnp.exp(mo0 - mg) + z1_ref[...] * jnp.exp(mo1 - mg)
    w = jnp.exp(l_ref[...] - mg) / zg * 0.25
    w2 = w2_ref[...]
    acc = jnp.dot(w, sel_ref[...], preferred_element_type=jnp.float32)
    for hd in range(4):
        mh = jnp.dot(
            h, w2[:, hd * out : (hd + 1) * out], preferred_element_type=jnp.float32
        )
        acc = acc + mh * w[:, hd : hd + 1]
    out_ref[...] = acc


def _pass3_body(
    x_ref, a0_ref, a1_ref, a2_ref, a3_ref, wu_ref, bu_ref, g_ref, b_ref, out_ref
):
    nin = x_ref.shape[1]
    wu = wu_ref[...]
    ag = (a0_ref[...] + a1_ref[...]) + (a2_ref[...] + a3_ref[...])
    u = (
        jnp.dot(x_ref[...], wu[:nin, :], precision=lax.Precision.HIGHEST,
                preferred_element_type=jnp.float32)
        + jnp.dot(ag, wu[nin:, :], precision=lax.Precision.HIGHEST,
                  preferred_element_type=jnp.float32)
        + bu_ref[...]
    )
    mean = jnp.mean(u, axis=-1, keepdims=True)
    cen = u - mean
    var = jnp.mean(cen * cen, axis=-1, keepdims=True)
    un = cen * lax.rsqrt(var + 1e-5) * g_ref[...] + b_ref[...]
    out_ref[...] = _lrelu(un)


_CH = 128
_GCH = 64


def _sc_gather_body(
    x_hbm, t_hbm, src_hbm, tgt_hbm, xs_out, tt_out,
    idx_s0, idx_s1, idx_t0, idx_t1, rows0, rows1, tbuf0, tbuf1, tvm,
    sem_g, sem_i0, sem_i1, sem_ox0, sem_ox1, sem_ot0, sem_ot1,
):
    idx_s = [idx_s0, idx_s1]
    idx_t = [idx_t0, idx_t1]
    rows = [rows0, rows1]
    tbuf = [tbuf0, tbuf1]
    sem_i = [sem_i0, sem_i1]
    sem_ox = [sem_ox0, sem_ox1]
    sem_ot = [sem_ot0, sem_ot1]
    e = src_hbm.shape[0]
    nch = e // _GCH
    nw = 32
    wid = lax.axis_index("s") * 2 + lax.axis_index("c")
    base_n = nch // nw
    rem = nch - base_n * nw
    nk = jnp.where(wid < rem, base_n + 1, base_n)

    pltpu.sync_copy(t_hbm, tvm)
    zero16 = jnp.zeros((16,), jnp.float32)
    for b in range(2):
        for r in range(_GCH):
            tbuf[b][r, :] = zero16
    lane = lax.iota(jnp.int32, 16)

    def chunk_off(i):
        return pl.multiple_of((wid + i * nw) * _GCH, _GCH)

    def issue_idx(i, b):
        off = chunk_off(i)
        pltpu.async_copy(src_hbm.at[pl.ds(off, _GCH)], idx_s[b], sem_i[b])
        pltpu.async_copy(tgt_hbm.at[pl.ds(off, _GCH)], idx_t[b], sem_i[b])

    def wait_idx(b):
        pltpu.make_async_copy(src_hbm.at[pl.ds(0, _GCH)], idx_s[b], sem_i[b]).wait()
        pltpu.make_async_copy(tgt_hbm.at[pl.ds(0, _GCH)], idx_t[b], sem_i[b]).wait()

    def wait_out(b):
        pltpu.make_async_copy(rows[b], xs_out.at[pl.ds(0, _GCH)], sem_ox[b]).wait()
        pltpu.make_async_copy(tbuf[b], tt_out.at[pl.ds(0, _GCH)], sem_ot[b]).wait()

    def step(i, b, bo):
        @pl.when(i < nk)
        def _():
            @pl.when(i + 1 < nk)
            def _():
                issue_idx(i + 1, bo)

            wait_idx(b)

            @pl.when(i >= 2)
            def _():
                wait_out(b)

            g = pltpu.async_copy(x_hbm.at[idx_s[b]], rows[b], sem_g)
            for v in range(_GCH // 16):
                tv = idx_t[b][pl.ds(v * 16, 16)]
                row_i = lane + v * 16
                for j in range(4):
                    vals = plsc.load_gather(tvm, [tv * 4 + j])
                    plsc.store_scatter(
                        tbuf[b], [row_i, jnp.full((16,), j, jnp.int32)], vals
                    )
            g.wait()
            off = chunk_off(i)
            pltpu.async_copy(rows[b], xs_out.at[pl.ds(off, _GCH)], sem_ox[b])
            pltpu.async_copy(tbuf[b], tt_out.at[pl.ds(off, _GCH)], sem_ot[b])

    issue_idx(0, 0)

    def pair(j, carry):
        step(2 * j, 0, 1)
        step(2 * j + 1, 1, 0)
        return carry

    lax.fori_loop(0, (base_n + 2) // 2, pair, 0)
    wait_out(0)
    wait_out(1)


def _sc_scatter_body(
    w_hbm, tgt_hbm, z_hbm, out0, out1,
    idx0, idx1, rows0, rows1,
    sem_i0, sem_i1, sem_r0, sem_r1, sem_s0, sem_s1,
):
    idx = [idx0, idx1]
    rows = [rows0, rows1]
    sem_i = [sem_i0, sem_i1]
    sem_r = [sem_r0, sem_r1]
    sem_s = [sem_s0, sem_s1]
    e = tgt_hbm.shape[0]
    nch = e // _CH
    n0 = (nch + 1) // 2
    c = lax.axis_index("c")
    s = lax.axis_index("s")

    pltpu.sync_copy(z_hbm, rows0)

    def _zero_plane(plane):
        for j in range(5):
            pltpu.sync_copy(rows0, plane.at[pl.ds(s * 640 + j * _CH, _CH)])

    @pl.when(c == 0)
    def _z0():
        _zero_plane(out0)

    @pl.when(c == 1)
    def _z1():
        _zero_plane(out1)

    plsc.subcore_barrier()

    cnt = jnp.where(c == 0, n0, nch - n0)
    base_n = cnt // 16
    rem = cnt - base_n * 16
    nk = jnp.where(s < rem, base_n + 1, base_n)

    def chunk_off(i):
        return pl.multiple_of((c * n0 + s + i * 16) * _CH, _CH)

    def issue_stage(i, b):
        off = chunk_off(i)
        pltpu.async_copy(tgt_hbm.at[pl.ds(off, _CH)], idx[b], sem_i[b])
        pltpu.async_copy(w_hbm.at[pl.ds(off, _CH)], rows[b], sem_r[b])

    def wait_stage(b):
        pltpu.make_async_copy(tgt_hbm.at[pl.ds(0, _CH)], idx[b], sem_i[b]).wait()
        pltpu.make_async_copy(w_hbm.at[pl.ds(0, _CH)], rows[b], sem_r[b]).wait()

    def wait_scat(b):
        @pl.when(c == 0)
        def _():
            pltpu.make_async_copy(rows[b], out0.at[pl.ds(0, _CH)], sem_s[b]).wait()

        @pl.when(c == 1)
        def _():
            pltpu.make_async_copy(rows[b], out1.at[pl.ds(0, _CH)], sem_s[b]).wait()

    def step(i, b, bo):
        @pl.when(i < nk)
        def _():
            @pl.when(i + 1 < nk)
            def _():
                @pl.when(i >= 1)
                def _():
                    wait_scat(bo)

                issue_stage(i + 1, bo)

            wait_stage(b)

            @pl.when(c == 0)
            def _():
                pltpu.async_copy(rows[b], out0.at[idx[b]], sem_s[b], add=True)

            @pl.when(c == 1)
            def _():
                pltpu.async_copy(rows[b], out1.at[idx[b]], sem_s[b], add=True)

    issue_stage(0, 0)

    def pair(j, carry):
        step(2 * j, 0, 1)
        step(2 * j + 1, 1, 0)
        return carry

    lax.fori_loop(0, (n0 // 16 + 2) // 2, pair, 0)
    wait_scat(0)
    wait_scat(1)


def kernel(x, edge_index, edge_attr, W1, b1, W2, b2, Wa, ba, Wu, bu, gamma, beta):
    n, nin = x.shape
    e = edge_index.shape[1]
    ed = edge_attr.shape[1]
    oh = W2.shape[0]
    nh = Wa.shape[1]
    out = Wu.shape[1]
    f32 = jnp.float32

    src = edge_index[0]
    tgt = edge_index[1]

    b1r = b1.reshape(1, oh)
    b2r = b2.reshape(1, oh)
    bur = bu.reshape(1, out)
    gr = gamma.reshape(1, out)
    br = beta.reshape(1, out)
    wa16 = jnp.pad(Wa, ((0, 0), (0, 16 - nh)))
    ba16 = jnp.pad(ba.reshape(1, nh), ((0, 0), (0, 16 - nh)))
    w1b = W1.astype(jnp.bfloat16)
    w2b = W2.astype(jnp.bfloat16)
    eab16 = edge_attr.astype(jnp.bfloat16)
    sel = jnp.pad(b2.reshape(nh, out), ((0, 16 - nh), (0, 0)))

    t16, wc16, bc16 = pl.pallas_call(
        _prep_body,
        out_shape=[
            jax.ShapeDtypeStruct((n, 16), f32),
            jax.ShapeDtypeStruct((oh, 16), f32),
            jax.ShapeDtypeStruct((1, 16), f32),
        ],
    )(x, wa16, W2, b2r, ba16)
    wc16b = wc16.astype(jnp.bfloat16)
    t4 = t16[:, :nh].reshape(-1)

    mesh = plsc.VectorSubcoreMesh(core_axis_name="c", subcore_axis_name="s")
    gather_k = functools.partial(
        pl.kernel,
        out_type=[
            jax.ShapeDtypeStruct((e // 2, nin), f32),
            jax.ShapeDtypeStruct((e // 2, 16), f32),
        ],
        mesh=mesh,
        compiler_params=pltpu.CompilerParams(needs_layout_passes=False),
        scratch_types=[
            pltpu.VMEM((_GCH,), jnp.int32),
            pltpu.VMEM((_GCH,), jnp.int32),
            pltpu.VMEM((_GCH,), jnp.int32),
            pltpu.VMEM((_GCH,), jnp.int32),
            pltpu.VMEM((_GCH, nin), f32),
            pltpu.VMEM((_GCH, nin), f32),
            pltpu.VMEM((_GCH, 16), f32),
            pltpu.VMEM((_GCH, 16), f32),
            pltpu.VMEM((nh * n,), f32),
            pltpu.SemaphoreType.DMA,
            pltpu.SemaphoreType.DMA,
            pltpu.SemaphoreType.DMA,
            pltpu.SemaphoreType.DMA,
            pltpu.SemaphoreType.DMA,
            pltpu.SemaphoreType.DMA,
            pltpu.SemaphoreType.DMA,
        ],
    )(_sc_gather_body)

    eh = e // 2
    be = 2000
    be2 = 1600

    def run_gather(sl):
        return gather_k(x, t4, src[sl], tgt[sl])

    def run_pass1(xsrc_h, ea_h, ttgt_h):
        return pl.pallas_call(
            _pass1_body,
            grid=(eh // be,),
            in_specs=[
                pl.BlockSpec((be, nin), lambda i: (i, 0)),
                pl.BlockSpec((be, ed), lambda i: (i, 0)),
                pl.BlockSpec((be, 16), lambda i: (i, 0)),
                pl.BlockSpec((nin + ed, oh), lambda i: (0, 0)),
                pl.BlockSpec((1, oh), lambda i: (0, 0)),
                pl.BlockSpec((oh, 16), lambda i: (0, 0)),
                pl.BlockSpec((1, 16), lambda i: (0, 0)),
            ],
            out_specs=[
                pl.BlockSpec((be, 16), lambda i: (i, 0)),
                pl.BlockSpec((1, 16), lambda i: (0, 0)),
                pl.BlockSpec((1, 16), lambda i: (0, 0)),
            ],
            out_shape=[
                jax.ShapeDtypeStruct((eh, 16), f32),
                jax.ShapeDtypeStruct((1, 16), f32),
                jax.ShapeDtypeStruct((1, 16), f32),
            ],
            scratch_shapes=[
                pltpu.VMEM((1, 16), f32),
                pltpu.VMEM((1, 16), f32),
            ],
        )(xsrc_h, ea_h, ttgt_h, w1b, b1r, wc16b, bc16)

    def run_pass2(xsrc_h, ea_h, logits_h, m0, z0, m1, z1):
        return pl.pallas_call(
            _pass2_body,
            grid=(eh // be2,),
            in_specs=[
                pl.BlockSpec((be2, nin), lambda i: (i, 0)),
                pl.BlockSpec((be2, ed), lambda i: (i, 0)),
                pl.BlockSpec((be2, 16), lambda i: (i, 0)),
                pl.BlockSpec((1, 16), lambda i: (0, 0)),
                pl.BlockSpec((1, 16), lambda i: (0, 0)),
                pl.BlockSpec((1, 16), lambda i: (0, 0)),
                pl.BlockSpec((1, 16), lambda i: (0, 0)),
                pl.BlockSpec((nin + ed, oh), lambda i: (0, 0)),
                pl.BlockSpec((1, oh), lambda i: (0, 0)),
                pl.BlockSpec((oh, oh), lambda i: (0, 0)),
                pl.BlockSpec((16, out), lambda i: (0, 0)),
            ],
            out_specs=pl.BlockSpec((be2, out), lambda i: (i, 0)),
            out_shape=jax.ShapeDtypeStruct((eh, out), f32),
        )(xsrc_h, ea_h, logits_h, m0, z0, m1, z1, w1b, b1r, w2b, sel)

    zeros_hbm = jnp.zeros((_CH, out), f32)
    scatter_k = functools.partial(
        pl.kernel,
        out_type=[
            jax.ShapeDtypeStruct((10240, out), f32),
            jax.ShapeDtypeStruct((10240, out), f32),
        ],
        mesh=mesh,
        compiler_params=pltpu.CompilerParams(needs_layout_passes=False),
        scratch_types=[
            pltpu.VMEM((_CH,), jnp.int32),
            pltpu.VMEM((_CH,), jnp.int32),
            pltpu.VMEM((_CH, out), f32),
            pltpu.VMEM((_CH, out), f32),
            pltpu.SemaphoreType.DMA,
            pltpu.SemaphoreType.DMA,
            pltpu.SemaphoreType.DMA,
            pltpu.SemaphoreType.DMA,
            pltpu.SemaphoreType.DMA,
            pltpu.SemaphoreType.DMA,
        ],
    )(_sc_scatter_body)

    h0 = slice(0, eh)
    h1 = slice(eh, e)
    ea0, ea1 = eab16[h0], eab16[h1]
    xsrc0, ttgt0 = run_gather(h0)
    xsrc1, ttgt1 = run_gather(h1)
    logits0, m0, z0 = run_pass1(xsrc0, ea0, ttgt0)
    logits1, m1, z1 = run_pass1(xsrc1, ea1, ttgt1)
    weighted0 = run_pass2(xsrc0, ea0, logits0, m0, z0, m1, z1)
    agg0a, agg1a = scatter_k(weighted0, tgt[h0], zeros_hbm)
    weighted1 = run_pass2(xsrc1, ea1, logits1, m0, z0, m1, z1)
    agg0b, agg1b = scatter_k(weighted1, tgt[h1], zeros_hbm)

    bn = 2000
    return pl.pallas_call(
        _pass3_body,
        grid=(n // bn,),
        in_specs=[
            pl.BlockSpec((bn, nin), lambda i: (i, 0)),
            pl.BlockSpec((bn, out), lambda i: (i, 0)),
            pl.BlockSpec((bn, out), lambda i: (i, 0)),
            pl.BlockSpec((bn, out), lambda i: (i, 0)),
            pl.BlockSpec((bn, out), lambda i: (i, 0)),
            pl.BlockSpec((nin + out, out), lambda i: (0, 0)),
            pl.BlockSpec((1, out), lambda i: (0, 0)),
            pl.BlockSpec((1, out), lambda i: (0, 0)),
            pl.BlockSpec((1, out), lambda i: (0, 0)),
        ],
        out_specs=pl.BlockSpec((bn, out), lambda i: (i, 0)),
        out_shape=jax.ShapeDtypeStruct((n, out), f32),
    )(x, agg0a[:n], agg1a[:n], agg0b[:n], agg1b[:n], Wu, bur, gr, br)

# --- scband reference (transcript-rebuilt; emitter-appended) ---
"""Pipeline reference for scband-edge-conditioned-conv-24567212933499 (READ-ONLY COPY).

The authoritative reference and input builder live on the scoring server;
editing this copy changes nothing except your own understanding.
"""

import jax, jax.numpy as jnp
import numpy as np

N = 10000
E = 160000
IN = 256
OUT = 256
ED = 16
H = 4


def leaky_relu(v):
    return jnp.where(v >= 0, v, 0.2 * v)


def setup_inputs(seed: int = 0) -> dict:
    key = jax.random.key(seed)
    ks = jax.random.split(key, 12)
    x = jax.random.normal(ks[0], (N, IN), dtype=jnp.float32)
    edge_index = jax.random.randint(ks[1], (2, E), 0, N, dtype=jnp.int32)
    edge_attr = jax.random.normal(ks[2], (E, ED), dtype=jnp.float32)
    W1 = jax.random.normal(ks[3], (IN + ED, OUT * H), dtype=jnp.float32) * 0.02
    b1 = jnp.zeros((OUT * H,), dtype=jnp.float32)
    W2 = jax.random.normal(ks[4], (OUT * H, OUT * H), dtype=jnp.float32) * 0.02
    b2 = jnp.zeros((OUT * H,), dtype=jnp.float32)
    Wa = jax.random.normal(ks[5], (OUT * H + IN, H), dtype=jnp.float32) * 0.02
    ba = jnp.zeros((H,), dtype=jnp.float32)
    Wu = jax.random.normal(ks[6], (IN + OUT, OUT), dtype=jnp.float32) * 0.02
    bu = jnp.zeros((OUT,), dtype=jnp.float32)
    gamma = jnp.ones((OUT,), dtype=jnp.float32)
    beta = jnp.zeros((OUT,), dtype=jnp.float32)
    return {"x": x, "edge_index": edge_index, "edge_attr": edge_attr,
            "W1": W1, "b1": b1, "W2": W2, "b2": b2,
            "Wa": Wa, "ba": ba, "Wu": Wu, "bu": bu,
            "gamma": gamma, "beta": beta}


def reference(x, edge_index, edge_attr, W1, b1, W2, b2, Wa, ba, Wu, bu, gamma, beta):
    src = edge_index[0]
    tgt = edge_index[1]
    neighbor_feats = jnp.take(x, src, axis=0)
    msg_input = jnp.concatenate([neighbor_feats, edge_attr], axis=-1)
    h = leaky_relu(msg_input @ W1 + b1)
    messages = h @ W2 + b2
    attn_input = jnp.concatenate([messages, jnp.take(x, tgt, axis=0)], axis=-1)
    attn_weights = attn_input @ Wa + ba
    attn_weights = jax.nn.softmax(attn_weights, axis=0)
    m = messages.reshape(-1, H, OUT)
    w = attn_weights[..., None]
    weighted = (m * w).mean(axis=1)
    aggregated = jnp.zeros((x.shape[0], OUT), dtype=x.dtype).at[tgt].add(weighted)
    u = jnp.concatenate([x, aggregated], axis=-1) @ Wu + bu
    mean = u.mean(axis=-1, keepdims=True)
    var = u.var(axis=-1, keepdims=True)
    un = (u - mean) / jnp.sqrt(var + 1e-5) * gamma + beta
    return leaky_relu(un)

if __name__ == "__main__":
    import jax
    _d = setup_inputs()
    print(jax.jit(kernel)(*tuple(_d.values())))

</pallas_src>

<mosaic_0001>
#map = affine_map<(d0, d1) -> (0, 0)>
#map1 = affine_map<(d0, d1) -> (0)>
module attributes {stable_mosaic.version = 14 : i64} {
  func.func @_sc_gather_body(%arg0: i32, %arg1: i32, %arg2: memref<10000x256xf32, #tpu.memory_space<hbm>>, %arg3: memref<40000xf32, #tpu.memory_space<hbm>>, %arg4: memref<80000xi32, #tpu.memory_space<hbm>>, %arg5: memref<80000xi32, #tpu.memory_space<hbm>>, %arg6: memref<80000x256xf32, #tpu.memory_space<hbm>>, %arg7: memref<80000x16xf32, #tpu.memory_space<hbm>>, %arg8: memref<64xi32, #tpu.memory_space<vmem>>, %arg9: memref<64xi32, #tpu.memory_space<vmem>>, %arg10: memref<64xi32, #tpu.memory_space<vmem>>, %arg11: memref<64xi32, #tpu.memory_space<vmem>>, %arg12: memref<64x256xf32, #tpu.memory_space<vmem>>, %arg13: memref<64x256xf32, #tpu.memory_space<vmem>>, %arg14: memref<64x16xf32, #tpu.memory_space<vmem>>, %arg15: memref<64x16xf32, #tpu.memory_space<vmem>>, %arg16: memref<40000xf32, #tpu.memory_space<vmem>>, %arg17: memref<!tpu.dma_semaphore, #tpu.memory_space<semaphore_mem>>, %arg18: memref<!tpu.dma_semaphore, #tpu.memory_space<semaphore_mem>>, %arg19: memref<!tpu.dma_semaphore, #tpu.memory_space<semaphore_mem>>, %arg20: memref<!tpu.dma_semaphore, #tpu.memory_space<semaphore_mem>>, %arg21: memref<!tpu.dma_semaphore, #tpu.memory_space<semaphore_mem>>, %arg22: memref<!tpu.dma_semaphore, #tpu.memory_space<semaphore_mem>>, %arg23: memref<!tpu.dma_semaphore, #tpu.memory_space<semaphore_mem>>) attributes {dimension_semantics = [#tpu.dimension_semantics<core_parallel>, #tpu.dimension_semantics<subcore_parallel>], iteration_bounds = array<i64: 2, 16>, scalar_prefetch = 0 : i64, scratch_operands = 16 : i64, tpu.core_type = #tpu.core_type<sc_vector_subcore>, window_params = [{transform_indices = #map}, {transform_indices = #map1}, {transform_indices = #map1}, {transform_indices = #map1}, {transform_indices = #map}, {transform_indices = #map}]} {
    %mul3A = arith.constant 2 : i32
    %mul3A_0 = arith.muli %arg1, %mul3A : i32
    %add3A = arith.addi %mul3A_0, %arg0 : i32
    %lt3A = arith.constant 2 : i32
    %lt3A_1 = arith.cmpi slt, %add3A, %lt3A : i32
    %jit3A = arith.constant 40 : i32
    %jit3A_2 = arith.constant 39 : i32
    %select_n3A = arith.select %lt3A_1, %jit3A, %jit3A_2 : i32
    "tpu.region"() ({
      %run_scoped3A = tpu.sem_alloc : memref<!tpu.dma_semaphore, #tpu.memory_space<semaphore_mem>>
      tpu.enqueue_dma source(%arg3 : memref<40000xf32, #tpu.memory_space<hbm>>) target(%arg16 : memref<40000xf32, #tpu.memory_space<vmem>>) target_semaphore(%run_scoped3A : memref<!tpu.dma_semaphore, #tpu.memory_space<semaphore_mem>>)
      tpu.wait_dma2 semaphore(%run_scoped3A : memref<!tpu.dma_semaphore, #tpu.memory_space<semaphore_mem>>) src(%arg3 : memref<40000xf32, #tpu.memory_space<hbm>>) dst(%arg16 : memref<40000xf32, #tpu.memory_space<vmem>>)
      tpu.yield
    }) : () -> ()
    %broadcast_in_dim3A = arith.constant 0.000000e+00 : f32
    %broadcast_in_dim3A_3 = vector.broadcast %broadcast_in_dim3A : f32 to vector<16xf32>
    %swap3A = arith.constant 0 : i32
    %swap3A_4 = arith.index_cast %swap3A : i32 to index
    %swap3A_5 = arith.constant 0 : index
    %swap3A_6 = tpu.vector_load %arg14[%swap3A_4, %swap3A_5] {strides = array<i32>} : memref<64x16xf32, #tpu.memory_space<vmem>>, vector<16xf32>,
    tpu.vector_store %arg14[%swap3A_4, %swap3A_5], %broadcast_in_dim3A_3 {strides = array<i32>} : memref<64x16xf32, #tpu.memory_space<vmem>>, vector<16xf32>,
    %swap3A_7 = arith.constant 1 : i32
    %swap3A_8 = arith.index_cast %swap3A_7 : i32 to index
    %swap3A_9 = arith.constant 0 : index
    %swap3A_10 = tpu.vector_load %arg14[%swap3A_8, %swap3A_9] {strides = array<i32>} : memref<64x16xf32, #tpu.memory_space<vmem>>, vector<16xf32>,
    tpu.vector_store %arg14[%swap3A_8, %swap3A_9], %broadcast_in_dim3A_3 {strides = array<i32>} : memref<64x16xf32, #tpu.memory_space<vmem>>, vector<16xf32>,
    %swap3A_11 = arith.constant 2 : i32
    %swap3A_12 = arith.index_cast %swap3A_11 : i32 to index
    %swap3A_13 = arith.constant 0 : index
    %swap3A_14 = tpu.vector_load %arg14[%swap3A_12, %swap3A_13] {strides = array<i32>} : memref<64x16xf32, #tpu.memory_space<vmem>>, vector<16xf32>,
    tpu.vector_store %arg14[%swap3A_12, %swap3A_13], %broadcast_in_dim3A_3 {strides = array<i32>} : memref<64x16xf32, #tpu.memory_space<vmem>>, vector<16xf32>,
    %swap3A_15 = arith.constant 3 : i32
    %swap3A_16 = arith.index_cast %swap3A_15 : i32 to index
    %swap3A_17 = arith.constant 0 : index
    %swap3A_18 = tpu.vector_load %arg14[%swap3A_16, %swap3A_17] {strides = array<i32>} : memref<64x16xf32, #tpu.memory_space<vmem>>, vector<16xf32>,
    tpu.vector_store %arg14[%swap3A_16, %swap3A_17], %broadcast_in_dim3A_3 {strides = array<i32>} : memref<64x16xf32, #tpu.memory_space<vmem>>, vector<16xf32>,
    %swap3A_19 = arith.constant 4 : i32
    %swap3A_20 = arith.index_cast %swap3A_19 : i32 to index
    %swap3A_21 = arith.constant 0 : index
    %swap3A_22 = tpu.vector_load %arg14[%swap3A_20, %swap3A_21] {strides = array<i32>} : memref<64x16xf32, #tpu.memory_space<vmem>>, vector<16xf32>,
    tpu.vector_store %arg14[%swap3A_20, %swap3A_21], %broadcast_in_dim3A_3 {strides = array<i32>} : memref<64x16xf32, #tpu.memory_space<vmem>>, vector<16xf32>,
    %swap3A_23 = arith.constant 5 : i32
    %swap3A_24 = arith.index_cast %swap3A_23 : i32 to index
    %swap3A_25 = arith.constant 0 : index
    %swap3A_26 = tpu.vector_load %arg14[%swap3A_24, %swap3A_25] {strides = array<i32>} : memref<64x16xf32, #tpu.memory_space<vmem>>, vector<16xf32>,
    tpu.vector_store %arg14[%swap3A_24, %swap3A_25], %broadcast_in_dim3A_3 {strides = array<i32>} : memref<64x16xf32, #tpu.memory_space<vmem>>, vector<16xf32>,
    %swap3A_27 = arith.constant 6 : i32
    %swap3A_28 = arith.index_cast %swap3A_27 : i32 to index
    %swap3A_29 = arith.constant 0 : index
    %swap3A_30 = tpu.vector_load %arg14[%swap3A_28, %swap3A_29] {strides = array<i32>} : memref<64x16xf32, #tpu.memory_space<vmem>>, vector<16xf32>,
    tpu.vector_store %arg14[%swap3A_28, %swap3A_29], %broadcast_in_dim3A_3 {strides = array<i32>} : memref<64x16xf32, #tpu.memory_space<vmem>>, vector<16xf32>,
    %swap3A_31 = arith.constant 7 : i32
    %swap3A_32 = arith.index_cast %swap3A_31 : i32 to index
    %swap3A_33 = arith.constant 0 : index
    %swap3A_34 = tpu.vector_load %arg14[%swap3A_32, %swap3A_33] {strides = array<i32>} : memref<64x16xf32, #tpu.memory_space<vmem>>, vector<16xf32>,
    tpu.vector_store %arg14[%swap3A_32, %swap3A_33], %broadcast_in_dim3A_3 {strides = array<i32>} : memref<64x16xf32, #tpu.memory_space<vmem>>, vector<16xf32>,
    %swap3A_35 = arith.constant 8 : i32
    %swap3A_36 = arith.index_cast %swap3A_35 : i32 to index
    %swap3A_37 = arith.constant 0 : index
    %swap3A_38 = tpu.vector_load %arg14[%swap3A_36, %swap3A_37] {strides = array<i32>} : memref<64x16xf32, #tpu.memory_space<vmem>>, vector<16xf32>,
    tpu.vector_store %arg14[%swap3A_36, %swap3A_37], %broadcast_in_dim3A_3 {strides = array<i32>} : memref<64x16xf32, #tpu.memory_space<vmem>>, vector<16xf32>,
    %swap3A_39 = arith.constant 9 : i32
    %swap3A_40 = arith.index_cast %swap3A_39 : i32 to index
    %swap3A_41 = arith.constant 0 : index
    %swap3A_42 = tpu.vector_load %arg14[%swap3A_40, %swap3A_41] {strides = array<i32>} : memref<64x16xf32, #tpu.memory_space<vmem>>, vector<16xf32>,
    tpu.vector_store %arg14[%swap3A_40, %swap3A_41], %broadcast_in_dim3A_3 {strides = array<i32>} : memref<64x16xf32, #tpu.memory_space<vmem>>, vector<16xf32>,
    %swap3A_43 = arith.constant 10 : i32
    %swap3A_44 = arith.index_cast %swap3A_43 : i32 to index
    %swap3A_45 = arith.constant 0 : index
    %swap3A_46 = tpu.vector_load %arg14[%swap3A_44, %swap3A_45] {strides = array<i32>} : memref<64x16xf32, #tpu.memory_space<vmem>>, vector<16xf32>,
    tpu.vector_store %arg14[%swap3A_44, %swap3A_45], %broadcast_in_dim3A_3 {strides = array<i32>} : memref<64x16xf32, #tpu.memory_space<vmem>>, vector<16xf32>,
    %swap3A_47 = arith.constant 11 : i32
    %swap3A_48 = arith.index_cast %swap3A_47 : i32 to index
    %swap3A_49 = arith.constant 0 : index
    %swap3A_50 = tpu.vector_load %arg14[%swap3A_48, %swap3A_49] {strides = array<i32>} : memref<64x16xf32, #tpu.memory_space<vmem>>, vector<16xf32>,
    tpu.vector_store %arg14[%swap3A_48, %swap3A_49], %broadcast_in_dim3A_3 {strides = array<i32>} : memref<64x16xf32, #tpu.memory_space<vmem>>, vector<16xf32>,
    %swap3A_51 = arith.constant 12 : i32
    %swap3A_52 = arith.index_cast %swap3A_51 : i32 to index
    %swap3A_53 = arith.constant 0 : index
    %swap3A_54 = tpu.vector_load %arg14[%swap3A_52, %swap3A_53] {strides = array<i32>} : memref<64x16xf32, #tpu.memory_space<vmem>>, vector<16xf32>,
    tpu.vector_store %arg14[%swap3A_52, %swap3A_53], %broadcast_in_dim3A_3 {strides = array<i32>} : memref<64x16xf32, #tpu.memory_space<vmem>>, vector<16xf32>,
    %swap3A_55 = arith.constant 13 : i32
    %swap3A_56 = arith.index_cast %swap3A_55 : i32 to index
    %swap3A_57 = arith.constant 0 : index
    %swap3A_58 = tpu.vector_load %arg14[%swap3A_56, %swap3A_57] {strides = array<i32>} : memref<64x16xf32, #tpu.memory_space<vmem>>, vector<16xf32>,
    tpu.vector_store %arg14[%swap3A_56, %swap3A_57], %broadcast_in_dim3A_3 {strides = array<i32>} : memref<64x16xf32, #tpu.memory_space<vmem>>, vector<16xf32>,
    %swap3A_59 = arith.constant 14 : i32
    %swap3A_60 = arith.index_cast %swap3A_59 : i32 to index
    %swap3A_61 = arith.constant 0 : index
    %swap3A_62 = tpu.vector_load %arg14[%swap3A_60, %swap3A_61] {strides = array<i32>} : memref<64x16xf32, #tpu.memory_space<vmem>>, vector<16xf32>,
    tpu.vector_store %arg14[%swap3A_60, %swap3A_61], %broadcast_in_dim3A_3 {strides = array<i32>} : memref<64x16xf32, #tpu.memory_space<vmem>>, vector<16xf32>,
    %swap3A_63 = arith.constant 15 : i32
    %swap3A_64 = arith.index_cast %swap3A_63 : i32 to index
    %swap3A_65 = arith.constant 0 : index
    %swap3A_66 = tpu.vector_load %arg14[%swap3A_64, %swap3A_65] {strides = array<i32>} : memref<64x16xf32, #tpu.memory_space<vmem>>, vector<16xf32>,
    tpu.vector_store %arg14[%swap3A_64, %swap3A_65], %broadcast_in_dim3A_3 {strides = array<i32>} : memref<64x16xf32, #tpu.memory_space<vmem>>, vector<16xf32>,
    %swap3A_67 = arith.constant 16 : i32
    %swap3A_68 = arith.index_cast %swap3A_67 : i32 to index
    %swap3A_69 = arith.constant 0 : index
    %swap3A_70 = tpu.vector_load %arg14[%swap3A_68, %swap3A_69] {strides = array<i32>} : memref<64x16xf32, #tpu.memory_space<vmem>>, vector<16xf32>,
    tpu.vector_store %arg14[%swap3A_68, %swap3A_69], %broadcast_in_dim3A_3 {strides = array<i32>} : memref<64x16xf32, #tpu.memory_space<vmem>>, vector<16xf32>,
    %swap3A_71 = arith.constant 17 : i32
    %swap3A_72 = arith.index_cast %swap3A_71 : i32 to index
    %swap3A_73 = arith.constant 0 : index
    %swap3A_74 = tpu.vector_load %arg14[%swap3A_72, %swap3A_73] {strides = array<i32>} : memref<64x16xf32, #tpu.memory_space<vmem>>, vector<16xf32>,
    tpu.vector_store %arg14[%swap3A_72, %swap3A_73], %broadcast_in_dim3A_3 {strides = array<i32>} : memref<64x16xf32, #tpu.memory_space<vmem>>, vector<16xf32>,
    %swap3A_75 = arith.constant 18 : i32
    %swap3A_76 = arith.index_cast %swap3A_75 : i32 to index
    %swap3A_77 = arith.constant 0 : index
    %swap3A_78 = tpu.vector_load %arg14[%swap3A_76, %swap3A_77] {strides = array<i32>} : memref<64x16xf32, #tpu.memory_space<vmem>>, vector<16xf32>,
    tpu.vector_store %arg14[%swap3A_76, %swap3A_77], %broadcast_in_dim3A_3 {strides = array<i32>} : memref<64x16xf32, #tpu.memory_space<vmem>>, vector<16xf32>,
    %swap3A_79 = arith.constant 19 : i32
    %swap3A_80 = arith.index_cast %swap3A_79 : i32 to index
    %swap3A_81 = arith.constant 0 : index
    %swap3A_82 = tpu.vector_load %arg14[%swap3A_80, %swap3A_81] {strides = array<i32>} : memref<64x16xf32, #tpu.memory_space<vmem>>, vector<16xf32>,
    tpu.vector_store %arg14[%swap3A_80, %swap3A_81], %broadcast_in_dim3A_3 {strides = array<i32>} : memref<64x16xf32, #tpu.memory_space<vmem>>, vector<16xf32>,
    %swap3A_83 = arith.constant 20 : i32
    %swap3A_84 = arith.index_cast %swap3A_83 : i32 to index
    %swap3A_85 = arith.constant 0 : index
    %swap3A_86 = tpu.vector_load %arg14[%swap3A_84, %swap3A_85] {strides = array<i32>} : memref<64x16xf32, #tpu.memory_space<vmem>>, vector<16xf32>,
    tpu.vector_store %arg14[%swap3A_84, %swap3A_85], %broadcast_in_dim3A_3 {strides = array<i32>} : memref<64x16xf32, #tpu.memory_space<vmem>>, vector<16xf32>,
    %swap3A_87 = arith.constant 21 : i32
    %swap3A_88 = arith.index_cast %swap3A_87 : i32 to index
    %swap3A_89 = arith.constant 0 : index
    %swap3A_90 = tpu.vector_load %arg14[%swap3A_88, %swap3A_89] {strides = array<i32>} : memref<64x16xf32, #tpu.memory_space<vmem>>, vector<16xf32>,
    tpu.vector_store %arg14[%swap3A_88, %swap3A_89], %broadcast_in_dim3A_3 {strides = array<i32>} : memref<64x16xf32, #tpu.memory_space<vmem>>, vector<16xf32>,
    %swap3A_91 = arith.constant 22 : i32
    %swap3A_92 = arith.index_cast %swap3A_91 : i32 to index
    %swap3A_93 = arith.constant 0 : index
    %swap3A_94 = tpu.vector_load %arg14[%swap3A_92, %swap3A_93] {strides = array<i32>} : memref<64x16xf32, #tpu.memory_space<vmem>>, vector<16xf32>,
    tpu.vector_store %arg14[%swap3A_92, %swap3A_93], %broadcast_in_dim3A_3 {strides = array<i32>} : memref<64x16xf32, #tpu.memory_space<vmem>>, vector<16xf32>,
    %swap3A_95 = arith.constant 23 : i32
    %swap3A_96 = arith.index_cast %swap3A_95 : i32 to index
    %swap3A_97 = arith.constant 0 : index
    %swap3A_98 = tpu.vector_load %arg14[%swap3A_96, %swap3A_97] {strides = array<i32>} : memref<64x16xf32, #tpu.memory_space<vmem>>, vector<16xf32>,
    tpu.vector_store %arg14[%swap3A_96, %swap3A_97], %broadcast_in_dim3A_3 {strides = array<i32>} : memref<64x16xf32, #tpu.memory_space<vmem>>, vector<16xf32>,
    %swap3A_99 = arith.constant 24 : i32
    %swap3A_100 = arith.index_cast %swap3A_99 : i32 to index
    %swap3A_101 = arith.constant 0 : index
    %swap3A_102 = tpu.vector_load %arg14[%swap3A_100, %swap3A_101] {strides = array<i32>} : memref<64x16xf32, #tpu.memory_space<vmem>>, vector<16xf32>,
    tpu.vector_store %arg14[%swap3A_100, %swap3A_101], %broadcast_in_dim3A_3 {strides = array<i32>} : memref<64x16xf32, #tpu.memory_space<vmem>>, vector<16xf32>,
    %swap3A_103 = arith.constant 25 : i32
    %swap3A_104 = arith.index_cast %swap3A_103 : i32 to index
    %swap3A_105 = arith.constant 0 : index
    %swap3A_106 = tpu.vector_load %arg14[%swap3A_104, %swap3A_105] {strides = array<i32>} : memref<64x16xf32, #tpu.memory_space<vmem>>, vector<16xf32>,
    tpu.vector_store %arg14[%swap3A_104, %swap3A_105], %broadcast_in_dim3A_3 {strides = array<i32>} : memref<64x16xf32, #tpu.memory_space<vmem>>, vector<16xf32>,
    %swap3A_107 = arith.constant 26 : i32
    %swap3A_108 = arith.index_cast %swap3A_107 : i32 to index
    %swap3A_109 = arith.constant 0 : index
    %swap3A_110 = tpu.vector_load %arg14[%swap3A_108, %swap3A_109] {strides = array<i32>} : memref<64x16xf32, #tpu.memory_space<vmem>>, vector<16xf32>,
    tpu.vector_store %arg14[%swap3A_108, %swap3A_109], %broadcast_in_dim3A_3 {strides = array<i32>} : memref<64x16xf32, #tpu.memory_space<vmem>>, vector<16xf32>,
    %swap3A_111 = arith.constant 27 : i32
    %swap3A_112 = arith.index_cast %swap3A_111 : i32 to index
    %swap3A_113 = arith.constant 0 : index
    %swap3A_114 = tpu.vector_load %arg14[%swap3A_112, %swap3A_113] {strides = array<i32>} : memref<64x16xf32, #tpu.memory_space<vmem>>, vector<16xf32>,
    tpu.vector_store %arg14[%swap3A_112, %swap3A_113], %broadcast_in_dim3A_3 {strides = array<i32>} : memref<64x16xf32, #tpu.memory_space<vmem>>, vector<16xf32>,
    %swap3A_115 = arith.constant 28 : i32
    %swap3A_116 = arith.index_cast %swap3A_115 : i32 to index
    %swap3A_117 = arith.constant 0 : index
    %swap3A_118 = tpu.vector_load %arg14[%swap3A_116, %swap3A_117] {strides = array<i32>} : memref<64x16xf32, #tpu.memory_space<vmem>>, vector<16xf32>,
    tpu.vector_store %arg14[%swap3A_116, %swap3A_117], %broadcast_in_dim3A_3 {strides = array<i32>} : memref<64x16xf32, #tpu.memory_space<vmem>>, vector<16xf32>,
    %swap3A_119 = arith.constant 29 : i32
    %swap3A_120 = arith.index_cast %swap3A_119 : i32 to index
    %swap3A_121 = arith.constant 0 : index
    %swap3A_122 = tpu.vector_load %arg14[%swap3A_120, %swap3A_121] {strides = array<i32>} : memref<64x16xf32, #tpu.memory_space<vmem>>, vector<16xf32>,
    tpu.vector_store %arg14[%swap3A_120, %swap3A_121], %broadcast_in_dim3A_3 {strides = array<i32>} : memref<64x16xf32, #tpu.memory_space<vmem>>, vector<16xf32>,
    %swap3A_123 = arith.constant 30 : i32
    %swap3A_124 = arith.index_cast %swap3A_123 : i32 to index
    %swap3A_125 = arith.constant 0 : index
    %swap3A_126 = tpu.vector_load %arg14[%swap3A_124, %swap3A_125] {strides = array<i32>} : memref<64x16xf32, #tpu.memory_space<vmem>>, vector<16xf32>,
    tpu.vector_store %arg14[%swap3A_124, %swap3A_125], %broadcast_in_dim3A_3 {strides = array<i32>} : memref<64x16xf32, #tpu.memory_space<vmem>>, vector<16xf32>,
    %swap3A_127 = arith.constant 31 : i32
    %swap3A_128 = arith.index_cast %swap3A_127 : i32 to index
    %swap3A_129 = arith.constant 0 : index
    %swap3A_130 = tpu.vector_load %arg14[%swap3A_128, %swap3A_129] {strides = array<i32>} : memref<64x16xf32, #tpu.memory_space<vmem>>, vector<16xf32>,
    tpu.vector_store %arg14[%swap3A_128, %swap3A_129], %broadcast_in_dim3A_3 {strides = array<i32>} : memref<64x16xf32, #tpu.memory_space<vmem>>, vector<16xf32>,
    %swap3A_131 = arith.constant 32 : i32
    %swap3A_132 = arith.index_cast %swap3A_131 : i32 to index
    %swap3A_133 = arith.constant 0 : index
    %swap3A_134 = tpu.vector_load %arg14[%swap3A_132, %swap3A_133] {strides = array<i32>} : memref<64x16xf32, #tpu.memory_space<vmem>>, vector<16xf32>,
    tpu.vector_store %arg14[%swap3A_132, %swap3A_133], %broadcast_in_dim3A_3 {strides = array<i32>} : memref<64x16xf32, #tpu.memory_space<vmem>>, vector<16xf32>,
    %swap3A_135 = arith.constant 33 : i32
    %swap3A_136 = arith.index_cast %swap3A_135 : i32 to index
    %swap3A_137 = arith.constant 0 : index
    %swap3A_138 = tpu.vector_load %arg14[%swap3A_136, %swap3A_137] {strides = array<i32>} : memref<64x16xf32, #tpu.memory_space<vmem>>, vector<16xf32>,
    tpu.vector_store %arg14[%swap3A_136, %swap3A_137], %broadcast_in_dim3A_3 {strides = array<i32>} : memref<64x16xf32, #tpu.memory_space<vmem>>, vector<16xf32>,
    %swap3A_139 = arith.constant 34 : i32
    %swap3A_140 = arith.index_cast %swap3A_139 : i32 to index
    %swap3A_141 = arith.constant 0 : index
    %swap3A_142 = tpu.vector_load %arg14[%swap3A_140, %swap3A_141] {strides = array<i32>} : memref<64x16xf32, #tpu.memory_space<vmem>>, vector<16xf32>,
    tpu.vector_store %arg14[%swap3A_140, %swap3A_141], %broadcast_in_dim3A_3 {strides = array<i32>} : memref<64x16xf32, #tpu.memory_space<vmem>>, vector<16xf32>,
    %swap3A_143 = arith.constant 35 : i32
    %swap3A_144 = arith.index_cast %swap3A_143 : i32 to index
    %swap3A_145 = arith.constant 0 : index
    %swap3A_146 = tpu.vector_load %arg14[%swap3A_144, %swap3A_145] {strides = array<i32>} : memref<64x16xf32, #tpu.memory_space<vmem>>, vector<16xf32>,
    tpu.vector_store %arg14[%swap3A_144, %swap3A_145], %broadcast_in_dim3A_3 {strides = array<i32>} : memref<64x16xf32, #tpu.memory_space<vmem>>, vector<16xf32>,
    %swap3A_147 = arith.constant 36 : i32
    %swap3A_148 = arith.index_cast %swap3A_147 : i32 to index
    %swap3A_149 = arith.constant 0 : index
    %swap3A_150 = tpu.vector_load %arg14[%swap3A_148, %swap3A_149] {strides = array<i32>} : memref<64x16xf32, #tpu.memory_space<vmem>>, vector<16xf32>,
    tpu.vector_store %arg14[%swap3A_148, %swap3A_149], %broadcast_in_dim3A_3 {strides = array<i32>} : memref<64x16xf32, #tpu.memory_space<vmem>>, vector<16xf32>,
    %swap3A_151 = arith.constant 37 : i32
    %swap3A_152 = arith.index_cast %swap3A_151 : i32 to index
    %swap3A_153 = arith.constant 0 : index
    %swap3A_154 = tpu.vector_load %arg14[%swap3A_152, %swap3A_153] {strides = array<i32>} : memref<64x16xf32, #tpu.memory_space<vmem>>, vector<16xf32>,
    tpu.vector_store %arg14[%swap3A_152, %swap3A_153], %broadcast_in_dim3A_3 {strides = array<i32>} : memref<64x16xf32, #tpu.memory_space<vmem>>, vector<16xf32>,
    %swap3A_155 = arith.constant 38 : i32
    %swap3A_156 = arith.index_cast %swap3A_155 : i32 to index
    %swap3A_157 = arith.constant 0 : index
    %swap3A_158 = tpu.vector_load %arg14[%swap3A_156, %swap3A_157] {strides = array<i32>} : memref<64x16xf32, #tpu.memory_space<vmem>>, vector<16xf32>,
    tpu.vector_store %arg14[%swap3A_156, %swap3A_157], %broadcast_in_dim3A_3 {strides = array<i32>} : memref<64x16xf32, #tpu.memory_space<vmem>>, vector<16xf32>,
    %swap3A_159 = arith.constant 39 : i32
    %swap3A_160 = arith.index_cast %swap3A_159 : i32 to index
    %swap3A_161 = arith.constant 0 : index
    %swap3A_162 = tpu.vector_load %arg14[%swap3A_160, %swap3A_161] {strides = array<i32>} : memref<64x16xf32, #tpu.memory_space<vmem>>, vector<16xf32>,
    tpu.vector_store %arg14[%swap3A_160, %swap3A_161], %broadcast_in_dim3A_3 {strides = array<i32>} : memref<64x16xf32, #tpu.memory_space<vmem>>, vector<16xf32>,
    %swap3A_163 = arith.constant 40 : i32
    %swap3A_164 = arith.index_cast %swap3A_163 : i32 to index
    %swap3A_165 = arith.constant 0 : index
    %swap3A_166 = tpu.vector_load %arg14[%swap3A_164, %swap3A_165] {strides = array<i32>} : memref<64x16xf32, #tpu.memory_space<vmem>>, vector<16xf32>,
    tpu.vector_store %arg14[%swap3A_164, %swap3A_165], %broadcast_in_dim3A_3 {strides = array<i32>} : memref<64x16xf32, #tpu.memory_space<vmem>>, vector<16xf32>,
    %swap3A_167 = arith.constant 41 : i32
    %swap3A_168 = arith.index_cast %swap3A_167 : i32 to index
    %swap3A_169 = arith.constant 0 : index
    %swap3A_170 = tpu.vector_load %arg14[%swap3A_168, %swap3A_169] {strides = array<i32>} : memref<64x16xf32, #tpu.memory_space<vmem>>, vector<16xf32>,
    tpu.vector_store %arg14[%swap3A_168, %swap3A_169], %broadcast_in_dim3A_3 {strides = array<i32>} : memref<64x16xf32, #tpu.memory_space<vmem>>, vector<16xf32>,
    %swap3A_171 = arith.constant 42 : i32
    %swap3A_172 = arith.index_cast %swap3A_171 : i32 to index
    %swap3A_173 = arith.constant 0 : index
    %swap3A_174 = tpu.vector_load %arg14[%swap3A_172, %swap3A_173] {strides = array<i32>} : memref<64x16xf32, #tpu.memory_space<vmem>>, vector<16xf32>,
    tpu.vector_store %arg14[%swap3A_172, %swap3A_173], %broadcast_in_dim3A_3 {strides = array<i32>} : memref<64x16xf32, #tpu.memory_space<vmem>>, vector<16xf32>,
    %swap3A_175 = arith.constant 43 : i32
    %swap3A_176 = arith.index_cast %swap3A_175 : i32 to index
    %swap3A_177 = arith.constant 0 : index
    %swap3A_178 = tpu.vector_load %arg14[%swap3A_176, %swap3A_177] {strides = array<i32>} : memref<64x16xf32, #tpu.memory_space<vmem>>, vector<16xf32>,
    tpu.vector_store %arg14[%swap3A_176, %swap3A_177], %broadcast_in_dim3A_3 {strides = array<i32>} : memref<64x16xf32, #tpu.memory_space<vmem>>, vector<16xf32>,
    %swap3A_179 = arith.constant 44 : i32
    %swap3A_180 = arith.index_cast %swap3A_179 : i32 to index
    %swap3A_181 = arith.constant 0 : index
    %swap3A_182 = tpu.vector_load %arg14[%swap3A_180, %swap3A_181] {strides = array<i32>} : memref<64x16xf32, #tpu.memory_space<vmem>>, vector<16xf32>,
    tpu.vector_store %arg14[%swap3A_180, %swap3A_181], %broadcast_in_dim3A_3 {strides = array<i32>} : memref<64x16xf32, #tpu.memory_space<vmem>>, vector<16xf32>,
    %swap3A_183 = arith.constant 45 : i32
    %swap3A_184 = arith.index_cast %swap3A_183 : i32 to index
    %swap3A_185 = arith.constant 0 : index
    %swap3A_186 = tpu.vector_load %arg14[%swap3A_184, %swap3A_185] {strides = array<i32>} : memref<64x16xf32, #tpu.memory_space<vmem>>, vector<16xf32>,
    tpu.vector_store %arg14[%swap3A_184, %swap3A_185], %broadcast_in_dim3A_3 {strides = array<i32>} : memref<64x16xf32, #tpu.memory_space<vmem>>, vector<16xf32>,
    %swap3A_187 = arith.constant 46 : i32
    %swap3A_188 = arith.index_cast %swap3A_187 : i32 to index
    %swap3A_189 = arith.constant 0 : index
    %swap3A_190 = tpu.vector_load %arg14[%swap3A_188, %swap3A_189] {strides = array<i32>} : memref<64x16xf32, #tpu.memory_space<vmem>>, vector<16xf32>,
    tpu.vector_store %arg14[%swap3A_188, %swap3A_189], %broadcast_in_dim3A_3 {strides = array<i32>} : memref<64x16xf32, #tpu.memory_space<vmem>>, vector<16xf32>,
    %swap3A_191 = arith.constant 47 : i32
    %swap3A_192 = arith.index_cast %swap3A_191 : i32 to index
    %swap3A_193 = arith.constant 0 : index
    %swap3A_194 = tpu.vector_load %arg14[%swap3A_192, %swap3A_193] {strides = array<i32>} : memref<64x16xf32, #tpu.memory_space<vmem>>, vector<16xf32>,
    tpu.vector_store %arg14[%swap3A_192, %swap3A_193], %broadcast_in_dim3A_3 {strides = array<i32>} : memref<64x16xf32, #tpu.memory_space<vmem>>, vector<16xf32>,
    %swap3A_195 = arith.constant 48 : i32
    %swap3A_196 = arith.index_cast %swap3A_195 : i32 to index
    %swap3A_197 = arith.constant 0 : index
    %swap3A_198 = tpu.vector_load %arg14[%swap3A_196, %swap3A_197] {strides = array<i32>} : memref<64x16xf32, #tpu.memory_space<vmem>>, vector<16xf32>,
    tpu.vector_store %arg14[%swap3A_196, %swap3A_197], %broadcast_in_dim3A_3 {strides = array<i32>} : memref<64x16xf32, #tpu.memory_space<vmem>>, vector<16xf32>,
    %swap3A_199 = arith.constant 49 : i32
    %swap3A_200 = arith.index_cast %swap3A_199 : i32 to index
    %swap3A_201 = arith.constant 0 : index
    %swap3A_202 = tpu.vector_load %arg14[%swap3A_200, %swap3A_201] {strides = array<i32>} : memref<64x16xf32, #tpu.memory_space<vmem>>, vector<16xf32>,
    tpu.vector_store %arg14[%swap3A_200, %swap3A_201], %broadcast_in_dim3A_3 {strides = array<i32>} : memref<64x16xf32, #tpu.memory_space<vmem>>, vector<16xf32>,
    %swap3A_203 = arith.constant 50 : i32
    %swap3A_204 = arith.index_cast %swap3A_203 : i32 to index
    %swap3A_205 = arith.constant 0 : index
    %swap3A_206 = tpu.vector_load %arg14[%swap3A_204, %swap3A_205] {strides = array<i32>} : memref<64x16xf32, #tpu.memory_space<vmem>>, vector<16xf32>,
    tpu.vector_store %arg14[%swap3A_204, %swap3A_205], %broadcast_in_dim3A_3 {strides = array<i32>} : memref<64x16xf32, #tpu.memory_space<vmem>>, vector<16xf32>,
    %swap3A_207 = arith.constant 51 : i32
    %swap3A_208 = arith.index_cast %swap3A_207 : i32 to index
    %swap3A_209 = arith.constant 0 : index
    %swap3A_210 = tpu.vector_load %arg14[%swap3A_208, %swap3A_209] {strides = array<i32>} : memref<64x16xf32, #tpu.memory_space<vmem>>, vector<16xf32>,
    tpu.vector_store %arg14[%swap3A_208, %swap3A_209], %broadcast_in_dim3A_3 {strides = array<i32>} : memref<64x16xf32, #tpu.memory_space<vmem>>, vector<16xf32>,
    %swap3A_211 = arith.constant 52 : i32
    %swap3A_212 = arith.index_cast %swap3A_211 : i32 to index
    %swap3A_213 = arith.constant 0 : index
    %swap3A_214 = tpu.vector_load %arg14[%swap3A_212, %swap3A_213] {strides = array<i32>} : memref<64x16xf32, #tpu.memory_space<vmem>>, vector<16xf32>,
    tpu.vector_store %arg14[%swap3A_212, %swap3A_213], %broadcast_in_dim3A_3 {strides = array<i32>} : memref<64x16xf32, #tpu.memory_space<vmem>>, vector<16xf32>,
    %swap3A_215 = arith.constant 53 : i32
    %swap3A_216 = arith.index_cast %swap3A_215 : i32 to index
    %swap3A_217 = arith.constant 0 : index
    %swap3A_218 = tpu.vector_load %arg14[%swap3A_216, %swap3A_217] {strides = array<i32>} : memref<64x16xf32, #tpu.memory_space<vmem>>, vector<16xf32>,
    tpu.vector_store %arg14[%swap3A_216, %swap3A_217], %broadcast_in_dim3A_3 {strides = array<i32>} : memref<64x16xf32, #tpu.memory_space<vmem>>, vector<16xf32>,
    %swap3A_219 = arith.constant 54 : i32
    %swap3A_220 = arith.index_cast %swap3A_219 : i32 to index
    %swap3A_221 = arith.constant 0 : index
    %swap3A_222 = tpu.vector_load %arg14[%swap3A_220, %swap3A_221] {strides = array<i32>} : memref<64x16xf32, #tpu.memory_space<vmem>>, vector<16xf32>,
    tpu.vector_store %arg14[%swap3A_220, %swap3A_221], %broadcast_in_dim3A_3 {strides = array<i32>} : memref<64x16xf32, #tpu.memory_space<vmem>>, vector<16xf32>,
    %swap3A_223 = arith.constant 55 : i32
    %swap3A_224 = arith.index_cast %swap3A_223 : i32 to index
    %swap3A_225 = arith.constant 0 : index
    %swap3A_226 = tpu.vector_load %arg14[%swap3A_224, %swap3A_225] {strides = array<i32>} : memref<64x16xf32, #tpu.memory_space<vmem>>, vector<16xf32>,
    tpu.vector_store %arg14[%swap3A_224, %swap3A_225], %broadcast_in_dim3A_3 {strides = array<i32>} : memref<64x16xf32, #tpu.memory_space<vmem>>, vector<16xf32>,
    %swap3A_227 = arith.constant 56 : i32
    %swap3A_228 = arith.index_cast %swap3A_227 : i32 to index
    %swap3A_229 = arith.constant 0 : index
    %swap3A_230 = tpu.vector_load %arg14[%swap3A_228, %swap3A_229] {strides = array<i32>} : memref<64x16xf32, #tpu.memory_space<vmem>>, vector<16xf32>,
    tpu.vector_store %arg14[%swap3A_228, %swap3A_229], %broadcast_in_dim3A_3 {strides = array<i32>} : memref<64x16xf32, #tpu.memory_space<vmem>>, vector<16xf32>,
    %swap3A_231 = arith.constant 57 : i32
    %swap3A_232 = arith.index_cast %swap3A_231 : i32 to index
    %swap3A_233 = arith.constant 0 : index
    %swap3A_234 = tpu.vector_load %arg14[%swap3A_232, %swap3A_233] {strides = array<i32>} : memref<64x16xf32, #tpu.memory_space<vmem>>, vector<16xf32>,
    tpu.vector_store %arg14[%swap3A_232, %swap3A_233], %broadcast_in_dim3A_3 {strides = array<i32>} : memref<64x16xf32, #tpu.memory_space<vmem>>, vector<16xf32>,
    %swap3A_235 = arith.constant 58 : i32
    %swap3A_236 = arith.index_cast %swap3A_235 : i32 to index
    %swap3A_237 = arith.constant 0 : index
    %swap3A_238 = tpu.vector_load %arg14[%swap3A_236, %swap3A_237] {strides = array<i32>} : memref<64x16xf32, #tpu.memory_space<vmem>>, vector<16xf32>,
    tpu.vector_store %arg14[%swap3A_236, %swap3A_237], %broadcast_in_dim3A_3 {strides = array<i32>} : memref<64x16xf32, #tpu.memory_space<vmem>>, vector<16xf32>,
    %swap3A_239 = arith.constant 59 : i32
    %swap3A_240 = arith.index_cast %swap3A_239 : i32 to index
    %swap3A_241 = arith.constant 0 : index
    %swap3A_242 = tpu.vector_load %arg14[%swap3A_240, %swap3A_241] {strides = array<i32>} : memref<64x16xf32, #tpu.memory_space<vmem>>, vector<16xf32>,
    tpu.vector_store %arg14[%swap3A_240, %swap3A_241], %broadcast_in_dim3A_3 {strides = array<i32>} : memref<64x16xf32, #tpu.memory_space<vmem>>, vector<16xf32>,
    %swap3A_243 = arith.constant 60 : i32
    %swap3A_244 = arith.index_cast %swap3A_243 : i32 to index
    %swap3A_245 = arith.constant 0 : index
    %swap3A_246 = tpu.vector_load %arg14[%swap3A_244, %swap3A_245] {strides = array<i32>} : memref<64x16xf32, #tpu.memory_space<vmem>>, vector<16xf32>,
    tpu.vector_store %arg14[%swap3A_244, %swap3A_245], %broadcast_in_dim3A_3 {strides = array<i32>} : memref<64x16xf32, #tpu.memory_space<vmem>>, vector<16xf32>,
    %swap3A_247 = arith.constant 61 : i32
    %swap3A_248 = arith.index_cast %swap3A_247 : i32 to index
    %swap3A_249 = arith.constant 0 : index
    %swap3A_250 = tpu.vector_load %arg14[%swap3A_248, %swap3A_249] {strides = array<i32>} : memref<64x16xf32, #tpu.memory_space<vmem>>, vector<16xf32>,
    tpu.vector_store %arg14[%swap3A_248, %swap3A_249], %broadcast_in_dim3A_3 {strides = array<i32>} : memref<64x16xf32, #tpu.memory_space<vmem>>, vector<16xf32>,
    %swap3A_251 = arith.constant 62 : i32
    %swap3A_252 = arith.index_cast %swap3A_251 : i32 to index
    %swap3A_253 = arith.constant 0 : index
    %swap3A_254 = tpu.vector_load %arg14[%swap3A_252, %swap3A_253] {strides = array<i32>} : memref<64x16xf32, #tpu.memory_space<vmem>>, vector<16xf32>,
    tpu.vector_store %arg14[%swap3A_252, %swap3A_253], %broadcast_in_dim3A_3 {strides = array<i32>} : memref<64x16xf32, #tpu.memory_space<vmem>>, vector<16xf32>,
    %swap3A_255 = arith.constant 63 : i32
    %swap3A_256 = arith.index_cast %swap3A_255 : i32 to index
    %swap3A_257 = arith.constant 0 : index
    %swap3A_258 = tpu.vector_load %arg14[%swap3A_256, %swap3A_257] {strides = array<i32>} : memref<64x16xf32, #tpu.memory_space<vmem>>, vector<16xf32>,
    tpu.vector_store %arg14[%swap3A_256, %swap3A_257], %broadcast_in_dim3A_3 {strides = array<i32>} : memref<64x16xf32, #tpu.memory_space<vmem>>, vector<16xf32>,
    %swap3A_259 = arith.constant 0 : i32
    %swap3A_260 = arith.index_cast %swap3A_259 : i32 to index
    %swap3A_261 = arith.constant 0 : index
    %swap3A_262 = tpu.vector_load %arg15[%swap3A_260, %swap3A_261] {strides = array<i32>} : memref<64x16xf32, #tpu.memory_space<vmem>>, vector<16xf32>,
    tpu.vector_store %arg15[%swap3A_260, %swap3A_261], %broadcast_in_dim3A_3 {strides = array<i32>} : memref<64x16xf32, #tpu.memory_space<vmem>>, vector<16xf32>,
    %swap3A_263 = arith.constant 1 : i32
    %swap3A_264 = arith.index_cast %swap3A_263 : i32 to index
    %swap3A_265 = arith.constant 0 : index
    %swap3A_266 = tpu.vector_load %arg15[%swap3A_264, %swap3A_265] {strides = array<i32>} : memref<64x16xf32, #tpu.memory_space<vmem>>, vector<16xf32>,
    tpu.vector_store %arg15[%swap3A_264, %swap3A_265], %broadcast_in_dim3A_3 {strides = array<i32>} : memref<64x16xf32, #tpu.memory_space<vmem>>, vector<16xf32>,
    %swap3A_267 = arith.constant 2 : i32
    %swap3A_268 = arith.index_cast %swap3A_267 : i32 to index
    %swap3A_269 = arith.constant 0 : index
    %swap3A_270 = tpu.vector_load %arg15[%swap3A_268, %swap3A_269] {strides = array<i32>} : memref<64x16xf32, #tpu.memory_space<vmem>>, vector<16xf32>,
    tpu.vector_store %arg15[%swap3A_268, %swap3A_269], %broadcast_in_dim3A_3 {strides = array<i32>} : memref<64x16xf32, #tpu.memory_space<vmem>>, vector<16xf32>,
    %swap3A_271 = arith.constant 3 : i32
    %swap3A_272 = arith.index_cast %swap3A_271 : i32 to index
    %swap3A_273 = arith.constant 0 : index
    %swap3A_274 = tpu.vector_load %arg15[%swap3A_272, %swap3A_273] {strides = array<i32>} : memref<64x16xf32, #tpu.memory_space<vmem>>, vector<16xf32>,
    tpu.vector_store %arg15[%swap3A_272, %swap3A_273], %broadcast_in_dim3A_3 {strides = array<i32>} : memref<64x16xf32, #tpu.memory_space<vmem>>, vector<16xf32>,
    %swap3A_275 = arith.constant 4 : i32
    %swap3A_276 = arith.index_cast %swap3A_275 : i32 to index
    %swap3A_277 = arith.constant 0 : index
    %swap3A_278 = tpu.vector_load %arg15[%swap3A_276, %swap3A_277] {strides = array<i32>} : memref<64x16xf32, #tpu.memory_space<vmem>>, vector<16xf32>,
    tpu.vector_store %arg15[%swap3A_276, %swap3A_277], %broadcast_in_dim3A_3 {strides = array<i32>} : memref<64x16xf32, #tpu.memory_space<vmem>>, vector<16xf32>,
    %swap3A_279 = arith.constant 5 : i32
    %swap3A_280 = arith.index_cast %swap3A_279 : i32 to index
    %swap3A_281 = arith.constant 0 : index
    %swap3A_282 = tpu.vector_load %arg15[%swap3A_280, %swap3A_281] {strides = array<i32>} : memref<64x16xf32, #tpu.memory_space<vmem>>, vector<16xf32>,
    tpu.vector_store %arg15[%swap3A_280, %swap3A_281], %broadcast_in_dim3A_3 {strides = array<i32>} : memref<64x16xf32, #tpu.memory_space<vmem>>, vector<16xf32>,
    %swap3A_283 = arith.constant 6 : i32
    %swap3A_284 = arith.index_cast %swap3A_283 : i32 to index
    %swap3A_285 = arith.constant 0 : index
    %swap3A_286 = tpu.vector_load %arg15[%swap3A_284, %swap3A_285] {strides = array<i32>} : memref<64x16xf32, #tpu.memory_space<vmem>>, vector<16xf32>,
    tpu.vector_store %arg15[%swap3A_284, %swap3A_285], %broadcast_in_dim3A_3 {strides = array<i32>} : memref<64x16xf32, #tpu.memory_space<vmem>>, vector<16xf32>,
    %swap3A_287 = arith.constant 7 : i32
    %swap3A_288 = arith.index_cast %swap3A_287 : i32 to index
    %swap3A_289 = arith.constant 0 : index
    %swap3A_290 = tpu.vector_load %arg15[%swap3A_288, %swap3A_289] {strides = array<i32>} : memref<64x16xf32, #tpu.memory_space<vmem>>, vector<16xf32>,
    tpu.vector_store %arg15[%swap3A_288, %swap3A_289], %broadcast_in_dim3A_3 {strides = array<i32>} : memref<64x16xf32, #tpu.memory_space<vmem>>, vector<16xf32>,
    %swap3A_291 = arith.constant 8 : i32
    %swap3A_292 = arith.index_cast %swap3A_291 : i32 to index
    %swap3A_293 = arith.constant 0 : index
    %swap3A_294 = tpu.vector_load %arg15[%swap3A_292, %swap3A_293] {strides = array<i32>} : memref<64x16xf32, #tpu.memory_space<vmem>>, vector<16xf32>,
    tpu.vector_store %arg15[%swap3A_292, %swap3A_293], %broadcast_in_dim3A_3 {strides = array<i32>} : memref<64x16xf32, #tpu.memory_space<vmem>>, vector<16xf32>,
    %swap3A_295 = arith.constant 9 : i32
    %swap3A_296 = arith.index_cast %swap3A_295 : i32 to index
    %swap3A_297 = arith.constant 0 : index
    %swap3A_298 = tpu.vector_load %arg15[%swap3A_296, %swap3A_297] {strides = array<i32>} : memref<64x16xf32, #tpu.memory_space<vmem>>, vector<16xf32>,
    tpu.vector_store %arg15[%swap3A_296, %swap3A_297], %broadcast_in_dim3A_3 {strides = array<i32>} : memref<64x16xf32, #tpu.memory_space<vmem>>, vector<16xf32>,
    %swap3A_299 = arith.constant 10 : i32
    %swap3A_300 = arith.index_cast %swap3A_299 : i32 to index
    %swap3A_301 = arith.constant 0 : index
    %swap3A_302 = tpu.vector_load %arg15[%swap3A_300, %swap3A_301] {strides = array<i32>} : memref<64x16xf32, #tpu.memory_space<vmem>>, vector<16xf32>,
    tpu.vector_store %arg15[%swap3A_300, %swap3A_301], %broadcast_in_dim3A_3 {strides = array<i32>} : memref<64x16xf32, #tpu.memory_space<vmem>>, vector<16xf32>,
    %swap3A_303 = arith.constant 11 : i32
    %swap3A_304 = arith.index_cast %swap3A_303 : i32 to index
    %swap3A_305 = arith.constant 0 : index
    %swap3A_306 = tpu.vector_load %arg15[%swap3A_304, %swap3A_305] {strides = array<i32>} : memref<64x16xf32, #tpu.memory_space<vmem>>, vector<16xf32>,
    tpu.vector_store %arg15[%swap3A_304, %swap3A_305], %broadcast_in_dim3A_3 {strides = array<i32>} : memref<64x16xf32, #tpu.memory_space<vmem>>, vector<16xf32>,
    %swap3A_307 = arith.constant 12 : i32
    %swap3A_308 = arith.index_cast %swap3A_307 : i32 to index
    %swap3A_309 = arith.constant 0 : index
    %swap3A_310 = tpu.vector_load %arg15[%swap3A_308, %swap3A_309] {strides = array<i32>} : memref<64x16xf32, #tpu.memory_space<vmem>>, vector<16xf32>,
    tpu.vector_store %arg15[%swap3A_308, %swap3A_309], %broadcast_in_dim3A_3 {strides = array<i32>} : memref<64x16xf32, #tpu.memory_space<vmem>>, vector<16xf32>,
    %swap3A_311 = arith.constant 13 : i32
    %swap3A_312 = arith.index_cast %swap3A_311 : i32 to index
    %swap3A_313 = arith.constant 0 : index
    %swap3A_314 = tpu.vector_load %arg15[%swap3A_312, %swap3A_313] {strides = array<i32>} : memref<64x16xf32, #tpu.memory_space<vmem>>, vector<16xf32>,
    tpu.vector_store %arg15[%swap3A_312, %swap3A_313], %broadcast_in_dim3A_3 {strides = array<i32>} : memref<64x16xf32, #tpu.memory_space<vmem>>, vector<16xf32>,
    %swap3A_315 = arith.constant 14 : i32
    %swap3A_316 = arith.index_cast %swap3A_315 : i32 to index
    %swap3A_317 = arith.constant 0 : index
    %swap3A_318 = tpu.vector_load %arg15[%swap3A_316, %swap3A_317] {strides = array<i32>} : memref<64x16xf32, #tpu.memory_space<vmem>>, vector<16xf32>,
    tpu.vector_store %arg15[%swap3A_316, %swap3A_317], %broadcast_in_dim3A_3 {strides = array<i32>} : memref<64x16xf32, #tpu.memory_space<vmem>>, vector<16xf32>,
    %swap3A_319 = arith.constant 15 : i32
    %swap3A_320 = arith.index_cast %swap3A_319 : i32 to index
    %swap3A_321 = arith.constant 0 : index
    %swap3A_322 = tpu.vector_load %arg15[%swap3A_320, %swap3A_321] {strides = array<i32>} : memref<64x16xf32, #tpu.memory_space<vmem>>, vector<16xf32>,
    tpu.vector_store %arg15[%swap3A_320, %swap3A_321], %broadcast_in_dim3A_3 {strides = array<i32>} : memref<64x16xf32, #tpu.memory_space<vmem>>, vector<16xf32>,
    %swap3A_323 = arith.constant 16 : i32
    %swap3A_324 = arith.index_cast %swap3A_323 : i32 to index
    %swap3A_325 = arith.constant 0 : index
    %swap3A_326 = tpu.vector_load %arg15[%swap3A_324, %swap3A_325] {strides = array<i32>} : memref<64x16xf32, #tpu.memory_space<vmem>>, vector<16xf32>,
    tpu.vector_store %arg15[%swap3A_324, %swap3A_325], %broadcast_in_dim3A_3 {strides = array<i32>} : memref<64x16xf32, #tpu.memory_space<vmem>>, vector<16xf32>,
    %swap3A_327 = arith.constant 17 : i32
    %swap3A_328 = arith.index_cast %swap3A_327 : i32 to index
    %swap3A_329 = arith.constant 0 : index
    %swap3A_330 = tpu.vector_load %arg15[%swap3A_328, %swap3A_329] {strides = array<i32>} : memref<64x16xf32, #tpu.memory_space<vmem>>, vector<16xf32>,
    tpu.vector_store %arg15[%swap3A_328, %swap3A_329], %broadcast_in_dim3A_3 {strides = array<i32>} : memref<64x16xf32, #tpu.memory_space<vmem>>, vector<16xf32>,
    %swap3A_331 = arith.constant 18 : i32
    %swap3A_332 = arith.index_cast %swap3A_331 : i32 to index
    %swap3A_333 = arith.constant 0 : index
    %swap3A_334 = tpu.vector_load %arg15[%swap3A_332, %swap3A_333] {strides = array<i32>} : memref<64x16xf32, #tpu.memory_space<vmem>>, vector<16xf32>,
    tpu.vector_store %arg15[%swap3A_332, %swap3A_333], %broadcast_in_dim3A_3 {strides = array<i32>} : memref<64x16xf32, #tpu.memory_space<vmem>>, vector<16xf32>,
    %swap3A_335 = arith.constant 19 : i32
    %swap3A_336 = arith.index_cast %swap3A_335 : i32 to index
    %swap3A_337 = arith.constant 0 : index
    %swap3A_338 = tpu.vector_load %arg15[%swap3A_336, %swap3A_337] {strides = array<i32>} : memref<64x16xf32, #tpu.memory_space<vmem>>, vector<16xf32>,
    tpu.vector_store %arg15[%swap3A_336, %swap3A_337], %broadcast_in_dim3A_3 {strides = array<i32>} : memref<64x16xf32, #tpu.memory_space<vmem>>, vector<16xf32>,
    %swap3A_339 = arith.constant 20 : i32
    %swap3A_340 = arith.index_cast %swap3A_339 : i32 to index
    %swap3A_341 = arith.constant 0 : index
    %swap3A_342 = tpu.vector_load %arg15[%swap3A_340, %swap3A_341] {strides = array<i32>} : memref<64x16xf32, #tpu.memory_space<vmem>>, vector<16xf32>,
    tpu.vector_store %arg15[%swap3A_340, %swap3A_341], %broadcast_in_dim3A_3 {strides = array<i32>} : memref<64x16xf32, #tpu.memory_space<vmem>>, vector<16xf32>,
    %swap3A_343 = arith.constant 21 : i32
    %swap3A_344 = arith.index_cast %swap3A_343 : i32 to index
    %swap3A_345 = arith.constant 0 : index
    %swap3A_346 = tpu.vector_load %arg15[%swap3A_344, %swap3A_345] {strides = array<i32>} : memref<64x16xf32, #tpu.memory_space<vmem>>, vector<16xf32>,
    tpu.vector_store %arg15[%swap3A_344, %swap3A_345], %broadcast_in_dim3A_3 {strides = array<i32>} : memref<64x16xf32, #tpu.memory_space<vmem>>, vector<16xf32>,
    %swap3A_347 = arith.constant 22 : i32
    %swap3A_348 = arith.index_cast %swap3A_347 : i32 to index
    %swap3A_349 = arith.constant 0 : index
    %swap3A_350 = tpu.vector_load %arg15[%swap3A_348, %swap3A_349] {strides = array<i32>} : memref<64x16xf32, #tpu.memory_space<vmem>>, vector<16xf32>,
    tpu.vector_store %arg15[%swap3A_348, %swap3A_349], %broadcast_in_dim3A_3 {strides = array<i32>} : memref<64x16xf32, #tpu.memory_space<vmem>>, vector<16xf32>,
    %swap3A_351 = arith.constant 23 : i32
    %swap3A_352 = arith.index_cast %swap3A_351 : i32 to index
    %swap3A_353 = arith.constant 0 : index
    %swap3A_354 = tpu.vector_load %arg15[%swap3A_352, %swap3A_353] {strides = array<i32>} : memref<64x16xf32, #tpu.memory_space<vmem>>, vector<16xf32>,
    tpu.vector_store %arg15[%swap3A_352, %swap3A_353], %broadcast_in_dim3A_3 {strides = array<i32>} : memref<64x16xf32, #tpu.memory_space<vmem>>, vector<16xf32>,
    %swap3A_355 = arith.constant 24 : i32
    %swap3A_356 = arith.index_cast %swap3A_355 : i32 to index
    %swap3A_357 = arith.constant 0 : index
    %swap3A_358 = tpu.vector_load %arg15[%swap3A_356, %swap3A_357] {strides = array<i32>} : memref<64x16xf32, #tpu.memory_space<vmem>>, vector<16xf32>,
    tpu.vector_store %arg15[%swap3A_356, %swap3A_357], %broadcast_in_dim3A_3 {strides = array<i32>} : memref<64x16xf32, #tpu.memory_space<vmem>>, vector<16xf32>,
    %swap3A_359 = arith.constant 25 : i32
    %swap3A_360 = arith.index_cast %swap3A_359 : i32 to index
    %swap3A_361 = arith.constant 0 : index
    %swap3A_362 = tpu.vector_load %arg15[%swap3A_360, %swap3A_361] {strides = array<i32>} : memref<64x16xf32, #tpu.memory_space<vmem>>, vector<16xf32>,
    tpu.vector_store %arg15[%swap3A_360, %swap3A_361], %broadcast_in_dim3A_3 {strides = array<i32>} : memref<64x16xf32, #tpu.memory_space<vmem>>, vector<16xf32>,
    %swap3A_363 = arith.constant 26 : i32
    %swap3A_364 = arith.index_cast %swap3A_363 : i32 to index
    %swap3A_365 = arith.constant 0 : index
    %swap3A_366 = tpu.vector_load %arg15[%swap3A_364, %swap3A_365] {strides = array<i32>} : memref<64x16xf32, #tpu.memory_space<vmem>>, vector<16xf32>,
    tpu.vector_store %arg15[%swap3A_364, %swap3A_365], %broadcast_in_dim3A_3 {strides = array<i32>} : memref<64x16xf32, #tpu.memory_space<vmem>>, vector<16xf32>,
    %swap3A_367 = arith.constant 27 : i32
    %swap3A_368 = arith.index_cast %swap3A_367 : i32 to index
    %swap3A_369 = arith.constant 0 : index
    %swap3A_370 = tpu.vector_load %arg15[%swap3A_368, %swap3A_369] {strides = array<i32>} : memref<64x16xf32, #tpu.memory_space<vmem>>, vector<16xf32>,
    tpu.vector_store %arg15[%swap3A_368, %swap3A_369], %broadcast_in_dim3A_3 {strides = array<i32>} : memref<64x16xf32, #tpu.memory_space<vmem>>, vector<16xf32>,
    %swap3A_371 = arith.constant 28 : i32
    %swap3A_372 = arith.index_cast %swap3A_371 : i32 to index
    %swap3A_373 = arith.constant 0 : index
    %swap3A_374 = tpu.vector_load %arg15[%swap3A_372, %swap3A_373] {strides = array<i32>} : memref<64x16xf32, #tpu.memory_space<vmem>>, vector<16xf32>,
    tpu.vector_store %arg15[%swap3A_372, %swap3A_373], %broadcast_in_dim3A_3 {strides = array<i32>} : memref<64x16xf32, #tpu.memory_space<vmem>>, vector<16xf32>,
    %swap3A_375 = arith.constant 29 : i32
    %swap3A_376 = arith.index_cast %swap3A_375 : i32 to index
    %swap3A_377 = arith.constant 0 : index
    %swap3A_378 = tpu.vector_load %arg15[%swap3A_376, %swap3A_377] {strides = array<i32>} : memref<64x16xf32, #tpu.memory_space<vmem>>, vector<16xf32>,
    tpu.vector_store %arg15[%swap3A_376, %swap3A_377], %broadcast_in_dim3A_3 {strides = array<i32>} : memref<64x16xf32, #tpu.memory_space<vmem>>, vector<16xf32>,
    %swap3A_379 = arith.constant 30 : i32
    %swap3A_380 = arith.index_cast %swap3A_379 : i32 to index
    %swap3A_381 = arith.constant 0 : index
    %swap3A_382 = tpu.vector_load %arg15[%swap3A_380, %swap3A_381] {strides = array<i32>} : memref<64x16xf32, #tpu.memory_space<vmem>>, vector<16xf32>,
    tpu.vector_store %arg15[%swap3A_380, %swap3A_381], %broadcast_in_dim3A_3 {strides = array<i32>} : memref<64x16xf32, #tpu.memory_space<vmem>>, vector<16xf32>,
    %swap3A_383 = arith.constant 31 : i32
    %swap3A_384 = arith.index_cast %swap3A_383 : i32 to index
    %swap3A_385 = arith.constant 0 : index
    %swap3A_386 = tpu.vector_load %arg15[%swap3A_384, %swap3A_385] {strides = array<i32>} : memref<64x16xf32, #tpu.memory_space<vmem>>, vector<16xf32>,
    tpu.vector_store %arg15[%swap3A_384, %swap3A_385], %broadcast_in_dim3A_3 {strides = array<i32>} : memref<64x16xf32, #tpu.memory_space<vmem>>, vector<16xf32>,
    %swap3A_387 = arith.constant 32 : i32
    %swap3A_388 = arith.index_cast %swap3A_387 : i32 to index
    %swap3A_389 = arith.constant 0 : index
    %swap3A_390 = tpu.vector_load %arg15[%swap3A_388, %swap3A_389] {strides = array<i32>} : memref<64x16xf32, #tpu.memory_space<vmem>>, vector<16xf32>,
    tpu.vector_store %arg15[%swap3A_388, %swap3A_389], %broadcast_in_dim3A_3 {strides = array<i32>} : memref<64x16xf32, #tpu.memory_space<vmem>>, vector<16xf32>,
    %swap3A_391 = arith.constant 33 : i32
    %swap3A_392 = arith.index_cast %swap3A_391 : i32 to index
    %swap3A_393 = arith.constant 0 : index
    %swap3A_394 = tpu.vector_load %arg15[%swap3A_392, %swap3A_393] {strides = array<i32>} : memref<64x16xf32, #tpu.memory_space<vmem>>, vector<16xf32>,
    tpu.vector_store %arg15[%swap3A_392, %swap3A_393], %broadcast_in_dim3A_3 {strides = array<i32>} : memref<64x16xf32, #tpu.memory_space<vmem>>, vector<16xf32>,
    %swap3A_395 = arith.constant 34 : i32
    %swap3A_396 = arith.index_cast %swap3A_395 : i32 to index
    %swap3A_397 = arith.constant 0 : index
    %swap3A_398 = tpu.vector_load %arg15[%swap3A_396, %swap3A_397] {strides = array<i32>} : memref<64x16xf32, #tpu.memory_space<vmem>>, vector<16xf32>,
    tpu.vector_store %arg15[%swap3A_396, %swap3A_397], %broadcast_in_dim3A_3 {strides = array<i32>} : memref<64x16xf32, #tpu.memory_space<vmem>>, vector<16xf32>,
    %swap3A_399 = arith.constant 35 : i32
    %swap3A_400 = arith.index_cast %swap3A_399 : i32 to index
    %swap3A_401 = arith.constant 0 : index
    %swap3A_402 = tpu.vector_load %arg15[%swap3A_400, %swap3A_401] {strides = array<i32>} : memref<64x16xf32, #tpu.memory_space<vmem>>, vector<16xf32>,
    tpu.vector_store %arg15[%swap3A_400, %swap3A_401], %broadcast_in_dim3A_3 {strides = array<i32>} : memref<64x16xf32, #tpu.memory_space<vmem>>, vector<16xf32>,
    %swap3A_403 = arith.constant 36 : i32
    %swap3A_404 = arith.index_cast %swap3A_403 : i32 to index
    %swap3A_405 = arith.constant 0 : index
    %swap3A_406 = tpu.vector_load %arg15[%swap3A_404, %swap3A_405] {strides = array<i32>} : memref<64x16xf32, #tpu.memory_space<vmem>>, vector<16xf32>,
    tpu.vector_store %arg15[%swap3A_404, %swap3A_405], %broadcast_in_dim3A_3 {strides = array<i32>} : memref<64x16xf32, #tpu.memory_space<vmem>>, vector<16xf32>,
    %swap3A_407 = arith.constant 37 : i32
    %swap3A_408 = arith.index_cast %swap3A_407 : i32 to index
    %swap3A_409 = arith.constant 0 : index
    %swap3A_410 = tpu.vector_load %arg15[%swap3A_408, %swap3A_409] {strides = array<i32>} : memref<64x16xf32, #tpu.memory_space<vmem>>, vector<16xf32>,
    tpu.vector_store %arg15[%swap3A_408, %swap3A_409], %broadcast_in_dim3A_3 {strides = array<i32>} : memref<64x16xf32, #tpu.memory_space<vmem>>, vector<16xf32>,
    %swap3A_411 = arith.constant 38 : i32
    %swap3A_412 = arith.index_cast %swap3A_411 : i32 to index
    %swap3A_413 = arith.constant 0 : index
    %swap3A_414 = tpu.vector_load %arg15[%swap3A_412, %swap3A_413] {strides = array<i32>} : memref<64x16xf32, #tpu.memory_space<vmem>>, vector<16xf32>,
    tpu.vector_store %arg15[%swap3A_412, %swap3A_413], %broadcast_in_dim3A_3 {strides = array<i32>} : memref<64x16xf32, #tpu.memory_space<vmem>>, vector<16xf32>,
    %swap3A_415 = arith.constant 39 : i32
    %swap3A_416 = arith.index_cast %swap3A_415 : i32 to index
    %swap3A_417 = arith.constant 0 : index
    %swap3A_418 = tpu.vector_load %arg15[%swap3A_416, %swap3A_417] {strides = array<i32>} : memref<64x16xf32, #tpu.memory_space<vmem>>, vector<16xf32>,
    tpu.vector_store %arg15[%swap3A_416, %swap3A_417], %broadcast_in_dim3A_3 {strides = array<i32>} : memref<64x16xf32, #tpu.memory_space<vmem>>, vector<16xf32>,
    %swap3A_419 = arith.constant 40 : i32
    %swap3A_420 = arith.index_cast %swap3A_419 : i32 to index
    %swap3A_421 = arith.constant 0 : index
    %swap3A_422 = tpu.vector_load %arg15[%swap3A_420, %swap3A_421] {strides = array<i32>} : memref<64x16xf32, #tpu.memory_space<vmem>>, vector<16xf32>,
    tpu.vector_store %arg15[%swap3A_420, %swap3A_421], %broadcast_in_dim3A_3 {strides = array<i32>} : memref<64x16xf32, #tpu.memory_space<vmem>>, vector<16xf32>,
    %swap3A_423 = arith.constant 41 : i32
    %swap3A_424 = arith.index_cast %swap3A_423 : i32 to index
    %swap3A_425 = arith.constant 0 : index
    %swap3A_426 = tpu.vector_load %arg15[%swap3A_424, %swap3A_425] {strides = array<i32>} : memref<64x16xf32, #tpu.memory_space<vmem>>, vector<16xf32>,
    tpu.vector_store %arg15[%swap3A_424, %swap3A_425], %broadcast_in_dim3A_3 {strides = array<i32>} : memref<64x16xf32, #tpu.memory_space<vmem>>, vector<16xf32>,
    %swap3A_427 = arith.constant 42 : i32
    %swap3A_428 = arith.index_cast %swap3A_427 : i32 to index
    %swap3A_429 = arith.constant 0 : index
    %swap3A_430 = tpu.vector_load %arg15[%swap3A_428, %swap3A_429] {strides = array<i32>} : memref<64x16xf32, #tpu.memory_space<vmem>>, vector<16xf32>,
    tpu.vector_store %arg15[%swap3A_428, %swap3A_429], %broadcast_in_dim3A_3 {strides = array<i32>} : memref<64x16xf32, #tpu.memory_space<vmem>>, vector<16xf32>,
    %swap3A_431 = arith.constant 43 : i32
    %swap3A_432 = arith.index_cast %swap3A_431 : i32 to index
    %swap3A_433 = arith.constant 0 : index
    %swap3A_434 = tpu.vector_load %arg15[%swap3A_432, %swap3A_433] {strides = array<i32>} : memref<64x16xf32, #tpu.memory_space<vmem>>, vector<16xf32>,
    tpu.vector_store %arg15[%swap3A_432, %swap3A_433], %broadcast_in_dim3A_3 {strides = array<i32>} : memref<64x16xf32, #tpu.memory_space<vmem>>, vector<16xf32>,
    %swap3A_435 = arith.constant 44 : i32
    %swap3A_436 = arith.index_cast %swap3A_435 : i32 to index
    %swap3A_437 = arith.constant 0 : index
    %swap3A_438 = tpu.vector_load %arg15[%swap3A_436, %swap3A_437] {strides = array<i32>} : memref<64x16xf32, #tpu.memory_space<vmem>>, vector<16xf32>,
    tpu.vector_store %arg15[%swap3A_436, %swap3A_437], %broadcast_in_dim3A_3 {strides = array<i32>} : memref<64x16xf32, #tpu.memory_space<vmem>>, vector<16xf32>,
    %swap3A_439 = arith.constant 45 : i32
    %swap3A_440 = arith.index_cast %swap3A_439 : i32 to index
    %swap3A_441 = arith.constant 0 : index
    %swap3A_442 = tpu.vector_load %arg15[%swap3A_440, %swap3A_441] {strides = array<i32>} : memref<64x16xf32, #tpu.memory_space<vmem>>, vector<16xf32>,
    tpu.vector_store %arg15[%swap3A_440, %swap3A_441], %broadcast_in_dim3A_3 {strides = array<i32>} : memref<64x16xf32, #tpu.memory_space<vmem>>, vector<16xf32>,
    %swap3A_443 = arith.constant 46 : i32
    %swap3A_444 = arith.index_cast %swap3A_443 : i32 to index
    %swap3A_445 = arith.constant 0 : index
    %swap3A_446 = tpu.vector_load %arg15[%swap3A_444, %swap3A_445] {strides = array<i32>} : memref<64x16xf32, #tpu.memory_space<vmem>>, vector<16xf32>,
    tpu.vector_store %arg15[%swap3A_444, %swap3A_445], %broadcast_in_dim3A_3 {strides = array<i32>} : memref<64x16xf32, #tpu.memory_space<vmem>>, vector<16xf32>,
    %swap3A_447 = arith.constant 47 : i32
    %swap3A_448 = arith.index_cast %swap3A_447 : i32 to index
    %swap3A_449 = arith.constant 0 : index
    %swap3A_450 = tpu.vector_load %arg15[%swap3A_448, %swap3A_449] {strides = array<i32>} : memref<64x16xf32, #tpu.memory_space<vmem>>, vector<16xf32>,
    tpu.vector_store %arg15[%swap3A_448, %swap3A_449], %broadcast_in_dim3A_3 {strides = array<i32>} : memref<64x16xf32, #tpu.memory_space<vmem>>, vector<16xf32>,
    %swap3A_451 = arith.constant 48 : i32
    %swap3A_452 = arith.index_cast %swap3A_451 : i32 to index
    %swap3A_453 = arith.constant 0 : index
    %swap3A_454 = tpu.vector_load %arg15[%swap3A_452, %swap3A_453] {strides = array<i32>} : memref<64x16xf32, #tpu.memory_space<vmem>>, vector<16xf32>,
    tpu.vector_store %arg15[%swap3A_452, %swap3A_453], %broadcast_in_dim3A_3 {strides = array<i32>} : memref<64x16xf32, #tpu.memory_space<vmem>>, vector<16xf32>,
    %swap3A_455 = arith.constant 49 : i32
    %swap3A_456 = arith.index_cast %swap3A_455 : i32 to index
    %swap3A_457 = arith.constant 0 : index
    %swap3A_458 = tpu.vector_load %arg15[%swap3A_456, %swap3A_457] {strides = array<i32>} : memref<64x16xf32, #tpu.memory_space<vmem>>, vector<16xf32>,
    tpu.vector_store %arg15[%swap3A_456, %swap3A_457], %broadcast_in_dim3A_3 {strides = array<i32>} : memref<64x16xf32, #tpu.memory_space<vmem>>, vector<16xf32>,
    %swap3A_459 = arith.constant 50 : i32
    %swap3A_460 = arith.index_cast %swap3A_459 : i32 to index
    %swap3A_461 = arith.constant 0 : index
    %swap3A_462 = tpu.vector_load %arg15[%swap3A_460, %swap3A_461] {strides = array<i32>} : memref<64x16xf32, #tpu.memory_space<vmem>>, vector<16xf32>,
    tpu.vector_store %arg15[%swap3A_460, %swap3A_461], %broadcast_in_dim3A_3 {strides = array<i32>} : memref<64x16xf32, #tpu.memory_space<vmem>>, vector<16xf32>,
    %swap3A_463 = arith.constant 51 : i32
    %swap3A_464 = arith.index_cast %swap3A_463 : i32 to index
    %swap3A_465 = arith.constant 0 : index
    %swap3A_466 = tpu.vector_load %arg15[%swap3A_464, %swap3A_465] {strides = array<i32>} : memref<64x16xf32, #tpu.memory_space<vmem>>, vector<16xf32>,
    tpu.vector_store %arg15[%swap3A_464, %swap3A_465], %broadcast_in_dim3A_3 {strides = array<i32>} : memref<64x16xf32, #tpu.memory_space<vmem>>, vector<16xf32>,
    %swap3A_467 = arith.constant 52 : i32
    %swap3A_468 = arith.index_cast %swap3A_467 : i32 to index
    %swap3A_469 = arith.constant 0 : index
    %swap3A_470 = tpu.vector_load %arg15[%swap3A_468, %swap3A_469] {strides = array<i32>} : memref<64x16xf32, #tpu.memory_space<vmem>>, vector<16xf32>,
    tpu.vector_store %arg15[%swap3A_468, %swap3A_469], %broadcast_in_dim3A_3 {strides = array<i32>} : memref<64x16xf32, #tpu.memory_space<vmem>>, vector<16xf32>,
    %swap3A_471 = arith.constant 53 : i32
    %swap3A_472 = arith.index_cast %swap3A_471 : i32 to index
    %swap3A_473 = arith.constant 0 : index
    %swap3A_474 = tpu.vector_load %arg15[%swap3A_472, %swap3A_473] {strides = array<i32>} : memref<64x16xf32, #tpu.memory_space<vmem>>, vector<16xf32>,
    tpu.vector_store %arg15[%swap3A_472, %swap3A_473], %broadcast_in_dim3A_3 {strides = array<i32>} : memref<64x16xf32, #tpu.memory_space<vmem>>, vector<16xf32>,
    %swap3A_475 = arith.constant 54 : i32
    %swap3A_476 = arith.index_cast %swap3A_475 : i32 to index
    %swap3A_477 = arith.constant 0 : index
    %swap3A_478 = tpu.vector_load %arg15[%swap3A_476, %swap3A_477] {strides = array<i32>} : memref<64x16xf32, #tpu.memory_space<vmem>>, vector<16xf32>,
    tpu.vector_store %arg15[%swap3A_476, %swap3A_477], %broadcast_in_dim3A_3 {strides = array<i32>} : memref<64x16xf32, #tpu.memory_space<vmem>>, vector<16xf32>,
    %swap3A_479 = arith.constant 55 : i32
    %swap3A_480 = arith.index_cast %swap3A_479 : i32 to index
    %swap3A_481 = arith.constant 0 : index
    %swap3A_482 = tpu.vector_load %arg15[%swap3A_480, %swap3A_481] {strides = array<i32>} : memref<64x16xf32, #tpu.memory_space<vmem>>, vector<16xf32>,
    tpu.vector_store %arg15[%swap3A_480, %swap3A_481], %broadcast_in_dim3A_3 {strides = array<i32>} : memref<64x16xf32, #tpu.memory_space<vmem>>, vector<16xf32>,
    %swap3A_483 = arith.constant 56 : i32
    %swap3A_484 = arith.index_cast %swap3A_483 : i32 to index
    %swap3A_485 = arith.constant 0 : index
    %swap3A_486 = tpu.vector_load %arg15[%swap3A_484, %swap3A_485] {strides = array<i32>} : memref<64x16xf32, #tpu.memory_space<vmem>>, vector<16xf32>,
    tpu.vector_store %arg15[%swap3A_484, %swap3A_485], %broadcast_in_dim3A_3 {strides = array<i32>} : memref<64x16xf32, #tpu.memory_space<vmem>>, vector<16xf32>,
    %swap3A_487 = arith.constant 57 : i32
    %swap3A_488 = arith.index_cast %swap3A_487 : i32 to index
    %swap3A_489 = arith.constant 0 : index
    %swap3A_490 = tpu.vector_load %arg15[%swap3A_488, %swap3A_489] {strides = array<i32>} : memref<64x16xf32, #tpu.memory_space<vmem>>, vector<16xf32>,
    tpu.vector_store %arg15[%swap3A_488, %swap3A_489], %broadcast_in_dim3A_3 {strides = array<i32>} : memref<64x16xf32, #tpu.memory_space<vmem>>, vector<16xf32>,
    %swap3A_491 = arith.constant 58 : i32
    %swap3A_492 = arith.index_cast %swap3A_491 : i32 to index
    %swap3A_493 = arith.constant 0 : index
    %swap3A_494 = tpu.vector_load %arg15[%swap3A_492, %swap3A_493] {strides = array<i32>} : memref<64x16xf32, #tpu.memory_space<vmem>>, vector<16xf32>,
    tpu.vector_store %arg15[%swap3A_492, %swap3A_493], %broadcast_in_dim3A_3 {strides = array<i32>} : memref<64x16xf32, #tpu.memory_space<vmem>>, vector<16xf32>,
    %swap3A_495 = arith.constant 59 : i32
    %swap3A_496 = arith.index_cast %swap3A_495 : i32 to index
    %swap3A_497 = arith.constant 0 : index
    %swap3A_498 = tpu.vector_load %arg15[%swap3A_496, %swap3A_497] {strides = array<i32>} : memref<64x16xf32, #tpu.memory_space<vmem>>, vector<16xf32>,
    tpu.vector_store %arg15[%swap3A_496, %swap3A_497], %broadcast_in_dim3A_3 {strides = array<i32>} : memref<64x16xf32, #tpu.memory_space<vmem>>, vector<16xf32>,
    %swap3A_499 = arith.constant 60 : i32
    %swap3A_500 = arith.index_cast %swap3A_499 : i32 to index
    %swap3A_501 = arith.constant 0 : index
    %swap3A_502 = tpu.vector_load %arg15[%swap3A_500, %swap3A_501] {strides = array<i32>} : memref<64x16xf32, #tpu.memory_space<vmem>>, vector<16xf32>,
    tpu.vector_store %arg15[%swap3A_500, %swap3A_501], %broadcast_in_dim3A_3 {strides = array<i32>} : memref<64x16xf32, #tpu.memory_space<vmem>>, vector<16xf32>,
    %swap3A_503 = arith.constant 61 : i32
    %swap3A_504 = arith.index_cast %swap3A_503 : i32 to index
    %swap3A_505 = arith.constant 0 : index
    %swap3A_506 = tpu.vector_load %arg15[%swap3A_504, %swap3A_505] {strides = array<i32>} : memref<64x16xf32, #tpu.memory_space<vmem>>, vector<16xf32>,
    tpu.vector_store %arg15[%swap3A_504, %swap3A_505], %broadcast_in_dim3A_3 {strides = array<i32>} : memref<64x16xf32, #tpu.memory_space<vmem>>, vector<16xf32>,
    %swap3A_507 = arith.constant 62 : i32
    %swap3A_508 = arith.index_cast %swap3A_507 : i32 to index
    %swap3A_509 = arith.constant 0 : index
    %swap3A_510 = tpu.vector_load %arg15[%swap3A_508, %swap3A_509] {strides = array<i32>} : memref<64x16xf32, #tpu.memory_space<vmem>>, vector<16xf32>,
    tpu.vector_store %arg15[%swap3A_508, %swap3A_509], %broadcast_in_dim3A_3 {strides = array<i32>} : memref<64x16xf32, #tpu.memory_space<vmem>>, vector<16xf32>,
    %swap3A_511 = arith.constant 63 : i32
    %swap3A_512 = arith.index_cast %swap3A_511 : i32 to index
    %swap3A_513 = arith.constant 0 : index
    %swap3A_514 = tpu.vector_load %arg15[%swap3A_512, %swap3A_513] {strides = array<i32>} : memref<64x16xf32, #tpu.memory_space<vmem>>, vector<16xf32>,
    tpu.vector_store %arg15[%swap3A_512, %swap3A_513], %broadcast_in_dim3A_3 {strides = array<i32>} : memref<64x16xf32, #tpu.memory_space<vmem>>, vector<16xf32>,
    %iota3A = tpu.iota {dimensions = array<i32: 0>} : vector<16xi32>
    %add3A_515 = arith.constant 0 : i32
    %add3A_516 = arith.addi %add3A, %add3A_515 : i32
    %mul3A_517 = arith.constant 64 : i32
    %mul3A_518 = arith.muli %add3A_516, %mul3A_517 : i32
    %multiple_of3A = tpu.assume_multiple %mul3A_518, 64 : i32
    %dma_start3A = tpu.memref_slice %arg4[%multiple_of3A] : memref<80000xi32, #tpu.memory_space<hbm>> -> memref<64xi32, #tpu.memory_space<hbm>>
    %dma_start3A_519 = tpu.memref_slice %arg4[%multiple_of3A] : memref<80000xi32, #tpu.memory_space<hbm>> -> memref<64xi32, #tpu.memory_space<hbm>>
    tpu.enqueue_dma source(%dma_start3A_519 : memref<64xi32, #tpu.memory_space<hbm>>) target(%arg8 : memref<64xi32, #tpu.memory_space<vmem>>) target_semaphore(%arg18 : memref<!tpu.dma_semaphore, #tpu.memory_space<semaphore_mem>>)
    %dma_start3A_520 = tpu.memref_slice %arg5[%multiple_of3A] : memref<80000xi32, #tpu.memory_space<hbm>> -> memref<64xi32, #tpu.memory_space<hbm>>
    %dma_start3A_521 = tpu.memref_slice %arg5[%multiple_of3A] : memref<80000xi32, #tpu.memory_space<hbm>> -> memref<64xi32, #tpu.memory_space<hbm>>
    tpu.enqueue_dma source(%dma_start3A_521 : memref<64xi32, #tpu.memory_space<hbm>>) target(%arg10 : memref<64xi32, #tpu.memory_space<vmem>>) target_semaphore(%arg18 : memref<!tpu.dma_semaphore, #tpu.memory_space<semaphore_mem>>)
    %scan3A = arith.constant 0 : i32
    %scan3A_522 = arith.constant 0 : i32
    %scan3A_523 = arith.constant 20 : i32
    %scan3A_524 = arith.addi %scan3A_522, %scan3A_523 : i32
    %scan3A_525 = arith.constant 1 : i32
    scf.for %scan3A_550 = %scan3A_522 to %scan3A_524 step %scan3A_525  : i32 {
      %mul3A_551 = arith.constant 2 : i32
      %mul3A_552 = arith.muli %mul3A_551, %scan3A_550 : i32
      %lt3A_553 = arith.cmpi slt, %mul3A_552, %select_n3A : i32
      %convert_element_type3A = arith.extui %lt3A_553 : i1 to i32
      %cond3A = arith.constant 0 : i32
      %cond3A_554 = arith.cmpi ne, %convert_element_type3A, %cond3A : i32
      scf.if %cond3A_554 {
        %add3A_563 = arith.constant 1 : i32
        %add3A_564 = arith.addi %mul3A_552, %add3A_563 : i32
        %lt3A_565 = arith.cmpi slt, %add3A_564, %select_n3A : i32
        %convert_element_type3A_566 = arith.extui %lt3A_565 : i1 to i32
        %cond3A_567 = arith.constant 0 : i32
        %cond3A_568 = arith.cmpi ne, %convert_element_type3A_566, %cond3A_567 : i32
        scf.if %cond3A_568 {
          %add3A_763 = arith.constant 1 : i32
          %add3A_764 = arith.addi %mul3A_552, %add3A_763 : i32
          %mul3A_765 = arith.constant 32 : i32
          %mul3A_766 = arith.muli %add3A_764, %mul3A_765 : i32
          %add3A_767 = arith.addi %add3A, %mul3A_766 : i32
          %mul3A_768 = arith.constant 64 : i32
          %mul3A_769 = arith.muli %add3A_767, %mul3A_768 : i32
          %multiple_of3A_770 = tpu.assume_multiple %mul3A_769, 64 : i32
          %dma_start3A_771 = tpu.memref_slice %arg4[%multiple_of3A_770] : memref<80000xi32, #tpu.memory_space<hbm>> -> memref<64xi32, #tpu.memory_space<hbm>>
          %dma_start3A_772 = tpu.memref_slice %arg4[%multiple_of3A_770] : memref<80000xi32, #tpu.memory_space<hbm>> -> memref<64xi32, #tpu.memory_space<hbm>>
          tpu.enqueue_dma source(%dma_start3A_772 : memref<64xi32, #tpu.memory_space<hbm>>) target(%arg9 : memref<64xi32, #tpu.memory_space<vmem>>) target_semaphore(%arg19 : memref<!tpu.dma_semaphore, #tpu.memory_space<semaphore_mem>>)
          %dma_start3A_773 = tpu.memref_slice %arg5[%multiple_of3A_770] : memref<80000xi32, #tpu.memory_space<hbm>> -> memref<64xi32, #tpu.memory_space<hbm>>
          %dma_start3A_774 = tpu.memref_slice %arg5[%multiple_of3A_770] : memref<80000xi32, #tpu.memory_space<hbm>> -> memref<64xi32, #tpu.memory_space<hbm>>
          tpu.enqueue_dma source(%dma_start3A_774 : memref<64xi32, #tpu.memory_space<hbm>>) target(%arg11 : memref<64xi32, #tpu.memory_space<vmem>>) target_semaphore(%arg19 : memref<!tpu.dma_semaphore, #tpu.memory_space<semaphore_mem>>)
        } else {
        }
        %dma_wait3A_569 = arith.constant 0 : i32
        %dma_wait3A_570 = tpu.memref_slice %arg4[%dma_wait3A_569] : memref<80000xi32, #tpu.memory_space<hbm>> -> memref<64xi32, #tpu.memory_space<hbm>>
        %dma_wait3A_571 = arith.constant 0 : i32
        %dma_wait3A_572 = tpu.memref_slice %arg4[%dma_wait3A_571] : memref<80000xi32, #tpu.memory_space<hbm>> -> memref<64xi32, #tpu.memory_space<hbm>>
        tpu.wait_dma2 semaphore(%arg18 : memref<!tpu.dma_semaphore, #tpu.memory_space<semaphore_mem>>) src(%dma_wait3A_572 : memref<64xi32, #tpu.memory_space<hbm>>) dst(%arg8 : memref<64xi32, #tpu.memory_space<vmem>>)
        %dma_wait3A_573 = arith.constant 0 : i32
        %dma_wait3A_574 = tpu.memref_slice %arg5[%dma_wait3A_573] : memref<80000xi32, #tpu.memory_space<hbm>> -> memref<64xi32, #tpu.memory_space<hbm>>
        %dma_wait3A_575 = arith.constant 0 : i32
        %dma_wait3A_576 = tpu.memref_slice %arg5[%dma_wait3A_575] : memref<80000xi32, #tpu.memory_space<hbm>> -> memref<64xi32, #tpu.memory_space<hbm>>
        tpu.wait_dma2 semaphore(%arg18 : memref<!tpu.dma_semaphore, #tpu.memory_space<semaphore_mem>>) src(%dma_wait3A_576 : memref<64xi32, #tpu.memory_space<hbm>>) dst(%arg10 : memref<64xi32, #tpu.memory_space<vmem>>)
        %ge3A = arith.constant 2 : i32
        %ge3A_577 = arith.cmpi sge, %mul3A_552, %ge3A : i32
        %convert_element_type3A_578 = arith.extui %ge3A_577 : i1 to i32
        %cond3A_579 = arith.constant 0 : i32
        %cond3A_580 = arith.cmpi ne, %convert_element_type3A_578, %cond3A_579 : i32
        scf.if %cond3A_580 {
          %dma_wait3A_763 = arith.constant 0 : i32
          %dma_wait3A_764 = arith.constant 0 : i32
          %dma_wait3A_765 = tpu.memref_slice %arg6[%dma_wait3A_763, %dma_wait3A_764] : memref<80000x256xf32, #tpu.memory_space<hbm>> -> memref<64x256xf32, #tpu.memory_space<hbm>>
          %dma_wait3A_766 = arith.constant 0 : i32
          %dma_wait3A_767 = arith.constant 0 : i32
          %dma_wait3A_768 = tpu.memref_slice %arg6[%dma_wait3A_766, %dma_wait3A_767] : memref<80000x256xf32, #tpu.memory_space<hbm>> -> memref<64x256xf32, #tpu.memory_space<hbm>>
          tpu.wait_dma2 semaphore(%arg20 : memref<!tpu.dma_semaphore, #tpu.memory_space<semaphore_mem>>) src(%arg12 : memref<64x256xf32, #tpu.memory_space<vmem>>) dst(%dma_wait3A_768 : memref<64x256xf32, #tpu.memory_space<hbm>>)
          %dma_wait3A_769 = arith.constant 0 : i32
          %dma_wait3A_770 = arith.constant 0 : i32
          %dma_wait3A_771 = tpu.memref_slice %arg7[%dma_wait3A_769, %dma_wait3A_770] : memref<80000x16xf32, #tpu.memory_space<hbm>> -> memref<64x16xf32, #tpu.memory_space<hbm>>
          %dma_wait3A_772 = arith.constant 0 : i32
          %dma_wait3A_773 = arith.constant 0 : i32
          %dma_wait3A_774 = tpu.memref_slice %arg7[%dma_wait3A_772, %dma_wait3A_773] : memref<80000x16xf32, #tpu.memory_space<hbm>> -> memref<64x16xf32, #tpu.memory_space<hbm>>
          tpu.wait_dma2 semaphore(%arg22 : memref<!tpu.dma_semaphore, #tpu.memory_space<semaphore_mem>>) src(%arg14 : memref<64x16xf32, #tpu.memory_space<vmem>>) dst(%dma_wait3A_774 : memref<64x16xf32, #tpu.memory_space<hbm>>)
        } else {
        }
        %dma_start3A_581 = arith.constant 0 : i32
        %dma_start3A_582 = arith.constant 0 : i32
        %dma_start3A_583 = tpu.memref_slice %arg2[%dma_start3A_581, %dma_start3A_582] : memref<10000x256xf32, #tpu.memory_space<hbm>> -> memref<10000x256xf32, #tpu.memory_space<hbm>>
        tpu.enqueue_indirect_dma source(%dma_start3A_583 : memref<10000x256xf32, #tpu.memory_space<hbm>>) target(%arg12 : memref<64x256xf32, #tpu.memory_space<vmem>>) offsets(%arg8 : memref<64xi32, #tpu.memory_space<vmem>>) semaphore(%arg17 : memref<!tpu.dma_semaphore, #tpu.memory_space<semaphore_mem>>)
        %get3A = arith.constant 0 : index
        %get3A_584 = tpu.vector_load %arg10[%get3A] {strides = array<i32>} : memref<64xi32, #tpu.memory_space<vmem>>, vector<16xi32>,
        %add3A_585 = arith.constant 0 : i32
        %add3A_586 = vector.broadcast %add3A_585 : i32 to vector<16xi32>
        %add3A_587 = arith.addi %iota3A, %add3A_586 : vector<16xi32>
        %mul3A_588 = arith.constant 4 : i32
        %mul3A_589 = vector.broadcast %mul3A_588 : i32 to vector<16xi32>
        %mul3A_590 = arith.muli %get3A_584, %mul3A_589 : vector<16xi32>
        %add3A_591 = arith.constant 0 : i32
        %add3A_592 = vector.broadcast %add3A_591 : i32 to vector<16xi32>
        %add3A_593 = arith.addi %mul3A_590, %add3A_592 : vector<16xi32>
        %gather3A = tpu.vector_load_idx %arg16[%add3A_593] : memref<40000xf32, #tpu.memory_space<vmem>>[vector<16xi32>], vector<16xf32>,
        %broadcast_in_dim3A_594 = arith.constant 0 : i32
        %broadcast_in_dim3A_595 = vector.broadcast %broadcast_in_dim3A_594 : i32 to vector<16xi32>
        tpu.vector_store_idx %arg14[%add3A_587, %broadcast_in_dim3A_595], %gather3A : memref<64x16xf32, #tpu.memory_space<vmem>>[vector<16xi32>, vector<16xi32>], vector<16xf32>,
        %mul3A_596 = arith.constant 4 : i32
        %mul3A_597 = vector.broadcast %mul3A_596 : i32 to vector<16xi32>
        %mul3A_598 = arith.muli %get3A_584, %mul3A_597 : vector<16xi32>
        %add3A_599 = arith.constant 1 : i32
        %add3A_600 = vector.broadcast %add3A_599 : i32 to vector<16xi32>
        %add3A_601 = arith.addi %mul3A_598, %add3A_600 : vector<16xi32>
        %gather3A_602 = tpu.vector_load_idx %arg16[%add3A_601] : memref<40000xf32, #tpu.memory_space<vmem>>[vector<16xi32>], vector<16xf32>,
        %broadcast_in_dim3A_603 = arith.constant 1 : i32
        %broadcast_in_dim3A_604 = vector.broadcast %broadcast_in_dim3A_603 : i32 to vector<16xi32>
        tpu.vector_store_idx %arg14[%add3A_587, %broadcast_in_dim3A_604], %gather3A_602 : memref<64x16xf32, #tpu.memory_space<vmem>>[vector<16xi32>, vector<16xi32>], vector<16xf32>,
        %mul3A_605 = arith.constant 4 : i32
        %mul3A_606 = vector.broadcast %mul3A_605 : i32 to vector<16xi32>
        %mul3A_607 = arith.muli %get3A_584, %mul3A_606 : vector<16xi32>
        %add3A_608 = arith.constant 2 : i32
        %add3A_609 = vector.broadcast %add3A_608 : i32 to vector<16xi32>
        %add3A_610 = arith.addi %mul3A_607, %add3A_609 : vector<16xi32>
        %gather3A_611 = tpu.vector_load_idx %arg16[%add3A_610] : memref<40000xf32, #tpu.memory_space<vmem>>[vector<16xi32>], vector<16xf32>,
        %broadcast_in_dim3A_612 = arith.constant 2 : i32
        %broadcast_in_dim3A_613 = vector.broadcast %broadcast_in_dim3A_612 : i32 to vector<16xi32>
        tpu.vector_store_idx %arg14[%add3A_587, %broadcast_in_dim3A_613], %gather3A_611 : memref<64x16xf32, #tpu.memory_space<vmem>>[vector<16xi32>, vector<16xi32>], vector<16xf32>,
        %mul3A_614 = arith.constant 4 : i32
        %mul3A_615 = vector.broadcast %mul3A_614 : i32 to vector<16xi32>
        %mul3A_616 = arith.muli %get3A_584, %mul3A_615 : vector<16xi32>
        %add3A_617 = arith.constant 3 : i32
        %add3A_618 = vector.broadcast %add3A_617 : i32 to vector<16xi32>
        %add3A_619 = arith.addi %mul3A_616, %add3A_618 : vector<16xi32>
        %gather3A_620 = tpu.vector_load_idx %arg16[%add3A_619] : memref<40000xf32, #tpu.memory_space<vmem>>[vector<16xi32>], vector<16xf32>,
        %broadcast_in_dim3A_621 = arith.constant 3 : i32
        %broadcast_in_dim3A_622 = vector.broadcast %broadcast_in_dim3A_621 : i32 to vector<16xi32>
        tpu.vector_store_idx %arg14[%add3A_587, %broadcast_in_dim3A_622], %gather3A_620 : memref<64x16xf32, #tpu.memory_space<vmem>>[vector<16xi32>, vector<16xi32>], vector<16xf32>,
        %get3A_623 = arith.constant 16 : index
        %get3A_624 = tpu.vector_load %arg10[%get3A_623] {strides = array<i32>} : memref<64xi32, #tpu.memory_space<vmem>>, vector<16xi32>,
        %add3A_625 = arith.constant 16 : i32
        %add3A_626 = vector.broadcast %add3A_625 : i32 to vector<16xi32>
        %add3A_627 = arith.addi %iota3A, %add3A_626 : vector<16xi32>
        %mul3A_628 = arith.constant 4 : i32
        %mul3A_629 = vector.broadcast %mul3A_628 : i32 to vector<16xi32>
        %mul3A_630 = arith.muli %get3A_624, %mul3A_629 : vector<16xi32>
        %add3A_631 = arith.constant 0 : i32
        %add3A_632 = vector.broadcast %add3A_631 : i32 to vector<16xi32>
        %add3A_633 = arith.addi %mul3A_630, %add3A_632 : vector<16xi32>
        %gather3A_634 = tpu.vector_load_idx %arg16[%add3A_633] : memref<40000xf32, #tpu.memory_space<vmem>>[vector<16xi32>], vector<16xf32>,
        %broadcast_in_dim3A_635 = arith.constant 0 : i32
        %broadcast_in_dim3A_636 = vector.broadcast %broadcast_in_dim3A_635 : i32 to vector<16xi32>
        tpu.vector_store_idx %arg14[%add3A_627, %broadcast_in_dim3A_636], %gather3A_634 : memref<64x16xf32, #tpu.memory_space<vmem>>[vector<16xi32>, vector<16xi32>], vector<16xf32>,
        %mul3A_637 = arith.constant 4 : i32
        %mul3A_638 = vector.broadcast %mul3A_637 : i32 to vector<16xi32>
        %mul3A_639 = arith.muli %get3A_624, %mul3A_638 : vector<16xi32>
        %add3A_640 = arith.constant 1 : i32
        %add3A_641 = vector.broadcast %add3A_640 : i32 to vector<16xi32>
        %add3A_642 = arith.addi %mul3A_639, %add3A_641 : vector<16xi32>
        %gather3A_643 = tpu.vector_load_idx %arg16[%add3A_642] : memref<40000xf32, #tpu.memory_space<vmem>>[vector<16xi32>], vector<16xf32>,
        %broadcast_in_dim3A_644 = arith.constant 1 : i32
        %broadcast_in_dim3A_645 = vector.broadcast %broadcast_in_dim3A_644 : i32 to vector<16xi32>
        tpu.vector_store_idx %arg14[%add3A_627, %broadcast_in_dim3A_645], %gather3A_643 : memref<64x16xf32, #tpu.memory_space<vmem>>[vector<16xi32>, vector<16xi32>], vector<16xf32>,
        %mul3A_646 = arith.constant 4 : i32
        %mul3A_647 = vector.broadcast %mul3A_646 : i32 to vector<16xi32>
        %mul3A_648 = arith.muli %get3A_624, %mul3A_647 : vector<16xi32>
        %add3A_649 = arith.constant 2 : i32
        %add3A_650 = vector.broadcast %add3A_649 : i32 to vector<16xi32>
        %add3A_651 = arith.addi %mul3A_648, %add3A_650 : vector<16xi32>
        %gather3A_652 = tpu.vector_load_idx %arg16[%add3A_651] : memref<40000xf32, #tpu.memory_space<vmem>>[vector<16xi32>], vector<16xf32>,
        %broadcast_in_dim3A_653 = arith.constant 2 : i32
        %broadcast_in_dim3A_654 = vector.broadcast %broadcast_in_dim3A_653 : i32 to vector<16xi32>
        tpu.vector_store_idx %arg14[%add3A_627, %broadcast_in_dim3A_654], %gather3A_652 : memref<64x16xf32, #tpu.memory_space<vmem>>[vector<16xi32>, vector<16xi32>], vector<16xf32>,
        %mul3A_655 = arith.constant 4 : i32
        %mul3A_656 = vector.broadcast %mul3A_655 : i32 to vector<16xi32>
        %mul3A_657 = arith.muli %get3A_624, %mul3A_656 : vector<16xi32>
        %add3A_658 = arith.constant 3 : i32
        %add3A_659 = vector.broadcast %add3A_658 : i32 to vector<16xi32>
        %add3A_660 = arith.addi %mul3A_657, %add3A_659 : vector<16xi32>
        %gather3A_661 = tpu.vector_load_idx %arg16[%add3A_660] : memref<40000xf32, #tpu.memory_space<vmem>>[vector<16xi32>], vector<16xf32>,
        %broadcast_in_dim3A_662 = arith.constant 3 : i32
        %broadcast_in_dim3A_663 = vector.broadcast %broadcast_in_dim3A_662 : i32 to vector<16xi32>
        tpu.vector_store_idx %arg14[%add3A_627, %broadcast_in_dim3A_663], %gather3A_661 : memref<64x16xf32, #tpu.memory_space<vmem>>[vector<16xi32>, vector<16xi32>], vector<16xf32>,
        %get3A_664 = arith.constant 32 : index
        %get3A_665 = tpu.vector_load %arg10[%get3A_664] {strides = array<i32>} : memref<64xi32, #tpu.memory_space<vmem>>, vector<16xi32>,
        %add3A_666 = arith.constant 32 : i32
        %add3A_667 = vector.broadcast %add3A_666 : i32 to vector<16xi32>
        %add3A_668 = arith.addi %iota3A, %add3A_667 : vector<16xi32>
        %mul3A_669 = arith.constant 4 : i32
        %mul3A_670 = vector.broadcast %mul3A_669 : i32 to vector<16xi32>
        %mul3A_671 = arith.muli %get3A_665, %mul3A_670 : vector<16xi32>
        %add3A_672 = arith.constant 0 : i32
        %add3A_673 = vector.broadcast %add3A_672 : i32 to vector<16xi32>
        %add3A_674 = arith.addi %mul3A_671, %add3A_673 : vector<16xi32>
        %gather3A_675 = tpu.vector_load_idx %arg16[%add3A_674] : memref<40000xf32, #tpu.memory_space<vmem>>[vector<16xi32>], vector<16xf32>,
        %broadcast_in_dim3A_676 = arith.constant 0 : i32
        %broadcast_in_dim3A_677 = vector.broadcast %broadcast_in_dim3A_676 : i32 to vector<16xi32>
        tpu.vector_store_idx %arg14[%add3A_668, %broadcast_in_dim3A_677], %gather3A_675 : memref<64x16xf32, #tpu.memory_space<vmem>>[vector<16xi32>, vector<16xi32>], vector<16xf32>,
        %mul3A_678 = arith.constant 4 : i32
        %mul3A_679 = vector.broadcast %mul3A_678 : i32 to vector<16xi32>
        %mul3A_680 = arith.muli %get3A_665, %mul3A_679 : vector<16xi32>
        %add3A_681 = arith.constant 1 : i32
        %add3A_682 = vector.broadcast %add3A_681 : i32 to vector<16xi32>
        %add3A_683 = arith.addi %mul3A_680, %add3A_682 : vector<16xi32>
        %gather3A_684 = tpu.vector_load_idx %arg16[%add3A_683] : memref<40000xf32, #tpu.memory_space<vmem>>[vector<16xi32>], vector<16xf32>,
        %broadcast_in_dim3A_685 = arith.constant 1 : i32
        %broadcast_in_dim3A_686 = vector.broadcast %broadcast_in_dim3A_685 : i32 to vector<16xi32>
        tpu.vector_store_idx %arg14[%add3A_668, %broadcast_in_dim3A_686], %gather3A_684 : memref<64x16xf32, #tpu.memory_space<vmem>>[vector<16xi32>, vector<16xi32>], vector<16xf32>,
        %mul3A_687 = arith.constant 4 : i32
        %mul3A_688 = vector.broadcast %mul3A_687 : i32 to vector<16xi32>
        %mul3A_689 = arith.muli %get3A_665, %mul3A_688 : vector<16xi32>
        %add3A_690 = arith.constant 2 : i32
        %add3A_691 = vector.broadcast %add3A_690 : i32 to vector<16xi32>
        %add3A_692 = arith.addi %mul3A_689, %add3A_691 : vector<16xi32>
        %gather3A_693 = tpu.vector_load_idx %arg16[%add3A_692] : memref<40000xf32, #tpu.memory_space<vmem>>[vector<16xi32>], vector<16xf32>,
        %broadcast_in_dim3A_694 = arith.constant 2 : i32
        %broadcast_in_dim3A_695 = vector.broadcast %broadcast_in_dim3A_694 : i32 to vector<16xi32>
        tpu.vector_store_idx %arg14[%add3A_668, %broadcast_in_dim3A_695], %gather3A_693 : memref<64x16xf32, #tpu.memory_space<vmem>>[vector<16xi32>, vector<16xi32>], vector<16xf32>,
        %mul3A_696 = arith.constant 4 : i32
        %mul3A_697 = vector.broadcast %mul3A_696 : i32 to vector<16xi32>
        %mul3A_698 = arith.muli %get3A_665, %mul3A_697 : vector<16xi32>
        %add3A_699 = arith.constant 3 : i32
        %add3A_700 = vector.broadcast %add3A_699 : i32 to vector<16xi32>
        %add3A_701 = arith.addi %mul3A_698, %add3A_700 : vector<16xi32>
        %gather3A_702 = tpu.vector_load_idx %arg16[%add3A_701] : memref<40000xf32, #tpu.memory_space<vmem>>[vector<16xi32>], vector<16xf32>,
        %broadcast_in_dim3A_703 = arith.constant 3 : i32
        %broadcast_in_dim3A_704 = vector.broadcast %broadcast_in_dim3A_703 : i32 to vector<16xi32>
        tpu.vector_store_idx %arg14[%add3A_668, %broadcast_in_dim3A_704], %gather3A_702 : memref<64x16xf32, #tpu.memory_space<vmem>>[vector<16xi32>, vector<16xi32>], vector<16xf32>,
        %get3A_705 = arith.constant 48 : index
        %get3A_706 = tpu.vector_load %arg10[%get3A_705] {strides = array<i32>} : memref<64xi32, #tpu.memory_space<vmem>>, vector<16xi32>,
        %add3A_707 = arith.constant 48 : i32
        %add3A_708 = vector.broadcast %add3A_707 : i32 to vector<16xi32>
        %add3A_709 = arith.addi %iota3A, %add3A_708 : vector<16xi32>
        %mul3A_710 = arith.constant 4 : i32
        %mul3A_711 = vector.broadcast %mul3A_710 : i32 to vector<16xi32>
        %mul3A_712 = arith.muli %get3A_706, %mul3A_711 : vector<16xi32>
        %add3A_713 = arith.constant 0 : i32
        %add3A_714 = vector.broadcast %add3A_713 : i32 to vector<16xi32>
        %add3A_715 = arith.addi %mul3A_712, %add3A_714 : vector<16xi32>
        %gather3A_716 = tpu.vector_load_idx %arg16[%add3A_715] : memref<40000xf32, #tpu.memory_space<vmem>>[vector<16xi32>], vector<16xf32>,
        %broadcast_in_dim3A_717 = arith.constant 0 : i32
        %broadcast_in_dim3A_718 = vector.broadcast %broadcast_in_dim3A_717 : i32 to vector<16xi32>
        tpu.vector_store_idx %arg14[%add3A_709, %broadcast_in_dim3A_718], %gather3A_716 : memref<64x16xf32, #tpu.memory_space<vmem>>[vector<16xi32>, vector<16xi32>], vector<16xf32>,
        %mul3A_719 = arith.constant 4 : i32
        %mul3A_720 = vector.broadcast %mul3A_719 : i32 to vector<16xi32>
        %mul3A_721 = arith.muli %get3A_706, %mul3A_720 : vector<16xi32>
        %add3A_722 = arith.constant 1 : i32
        %add3A_723 = vector.broadcast %add3A_722 : i32 to vector<16xi32>
        %add3A_724 = arith.addi %mul3A_721, %add3A_723 : vector<16xi32>
        %gather3A_725 = tpu.vector_load_idx %arg16[%add3A_724] : memref<40000xf32, #tpu.memory_space<vmem>>[vector<16xi32>], vector<16xf32>,
        %broadcast_in_dim3A_726 = arith.constant 1 : i32
        %broadcast_in_dim3A_727 = vector.broadcast %broadcast_in_dim3A_726 : i32 to vector<16xi32>
        tpu.vector_store_idx %arg14[%add3A_709, %broadcast_in_dim3A_727], %gather3A_725 : memref<64x16xf32, #tpu.memory_space<vmem>>[vector<16xi32>, vector<16xi32>], vector<16xf32>,
        %mul3A_728 = arith.constant 4 : i32
        %mul3A_729 = vector.broadcast %mul3A_728 : i32 to vector<16xi32>
        %mul3A_730 = arith.muli %get3A_706, %mul3A_729 : vector<16xi32>
        %add3A_731 = arith.constant 2 : i32
        %add3A_732 = vector.broadcast %add3A_731 : i32 to vector<16xi32>
        %add3A_733 = arith.addi %mul3A_730, %add3A_732 : vector<16xi32>
        %gather3A_734 = tpu.vector_load_idx %arg16[%add3A_733] : memref<40000xf32, #tpu.memory_space<vmem>>[vector<16xi32>], vector<16xf32>,
        %broadcast_in_dim3A_735 = arith.constant 2 : i32
        %broadcast_in_dim3A_736 = vector.broadcast %broadcast_in_dim3A_735 : i32 to vector<16xi32>
        tpu.vector_store_idx %arg14[%add3A_709, %broadcast_in_dim3A_736], %gather3A_734 : memref<64x16xf32, #tpu.memory_space<vmem>>[vector<16xi32>, vector<16xi32>], vector<16xf32>,
        %mul3A_737 = arith.constant 4 : i32
        %mul3A_738 = vector.broadcast %mul3A_737 : i32 to vector<16xi32>
        %mul3A_739 = arith.muli %get3A_706, %mul3A_738 : vector<16xi32>
        %add3A_740 = arith.constant 3 : i32
        %add3A_741 = vector.broadcast %add3A_740 : i32 to vector<16xi32>
        %add3A_742 = arith.addi %mul3A_739, %add3A_741 : vector<16xi32>
        %gather3A_743 = tpu.vector_load_idx %arg16[%add3A_742] : memref<40000xf32, #tpu.memory_space<vmem>>[vector<16xi32>], vector<16xf32>,
        %broadcast_in_dim3A_744 = arith.constant 3 : i32
        %broadcast_in_dim3A_745 = vector.broadcast %broadcast_in_dim3A_744 : i32 to vector<16xi32>
        tpu.vector_store_idx %arg14[%add3A_709, %broadcast_in_dim3A_745], %gather3A_743 : memref<64x16xf32, #tpu.memory_space<vmem>>[vector<16xi32>, vector<16xi32>], vector<16xf32>,
        %dma_wait3A_746 = arith.constant 0 : i32
        %dma_wait3A_747 = arith.constant 0 : i32
        %dma_wait3A_748 = tpu.memref_slice %arg2[%dma_wait3A_746, %dma_wait3A_747] : memref<10000x256xf32, #tpu.memory_space<hbm>> -> memref<10000x256xf32, #tpu.memory_space<hbm>>
        tpu.wait_indirect_dma semaphore(%arg17 : memref<!tpu.dma_semaphore, #tpu.memory_space<semaphore_mem>>) src(%dma_wait3A_748 : memref<10000x256xf32, #tpu.memory_space<hbm>>) dst(%arg12 : memref<64x256xf32, #tpu.memory_space<vmem>>)
        %mul3A_749 = arith.constant 32 : i32
        %mul3A_750 = arith.muli %mul3A_552, %mul3A_749 : i32
        %add3A_751 = arith.addi %add3A, %mul3A_750 : i32
        %mul3A_752 = arith.constant 64 : i32
        %mul3A_753 = arith.muli %add3A_751, %mul3A_752 : i32
        %multiple_of3A_754 = tpu.assume_multiple %mul3A_753, 64 : i32
        %dma_start3A_755 = arith.constant 0 : i32
        %dma_start3A_756 = tpu.memref_slice %arg6[%multiple_of3A_754, %dma_start3A_755] : memref<80000x256xf32, #tpu.memory_space<hbm>> -> memref<64x256xf32, #tpu.memory_space<hbm>>
        %dma_start3A_757 = arith.constant 0 : i32
        %dma_start3A_758 = tpu.memref_slice %arg6[%multiple_of3A_754, %dma_start3A_757] : memref<80000x256xf32, #tpu.memory_space<hbm>> -> memref<64x256xf32, #tpu.memory_space<hbm>>
        tpu.enqueue_dma source(%arg12 : memref<64x256xf32, #tpu.memory_space<vmem>>) target(%dma_start3A_758 : memref<64x256xf32, #tpu.memory_space<hbm>>) target_semaphore(%arg20 : memref<!tpu.dma_semaphore, #tpu.memory_space<semaphore_mem>>)
        %dma_start3A_759 = arith.constant 0 : i32
        %dma_start3A_760 = tpu.memref_slice %arg7[%multiple_of3A_754, %dma_start3A_759] : memref<80000x16xf32, #tpu.memory_space<hbm>> -> memref<64x16xf32, #tpu.memory_space<hbm>>
        %dma_start3A_761 = arith.constant 0 : i32
        %dma_start3A_762 = tpu.memref_slice %arg7[%multiple_of3A_754, %dma_start3A_761] : memref<80000x16xf32, #tpu.memory_space<hbm>> -> memref<64x16xf32, #tpu.memory_space<hbm>>
        tpu.enqueue_dma source(%arg14 : memref<64x16xf32, #tpu.memory_space<vmem>>) target(%dma_start3A_762 : memref<64x16xf32, #tpu.memory_space<hbm>>) target_semaphore(%arg22 : memref<!tpu.dma_semaphore, #tpu.memory_space<semaphore_mem>>)
      } else {
      }
      %mul3A_555 = arith.constant 2 : i32
      %mul3A_556 = arith.muli %mul3A_555, %scan3A_550 : i32
      %add3A_557 = arith.constant 1 : i32
      %add3A_558 = arith.addi %mul3A_556, %add3A_557 : i32
      %lt3A_559 = arith.cmpi slt, %add3A_558, %select_n3A : i32
      %convert_element_type3A_560 = arith.extui %lt3A_559 : i1 to i32
      %cond3A_561 = arith.constant 0 : i32
      %cond3A_562 = arith.cmpi ne, %convert_element_type3A_560, %cond3A_561 : i32
      scf.if %cond3A_562 {
        %add3A_563 = arith.constant 1 : i32
        %add3A_564 = arith.addi %add3A_558, %add3A_563 : i32
        %lt3A_565 = arith.cmpi slt, %add3A_564, %select_n3A : i32
        %convert_element_type3A_566 = arith.extui %lt3A_565 : i1 to i32
        %cond3A_567 = arith.constant 0 : i32
        %cond3A_568 = arith.cmpi ne, %convert_element_type3A_566, %cond3A_567 : i32
        scf.if %cond3A_568 {
          %add3A_763 = arith.constant 1 : i32
          %add3A_764 = arith.addi %add3A_558, %add3A_763 : i32
          %mul3A_765 = arith.constant 32 : i32
          %mul3A_766 = arith.muli %add3A_764, %mul3A_765 : i32
          %add3A_767 = arith.addi %add3A, %mul3A_766 : i32
          %mul3A_768 = arith.constant 64 : i32
          %mul3A_769 = arith.muli %add3A_767, %mul3A_768 : i32
          %multiple_of3A_770 = tpu.assume_multiple %mul3A_769, 64 : i32
          %dma_start3A_771 = tpu.memref_slice %arg4[%multiple_of3A_770] : memref<80000xi32, #tpu.memory_space<hbm>> -> memref<64xi32, #tpu.memory_space<hbm>>
          %dma_start3A_772 = tpu.memref_slice %arg4[%multiple_of3A_770] : memref<80000xi32, #tpu.memory_space<hbm>> -> memref<64xi32, #tpu.memory_space<hbm>>
          tpu.enqueue_dma source(%dma_start3A_772 : memref<64xi32, #tpu.memory_space<hbm>>) target(%arg8 : memref<64xi32, #tpu.memory_space<vmem>>) target_semaphore(%arg18 : memref<!tpu.dma_semaphore, #tpu.memory_space<semaphore_mem>>)
          %dma_start3A_773 = tpu.memref_slice %arg5[%multiple_of3A_770] : memref<80000xi32, #tpu.memory_space<hbm>> -> memref<64xi32, #tpu.memory_space<hbm>>
          %dma_start3A_774 = tpu.memref_slice %arg5[%multiple_of3A_770] : memref<80000xi32, #tpu.memory_space<hbm>> -> memref<64xi32, #tpu.memory_space<hbm>>
          tpu.enqueue_dma source(%dma_start3A_774 : memref<64xi32, #tpu.memory_space<hbm>>) target(%arg10 : memref<64xi32, #tpu.memory_space<vmem>>) target_semaphore(%arg18 : memref<!tpu.dma_semaphore, #tpu.memory_space<semaphore_mem>>)
        } else {
        }
        %dma_wait3A_569 = arith.constant 0 : i32
        %dma_wait3A_570 = tpu.memref_slice %arg4[%dma_wait3A_569] : memref<80000xi32, #tpu.memory_space<hbm>> -> memref<64xi32, #tpu.memory_space<hbm>>
        %dma_wait3A_571 = arith.constant 0 : i32
        %dma_wait3A_572 = tpu.memref_slice %arg4[%dma_wait3A_571] : memref<80000xi32, #tpu.memory_space<hbm>> -> memref<64xi32, #tpu.memory_space<hbm>>
        tpu.wait_dma2 semaphore(%arg19 : memref<!tpu.dma_semaphore, #tpu.memory_space<semaphore_mem>>) src(%dma_wait3A_572 : memref<64xi32, #tpu.memory_space<hbm>>) dst(%arg9 : memref<64xi32, #tpu.memory_space<vmem>>)
        %dma_wait3A_573 = arith.constant 0 : i32
        %dma_wait3A_574 = tpu.memref_slice %arg5[%dma_wait3A_573] : memref<80000xi32, #tpu.memory_space<hbm>> -> memref<64xi32, #tpu.memory_space<hbm>>
        %dma_wait3A_575 = arith.constant 0 : i32
        %dma_wait3A_576 = tpu.memref_slice %arg5[%dma_wait3A_575] : memref<80000xi32, #tpu.memory_space<hbm>> -> memref<64xi32, #tpu.memory_space<hbm>>
        tpu.wait_dma2 semaphore(%arg19 : memref<!tpu.dma_semaphore, #tpu.memory_space<semaphore_mem>>) src(%dma_wait3A_576 : memref<64xi32, #tpu.memory_space<hbm>>) dst(%arg11 : memref<64xi32, #tpu.memory_space<vmem>>)
        %ge3A = arith.constant 2 : i32
        %ge3A_577 = arith.cmpi sge, %add3A_558, %ge3A : i32
        %convert_element_type3A_578 = arith.extui %ge3A_577 : i1 to i32
        %cond3A_579 = arith.constant 0 : i32
        %cond3A_580 = arith.cmpi ne, %convert_element_type3A_578, %cond3A_579 : i32
        scf.if %cond3A_580 {
          %dma_wait3A_763 = arith.constant 0 : i32
          %dma_wait3A_764 = arith.constant 0 : i32
          %dma_wait3A_765 = tpu.memref_slice %arg6[%dma_wait3A_763, %dma_wait3A_764] : memref<80000x256xf32, #tpu.memory_space<hbm>> -> memref<64x256xf32, #tpu.memory_space<hbm>>
          %dma_wait3A_766 = arith.constant 0 : i32
          %dma_wait3A_767 = arith.constant 0 : i32
          %dma_wait3A_768 = tpu.memref_slice %arg6[%dma_wait3A_766, %dma_wait3A_767] : memref<80000x256xf32, #tpu.memory_space<hbm>> -> memref<64x256xf32, #tpu.memory_space<hbm>>
          tpu.wait_dma2 semaphore(%arg21 : memref<!tpu.dma_semaphore, #tpu.memory_space<semaphore_mem>>) src(%arg13 : memref<64x256xf32, #tpu.memory_space<vmem>>) dst(%dma_wait3A_768 : memref<64x256xf32, #tpu.memory_space<hbm>>)
          %dma_wait3A_769 = arith.constant 0 : i32
          %dma_wait3A_770 = arith.constant 0 : i32
          %dma_wait3A_771 = tpu.memref_slice %arg7[%dma_wait3A_769, %dma_wait3A_770] : memref<80000x16xf32, #tpu.memory_space<hbm>> -> memref<64x16xf32, #tpu.memory_space<hbm>>
          %dma_wait3A_772 = arith.constant 0 : i32
          %dma_wait3A_773 = arith.constant 0 : i32
          %dma_wait3A_774 = tpu.memref_slice %arg7[%dma_wait3A_772, %dma_wait3A_773] : memref<80000x16xf32, #tpu.memory_space<hbm>> -> memref<64x16xf32, #tpu.memory_space<hbm>>
          tpu.wait_dma2 semaphore(%arg23 : memref<!tpu.dma_semaphore, #tpu.memory_space<semaphore_mem>>) src(%arg15 : memref<64x16xf32, #tpu.memory_space<vmem>>) dst(%dma_wait3A_774 : memref<64x16xf32, #tpu.memory_space<hbm>>)
        } else {
        }
        %dma_start3A_581 = arith.constant 0 : i32
        %dma_start3A_582 = arith.constant 0 : i32
        %dma_start3A_583 = tpu.memref_slice %arg2[%dma_start3A_581, %dma_start3A_582] : memref<10000x256xf32, #tpu.memory_space<hbm>> -> memref<10000x256xf32, #tpu.memory_space<hbm>>
        tpu.enqueue_indirect_dma source(%dma_start3A_583 : memref<10000x256xf32, #tpu.memory_space<hbm>>) target(%arg13 : memref<64x256xf32, #tpu.memory_space<vmem>>) offsets(%arg9 : memref<64xi32, #tpu.memory_space<vmem>>) semaphore(%arg17 : memref<!tpu.dma_semaphore, #tpu.memory_space<semaphore_mem>>)
        %get3A = arith.constant 0 : index
        %get3A_584 = tpu.vector_load %arg11[%get3A] {strides = array<i32>} : memref<64xi32, #tpu.memory_space<vmem>>, vector<16xi32>,
        %add3A_585 = arith.constant 0 : i32
        %add3A_586 = vector.broadcast %add3A_585 : i32 to vector<16xi32>
        %add3A_587 = arith.addi %iota3A, %add3A_586 : vector<16xi32>
        %mul3A_588 = arith.constant 4 : i32
        %mul3A_589 = vector.broadcast %mul3A_588 : i32 to vector<16xi32>
        %mul3A_590 = arith.muli %get3A_584, %mul3A_589 : vector<16xi32>
        %add3A_591 = arith.constant 0 : i32
        %add3A_592 = vector.broadcast %add3A_591 : i32 to vector<16xi32>
        %add3A_593 = arith.addi %mul3A_590, %add3A_592 : vector<16xi32>
        %gather3A = tpu.vector_load_idx %arg16[%add3A_593] : memref<40000xf32, #tpu.memory_space<vmem>>[vector<16xi32>], vector<16xf32>,
        %broadcast_in_dim3A_594 = arith.constant 0 : i32
        %broadcast_in_dim3A_595 = vector.broadcast %broadcast_in_dim3A_594 : i32 to vector<16xi32>
        tpu.vector_store_idx %arg15[%add3A_587, %broadcast_in_dim3A_595], %gather3A : memref<64x16xf32, #tpu.memory_space<vmem>>[vector<16xi32>, vector<16xi32>], vector<16xf32>,
        %mul3A_596 = arith.constant 4 : i32
        %mul3A_597 = vector.broadcast %mul3A_596 : i32 to vector<16xi32>
        %mul3A_598 = arith.muli %get3A_584, %mul3A_597 : vector<16xi32>
        %add3A_599 = arith.constant 1 : i32
        %add3A_600 = vector.broadcast %add3A_599 : i32 to vector<16xi32>
        %add3A_601 = arith.addi %mul3A_598, %add3A_600 : vector<16xi32>
        %gather3A_602 = tpu.vector_load_idx %arg16[%add3A_601] : memref<40000xf32, #tpu.memory_space<vmem>>[vector<16xi32>], vector<16xf32>,
        %broadcast_in_dim3A_603 = arith.constant 1 : i32
        %broadcast_in_dim3A_604 = vector.broadcast %broadcast_in_dim3A_603 : i32 to vector<16xi32>
        tpu.vector_store_idx %arg15[%add3A_587, %broadcast_in_dim3A_604], %gather3A_602 : memref<64x16xf32, #tpu.memory_space<vmem>>[vector<16xi32>, vector<16xi32>], vector<16xf32>,
        %mul3A_605 = arith.constant 4 : i32
        %mul3A_606 = vector.broadcast %mul3A_605 : i32 to vector<16xi32>
        %mul3A_607 = arith.muli %get3A_584, %mul3A_606 : vector<16xi32>
        %add3A_608 = arith.constant 2 : i32
        %add3A_609 = vector.broadcast %add3A_608 : i32 to vector<16xi32>
        %add3A_610 = arith.addi %mul3A_607, %add3A_609 : vector<16xi32>
        %gather3A_611 = tpu.vector_load_idx %arg16[%add3A_610] : memref<40000xf32, #tpu.memory_space<vmem>>[vector<16xi32>], vector<16xf32>,
        %broadcast_in_dim3A_612 = arith.constant 2 : i32
        %broadcast_in_dim3A_613 = vector.broadcast %broadcast_in_dim3A_612 : i32 to vector<16xi32>
        tpu.vector_store_idx %arg15[%add3A_587, %broadcast_in_dim3A_613], %gather3A_611 : memref<64x16xf32, #tpu.memory_space<vmem>>[vector<16xi32>, vector<16xi32>], vector<16xf32>,
        %mul3A_614 = arith.constant 4 : i32
        %mul3A_615 = vector.broadcast %mul3A_614 : i32 to vector<16xi32>
        %mul3A_616 = arith.muli %get3A_584, %mul3A_615 : vector<16xi32>
        %add3A_617 = arith.constant 3 : i32
        %add3A_618 = vector.broadcast %add3A_617 : i32 to vector<16xi32>
        %add3A_619 = arith.addi %mul3A_616, %add3A_618 : vector<16xi32>
        %gather3A_620 = tpu.vector_load_idx %arg16[%add3A_619] : memref<40000xf32, #tpu.memory_space<vmem>>[vector<16xi32>], vector<16xf32>,
        %broadcast_in_dim3A_621 = arith.constant 3 : i32
        %broadcast_in_dim3A_622 = vector.broadcast %broadcast_in_dim3A_621 : i32 to vector<16xi32>
        tpu.vector_store_idx %arg15[%add3A_587, %broadcast_in_dim3A_622], %gather3A_620 : memref<64x16xf32, #tpu.memory_space<vmem>>[vector<16xi32>, vector<16xi32>], vector<16xf32>,
        %get3A_623 = arith.constant 16 : index
        %get3A_624 = tpu.vector_load %arg11[%get3A_623] {strides = array<i32>} : memref<64xi32, #tpu.memory_space<vmem>>, vector<16xi32>,
        %add3A_625 = arith.constant 16 : i32
        %add3A_626 = vector.broadcast %add3A_625 : i32 to vector<16xi32>
        %add3A_627 = arith.addi %iota3A, %add3A_626 : vector<16xi32>
        %mul3A_628 = arith.constant 4 : i32
        %mul3A_629 = vector.broadcast %mul3A_628 : i32 to vector<16xi32>
        %mul3A_630 = arith.muli %get3A_624, %mul3A_629 : vector<16xi32>
        %add3A_631 = arith.constant 0 : i32
        %add3A_632 = vector.broadcast %add3A_631 : i32 to vector<16xi32>
        %add3A_633 = arith.addi %mul3A_630, %add3A_632 : vector<16xi32>
        %gather3A_634 = tpu.vector_load_idx %arg16[%add3A_633] : memref<40000xf32, #tpu.memory_space<vmem>>[vector<16xi32>], vector<16xf32>,
        %broadcast_in_dim3A_635 = arith.constant 0 : i32
        %broadcast_in_dim3A_636 = vector.broadcast %broadcast_in_dim3A_635 : i32 to vector<16xi32>
        tpu.vector_store_idx %arg15[%add3A_627, %broadcast_in_dim3A_636], %gather3A_634 : memref<64x16xf32, #tpu.memory_space<vmem>>[vector<16xi32>, vector<16xi32>], vector<16xf32>,
        %mul3A_637 = arith.constant 4 : i32
        %mul3A_638 = vector.broadcast %mul3A_637 : i32 to vector<16xi32>
        %mul3A_639 = arith.muli %get3A_624, %mul3A_638 : vector<16xi32>
        %add3A_640 = arith.constant 1 : i32
        %add3A_641 = vector.broadcast %add3A_640 : i32 to vector<16xi32>
        %add3A_642 = arith.addi %mul3A_639, %add3A_641 : vector<16xi32>
        %gather3A_643 = tpu.vector_load_idx %arg16[%add3A_642] : memref<40000xf32, #tpu.memory_space<vmem>>[vector<16xi32>], vector<16xf32>,
        %broadcast_in_dim3A_644 = arith.constant 1 : i32
        %broadcast_in_dim3A_645 = vector.broadcast %broadcast_in_dim3A_644 : i32 to vector<16xi32>
        tpu.vector_store_idx %arg15[%add3A_627, %broadcast_in_dim3A_645], %gather3A_643 : memref<64x16xf32, #tpu.memory_space<vmem>>[vector<16xi32>, vector<16xi32>], vector<16xf32>,
        %mul3A_646 = arith.constant 4 : i32
        %mul3A_647 = vector.broadcast %mul3A_646 : i32 to vector<16xi32>
        %mul3A_648 = arith.muli %get3A_624, %mul3A_647 : vector<16xi32>
        %add3A_649 = arith.constant 2 : i32
        %add3A_650 = vector.broadcast %add3A_649 : i32 to vector<16xi32>
        %add3A_651 = arith.addi %mul3A_648, %add3A_650 : vector<16xi32>
        %gather3A_652 = tpu.vector_load_idx %arg16[%add3A_651] : memref<40000xf32, #tpu.memory_space<vmem>>[vector<16xi32>], vector<16xf32>,
        %broadcast_in_dim3A_653 = arith.constant 2 : i32
        %broadcast_in_dim3A_654 = vector.broadcast %broadcast_in_dim3A_653 : i32 to vector<16xi32>
        tpu.vector_store_idx %arg15[%add3A_627, %broadcast_in_dim3A_654], %gather3A_652 : memref<64x16xf32, #tpu.memory_space<vmem>>[vector<16xi32>, vector<16xi32>], vector<16xf32>,
        %mul3A_655 = arith.constant 4 : i32
        %mul3A_656 = vector.broadcast %mul3A_655 : i32 to vector<16xi32>
        %mul3A_657 = arith.muli %get3A_624, %mul3A_656 : vector<16xi32>
        %add3A_658 = arith.constant 3 : i32
        %add3A_659 = vector.broadcast %add3A_658 : i32 to vector<16xi32>
        %add3A_660 = arith.addi %mul3A_657, %add3A_659 : vector<16xi32>
        %gather3A_661 = tpu.vector_load_idx %arg16[%add3A_660] : memref<40000xf32, #tpu.memory_space<vmem>>[vector<16xi32>], vector<16xf32>,
        %broadcast_in_dim3A_662 = arith.constant 3 : i32
        %broadcast_in_dim3A_663 = vector.broadcast %broadcast_in_dim3A_662 : i32 to vector<16xi32>
        tpu.vector_store_idx %arg15[%add3A_627, %broadcast_in_dim3A_663], %gather3A_661 : memref<64x16xf32, #tpu.memory_space<vmem>>[vector<16xi32>, vector<16xi32>], vector<16xf32>,
        %get3A_664 = arith.constant 32 : index
        %get3A_665 = tpu.vector_load %arg11[%get3A_664] {strides = array<i32>} : memref<64xi32, #tpu.memory_space<vmem>>, vector<16xi32>,
        %add3A_666 = arith.constant 32 : i32
        %add3A_667 = vector.broadcast %add3A_666 : i32 to vector<16xi32>
        %add3A_668 = arith.addi %iota3A, %add3A_667 : vector<16xi32>
        %mul3A_669 = arith.constant 4 : i32
        %mul3A_670 = vector.broadcast %mul3A_669 : i32 to vector<16xi32>
        %mul3A_671 = arith.muli %get3A_665, %mul3A_670 : vector<16xi32>
        %add3A_672 = arith.constant 0 : i32
        %add3A_673 = vector.broadcast %add3A_672 : i32 to vector<16xi32>
        %add3A_674 = arith.addi %mul3A_671, %add3A_673 : vector<16xi32>
        %gather3A_675 = tpu.vector_load_idx %arg16[%add3A_674] : memref<40000xf32, #tpu.memory_space<vmem>>[vector<16xi32>], vector<16xf32>,
        %broadcast_in_dim3A_676 = arith.constant 0 : i32
        %broadcast_in_dim3A_677 = vector.broadcast %broadcast_in_dim3A_676 : i32 to vector<16xi32>
        tpu.vector_store_idx %arg15[%add3A_668, %broadcast_in_dim3A_677], %gather3A_675 : memref<64x16xf32, #tpu.memory_space<vmem>>[vector<16xi32>, vector<16xi32>], vector<16xf32>,
        %mul3A_678 = arith.constant 4 : i32
        %mul3A_679 = vector.broadcast %mul3A_678 : i32 to vector<16xi32>
        %mul3A_680 = arith.muli %get3A_665, %mul3A_679 : vector<16xi32>
        %add3A_681 = arith.constant 1 : i32
        %add3A_682 = vector.broadcast %add3A_681 : i32 to vector<16xi32>
        %add3A_683 = arith.addi %mul3A_680, %add3A_682 : vector<16xi32>
        %gather3A_684 = tpu.vector_load_idx %arg16[%add3A_683] : memref<40000xf32, #tpu.memory_space<vmem>>[vector<16xi32>], vector<16xf32>,
        %broadcast_in_dim3A_685 = arith.constant 1 : i32
        %broadcast_in_dim3A_686 = vector.broadcast %broadcast_in_dim3A_685 : i32 to vector<16xi32>
        tpu.vector_store_idx %arg15[%add3A_668, %broadcast_in_dim3A_686], %gather3A_684 : memref<64x16xf32, #tpu.memory_space<vmem>>[vector<16xi32>, vector<16xi32>], vector<16xf32>,
        %mul3A_687 = arith.constant 4 : i32
        %mul3A_688 = vector.broadcast %mul3A_687 : i32 to vector<16xi32>
        %mul3A_689 = arith.muli %get3A_665, %mul3A_688 : vector<16xi32>
        %add3A_690 = arith.constant 2 : i32
        %add3A_691 = vector.broadcast %add3A_690 : i32 to vector<16xi32>
        %add3A_692 = arith.addi %mul3A_689, %add3A_691 : vector<16xi32>
        %gather3A_693 = tpu.vector_load_idx %arg16[%add3A_692] : memref<40000xf32, #tpu.memory_space<vmem>>[vector<16xi32>], vector<16xf32>,
        %broadcast_in_dim3A_694 = arith.constant 2 : i32
        %broadcast_in_dim3A_695 = vector.broadcast %broadcast_in_dim3A_694 : i32 to vector<16xi32>
        tpu.vector_store_idx %arg15[%add3A_668, %broadcast_in_dim3A_695], %gather3A_693 : memref<64x16xf32, #tpu.memory_space<vmem>>[vector<16xi32>, vector<16xi32>], vector<16xf32>,
        %mul3A_696 = arith.constant 4 : i32
        %mul3A_697 = vector.broadcast %mul3A_696 : i32 to vector<16xi32>
        %mul3A_698 = arith.muli %get3A_665, %mul3A_697 : vector<16xi32>
        %add3A_699 = arith.constant 3 : i32
        %add3A_700 = vector.broadcast %add3A_699 : i32 to vector<16xi32>
        %add3A_701 = arith.addi %mul3A_698, %add3A_700 : vector<16xi32>
        %gather3A_702 = tpu.vector_load_idx %arg16[%add3A_701] : memref<40000xf32, #tpu.memory_space<vmem>>[vector<16xi32>], vector<16xf32>,
        %broadcast_in_dim3A_703 = arith.constant 3 : i32
        %broadcast_in_dim3A_704 = vector.broadcast %broadcast_in_dim3A_703 : i32 to vector<16xi32>
        tpu.vector_store_idx %arg15[%add3A_668, %broadcast_in_dim3A_704], %gather3A_702 : memref<64x16xf32, #tpu.memory_space<vmem>>[vector<16xi32>, vector<16xi32>], vector<16xf32>,
        %get3A_705 = arith.constant 48 : index
        %get3A_706 = tpu.vector_load %arg11[%get3A_705] {strides = array<i32>} : memref<64xi32, #tpu.memory_space<vmem>>, vector<16xi32>,
        %add3A_707 = arith.constant 48 : i32
        %add3A_708 = vector.broadcast %add3A_707 : i32 to vector<16xi32>
        %add3A_709 = arith.addi %iota3A, %add3A_708 : vector<16xi32>
        %mul3A_710 = arith.constant 4 : i32
        %mul3A_711 = vector.broadcast %mul3A_710 : i32 to vector<16xi32>
        %mul3A_712 = arith.muli %get3A_706, %mul3A_711 : vector<16xi32>
        %add3A_713 = arith.constant 0 : i32
        %add3A_714 = vector.broadcast %add3A_713 : i32 to vector<16xi32>
        %add3A_715 = arith.addi %mul3A_712, %add3A_714 : vector<16xi32>
        %gather3A_716 = tpu.vector_load_idx %arg16[%add3A_715] : memref<40000xf32, #tpu.memory_space<vmem>>[vector<16xi32>], vector<16xf32>,
        %broadcast_in_dim3A_717 = arith.constant 0 : i32
        %broadcast_in_dim3A_718 = vector.broadcast %broadcast_in_dim3A_717 : i32 to vector<16xi32>
        tpu.vector_store_idx %arg15[%add3A_709, %broadcast_in_dim3A_718], %gather3A_716 : memref<64x16xf32, #tpu.memory_space<vmem>>[vector<16xi32>, vector<16xi32>], vector<16xf32>,
        %mul3A_719 = arith.constant 4 : i32
        %mul3A_720 = vector.broadcast %mul3A_719 : i32 to vector<16xi32>
        %mul3A_721 = arith.muli %get3A_706, %mul3A_720 : vector<16xi32>
        %add3A_722 = arith.constant 1 : i32
        %add3A_723 = vector.broadcast %add3A_722 : i32 to vector<16xi32>
        %add3A_724 = arith.addi %mul3A_721, %add3A_723 : vector<16xi32>
        %gather3A_725 = tpu.vector_load_idx %arg16[%add3A_724] : memref<40000xf32, #tpu.memory_space<vmem>>[vector<16xi32>], vector<16xf32>,
        %broadcast_in_dim3A_726 = arith.constant 1 : i32
        %broadcast_in_dim3A_727 = vector.broadcast %broadcast_in_dim3A_726 : i32 to vector<16xi32>
        tpu.vector_store_idx %arg15[%add3A_709, %broadcast_in_dim3A_727], %gather3A_725 : memref<64x16xf32, #tpu.memory_space<vmem>>[vector<16xi32>, vector<16xi32>], vector<16xf32>,
        %mul3A_728 = arith.constant 4 : i32
        %mul3A_729 = vector.broadcast %mul3A_728 : i32 to vector<16xi32>
        %mul3A_730 = arith.muli %get3A_706, %mul3A_729 : vector<16xi32>
        %add3A_731 = arith.constant 2 : i32
        %add3A_732 = vector.broadcast %add3A_731 : i32 to vector<16xi32>
        %add3A_733 = arith.addi %mul3A_730, %add3A_732 : vector<16xi32>
        %gather3A_734 = tpu.vector_load_idx %arg16[%add3A_733] : memref<40000xf32, #tpu.memory_space<vmem>>[vector<16xi32>], vector<16xf32>,
        %broadcast_in_dim3A_735 = arith.constant 2 : i32
        %broadcast_in_dim3A_736 = vector.broadcast %broadcast_in_dim3A_735 : i32 to vector<16xi32>
        tpu.vector_store_idx %arg15[%add3A_709, %broadcast_in_dim3A_736], %gather3A_734 : memref<64x16xf32, #tpu.memory_space<vmem>>[vector<16xi32>, vector<16xi32>], vector<16xf32>,
        %mul3A_737 = arith.constant 4 : i32
        %mul3A_738 = vector.broadcast %mul3A_737 : i32 to vector<16xi32>
        %mul3A_739 = arith.muli %get3A_706, %mul3A_738 : vector<16xi32>
        %add3A_740 = arith.constant 3 : i32
        %add3A_741 = vector.broadcast %add3A_740 : i32 to vector<16xi32>
        %add3A_742 = arith.addi %mul3A_739, %add3A_741 : vector<16xi32>
        %gather3A_743 = tpu.vector_load_idx %arg16[%add3A_742] : memref<40000xf32, #tpu.memory_space<vmem>>[vector<16xi32>], vector<16xf32>,
        %broadcast_in_dim3A_744 = arith.constant 3 : i32
        %broadcast_in_dim3A_745 = vector.broadcast %broadcast_in_dim3A_744 : i32 to vector<16xi32>
        tpu.vector_store_idx %arg15[%add3A_709, %broadcast_in_dim3A_745], %gather3A_743 : memref<64x16xf32, #tpu.memory_space<vmem>>[vector<16xi32>, vector<16xi32>], vector<16xf32>,
        %dma_wait3A_746 = arith.constant 0 : i32
        %dma_wait3A_747 = arith.constant 0 : i32
        %dma_wait3A_748 = tpu.memref_slice %arg2[%dma_wait3A_746, %dma_wait3A_747] : memref<10000x256xf32, #tpu.memory_space<hbm>> -> memref<10000x256xf32, #tpu.memory_space<hbm>>
        tpu.wait_indirect_dma semaphore(%arg17 : memref<!tpu.dma_semaphore, #tpu.memory_space<semaphore_mem>>) src(%dma_wait3A_748 : memref<10000x256xf32, #tpu.memory_space<hbm>>) dst(%arg13 : memref<64x256xf32, #tpu.memory_space<vmem>>)
        %mul3A_749 = arith.constant 32 : i32
        %mul3A_750 = arith.muli %add3A_558, %mul3A_749 : i32
        %add3A_751 = arith.addi %add3A, %mul3A_750 : i32
        %mul3A_752 = arith.constant 64 : i32
        %mul3A_753 = arith.muli %add3A_751, %mul3A_752 : i32
        %multiple_of3A_754 = tpu.assume_multiple %mul3A_753, 64 : i32
        %dma_start3A_755 = arith.constant 0 : i32
        %dma_start3A_756 = tpu.memref_slice %arg6[%multiple_of3A_754, %dma_start3A_755] : memref<80000x256xf32, #tpu.memory_space<hbm>> -> memref<64x256xf32, #tpu.memory_space<hbm>>
        %dma_start3A_757 = arith.constant 0 : i32
        %dma_start3A_758 = tpu.memref_slice %arg6[%multiple_of3A_754, %dma_start3A_757] : memref<80000x256xf32, #tpu.memory_space<hbm>> -> memref<64x256xf32, #tpu.memory_space<hbm>>
        tpu.enqueue_dma source(%arg13 : memref<64x256xf32, #tpu.memory_space<vmem>>) target(%dma_start3A_758 : memref<64x256xf32, #tpu.memory_space<hbm>>) target_semaphore(%arg21 : memref<!tpu.dma_semaphore, #tpu.memory_space<semaphore_mem>>)
        %dma_start3A_759 = arith.constant 0 : i32
        %dma_start3A_760 = tpu.memref_slice %arg7[%multiple_of3A_754, %dma_start3A_759] : memref<80000x16xf32, #tpu.memory_space<hbm>> -> memref<64x16xf32, #tpu.memory_space<hbm>>
        %dma_start3A_761 = arith.constant 0 : i32
        %dma_start3A_762 = tpu.memref_slice %arg7[%multiple_of3A_754, %dma_start3A_761] : memref<80000x16xf32, #tpu.memory_space<hbm>> -> memref<64x16xf32, #tpu.memory_space<hbm>>
        tpu.enqueue_dma source(%arg15 : memref<64x16xf32, #tpu.memory_space<vmem>>) target(%dma_start3A_762 : memref<64x16xf32, #tpu.memory_space<hbm>>) target_semaphore(%arg23 : memref<!tpu.dma_semaphore, #tpu.memory_space<semaphore_mem>>)
      } else {
      }
    }
    %scan3A_526 = arith.constant 20 : i32
    %dma_wait3A = arith.constant 0 : i32
    %dma_wait3A_527 = arith.constant 0 : i32
    %dma_wait3A_528 = tpu.memref_slice %arg6[%dma_wait3A, %dma_wait3A_527] : memref<80000x256xf32, #tpu.memory_space<hbm>> -> memref<64x256xf32, #tpu.memory_space<hbm>>
    %dma_wait3A_529 = arith.constant 0 : i32
    %dma_wait3A_530 = arith.constant 0 : i32
    %dma_wait3A_531 = tpu.memref_slice %arg6[%dma_wait3A_529, %dma_wait3A_530] : memref<80000x256xf32, #tpu.memory_space<hbm>> -> memref<64x256xf32, #tpu.memory_space<hbm>>
    tpu.wait_dma2 semaphore(%arg20 : memref<!tpu.dma_semaphore, #tpu.memory_space<semaphore_mem>>) src(%arg12 : memref<64x256xf32, #tpu.memory_space<vmem>>) dst(%dma_wait3A_531 : memref<64x256xf32, #tpu.memory_space<hbm>>)
    %dma_wait3A_532 = arith.constant 0 : i32
    %dma_wait3A_533 = arith.constant 0 : i32
    %dma_wait3A_534 = tpu.memref_slice %arg7[%dma_wait3A_532, %dma_wait3A_533] : memref<80000x16xf32, #tpu.memory_space<hbm>> -> memref<64x16xf32, #tpu.memory_space<hbm>>
    %dma_wait3A_535 = arith.constant 0 : i32
    %dma_wait3A_536 = arith.constant 0 : i32
    %dma_wait3A_537 = tpu.memref_slice %arg7[%dma_wait3A_535, %dma_wait3A_536] : memref<80000x16xf32, #tpu.memory_space<hbm>> -> memref<64x16xf32, #tpu.memory_space<hbm>>
    tpu.wait_dma2 semaphore(%arg22 : memref<!tpu.dma_semaphore, #tpu.memory_space<semaphore_mem>>) src(%arg14 : memref<64x16xf32, #tpu.memory_space<vmem>>) dst(%dma_wait3A_537 : memref<64x16xf32, #tpu.memory_space<hbm>>)
    %dma_wait3A_538 = arith.constant 0 : i32
    %dma_wait3A_539 = arith.constant 0 : i32
    %dma_wait3A_540 = tpu.memref_slice %arg6[%dma_wait3A_538, %dma_wait3A_539] : memref<80000x256xf32, #tpu.memory_space<hbm>> -> memref<64x256xf32, #tpu.memory_space<hbm>>
    %dma_wait3A_541 = arith.constant 0 : i32
    %dma_wait3A_542 = arith.constant 0 : i32
    %dma_wait3A_543 = tpu.memref_slice %arg6[%dma_wait3A_541, %dma_wait3A_542] : memref<80000x256xf32, #tpu.memory_space<hbm>> -> memref<64x256xf32, #tpu.memory_space<hbm>>
    tpu.wait_dma2 semaphore(%arg21 : memref<!tpu.dma_semaphore, #tpu.memory_space<semaphore_mem>>) src(%arg13 : memref<64x256xf32, #tpu.memory_space<vmem>>) dst(%dma_wait3A_543 : memref<64x256xf32, #tpu.memory_space<hbm>>)
    %dma_wait3A_544 = arith.constant 0 : i32
    %dma_wait3A_545 = arith.constant 0 : i32
    %dma_wait3A_546 = tpu.memref_slice %arg7[%dma_wait3A_544, %dma_wait3A_545] : memref<80000x16xf32, #tpu.memory_space<hbm>> -> memref<64x16xf32, #tpu.memory_space<hbm>>
    %dma_wait3A_547 = arith.constant 0 : i32
    %dma_wait3A_548 = arith.constant 0 : i32
    %dma_wait3A_549 = tpu.memref_slice %arg7[%dma_wait3A_547, %dma_wait3A_548] : memref<80000x16xf32, #tpu.memory_space<hbm>> -> memref<64x16xf32, #tpu.memory_space<hbm>>
    tpu.wait_dma2 semaphore(%arg23 : memref<!tpu.dma_semaphore, #tpu.memory_space<semaphore_mem>>) src(%arg15 : memref<64x16xf32, #tpu.memory_space<vmem>>) dst(%dma_wait3A_549 : memref<64x16xf32, #tpu.memory_space<hbm>>)
    return
  }
}

#map = affine_map<(d0, d1) -> (0, 0)>
#map1 = affine_map<(d0, d1) -> (0)>
module attributes {stable_mosaic.version = 14 : i64} {
  func.func @_sc_gather_body(%arg0: i32, %arg1: i32, %arg2: memref<10000x256xf32, #tpu.memory_space<hbm>>, %arg3: memref<40000xf32, #tpu.memory_space<hbm>>, %arg4: memref<80000xi32, #tpu.memory_space<hbm>>, %arg5: memref<80000xi32, #tpu.memory_space<hbm>>, %arg6: memref<80000x256xf32, #tpu.memory_space<hbm>>, %arg7: memref<80000x16xf32, #tpu.memory_space<hbm>>, %arg8: memref<64xi32, #tpu.memory_space<vmem>>, %arg9: memref<64xi32, #tpu.memory_space<vmem>>, %arg10: memref<64xi32, #tpu.memory_space<vmem>>, %arg11: memref<64xi32, #tpu.memory_space<vmem>>, %arg12: memref<64x256xf32, #tpu.memory_space<vmem>>, %arg13: memref<64x256xf32, #tpu.memory_space<vmem>>, %arg14: memref<64x16xf32, #tpu.memory_space<vmem>>, %arg15: memref<64x16xf32, #tpu.memory_space<vmem>>, %arg16: memref<40000xf32, #tpu.memory_space<vmem>>, %arg17: memref<!tpu.dma_semaphore, #tpu.memory_space<semaphore_mem>>, %arg18: memref<!tpu.dma_semaphore, #tpu.memory_space<semaphore_mem>>, %arg19: memref<!tpu.dma_semaphore, #tpu.memory_space<semaphore_mem>>, %arg20: memref<!tpu.dma_semaphore, #tpu.memory_space<semaphore_mem>>, %arg21: memref<!tpu.dma_semaphore, #tpu.memory_space<semaphore_mem>>, %arg22: memref<!tpu.dma_semaphore, #tpu.memory_space<semaphore_mem>>, %arg23: memref<!tpu.dma_semaphore, #tpu.memory_space<semaphore_mem>>) attributes {dimension_semantics = [#tpu.dimension_semantics<core_parallel>, #tpu.dimension_semantics<subcore_parallel>], iteration_bounds = array<i64: 2, 16>, scalar_prefetch = 0 : i64, scratch_operands = 16 : i64, tpu.core_type = #tpu.core_type<sc_vector_subcore>, window_params = [{transform_indices = #map}, {transform_indices = #map1}, {transform_indices = #map1}, {transform_indices = #map1}, {transform_indices = #map}, {transform_indices = #map}]} {
    %mul3A = arith.constant 2 : i32
    %mul3A_0 = arith.muli %arg1, %mul3A : i32
    %add3A = arith.addi %mul3A_0, %arg0 : i32
    %lt3A = arith.constant 2 : i32
    %lt3A_1 = arith.cmpi slt, %add3A, %lt3A : i32
    %jit3A = arith.constant 40 : i32
    %jit3A_2 = arith.constant 39 : i32
    %select_n3A = arith.select %lt3A_1, %jit3A, %jit3A_2 : i32
    "tpu.region"() ({
      %run_scoped3A = tpu.sem_alloc : memref<!tpu.dma_semaphore, #tpu.memory_space<semaphore_mem>>
      tpu.enqueue_dma source(%arg3 : memref<40000xf32, #tpu.memory_space<hbm>>) target(%arg16 : memref<40000xf32, #tpu.memory_space<vmem>>) target_semaphore(%run_scoped3A : memref<!tpu.dma_semaphore, #tpu.memory_space<semaphore_mem>>)
      tpu.wait_dma2 semaphore(%run_scoped3A : memref<!tpu.dma_semaphore, #tpu.memory_space<semaphore_mem>>) src(%arg3 : memref<40000xf32, #tpu.memory_space<hbm>>) dst(%arg16 : memref<40000xf32, #tpu.memory_space<vmem>>)
      tpu.yield
    }) : () -> ()
    %broadcast_in_dim3A = arith.constant 0.000000e+00 : f32
    %broadcast_in_dim3A_3 = vector.broadcast %broadcast_in_dim3A : f32 to vector<16xf32>
    %swap3A = arith.constant 0 : i32
    %swap3A_4 = arith.index_cast %swap3A : i32 to index
    %swap3A_5 = arith.constant 0 : index
    %swap3A_6 = tpu.vector_load %arg14[%swap3A_4, %swap3A_5] {strides = array<i32>} : memref<64x16xf32, #tpu.memory_space<vmem>>, vector<16xf32>,
    tpu.vector_store %arg14[%swap3A_4, %swap3A_5], %broadcast_in_dim3A_3 {strides = array<i32>} : memref<64x16xf32, #tpu.memory_space<vmem>>, vector<16xf32>,
    %swap3A_7 = arith.constant 1 : i32
    %swap3A_8 = arith.index_cast %swap3A_7 : i32 to index
    %swap3A_9 = arith.constant 0 : index
    %swap3A_10 = tpu.vector_load %arg14[%swap3A_8, %swap3A_9] {strides = array<i32>} : memref<64x16xf32, #tpu.memory_space<vmem>>, vector<16xf32>,
    tpu.vector_store %arg14[%swap3A_8, %swap3A_9], %broadcast_in_dim3A_3 {strides = array<i32>} : memref<64x16xf32, #tpu.memory_space<vmem>>, vector<16xf32>,
    %swap3A_11 = arith.constant 2 : i32
    %swap3A_12 = arith.index_cast %swap3A_11 : i32 to index
    %swap3A_13 = arith.constant 0 : index
    %swap3A_14 = tpu.vector_load %arg14[%swap3A_12, %swap3A_13] {strides = array<i32>} : memref<64x16xf32, #tpu.memory_space<vmem>>, vector<16xf32>,
    tpu.vector_store %arg14[%swap3A_12, %swap3A_13], %broadcast_in_dim3A_3 {strides = array<i32>} : memref<64x16xf32, #tpu.memory_space<vmem>>, vector<16xf32>,
    %swap3A_15 = arith.constant 3 : i32
    %swap3A_16 = arith.index_cast %swap3A_15 : i32 to index
    %swap3A_17 = arith.constant 0 : index
    %swap3A_18 = tpu.vector_load %arg14[%swap3A_16, %swap3A_17] {strides = array<i32>} : memref<64x16xf32, #tpu.memory_space<vmem>>, vector<16xf32>,
    tpu.vector_store %arg14[%swap3A_16, %swap3A_17], %broadcast_in_dim3A_3 {strides = array<i32>} : memref<64x16xf32, #tpu.memory_space<vmem>>, vector<16xf32>,
    %swap3A_19 = arith.constant 4 : i32
    %swap3A_20 = arith.index_cast %swap3A_19 : i32 to index
    %swap3A_21 = arith.constant 0 : index
    %swap3A_22 = tpu.vector_load %arg14[%swap3A_20, %swap3A_21] {strides = array<i32>} : memref<64x16xf32, #tpu.memory_space<vmem>>, vector<16xf32>,
    tpu.vector_store %arg14[%swap3A_20, %swap3A_21], %broadcast_in_dim3A_3 {strides = array<i32>} : memref<64x16xf32, #tpu.memory_space<vmem>>, vector<16xf32>,
    %swap3A_23 = arith.constant 5 : i32
    %swap3A_24 = arith.index_cast %swap3A_23 : i32 to index
    %swap3A_25 = arith.constant 0 : index
    %swap3A_26 = tpu.vector_load %arg14[%swap3A_24, %swap3A_25] {strides = array<i32>} : memref<64x16xf32, #tpu.memory_space<vmem>>, vector<16xf32>,
    tpu.vector_store %arg14[%swap3A_24, %swap3A_25], %broadcast_in_dim3A_3 {strides = array<i32>} : memref<64x16xf32, #tpu.memory_space<vmem>>, vector<16xf32>,
    %swap3A_27 = arith.constant 6 : i32
    %swap3A_28 = arith.index_cast %swap3A_27 : i32 to index
    %swap3A_29 = arith.constant 0 : index
    %swap3A_30 = tpu.vector_load %arg14[%swap3A_28, %swap3A_29] {strides = array<i32>} : memref<64x16xf32, #tpu.memory_space<vmem>>, vector<16xf32>,
    tpu.vector_store %arg14[%swap3A_28, %swap3A_29], %broadcast_in_dim3A_3 {strides = array<i32>} : memref<64x16xf32, #tpu.memory_space<vmem>>, vector<16xf32>,
    %swap3A_31 = arith.constant 7 : i32
    %swap3A_32 = arith.index_cast %swap3A_31 : i32 to index
    %swap3A_33 = arith.constant 0 : index
    %swap3A_34 = tpu.vector_load %arg14[%swap3A_32, %swap3A_33] {strides = array<i32>} : memref<64x16xf32, #tpu.memory_space<vmem>>, vector<16xf32>,
    tpu.vector_store %arg14[%swap3A_32, %swap3A_33], %broadcast_in_dim3A_3 {strides = array<i32>} : memref<64x16xf32, #tpu.memory_space<vmem>>, vector<16xf32>,
    %swap3A_35 = arith.constant 8 : i32
    %swap3A_36 = arith.index_cast %swap3A_35 : i32 to index
    %swap3A_37 = arith.constant 0 : index
    %swap3A_38 = tpu.vector_load %arg14[%swap3A_36, %swap3A_37] {strides = array<i32>} : memref<64x16xf32, #tpu.memory_space<vmem>>, vector<16xf32>,
    tpu.vector_store %arg14[%swap3A_36, %swap3A_37], %broadcast_in_dim3A_3 {strides = array<i32>} : memref<64x16xf32, #tpu.memory_space<vmem>>, vector<16xf32>,
    %swap3A_39 = arith.constant 9 : i32
    %swap3A_40 = arith.index_cast %swap3A_39 : i32 to index
    %swap3A_41 = arith.constant 0 : index
    %swap3A_42 = tpu.vector_load %arg14[%swap3A_40, %swap3A_41] {strides = array<i32>} : memref<64x16xf32, #tpu.memory_space<vmem>>, vector<16xf32>,
    tpu.vector_store %arg14[%swap3A_40, %swap3A_41], %broadcast_in_dim3A_3 {strides = array<i32>} : memref<64x16xf32, #tpu.memory_space<vmem>>, vector<16xf32>,
    %swap3A_43 = arith.constant 10 : i32
    %swap3A_44 = arith.index_cast %swap3A_43 : i32 to index
    %swap3A_45 = arith.constant 0 : index
    %swap3A_46 = tpu.vector_load %arg14[%swap3A_44, %swap3A_45] {strides = array<i32>} : memref<64x16xf32, #tpu.memory_space<vmem>>, vector<16xf32>,
    tpu.vector_store %arg14[%swap3A_44, %swap3A_45], %broadcast_in_dim3A_3 {strides = array<i32>} : memref<64x16xf32, #tpu.memory_space<vmem>>, vector<16xf32>,
    %swap3A_47 = arith.constant 11 : i32
    %swap3A_48 = arith.index_cast %swap3A_47 : i32 to index
    %swap3A_49 = arith.constant 0 : index
    %swap3A_50 = tpu.vector_load %arg14[%swap3A_48, %swap3A_49] {strides = array<i32>} : memref<64x16xf32, #tpu.memory_space<vmem>>, vector<16xf32>,
    tpu.vector_store %arg14[%swap3A_48, %swap3A_49], %broadcast_in_dim3A_3 {strides = array<i32>} : memref<64x16xf32, #tpu.memory_space<vmem>>, vector<16xf32>,
    %swap3A_51 = arith.constant 12 : i32
    %swap3A_52 = arith.index_cast %swap3A_51 : i32 to index
    %swap3A_53 = arith.constant 0 : index
    %swap3A_54 = tpu.vector_load %arg14[%swap3A_52, %swap3A_53] {strides = array<i32>} : memref<64x16xf32, #tpu.memory_space<vmem>>, vector<16xf32>,
    tpu.vector_store %arg14[%swap3A_52, %swap3A_53], %broadcast_in_dim3A_3 {strides = array<i32>} : memref<64x16xf32, #tpu.memory_space<vmem>>, vector<16xf32>,
    %swap3A_55 = arith.constant 13 : i32
    %swap3A_56 = arith.index_cast %swap3A_55 : i32 to index
    %swap3A_57 = arith.constant 0 : index
    %swap3A_58 = tpu.vector_load %arg14[%swap3A_56, %swap3A_57] {strides = array<i32>} : memref<64x16xf32, #tpu.memory_space<vmem>>, vector<16xf32>,
    tpu.vector_store %arg14[%swap3A_56, %swap3A_57], %broadcast_in_dim3A_3 {strides = array<i32>} : memref<64x16xf32, #tpu.memory_space<vmem>>, vector<16xf32>,
    %swap3A_59 = arith.constant 14 : i32
    %swap3A_60 = arith.index_cast %swap3A_59 : i32 to index
    %swap3A_61 = arith.constant 0 : index
    %swap3A_62 = tpu.vector_load %arg14[%swap3A_60, %swap3A_61] {strides = array<i32>} : memref<64x16xf32, #tpu.memory_space<vmem>>, vector<16xf32>,
    tpu.vector_store %arg14[%swap3A_60, %swap3A_61], %broadcast_in_dim3A_3 {strides = array<i32>} : memref<64x16xf32, #tpu.memory_space<vmem>>, vector<16xf32>,
    %swap3A_63 = arith.constant 15 : i32
    %swap3A_64 = arith.index_cast %swap3A_63 : i32 to index
    %swap3A_65 = arith.constant 0 : index
    %swap3A_66 = tpu.vector_load %arg14[%swap3A_64, %swap3A_65] {strides = array<i32>} : memref<64x16xf32, #tpu.memory_space<vmem>>, vector<16xf32>,
    tpu.vector_store %arg14[%swap3A_64, %swap3A_65], %broadcast_in_dim3A_3 {strides = array<i32>} : memref<64x16xf32, #tpu.memory_space<vmem>>, vector<16xf32>,
    %swap3A_67 = arith.constant 16 : i32
    %swap3A_68 = arith.index_cast %swap3A_67 : i32 to index
    %swap3A_69 = arith.constant 0 : index
    %swap3A_70 = tpu.vector_load %arg14[%swap3A_68, %swap3A_69] {strides = array<i32>} : memref<64x16xf32, #tpu.memory_space<vmem>>, vector<16xf32>,
    tpu.vector_store %arg14[%swap3A_68, %swap3A_69], %broadcast_in_dim3A_3 {strides = array<i32>} : memref<64x16xf32, #tpu.memory_space<vmem>>, vector<16xf32>,
    %swap3A_71 = arith.constant 17 : i32
    %swap3A_72 = arith.index_cast %swap3A_71 : i32 to index
    %swap3A_73 = arith.constant 0 : index
    %swap3A_74 = tpu.vector_load %arg14[%swap3A_72, %swap3A_73] {strides = array<i32>} : memref<64x16xf32, #tpu.memory_space<vmem>>, vector<16xf32>,
    tpu.vector_store %arg14[%swap3A_72, %swap3A_73], %broadcast_in_dim3A_3 {strides = array<i32>} : memref<64x16xf32, #tpu.memory_space<vmem>>, vector<16xf32>,
    %swap3A_75 = arith.constant 18 : i32
    %swap3A_76 = arith.index_cast %swap3A_75 : i32 to index
    %swap3A_77 = arith.constant 0 : index
    %swap3A_78 = tpu.vector_load %arg14[%swap3A_76, %swap3A_77] {strides = array<i32>} : memref<64x16xf32, #tpu.memory_space<vmem>>, vector<16xf32>,
    tpu.vector_store %arg14[%swap3A_76, %swap3A_77], %broadcast_in_dim3A_3 {strides = array<i32>} : memref<64x16xf32, #tpu.memory_space<vmem>>, vector<16xf32>,
    %swap3A_79 = arith.constant 19 : i32
    %swap3A_80 = arith.index_cast %swap3A_79 : i32 to index
    %swap3A_81 = arith.constant 0 : index
    %swap3A_82 = tpu.vector_load %arg14[%swap3A_80, %swap3A_81] {strides = array<i32>} : memref<64x16xf32, #tpu.memory_space<vmem>>, vector<16xf32>,
    tpu.vector_store %arg14[%swap3A_80, %swap3A_81], %broadcast_in_dim3A_3 {strides = array<i32>} : memref<64x16xf32, #tpu.memory_space<vmem>>, vector<16xf32>,
    %swap3A_83 = arith.constant 20 : i32
    %swap3A_84 = arith.index_cast %swap3A_83 : i32 to index
    %swap3A_85 = arith.constant 0 : index
    %swap3A_86 = tpu.vector_load %arg14[%swap3A_84, %swap3A_85] {strides = array<i32>} : memref<64x16xf32, #tpu.memory_space<vmem>>, vector<16xf32>,
    tpu.vector_store %arg14[%swap3A_84, %swap3A_85], %broadcast_in_dim3A_3 {strides = array<i32>} : memref<64x16xf32, #tpu.memory_space<vmem>>, vector<16xf32>,
    %swap3A_87 = arith.constant 21 : i32
    %swap3A_88 = arith.index_cast %swap3A_87 : i32 to index
    %swap3A_89 = arith.constant 0 : index
    %swap3A_90 = tpu.vector_load %arg14[%swap3A_88, %swap3A_89] {strides = array<i32>} : memref<64x16xf32, #tpu.memory_space<vmem>>, vector<16xf32>,
    tpu.vector_store %arg14[%swap3A_88, %swap3A_89], %broadcast_in_dim3A_3 {strides = array<i32>} : memref<64x16xf32, #tpu.memory_space<vmem>>, vector<16xf32>,
    %swap3A_91 = arith.constant 22 : i32
    %swap3A_92 = arith.index_cast %swap3A_91 : i32 to index
    %swap3A_93 = arith.constant 0 : index
    %swap3A_94 = tpu.vector_load %arg14[%swap3A_92, %swap3A_93] {strides = array<i32>} : memref<64x16xf32, #tpu.memory_space<vmem>>, vector<16xf32>,
    tpu.vector_store %arg14[%swap3A_92, %swap3A_93], %broadcast_in_dim3A_3 {strides = array<i32>} : memref<64x16xf32, #tpu.memory_space<vmem>>, vector<16xf32>,
    %swap3A_95 = arith.constant 23 : i32
    %swap3A_96 = arith.index_cast %swap3A_95 : i32 to index
    %swap3A_97 = arith.constant 0 : index
    %swap3A_98 = tpu.vector_load %arg14[%swap3A_96, %swap3A_97] {strides = array<i32>} : memref<64x16xf32, #tpu.memory_space<vmem>>, vector<16xf32>,
    tpu.vector_store %arg14[%swap3A_96, %swap3A_97], %broadcast_in_dim3A_3 {strides = array<i32>} : memref<64x16xf32, #tpu.memory_space<vmem>>, vector<16xf32>,
    %swap3A_99 = arith.constant 24 : i32
    %swap3A_100 = arith.index_cast %swap3A_99 : i32 to index
    %swap3A_101 = arith.constant 0 : index
    %swap3A_102 = tpu.vector_load %arg14[%swap3A_100, %swap3A_101] {strides = array<i32>} : memref<64x16xf32, #tpu.memory_space<vmem>>, vector<16xf32>,
    tpu.vector_store %arg14[%swap3A_100, %swap3A_101], %broadcast_in_dim3A_3 {strides = array<i32>} : memref<64x16xf32, #tpu.memory_space<vmem>>, vector<16xf32>,
    %swap3A_103 = arith.constant 25 : i32
    %swap3A_104 = arith.index_cast %swap3A_103 : i32 to index
    %swap3A_105 = arith.constant 0 : index
    %swap3A_106 = tpu.vector_load %arg14[%swap3A_104, %swap3A_105] {strides = array<i32>} : memref<64x16xf32, #tpu.memory_space<vmem>>, vector<16xf32>,
    tpu.vector_store %arg14[%swap3A_104, %swap3A_105], %broadcast_in_dim3A_3 {strides = array<i32>} : memref<64x16xf32, #tpu.memory_space<vmem>>, vector<16xf32>,
    %swap3A_107 = arith.constant 26 : i32
    %swap3A_108 = arith.index_cast %swap3A_107 : i32 to index
    %swap3A_109 = arith.constant 0 : index
    %swap3A_110 = tpu.vector_load %arg14[%swap3A_108, %swap3A_109] {strides = array<i32>} : memref<64x16xf32, #tpu.memory_space<vmem>>, vector<16xf32>,
    tpu.vector_store %arg14[%swap3A_108, %swap3A_109], %broadcast_in_dim3A_3 {strides = array<i32>} : memref<64x16xf32, #tpu.memory_space<vmem>>, vector<16xf32>,
    %swap3A_111 = arith.constant 27 : i32
    %swap3A_112 = arith.index_cast %swap3A_111 : i32 to index
    %swap3A_113 = arith.constant 0 : index
    %swap3A_114 = tpu.vector_load %arg14[%swap3A_112, %swap3A_113] {strides = array<i32>} : memref<64x16xf32, #tpu.memory_space<vmem>>, vector<16xf32>,
    tpu.vector_store %arg14[%swap3A_112, %swap3A_113], %broadcast_in_dim3A_3 {strides = array<i32>} : memref<64x16xf32, #tpu.memory_space<vmem>>, vector<16xf32>,
    %swap3A_115 = arith.constant 28 : i32
    %swap3A_116 = arith.index_cast %swap3A_115 : i32 to index
    %swap3A_117 = arith.constant 0 : index
    %swap3A_118 = tpu.vector_load %arg14[%swap3A_116, %swap3A_117] {strides = array<i32>} : memref<64x16xf32, #tpu.memory_space<vmem>>, vector<16xf32>,
    tpu.vector_store %arg14[%swap3A_116, %swap3A_117], %broadcast_in_dim3A_3 {strides = array<i32>} : memref<64x16xf32, #tpu.memory_space<vmem>>, vector<16xf32>,
    %swap3A_119 = arith.constant 29 : i32
    %swap3A_120 = arith.index_cast %swap3A_119 : i32 to index
    %swap3A_121 = arith.constant 0 : index
    %swap3A_122 = tpu.vector_load %arg14[%swap3A_120, %swap3A_121] {strides = array<i32>} : memref<64x16xf32, #tpu.memory_space<vmem>>, vector<16xf32>,
    tpu.vector_store %arg14[%swap3A_120, %swap3A_121], %broadcast_in_dim3A_3 {strides = array<i32>} : memref<64x16xf32, #tpu.memory_space<vmem>>, vector<16xf32>,
    %swap3A_123 = arith.constant 30 : i32
    %swap3A_124 = arith.index_cast %swap3A_123 : i32 to index
    %swap3A_125 = arith.constant 0 : index
    %swap3A_126 = tpu.vector_load %arg14[%swap3A_124, %swap3A_125] {strides = array<i32>} : memref<64x16xf32, #tpu.memory_space<vmem>>, vector<16xf32>,
    tpu.vector_store %arg14[%swap3A_124, %swap3A_125], %broadcast_in_dim3A_3 {strides = array<i32>} : memref<64x16xf32, #tpu.memory_space<vmem>>, vector<16xf32>,
    %swap3A_127 = arith.constant 31 : i32
    %swap3A_128 = arith.index_cast %swap3A_127 : i32 to index
    %swap3A_129 = arith.constant 0 : index
    %swap3A_130 = tpu.vector_load %arg14[%swap3A_128, %swap3A_129] {strides = array<i32>} : memref<64x16xf32, #tpu.memory_space<vmem>>, vector<16xf32>,
    tpu.vector_store %arg14[%swap3A_128, %swap3A_129], %broadcast_in_dim3A_3 {strides = array<i32>} : memref<64x16xf32, #tpu.memory_space<vmem>>, vector<16xf32>,
    %swap3A_131 = arith.constant 32 : i32
    %swap3A_132 = arith.index_cast %swap3A_131 : i32 to index
    %swap3A_133 = arith.constant 0 : index
    %swap3A_134 = tpu.vector_load %arg14[%swap3A_132, %swap3A_133] {strides = array<i32>} : memref<64x16xf32, #tpu.memory_space<vmem>>, vector<16xf32>,
    tpu.vector_store %arg14[%swap3A_132, %swap3A_133], %broadcast_in_dim3A_3 {strides = array<i32>} : memref<64x16xf32, #tpu.memory_space<vmem>>, vector<16xf32>,
    %swap3A_135 = arith.constant 33 : i32
    %swap3A_136 = arith.index_cast %swap3A_135 : i32 to index
    %swap3A_137 = arith.constant 0 : index
    %swap3A_138 = tpu.vector_load %arg14[%swap3A_136, %swap3A_137] {strides = array<i32>} : memref<64x16xf32, #tpu.memory_space<vmem>>, vector<16xf32>,
    tpu.vector_store %arg14[%swap3A_136, %swap3A_137], %broadcast_in_dim3A_3 {strides = array<i32>} : memref<64x16xf32, #tpu.memory_space<vmem>>, vector<16xf32>,
    %swap3A_139 = arith.constant 34 : i32
    %swap3A_140 = arith.index_cast %swap3A_139 : i32 to index
    %swap3A_141 = arith.constant 0 : index
    %swap3A_142 = tpu.vector_load %arg14[%swap3A_140, %swap3A_141] {strides = array<i32>} : memref<64x16xf32, #tpu.memory_space<vmem>>, vector<16xf32>,
    tpu.vector_store %arg14[%swap3A_140, %swap3A_141], %broadcast_in_dim3A_3 {strides = array<i32>} : memref<64x16xf32, #tpu.memory_space<vmem>>, vector<16xf32>,
    %swap3A_143 = arith.constant 35 : i32
    %swap3A_144 = arith.index_cast %swap3A_143 : i32 to index
    %swap3A_145 = arith.constant 0 : index
    %swap3A_146 = tpu.vector_load %arg14[%swap3A_144, %swap3A_145] {strides = array<i32>} : memref<64x16xf32, #tpu.memory_space<vmem>>, vector<16xf32>,
    tpu.vector_store %arg14[%swap3A_144, %swap3A_145], %broadcast_in_dim3A_3 {strides = array<i32>} : memref<64x16xf32, #tpu.memory_space<vmem>>, vector<16xf32>,
    %swap3A_147 = arith.constant 36 : i32
    %swap3A_148 = arith.index_cast %swap3A_147 : i32 to index
    %swap3A_149 = arith.constant 0 : index
    %swap3A_150 = tpu.vector_load %arg14[%swap3A_148, %swap3A_149] {strides = array<i32>} : memref<64x16xf32, #tpu.memory_space<vmem>>, vector<16xf32>,
    tpu.vector_store %arg14[%swap3A_148, %swap3A_149], %broadcast_in_dim3A_3 {strides = array<i32>} : memref<64x16xf32, #tpu.memory_space<vmem>>, vector<16xf32>,
    %swap3A_151 = arith.constant 37 : i32
    %swap3A_152 = arith.index_cast %swap3A_151 : i32 to index
    %swap3A_153 = arith.constant 0 : index
    %swap3A_154 = tpu.vector_load %arg14[%swap3A_152, %swap3A_153] {strides = array<i32>} : memref<64x16xf32, #tpu.memory_space<vmem>>, vector<16xf32>,
    tpu.vector_store %arg14[%swap3A_152, %swap3A_153], %broadcast_in_dim3A_3 {strides = array<i32>} : memref<64x16xf32, #tpu.memory_space<vmem>>, vector<16xf32>,
    %swap3A_155 = arith.constant 38 : i32
    %swap3A_156 = arith.index_cast %swap3A_155 : i32 to index
    %swap3A_157 = arith.constant 0 : index
    %swap3A_158 = tpu.vector_load %arg14[%swap3A_156, %swap3A_157] {strides = array<i32>} : memref<64x16xf32, #tpu.memory_space<vmem>>, vector<16xf32>,
    tpu.vector_store %arg14[%swap3A_156, %swap3A_157], %broadcast_in_dim3A_3 {strides = array<i32>} : memref<64x16xf32, #tpu.memory_space<vmem>>, vector<16xf32>,
    %swap3A_159 = arith.constant 39 : i32
    %swap3A_160 = arith.index_cast %swap3A_159 : i32 to index
    %swap3A_161 = arith.constant 0 : index
    %swap3A_162 = tpu.vector_load %arg14[%swap3A_160, %swap3A_161] {strides = array<i32>} : memref<64x16xf32, #tpu.memory_space<vmem>>, vector<16xf32>,
    tpu.vector_store %arg14[%swap3A_160, %swap3A_161], %broadcast_in_dim3A_3 {strides = array<i32>} : memref<64x16xf32, #tpu.memory_space<vmem>>, vector<16xf32>,
    %swap3A_163 = arith.constant 40 : i32
    %swap3A_164 = arith.index_cast %swap3A_163 : i32 to index
    %swap3A_165 = arith.constant 0 : index
    %swap3A_166 = tpu.vector_load %arg14[%swap3A_164, %swap3A_165] {strides = array<i32>} : memref<64x16xf32, #tpu.memory_space<vmem>>, vector<16xf32>,
    tpu.vector_store %arg14[%swap3A_164, %swap3A_165], %broadcast_in_dim3A_3 {strides = array<i32>} : memref<64x16xf32, #tpu.memory_space<vmem>>, vector<16xf32>,
    %swap3A_167 = arith.constant 41 : i32
    %swap3A_168 = arith.index_cast %swap3A_167 : i32 to index
    %swap3A_169 = arith.constant 0 : index
    %swap3A_170 = tpu.vector_load %arg14[%swap3A_168, %swap3A_169] {strides = array<i32>} : memref<64x16xf32, #tpu.memory_space<vmem>>, vector<16xf32>,
    tpu.vector_store %arg14[%swap3A_168, %swap3A_169], %broadcast_in_dim3A_3 {strides = array<i32>} : memref<64x16xf32, #tpu.memory_space<vmem>>, vector<16xf32>,
    %swap3A_171 = arith.constant 42 : i32
    %swap3A_172 = arith.index_cast %swap3A_171 : i32 to index
    %swap3A_173 = arith.constant 0 : index
    %swap3A_174 = tpu.vector_load %arg14[%swap3A_172, %swap3A_173] {strides = array<i32>} : memref<64x16xf32, #tpu.memory_space<vmem>>, vector<16xf32>,
    tpu.vector_store %arg14[%swap3A_172, %swap3A_173], %broadcast_in_dim3A_3 {strides = array<i32>} : memref<64x16xf32, #tpu.memory_space<vmem>>, vector<16xf32>,
    %swap3A_175 = arith.constant 43 : i32
    %swap3A_176 = arith.index_cast %swap3A_175 : i32 to index
    %swap3A_177 = arith.constant 0 : index
    %swap3A_178 = tpu.vector_load %arg14[%swap3A_176, %swap3A_177] {strides = array<i32>} : memref<64x16xf32, #tpu.memory_space<vmem>>, vector<16xf32>,
    tpu.vector_store %arg14[%swap3A_176, %swap3A_177], %broadcast_in_dim3A_3 {strides = array<i32>} : memref<64x16xf32, #tpu.memory_space<vmem>>, vector<16xf32>,
    %swap3A_179 = arith.constant 44 : i32
    %swap3A_180 = arith.index_cast %swap3A_179 : i32 to index
    %swap3A_181 = arith.constant 0 : index
    %swap3A_182 = tpu.vector_load %arg14[%swap3A_180, %swap3A_181] {strides = array<i32>} : memref<64x16xf32, #tpu.memory_space<vmem>>, vector<16xf32>,
    tpu.vector_store %arg14[%swap3A_180, %swap3A_181], %broadcast_in_dim3A_3 {strides = array<i32>} : memref<64x16xf32, #tpu.memory_space<vmem>>, vector<16xf32>,
    %swap3A_183 = arith.constant 45 : i32
    %swap3A_184 = arith.index_cast %swap3A_183 : i32 to index
    %swap3A_185 = arith.constant 0 : index
    %swap3A_186 = tpu.vector_load %arg14[%swap3A_184, %swap3A_185] {strides = array<i32>} : memref<64x16xf32, #tpu.memory_space<vmem>>, vector<16xf32>,
    tpu.vector_store %arg14[%swap3A_184, %swap3A_185], %broadcast_in_dim3A_3 {strides = array<i32>} : memref<64x16xf32, #tpu.memory_space<vmem>>, vector<16xf32>,
    %swap3A_187 = arith.constant 46 : i32
    %swap3A_188 = arith.index_cast %swap3A_187 : i32 to index
    %swap3A_189 = arith.constant 0 : index
    %swap3A_190 = tpu.vector_load %arg14[%swap3A_188, %swap3A_189] {strides = array<i32>} : memref<64x16xf32, #tpu.memory_space<vmem>>, vector<16xf32>,
    tpu.vector_store %arg14[%swap3A_188, %swap3A_189], %broadcast_in_dim3A_3 {strides = array<i32>} : memref<64x16xf32, #tpu.memory_space<vmem>>, vector<16xf32>,
    %swap3A_191 = arith.constant 47 : i32
    %swap3A_192 = arith.index_cast %swap3A_191 : i32 to index
    %swap3A_193 = arith.constant 0 : index
    %swap3A_194 = tpu.vector_load %arg14[%swap3A_192, %swap3A_193] {strides = array<i32>} : memref<64x16xf32, #tpu.memory_space<vmem>>, vector<16xf32>,
    tpu.vector_store %arg14[%swap3A_192, %swap3A_193], %broadcast_in_dim3A_3 {strides = array<i32>} : memref<64x16xf32, #tpu.memory_space<vmem>>, vector<16xf32>,
    %swap3A_195 = arith.constant 48 : i32
    %swap3A_196 = arith.index_cast %swap3A_195 : i32 to index
    %swap3A_197 = arith.constant 0 : index
    %swap3A_198 = tpu.vector_load %arg14[%swap3A_196, %swap3A_197] {strides = array<i32>} : memref<64x16xf32, #tpu.memory_space<vmem>>, vector<16xf32>,
    tpu.vector_store %arg14[%swap3A_196, %swap3A_197], %broadcast_in_dim3A_3 {strides = array<i32>} : memref<64x16xf32, #tpu.memory_space<vmem>>, vector<16xf32>,
    %swap3A_199 = arith.constant 49 : i32
    %swap3A_200 = arith.index_cast %swap3A_199 : i32 to index
    %swap3A_201 = arith.constant 0 : index
    %swap3A_202 = tpu.vector_load %arg14[%swap3A_200, %swap3A_201] {strides = array<i32>} : memref<64x16xf32, #tpu.memory_space<vmem>>, vector<16xf32>,
    tpu.vector_store %arg14[%swap3A_200, %swap3A_201], %broadcast_in_dim3A_3 {strides = array<i32>} : memref<64x16xf32, #tpu.memory_space<vmem>>, vector<16xf32>,
    %swap3A_203 = arith.constant 50 : i32
    %swap3A_204 = arith.index_cast %swap3A_203 : i32 to index
    %swap3A_205 = arith.constant 0 : index
    %swap3A_206 = tpu.vector_load %arg14[%swap3A_204, %swap3A_205] {strides = array<i32>} : memref<64x16xf32, #tpu.memory_space<vmem>>, vector<16xf32>,
    tpu.vector_store %arg14[%swap3A_204, %swap3A_205], %broadcast_in_dim3A_3 {strides = array<i32>} : memref<64x16xf32, #tpu.memory_space<vmem>>, vector<16xf32>,
    %swap3A_207 = arith.constant 51 : i32
    %swap3A_208 = arith.index_cast %swap3A_207 : i32 to index
    %swap3A_209 = arith.constant 0 : index
    %swap3A_210 = tpu.vector_load %arg14[%swap3A_208, %swap3A_209] {strides = array<i32>} : memref<64x16xf32, #tpu.memory_space<vmem>>, vector<16xf32>,
    tpu.vector_store %arg14[%swap3A_208, %swap3A_209], %broadcast_in_dim3A_3 {strides = array<i32>} : memref<64x16xf32, #tpu.memory_space<vmem>>, vector<16xf32>,
    %swap3A_211 = arith.constant 52 : i32
    %swap3A_212 = arith.index_cast %swap3A_211 : i32 to index
    %swap3A_213 = arith.constant 0 : index
    %swap3A_214 = tpu.vector_load %arg14[%swap3A_212, %swap3A_213] {strides = array<i32>} : memref<64x16xf32, #tpu.memory_space<vmem>>, vector<16xf32>,
    tpu.vector_store %arg14[%swap3A_212, %swap3A_213], %broadcast_in_dim3A_3 {strides = array<i32>} : memref<64x16xf32, #tpu.memory_space<vmem>>, vector<16xf32>,
    %swap3A_215 = arith.constant 53 : i32
    %swap3A_216 = arith.index_cast %swap3A_215 : i32 to index
    %swap3A_217 = arith.constant 0 : index
    %swap3A_218 = tpu.vector_load %arg14[%swap3A_216, %swap3A_217] {strides = array<i32>} : memref<64x16xf32, #tpu.memory_space<vmem>>, vector<16xf32>,
    tpu.vector_store %arg14[%swap3A_216, %swap3A_217], %broadcast_in_dim3A_3 {strides = array<i32>} : memref<64x16xf32, #tpu.memory_space<vmem>>, vector<16xf32>,
    %swap3A_219 = arith.constant 54 : i32
    %swap3A_220 = arith.index_cast %swap3A_219 : i32 to index
    %swap3A_221 = arith.constant 0 : index
    %swap3A_222 = tpu.vector_load %arg14[%swap3A_220, %swap3A_221] {strides = array<i32>} : memref<64x16xf32, #tpu.memory_space<vmem>>, vector<16xf32>,
    tpu.vector_store %arg14[%swap3A_220, %swap3A_221], %broadcast_in_dim3A_3 {strides = array<i32>} : memref<64x16xf32, #tpu.memory_space<vmem>>, vector<16xf32>,
    %swap3A_223 = arith.constant 55 : i32
    %swap3A_224 = arith.index_cast %swap3A_223 : i32 to index
    %swap3A_225 = arith.constant 0 : index
    %swap3A_226 = tpu.vector_load %arg14[%swap3A_224, %swap3A_225] {strides = array<i32>} : memref<64x16xf32, #tpu.memory_space<vmem>>, vector<16xf32>,
    tpu.vector_store %arg14[%swap3A_224, %swap3A_225], %broadcast_in_dim3A_3 {strides = array<i32>} : memref<64x16xf32, #tpu.memory_space<vmem>>, vector<16xf32>,
    %swap3A_227 = arith.constant 56 : i32
    %swap3A_228 = arith.index_cast %swap3A_227 : i32 to index
    %swap3A_229 = arith.constant 0 : index
    %swap3A_230 = tpu.vector_load %arg14[%swap3A_228, %swap3A_229] {strides = array<i32>} : memref<64x16xf32, #tpu.memory_space<vmem>>, vector<16xf32>,
    tpu.vector_store %arg14[%swap3A_228, %swap3A_229], %broadcast_in_dim3A_3 {strides = array<i32>} : memref<64x16xf32, #tpu.memory_space<vmem>>, vector<16xf32>,
    %swap3A_231 = arith.constant 57 : i32
    %swap3A_232 = arith.index_cast %swap3A_231 : i32 to index
    %swap3A_233 = arith.constant 0 : index
    %swap3A_234 = tpu.vector_load %arg14[%swap3A_232, %swap3A_233] {strides = array<i32>} : memref<64x16xf32, #tpu.memory_space<vmem>>, vector<16xf32>,
    tpu.vector_store %arg14[%swap3A_232, %swap3A_233], %broadcast_in_dim3A_3 {strides = array<i32>} : memref<64x16xf32, #tpu.memory_space<vmem>>, vector<16xf32>,
    %swap3A_235 = arith.constant 58 : i32
    %swap3A_236 = arith.index_cast %swap3A_235 : i32 to index
    %swap3A_237 = arith.constant 0 : index
    %swap3A_238 = tpu.vector_load %arg14[%swap3A_236, %swap3A_237] {strides = array<i32>} : memref<64x16xf32, #tpu.memory_space<vmem>>, vector<16xf32>,
    tpu.vector_store %arg14[%swap3A_236, %swap3A_237], %broadcast_in_dim3A_3 {strides = array<i32>} : memref<64x16xf32, #tpu.memory_space<vmem>>, vector<16xf32>,
    %swap3A_239 = arith.constant 59 : i32
    %swap3A_240 = arith.index_cast %swap3A_239 : i32 to index
    %swap3A_241 = arith.constant 0 : index
    %swap3A_242 = tpu.vector_load %arg14[%swap3A_240, %swap3A_241] {strides = array<i32>} : memref<64x16xf32, #tpu.memory_space<vmem>>, vector<16xf32>,
    tpu.vector_store %arg14[%swap3A_240, %swap3A_241], %broadcast_in_dim3A_3 {strides = array<i32>} : memref<64x16xf32, #tpu.memory_space<vmem>>, vector<16xf32>,
    %swap3A_243 = arith.constant 60 : i32
    %swap3A_244 = arith.index_cast %swap3A_243 : i32 to index
    %swap3A_245 = arith.constant 0 : index
    %swap3A_246 = tpu.vector_load %arg14[%swap3A_244, %swap3A_245] {strides = array<i32>} : memref<64x16xf32, #tpu.memory_space<vmem>>, vector<16xf32>,
    tpu.vector_store %arg14[%swap3A_244, %swap3A_245], %broadcast_in_dim3A_3 {strides = array<i32>} : memref<64x16xf32, #tpu.memory_space<vmem>>, vector<16xf32>,
    %swap3A_247 = arith.constant 61 : i32
    %swap3A_248 = arith.index_cast %swap3A_247 : i32 to index
    %swap3A_249 = arith.constant 0 : index
    %swap3A_250 = tpu.vector_load %arg14[%swap3A_248, %swap3A_249] {strides = array<i32>} : memref<64x16xf32, #tpu.memory_space<vmem>>, vector<16xf32>,
    tpu.vector_store %arg14[%swap3A_248, %swap3A_249], %broadcast_in_dim3A_3 {strides = array<i32>} : memref<64x16xf32, #tpu.memory_space<vmem>>, vector<16xf32>,
    %swap3A_251 = arith.constant 62 : i32
    %swap3A_252 = arith.index_cast %swap3A_251 : i32 to index
    %swap3A_253 = arith.constant 0 : index
    %swap3A_254 = tpu.vector_load %arg14[%swap3A_252, %swap3A_253] {strides = array<i32>} : memref<64x16xf32, #tpu.memory_space<vmem>>, vector<16xf32>,
    tpu.vector_store %arg14[%swap3A_252, %swap3A_253], %broadcast_in_dim3A_3 {strides = array<i32>} : memref<64x16xf32, #tpu.memory_space<vmem>>, vector<16xf32>,
    %swap3A_255 = arith.constant 63 : i32
    %swap3A_256 = arith.index_cast %swap3A_255 : i32 to index
    %swap3A_257 = arith.constant 0 : index
    %swap3A_258 = tpu.vector_load %arg14[%swap3A_256, %swap3A_257] {strides = array<i32>} : memref<64x16xf32, #tpu.memory_space<vmem>>, vector<16xf32>,
    tpu.vector_store %arg14[%swap3A_256, %swap3A_257], %broadcast_in_dim3A_3 {strides = array<i32>} : memref<64x16xf32, #tpu.memory_space<vmem>>, vector<16xf32>,
    %swap3A_259 = arith.constant 0 : i32
    %swap3A_260 = arith.index_cast %swap3A_259 : i32 to index
    %swap3A_261 = arith.constant 0 : index
    %swap3A_262 = tpu.vector_load %arg15[%swap3A_260, %swap3A_261] {strides = array<i32>} : memref<64x16xf32, #tpu.memory_space<vmem>>, vector<16xf32>,
    tpu.vector_store %arg15[%swap3A_260, %swap3A_261], %broadcast_in_dim3A_3 {strides = array<i32>} : memref<64x16xf32, #tpu.memory_space<vmem>>, vector<16xf32>,
    %swap3A_263 = arith.constant 1 : i32
    %swap3A_264 = arith.index_cast %swap3A_263 : i32 to index
    %swap3A_265 = arith.constant 0 : index
    %swap3A_266 = tpu.vector_load %arg15[%swap3A_264, %swap3A_265] {strides = array<i32>} : memref<64x16xf32, #tpu.memory_space<vmem>>, vector<16xf32>,
    tpu.vector_store %arg15[%swap3A_264, %swap3A_265], %broadcast_in_dim3A_3 {strides = array<i32>} : memref<64x16xf32, #tpu.memory_space<vmem>>, vector<16xf32>,
    %swap3A_267 = arith.constant 2 : i32
    %swap3A_268 = arith.index_cast %swap3A_267 : i32 to index
    %swap3A_269 = arith.constant 0 : index
    %swap3A_270 = tpu.vector_load %arg15[%swap3A_268, %swap3A_269] {strides = array<i32>} : memref<64x16xf32, #tpu.memory_space<vmem>>, vector<16xf32>,
    tpu.vector_store %arg15[%swap3A_268, %swap3A_269], %broadcast_in_dim3A_3 {strides = array<i32>} : memref<64x16xf32, #tpu.memory_space<vmem>>, vector<16xf32>,
    %swap3A_271 = arith.constant 3 : i32
    %swap3A_272 = arith.index_cast %swap3A_271 : i32 to index
    %swap3A_273 = arith.constant 0 : index
    %swap3A_274 = tpu.vector_load %arg15[%swap3A_272, %swap3A_273] {strides = array<i32>} : memref<64x16xf32, #tpu.memory_space<vmem>>, vector<16xf32>,
    tpu.vector_store %arg15[%swap3A_272, %swap3A_273], %broadcast_in_dim3A_3 {strides = array<i32>} : memref<64x16xf32, #tpu.memory_space<vmem>>, vector<16xf32>,
    %swap3A_275 = arith.constant 4 : i32
    %swap3A_276 = arith.index_cast %swap3A_275 : i32 to index
    %swap3A_277 = arith.constant 0 : index
    %swap3A_278 = tpu.vector_load %arg15[%swap3A_276, %swap3A_277] {strides = array<i32>} : memref<64x16xf32, #tpu.memory_space<vmem>>, vector<16xf32>,
    tpu.vector_store %arg15[%swap3A_276, %swap3A_277], %broadcast_in_dim3A_3 {strides = array<i32>} : memref<64x16xf32, #tpu.memory_space<vmem>>, vector<16xf32>,
    %swap3A_279 = arith.constant 5 : i32
    %swap3A_280 = arith.index_cast %swap3A_279 : i32 to index
    %swap3A_281 = arith.constant 0 : index
    %swap3A_282 = tpu.vector_load %arg15[%swap3A_280, %swap3A_281] {strides = array<i32>} : memref<64x16xf32, #tpu.memory_space<vmem>>, vector<16xf32>,
    tpu.vector_store %arg15[%swap3A_280, %swap3A_281], %broadcast_in_dim3A_3 {strides = array<i32>} : memref<64x16xf32, #tpu.memory_space<vmem>>, vector<16xf32>,
    %swap3A_283 = arith.constant 6 : i32
    %swap3A_284 = arith.index_cast %swap3A_283 : i32 to index
    %swap3A_285 = arith.constant 0 : index
    %swap3A_286 = tpu.vector_load %arg15[%swap3A_284, %swap3A_285] {strides = array<i32>} : memref<64x16xf32, #tpu.memory_space<vmem>>, vector<16xf32>,
    tpu.vector_store %arg15[%swap3A_284, %swap3A_285], %broadcast_in_dim3A_3 {strides = array<i32>} : memref<64x16xf32, #tpu.memory_space<vmem>>, vector<16xf32>,
    %swap3A_287 = arith.constant 7 : i32
    %swap3A_288 = arith.index_cast %swap3A_287 : i32 to index
    %swap3A_289 = arith.constant 0 : index
    %swap3A_290 = tpu.vector_load %arg15[%swap3A_288, %swap3A_289] {strides = array<i32>} : memref<64x16xf32, #tpu.memory_space<vmem>>, vector<16xf32>,
    tpu.vector_store %arg15[%swap3A_288, %swap3A_289], %broadcast_in_dim3A_3 {strides = array<i32>} : memref<64x16xf32, #tpu.memory_space<vmem>>, vector<16xf32>,
    %swap3A_291 = arith.constant 8 : i32
    %swap3A_292 = arith.index_cast %swap3A_291 : i32 to index
    %swap3A_293 = arith.constant 0 : index
    %swap3A_294 = tpu.vector_load %arg15[%swap3A_292, %swap3A_293] {strides = array<i32>} : memref<64x16xf32, #tpu.memory_space<vmem>>, vector<16xf32>,
    tpu.vector_store %arg15[%swap3A_292, %swap3A_293], %broadcast_in_dim3A_3 {strides = array<i32>} : memref<64x16xf32, #tpu.memory_space<vmem>>, vector<16xf32>,
    %swap3A_295 = arith.constant 9 : i32
    %swap3A_296 = arith.index_cast %swap3A_295 : i32 to index
    %swap3A_297 = arith.constant 0 : index
    %swap3A_298 = tpu.vector_load %arg15[%swap3A_296, %swap3A_297] {strides = array<i32>} : memref<64x16xf32, #tpu.memory_space<vmem>>, vector<16xf32>,
    tpu.vector_store %arg15[%swap3A_296, %swap3A_297], %broadcast_in_dim3A_3 {strides = array<i32>} : memref<64x16xf32, #tpu.memory_space<vmem>>, vector<16xf32>,
    %swap3A_299 = arith.constant 10 : i32
    %swap3A_300 = arith.index_cast %swap3A_299 : i32 to index
    %swap3A_301 = arith.constant 0 : index
    %swap3A_302 = tpu.vector_load %arg15[%swap3A_300, %swap3A_301] {strides = array<i32>} : memref<64x16xf32, #tpu.memory_space<vmem>>, vector<16xf32>,
    tpu.vector_store %arg15[%swap3A_300, %swap3A_301], %broadcast_in_dim3A_3 {strides = array<i32>} : memref<64x16xf32, #tpu.memory_space<vmem>>, vector<16xf32>,
    %swap3A_303 = arith.constant 11 : i32
    %swap3A_304 = arith.index_cast %swap3A_303 : i32 to index
    %swap3A_305 = arith.constant 0 : index
    %swap3A_306 = tpu.vector_load %arg15[%swap3A_304, %swap3A_305] {strides = array<i32>} : memref<64x16xf32, #tpu.memory_space<vmem>>, vector<16xf32>,
    tpu.vector_store %arg15[%swap3A_304, %swap3A_305], %broadcast_in_dim3A_3 {strides = array<i32>} : memref<64x16xf32, #tpu.memory_space<vmem>>, vector<16xf32>,
    %swap3A_307 = arith.constant 12 : i32
    %swap3A_308 = arith.index_cast %swap3A_307 : i32 to index
    %swap3A_309 = arith.constant 0 : index
    %swap3A_310 = tpu.vector_load %arg15[%swap3A_308, %swap3A_309] {strides = array<i32>} : memref<64x16xf32, #tpu.memory_space<vmem>>, vector<16xf32>,
    tpu.vector_store %arg15[%swap3A_308, %swap3A_309], %broadcast_in_dim3A_3 {strides = array<i32>} : memref<64x16xf32, #tpu.memory_space<vmem>>, vector<16xf32>,
    %swap3A_311 = arith.constant 13 : i32
    %swap3A_312 = arith.index_cast %swap3A_311 : i32 to index
    %swap3A_313 = arith.constant 0 : index
    %swap3A_314 = tpu.vector_load %arg15[%swap3A_312, %swap3A_313] {strides = array<i32>} : memref<64x16xf32, #tpu.memory_space<vmem>>, vector<16xf32>,
    tpu.vector_store %arg15[%swap3A_312, %swap3A_313], %broadcast_in_dim3A_3 {strides = array<i32>} : memref<64x16xf32, #tpu.memory_space<vmem>>, vector<16xf32>,
    %swap3A_315 = arith.constant 14 : i32
    %swap3A_316 = arith.index_cast %swap3A_315 : i32 to index
    %swap3A_317 = arith.constant 0 : index
    %swap3A_318 = tpu.vector_load %arg15[%swap3A_316, %swap3A_317] {strides = array<i32>} : memref<64x16xf32, #tpu.memory_space<vmem>>, vector<16xf32>,
    tpu.vector_store %arg15[%swap3A_316, %swap3A_317], %broadcast_in_dim3A_3 {strides = array<i32>} : memref<64x16xf32, #tpu.memory_space<vmem>>, vector<16xf32>,
    %swap3A_319 = arith.constant 15 : i32
    %swap3A_320 = arith.index_cast %swap3A_319 : i32 to index
    %swap3A_321 = arith.constant 0 : index
    %swap3A_322 = tpu.vector_load %arg15[%swap3A_320, %swap3A_321] {strides = array<i32>} : memref<64x16xf32, #tpu.memory_space<vmem>>, vector<16xf32>,
    tpu.vector_store %arg15[%swap3A_320, %swap3A_321], %broadcast_in_dim3A_3 {strides = array<i32>} : memref<64x16xf32, #tpu.memory_space<vmem>>, vector<16xf32>,
    %swap3A_323 = arith.constant 16 : i32
    %swap3A_324 = arith.index_cast %swap3A_323 : i32 to index
    %swap3A_325 = arith.constant 0 : index
    %swap3A_326 = tpu.vector_load %arg15[%swap3A_324, %swap3A_325] {strides = array<i32>} : memref<64x16xf32, #tpu.memory_space<vmem>>, vector<16xf32>,
    tpu.vector_store %arg15[%swap3A_324, %swap3A_325], %broadcast_in_dim3A_3 {strides = array<i32>} : memref<64x16xf32, #tpu.memory_space<vmem>>, vector<16xf32>,
    %swap3A_327 = arith.constant 17 : i32
    %swap3A_328 = arith.index_cast %swap3A_327 : i32 to index
    %swap3A_329 = arith.constant 0 : index
    %swap3A_330 = tpu.vector_load %arg15[%swap3A_328, %swap3A_329] {strides = array<i32>} : memref<64x16xf32, #tpu.memory_space<vmem>>, vector<16xf32>,
    tpu.vector_store %arg15[%swap3A_328, %swap3A_329], %broadcast_in_dim3A_3 {strides = array<i32>} : memref<64x16xf32, #tpu.memory_space<vmem>>, vector<16xf32>,
    %swap3A_331 = arith.constant 18 : i32
    %swap3A_332 = arith.index_cast %swap3A_331 : i32 to index
    %swap3A_333 = arith.constant 0 : index
    %swap3A_334 = tpu.vector_load %arg15[%swap3A_332, %swap3A_333] {strides = array<i32>} : memref<64x16xf32, #tpu.memory_space<vmem>>, vector<16xf32>,
    tpu.vector_store %arg15[%swap3A_332, %swap3A_333], %broadcast_in_dim3A_3 {strides = array<i32>} : memref<64x16xf32, #tpu.memory_space<vmem>>, vector<16xf32>,
    %swap3A_335 = arith.constant 19 : i32
    %swap3A_336 = arith.index_cast %swap3A_335 : i32 to index
    %swap3A_337 = arith.constant 0 : index
    %swap3A_338 = tpu.vector_load %arg15[%swap3A_336, %swap3A_337] {strides = array<i32>} : memref<64x16xf32, #tpu.memory_space<vmem>>, vector<16xf32>,
    tpu.vector_store %arg15[%swap3A_336, %swap3A_337], %broadcast_in_dim3A_3 {strides = array<i32>} : memref<64x16xf32, #tpu.memory_space<vmem>>, vector<16xf32>,
    %swap3A_339 = arith.constant 20 : i32
    %swap3A_340 = arith.index_cast %swap3A_339 : i32 to index
    %swap3A_341 = arith.constant 0 : index
    %swap3A_342 = tpu.vector_load %arg15[%swap3A_340, %swap3A_341] {strides = array<i32>} : memref<64x16xf32, #tpu.memory_space<vmem>>, vector<16xf32>,
    tpu.vector_store %arg15[%swap3A_340, %swap3A_341], %broadcast_in_dim3A_3 {strides = array<i32>} : memref<64x16xf32, #tpu.memory_space<vmem>>, vector<16xf32>,
    %swap3A_343 = arith.constant 21 : i32
    %swap3A_344 = arith.index_cast %swap3A_343 : i32 to index
    %swap3A_345 = arith.constant 0 : index
    %swap3A_346 = tpu.vector_load %arg15[%swap3A_344, %swap3A_345] {strides = array<i32>} : memref<64x16xf32, #tpu.memory_space<vmem>>, vector<16xf32>,
    tpu.vector_store %arg15[%swap3A_344, %swap3A_345], %broadcast_in_dim3A_3 {strides = array<i32>} : memref<64x16xf32, #tpu.memory_space<vmem>>, vector<16xf32>,
    %swap3A_347 = arith.constant 22 : i32
    %swap3A_348 = arith.index_cast %swap3A_347 : i32 to index
    %swap3A_349 = arith.constant 0 : index
    %swap3A_350 = tpu.vector_load %arg15[%swap3A_348, %swap3A_349] {strides = array<i32>} : memref<64x16xf32, #tpu.memory_space<vmem>>, vector<16xf32>,
    tpu.vector_store %arg15[%swap3A_348, %swap3A_349], %broadcast_in_dim3A_3 {strides = array<i32>} : memref<64x16xf32, #tpu.memory_space<vmem>>, vector<16xf32>,
    %swap3A_351 = arith.constant 23 : i32
    %swap3A_352 = arith.index_cast %swap3A_351 : i32 to index
    %swap3A_353 = arith.constant 0 : index
    %swap3A_354 = tpu.vector_load %arg15[%swap3A_352, %swap3A_353] {strides = array<i32>} : memref<64x16xf32, #tpu.memory_space<vmem>>, vector<16xf32>,
    tpu.vector_store %arg15[%swap3A_352, %swap3A_353], %broadcast_in_dim3A_3 {strides = array<i32>} : memref<64x16xf32, #tpu.memory_space<vmem>>, vector<16xf32>,
    %swap3A_355 = arith.constant 24 : i32
    %swap3A_356 = arith.index_cast %swap3A_355 : i32 to index
    %swap3A_357 = arith.constant 0 : index
    %swap3A_358 = tpu.vector_load %arg15[%swap3A_356, %swap3A_357] {strides = array<i32>} : memref<64x16xf32, #tpu.memory_space<vmem>>, vector<16xf32>,
    tpu.vector_store %arg15[%swap3A_356, %swap3A_357], %broadcast_in_dim3A_3 {strides = array<i32>} : memref<64x16xf32, #tpu.memory_space<vmem>>, vector<16xf32>,
    %swap3A_359 = arith.constant 25 : i32
    %swap3A_360 = arith.index_cast %swap3A_359 : i32 to index
    %swap3A_361 = arith.constant 0 : index
    %swap3A_362 = tpu.vector_load %arg15[%swap3A_360, %swap3A_361] {strides = array<i32>} : memref<64x16xf32, #tpu.memory_space<vmem>>, vector<16xf32>,
    tpu.vector_store %arg15[%swap3A_360, %swap3A_361], %broadcast_in_dim3A_3 {strides = array<i32>} : memref<64x16xf32, #tpu.memory_space<vmem>>, vector<16xf32>,
    %swap3A_363 = arith.constant 26 : i32
    %swap3A_364 = arith.index_cast %swap3A_363 : i32 to index
    %swap3A_365 = arith.constant 0 : index
    %swap3A_366 = tpu.vector_load %arg15[%swap3A_364, %swap3A_365] {strides = array<i32>} : memref<64x16xf32, #tpu.memory_space<vmem>>, vector<16xf32>,
    tpu.vector_store %arg15[%swap3A_364, %swap3A_365], %broadcast_in_dim3A_3 {strides = array<i32>} : memref<64x16xf32, #tpu.memory_space<vmem>>, vector<16xf32>,
    %swap3A_367 = arith.constant 27 : i32
    %swap3A_368 = arith.index_cast %swap3A_367 : i32 to index
    %swap3A_369 = arith.constant 0 : index
    %swap3A_370 = tpu.vector_load %arg15[%swap3A_368, %swap3A_369] {strides = array<i32>} : memref<64x16xf32, #tpu.memory_space<vmem>>, vector<16xf32>,
    tpu.vector_store %arg15[%swap3A_368, %swap3A_369], %broadcast_in_dim3A_3 {strides = array<i32>} : memref<64x16xf32, #tpu.memory_space<vmem>>, vector<16xf32>,
    %swap3A_371 = arith.constant 28 : i32
    %swap3A_372 = arith.index_cast %swap3A_371 : i32 to index
    %swap3A_373 = arith.constant 0 : index
    %swap3A_374 = tpu.vector_load %arg15[%swap3A_372, %swap3A_373] {strides = array<i32>} : memref<64x16xf32, #tpu.memory_space<vmem>>, vector<16xf32>,
    tpu.vector_store %arg15[%swap3A_372, %swap3A_373], %broadcast_in_dim3A_3 {strides = array<i32>} : memref<64x16xf32, #tpu.memory_space<vmem>>, vector<16xf32>,
    %swap3A_375 = arith.constant 29 : i32
    %swap3A_376 = arith.index_cast %swap3A_375 : i32 to index
    %swap3A_377 = arith.constant 0 : index
    %swap3A_378 = tpu.vector_load %arg15[%swap3A_376, %swap3A_377] {strides = array<i32>} : memref<64x16xf32, #tpu.memory_space<vmem>>, vector<16xf32>,
    tpu.vector_store %arg15[%swap3A_376, %swap3A_377], %broadcast_in_dim3A_3 {strides = array<i32>} : memref<64x16xf32, #tpu.memory_space<vmem>>, vector<16xf32>,
    %swap3A_379 = arith.constant 30 : i32
    %swap3A_380 = arith.index_cast %swap3A_379 : i32 to index
    %swap3A_381 = arith.constant 0 : index
    %swap3A_382 = tpu.vector_load %arg15[%swap3A_380, %swap3A_381] {strides = array<i32>} : memref<64x16xf32, #tpu.memory_space<vmem>>, vector<16xf32>,
    tpu.vector_store %arg15[%swap3A_380, %swap3A_381], %broadcast_in_dim3A_3 {strides = array<i32>} : memref<64x16xf32, #tpu.memory_space<vmem>>, vector<16xf32>,
    %swap3A_383 = arith.constant 31 : i32
    %swap3A_384 = arith.index_cast %swap3A_383 : i32 to index
    %swap3A_385 = arith.constant 0 : index
    %swap3A_386 = tpu.vector_load %arg15[%swap3A_384, %swap3A_385] {strides = array<i32>} : memref<64x16xf32, #tpu.memory_space<vmem>>, vector<16xf32>,
    tpu.vector_store %arg15[%swap3A_384, %swap3A_385], %broadcast_in_dim3A_3 {strides = array<i32>} : memref<64x16xf32, #tpu.memory_space<vmem>>, vector<16xf32>,
    %swap3A_387 = arith.constant 32 : i32
    %swap3A_388 = arith.index_cast %swap3A_387 : i32 to index
    %swap3A_389 = arith.constant 0 : index
    %swap3A_390 = tpu.vector_load %arg15[%swap3A_388, %swap3A_389] {strides = array<i32>} : memref<64x16xf32, #tpu.memory_space<vmem>>, vector<16xf32>,
    tpu.vector_store %arg15[%swap3A_388, %swap3A_389], %broadcast_in_dim3A_3 {strides = array<i32>} : memref<64x16xf32, #tpu.memory_space<vmem>>, vector<16xf32>,
    %swap3A_391 = arith.constant 33 : i32
    %swap3A_392 = arith.index_cast %swap3A_391 : i32 to index
    %swap3A_393 = arith.constant 0 : index
    %swap3A_394 = tpu.vector_load %arg15[%swap3A_392, %swap3A_393] {strides = array<i32>} : memref<64x16xf32, #tpu.memory_space<vmem>>, vector<16xf32>,
    tpu.vector_store %arg15[%swap3A_392, %swap3A_393], %broadcast_in_dim3A_3 {strides = array<i32>} : memref<64x16xf32, #tpu.memory_space<vmem>>, vector<16xf32>,
    %swap3A_395 = arith.constant 34 : i32
    %swap3A_396 = arith.index_cast %swap3A_395 : i32 to index
    %swap3A_397 = arith.constant 0 : index
    %swap3A_398 = tpu.vector_load %arg15[%swap3A_396, %swap3A_397] {strides = array<i32>} : memref<64x16xf32, #tpu.memory_space<vmem>>, vector<16xf32>,
    tpu.vector_store %arg15[%swap3A_396, %swap3A_397], %broadcast_in_dim3A_3 {strides = array<i32>} : memref<64x16xf32, #tpu.memory_space<vmem>>, vector<16xf32>,
    %swap3A_399 = arith.constant 35 : i32
    %swap3A_400 = arith.index_cast %swap3A_399 : i32 to index
    %swap3A_401 = arith.constant 0 : index
    %swap3A_402 = tpu.vector_load %arg15[%swap3A_400, %swap3A_401] {strides = array<i32>} : memref<64x16xf32, #tpu.memory_space<vmem>>, vector<16xf32>,
    tpu.vector_store %arg15[%swap3A_400, %swap3A_401], %broadcast_in_dim3A_3 {strides = array<i32>} : memref<64x16xf32, #tpu.memory_space<vmem>>, vector<16xf32>,
    %swap3A_403 = arith.constant 36 : i32
    %swap3A_404 = arith.index_cast %swap3A_403 : i32 to index
    %swap3A_405 = arith.constant 0 : index
    %swap3A_406 = tpu.vector_load %arg15[%swap3A_404, %swap3A_405] {strides = array<i32>} : memref<64x16xf32, #tpu.memory_space<vmem>>, vector<16xf32>,
    tpu.vector_store %arg15[%swap3A_404, %swap3A_405], %broadcast_in_dim3A_3 {strides = array<i32>} : memref<64x16xf32, #tpu.memory_space<vmem>>, vector<16xf32>,
    %swap3A_407 = arith.constant 37 : i32
    %swap3A_408 = arith.index_cast %swap3A_407 : i32 to index
    %swap3A_409 = arith.constant 0 : index
    %swap3A_410 = tpu.vector_load %arg15[%swap3A_408, %swap3A_409] {strides = array<i32>} : memref<64x16xf32, #tpu.memory_space<vmem>>, vector<16xf32>,
    tpu.vector_store %arg15[%swap3A_408, %swap3A_409], %broadcast_in_dim3A_3 {strides = array<i32>} : memref<64x16xf32, #tpu.memory_space<vmem>>, vector<16xf32>,
    %swap3A_411 = arith.constant 38 : i32
    %swap3A_412 = arith.index_cast %swap3A_411 : i32 to index
    %swap3A_413 = arith.constant 0 : index
    %swap3A_414 = tpu.vector_load %arg15[%swap3A_412, %swap3A_413] {strides = array<i32>} : memref<64x16xf32, #tpu.memory_space<vmem>>, vector<16xf32>,
    tpu.vector_store %arg15[%swap3A_412, %swap3A_413], %broadcast_in_dim3A_3 {strides = array<i32>} : memref<64x16xf32, #tpu.memory_space<vmem>>, vector<16xf32>,
    %swap3A_415 = arith.constant 39 : i32
    %swap3A_416 = arith.index_cast %swap3A_415 : i32 to index
    %swap3A_417 = arith.constant 0 : index
    %swap3A_418 = tpu.vector_load %arg15[%swap3A_416, %swap3A_417] {strides = array<i32>} : memref<64x16xf32, #tpu.memory_space<vmem>>, vector<16xf32>,
    tpu.vector_store %arg15[%swap3A_416, %swap3A_417], %broadcast_in_dim3A_3 {strides = array<i32>} : memref<64x16xf32, #tpu.memory_space<vmem>>, vector<16xf32>,
    %swap3A_419 = arith.constant 40 : i32
    %swap3A_420 = arith.index_cast %swap3A_419 : i32 to index
    %swap3A_421 = arith.constant 0 : index
    %swap3A_422 = tpu.vector_load %arg15[%swap3A_420, %swap3A_421] {strides = array<i32>} : memref<64x16xf32, #tpu.memory_space<vmem>>, vector<16xf32>,
    tpu.vector_store %arg15[%swap3A_420, %swap3A_421], %broadcast_in_dim3A_3 {strides = array<i32>} : memref<64x16xf32, #tpu.memory_space<vmem>>, vector<16xf32>,
    %swap3A_423 = arith.constant 41 : i32
    %swap3A_424 = arith.index_cast %swap3A_423 : i32 to index
    %swap3A_425 = arith.constant 0 : index
    %swap3A_426 = tpu.vector_load %arg15[%swap3A_424, %swap3A_425] {strides = array<i32>} : memref<64x16xf32, #tpu.memory_space<vmem>>, vector<16xf32>,
    tpu.vector_store %arg15[%swap3A_424, %swap3A_425], %broadcast_in_dim3A_3 {strides = array<i32>} : memref<64x16xf32, #tpu.memory_space<vmem>>, vector<16xf32>,
    %swap3A_427 = arith.constant 42 : i32
    %swap3A_428 = arith.index_cast %swap3A_427 : i32 to index
    %swap3A_429 = arith.constant 0 : index
    %swap3A_430 = tpu.vector_load %arg15[%swap3A_428, %swap3A_429] {strides = array<i32>} : memref<64x16xf32, #tpu.memory_space<vmem>>, vector<16xf32>,
    tpu.vector_store %arg15[%swap3A_428, %swap3A_429], %broadcast_in_dim3A_3 {strides = array<i32>} : memref<64x16xf32, #tpu.memory_space<vmem>>, vector<16xf32>,
    %swap3A_431 = arith.constant 43 : i32
    %swap3A_432 = arith.index_cast %swap3A_431 : i32 to index
    %swap3A_433 = arith.constant 0 : index
    %swap3A_434 = tpu.vector_load %arg15[%swap3A_432, %swap3A_433] {strides = array<i32>} : memref<64x16xf32, #tpu.memory_space<vmem>>, vector<16xf32>,
    tpu.vector_store %arg15[%swap3A_432, %swap3A_433], %broadcast_in_dim3A_3 {strides = array<i32>} : memref<64x16xf32, #tpu.memory_space<vmem>>, vector<16xf32>,
    %swap3A_435 = arith.constant 44 : i32
    %swap3A_436 = arith.index_cast %swap3A_435 : i32 to index
    %swap3A_437 = arith.constant 0 : index
    %swap3A_438 = tpu.vector_load %arg15[%swap3A_436, %swap3A_437] {strides = array<i32>} : memref<64x16xf32, #tpu.memory_space<vmem>>, vector<16xf32>,
    tpu.vector_store %arg15[%swap3A_436, %swap3A_437], %broadcast_in_dim3A_3 {strides = array<i32>} : memref<64x16xf32, #tpu.memory_space<vmem>>, vector<16xf32>,
    %swap3A_439 = arith.constant 45 : i32
    %swap3A_440 = arith.index_cast %swap3A_439 : i32 to index
    %swap3A_441 = arith.constant 0 : index
    %swap3A_442 = tpu.vector_load %arg15[%swap3A_440, %swap3A_441] {strides = array<i32>} : memref<64x16xf32, #tpu.memory_space<vmem>>, vector<16xf32>,
    tpu.vector_store %arg15[%swap3A_440, %swap3A_441], %broadcast_in_dim3A_3 {strides = array<i32>} : memref<64x16xf32, #tpu.memory_space<vmem>>, vector<16xf32>,
    %swap3A_443 = arith.constant 46 : i32
    %swap3A_444 = arith.index_cast %swap3A_443 : i32 to index
    %swap3A_445 = arith.constant 0 : index
    %swap3A_446 = tpu.vector_load %arg15[%swap3A_444, %swap3A_445] {strides = array<i32>} : memref<64x16xf32, #tpu.memory_space<vmem>>, vector<16xf32>,
    tpu.vector_store %arg15[%swap3A_444, %swap3A_445], %broadcast_in_dim3A_3 {strides = array<i32>} : memref<64x16xf32, #tpu.memory_space<vmem>>, vector<16xf32>,
    %swap3A_447 = arith.constant 47 : i32
    %swap3A_448 = arith.index_cast %swap3A_447 : i32 to index
    %swap3A_449 = arith.constant 0 : index
    %swap3A_450 = tpu.vector_load %arg15[%swap3A_448, %swap3A_449] {strides = array<i32>} : memref<64x16xf32, #tpu.memory_space<vmem>>, vector<16xf32>,
    tpu.vector_store %arg15[%swap3A_448, %swap3A_449], %broadcast_in_dim3A_3 {strides = array<i32>} : memref<64x16xf32, #tpu.memory_space<vmem>>, vector<16xf32>,
    %swap3A_451 = arith.constant 48 : i32
    %swap3A_452 = arith.index_cast %swap3A_451 : i32 to index
    %swap3A_453 = arith.constant 0 : index
    %swap3A_454 = tpu.vector_load %arg15[%swap3A_452, %swap3A_453] {strides = array<i32>} : memref<64x16xf32, #tpu.memory_space<vmem>>, vector<16xf32>,
    tpu.vector_store %arg15[%swap3A_452, %swap3A_453], %broadcast_in_dim3A_3 {strides = array<i32>} : memref<64x16xf32, #tpu.memory_space<vmem>>, vector<16xf32>,
    %swap3A_455 = arith.constant 49 : i32
    %swap3A_456 = arith.index_cast %swap3A_455 : i32 to index
    %swap3A_457 = arith.constant 0 : index
    %swap3A_458 = tpu.vector_load %arg15[%swap3A_456, %swap3A_457] {strides = array<i32>} : memref<64x16xf32, #tpu.memory_space<vmem>>, vector<16xf32>,
    tpu.vector_store %arg15[%swap3A_456, %swap3A_457], %broadcast_in_dim3A_3 {strides = array<i32>} : memref<64x16xf32, #tpu.memory_space<vmem>>, vector<16xf32>,
    %swap3A_459 = arith.constant 50 : i32
    %swap3A_460 = arith.index_cast %swap3A_459 : i32 to index
    %swap3A_461 = arith.constant 0 : index
    %swap3A_462 = tpu.vector_load %arg15[%swap3A_460, %swap3A_461] {strides = array<i32>} : memref<64x16xf32, #tpu.memory_space<vmem>>, vector<16xf32>,
    tpu.vector_store %arg15[%swap3A_460, %swap3A_461], %broadcast_in_dim3A_3 {strides = array<i32>} : memref<64x16xf32, #tpu.memory_space<vmem>>, vector<16xf32>,
    %swap3A_463 = arith.constant 51 : i32
    %swap3A_464 = arith.index_cast %swap3A_463 : i32 to index
    %swap3A_465 = arith.constant 0 : index
    %swap3A_466 = tpu.vector_load %arg15[%swap3A_464, %swap3A_465] {strides = array<i32>} : memref<64x16xf32, #tpu.memory_space<vmem>>, vector<16xf32>,
    tpu.vector_store %arg15[%swap3A_464, %swap3A_465], %broadcast_in_dim3A_3 {strides = array<i32>} : memref<64x16xf32, #tpu.memory_space<vmem>>, vector<16xf32>,
    %swap3A_467 = arith.constant 52 : i32
    %swap3A_468 = arith.index_cast %swap3A_467 : i32 to index
    %swap3A_469 = arith.constant 0 : index
    %swap3A_470 = tpu.vector_load %arg15[%swap3A_468, %swap3A_469] {strides = array<i32>} : memref<64x16xf32, #tpu.memory_space<vmem>>, vector<16xf32>,
    tpu.vector_store %arg15[%swap3A_468, %swap3A_469], %broadcast_in_dim3A_3 {strides = array<i32>} : memref<64x16xf32, #tpu.memory_space<vmem>>, vector<16xf32>,
    %swap3A_471 = arith.constant 53 : i32
    %swap3A_472 = arith.index_cast %swap3A_471 : i32 to index
    %swap3A_473 = arith.constant 0 : index
    %swap3A_474 = tpu.vector_load %arg15[%swap3A_472, %swap3A_473] {strides = array<i32>} : memref<64x16xf32, #tpu.memory_space<vmem>>, vector<16xf32>,
    tpu.vector_store %arg15[%swap3A_472, %swap3A_473], %broadcast_in_dim3A_3 {strides = array<i32>} : memref<64x16xf32, #tpu.memory_space<vmem>>, vector<16xf32>,
    %swap3A_475 = arith.constant 54 : i32
    %swap3A_476 = arith.index_cast %swap3A_475 : i32 to index
    %swap3A_477 = arith.constant 0 : index
    %swap3A_478 = tpu.vector_load %arg15[%swap3A_476, %swap3A_477] {strides = array<i32>} : memref<64x16xf32, #tpu.memory_space<vmem>>, vector<16xf32>,
    tpu.vector_store %arg15[%swap3A_476, %swap3A_477], %broadcast_in_dim3A_3 {strides = array<i32>} : memref<64x16xf32, #tpu.memory_space<vmem>>, vector<16xf32>,
    %swap3A_479 = arith.constant 55 : i32
    %swap3A_480 = arith.index_cast %swap3A_479 : i32 to index
    %swap3A_481 = arith.constant 0 : index
    %swap3A_482 = tpu.vector_load %arg15[%swap3A_480, %swap3A_481] {strides = array<i32>} : memref<64x16xf32, #tpu.memory_space<vmem>>, vector<16xf32>,
    tpu.vector_store %arg15[%swap3A_480, %swap3A_481], %broadcast_in_dim3A_3 {strides = array<i32>} : memref<64x16xf32, #tpu.memory_space<vmem>>, vector<16xf32>,
    %swap3A_483 = arith.constant 56 : i32
    %swap3A_484 = arith.index_cast %swap3A_483 : i32 to index
    %swap3A_485 = arith.constant 0 : index
    %swap3A_486 = tpu.vector_load %arg15[%swap3A_484, %swap3A_485] {strides = array<i32>} : memref<64x16xf32, #tpu.memory_space<vmem>>, vector<16xf32>,
    tpu.vector_store %arg15[%swap3A_484, %swap3A_485], %broadcast_in_dim3A_3 {strides = array<i32>} : memref<64x16xf32, #tpu.memory_space<vmem>>, vector<16xf32>,
    %swap3A_487 = arith.constant 57 : i32
    %swap3A_488 = arith.index_cast %swap3A_487 : i32 to index
    %swap3A_489 = arith.constant 0 : index
    %swap3A_490 = tpu.vector_load %arg15[%swap3A_488, %swap3A_489] {strides = array<i32>} : memref<64x16xf32, #tpu.memory_space<vmem>>, vector<16xf32>,
    tpu.vector_store %arg15[%swap3A_488, %swap3A_489], %broadcast_in_dim3A_3 {strides = array<i32>} : memref<64x16xf32, #tpu.memory_space<vmem>>, vector<16xf32>,
    %swap3A_491 = arith.constant 58 : i32
    %swap3A_492 = arith.index_cast %swap3A_491 : i32 to index
    %swap3A_493 = arith.constant 0 : index
    %swap3A_494 = tpu.vector_load %arg15[%swap3A_492, %swap3A_493] {strides = array<i32>} : memref<64x16xf32, #tpu.memory_space<vmem>>, vector<16xf32>,
    tpu.vector_store %arg15[%swap3A_492, %swap3A_493], %broadcast_in_dim3A_3 {strides = array<i32>} : memref<64x16xf32, #tpu.memory_space<vmem>>, vector<16xf32>,
    %swap3A_495 = arith.constant 59 : i32
    %swap3A_496 = arith.index_cast %swap3A_495 : i32 to index
    %swap3A_497 = arith.constant 0 : index
    %swap3A_498 = tpu.vector_load %arg15[%swap3A_496, %swap3A_497] {strides = array<i32>} : memref<64x16xf32, #tpu.memory_space<vmem>>, vector<16xf32>,
    tpu.vector_store %arg15[%swap3A_496, %swap3A_497], %broadcast_in_dim3A_3 {strides = array<i32>} : memref<64x16xf32, #tpu.memory_space<vmem>>, vector<16xf32>,
    %swap3A_499 = arith.constant 60 : i32
    %swap3A_500 = arith.index_cast %swap3A_499 : i32 to index
    %swap3A_501 = arith.constant 0 : index
    %swap3A_502 = tpu.vector_load %arg15[%swap3A_500, %swap3A_501] {strides = array<i32>} : memref<64x16xf32, #tpu.memory_space<vmem>>, vector<16xf32>,
    tpu.vector_store %arg15[%swap3A_500, %swap3A_501], %broadcast_in_dim3A_3 {strides = array<i32>} : memref<64x16xf32, #tpu.memory_space<vmem>>, vector<16xf32>,
    %swap3A_503 = arith.constant 61 : i32
    %swap3A_504 = arith.index_cast %swap3A_503 : i32 to index
    %swap3A_505 = arith.constant 0 : index
    %swap3A_506 = tpu.vector_load %arg15[%swap3A_504, %swap3A_505] {strides = array<i32>} : memref<64x16xf32, #tpu.memory_space<vmem>>, vector<16xf32>,
    tpu.vector_store %arg15[%swap3A_504, %swap3A_505], %broadcast_in_dim3A_3 {strides = array<i32>} : memref<64x16xf32, #tpu.memory_space<vmem>>, vector<16xf32>,
    %swap3A_507 = arith.constant 62 : i32
    %swap3A_508 = arith.index_cast %swap3A_507 : i32 to index
    %swap3A_509 = arith.constant 0 : index
    %swap3A_510 = tpu.vector_load %arg15[%swap3A_508, %swap3A_509] {strides = array<i32>} : memref<64x16xf32, #tpu.memory_space<vmem>>, vector<16xf32>,
    tpu.vector_store %arg15[%swap3A_508, %swap3A_509], %broadcast_in_dim3A_3 {strides = array<i32>} : memref<64x16xf32, #tpu.memory_space<vmem>>, vector<16xf32>,
    %swap3A_511 = arith.constant 63 : i32
    %swap3A_512 = arith.index_cast %swap3A_511 : i32 to index
    %swap3A_513 = arith.constant 0 : index
    %swap3A_514 = tpu.vector_load %arg15[%swap3A_512, %swap3A_513] {strides = array<i32>} : memref<64x16xf32, #tpu.memory_space<vmem>>, vector<16xf32>,
    tpu.vector_store %arg15[%swap3A_512, %swap3A_513], %broadcast_in_dim3A_3 {strides = array<i32>} : memref<64x16xf32, #tpu.memory_space<vmem>>, vector<16xf32>,
    %iota3A = tpu.iota {dimensions = array<i32: 0>} : vector<16xi32>
    %add3A_515 = arith.constant 0 : i32
    %add3A_516 = arith.addi %add3A, %add3A_515 : i32
    %mul3A_517 = arith.constant 64 : i32
    %mul3A_518 = arith.muli %add3A_516, %mul3A_517 : i32
    %multiple_of3A = tpu.assume_multiple %mul3A_518, 64 : i32
    %dma_start3A = tpu.memref_slice %arg4[%multiple_of3A] : memref<80000xi32, #tpu.memory_space<hbm>> -> memref<64xi32, #tpu.memory_space<hbm>>
    %dma_start3A_519 = tpu.memref_slice %arg4[%multiple_of3A] : memref<80000xi32, #tpu.memory_space<hbm>> -> memref<64xi32, #tpu.memory_space<hbm>>
    tpu.enqueue_dma source(%dma_start3A_519 : memref<64xi32, #tpu.memory_space<hbm>>) target(%arg8 : memref<64xi32, #tpu.memory_space<vmem>>) target_semaphore(%arg18 : memref<!tpu.dma_semaphore, #tpu.memory_space<semaphore_mem>>)
    %dma_start3A_520 = tpu.memref_slice %arg5[%multiple_of3A] : memref<80000xi32, #tpu.memory_space<hbm>> -> memref<64xi32, #tpu.memory_space<hbm>>
    %dma_start3A_521 = tpu.memref_slice %arg5[%multiple_of3A] : memref<80000xi32, #tpu.memory_space<hbm>> -> memref<64xi32, #tpu.memory_space<hbm>>
    tpu.enqueue_dma source(%dma_start3A_521 : memref<64xi32, #tpu.memory_space<hbm>>) target(%arg10 : memref<64xi32, #tpu.memory_space<vmem>>) target_semaphore(%arg18 : memref<!tpu.dma_semaphore, #tpu.memory_space<semaphore_mem>>)
    %scan3A = arith.constant 0 : i32
    %scan3A_522 = arith.constant 0 : i32
    %scan3A_523 = arith.constant 20 : i32
    %scan3A_524 = arith.addi %scan3A_522, %scan3A_523 : i32
    %scan3A_525 = arith.constant 1 : i32
    scf.for %scan3A_550 = %scan3A_522 to %scan3A_524 step %scan3A_525  : i32 {
      %mul3A_551 = arith.constant 2 : i32
      %mul3A_552 = arith.muli %mul3A_551, %scan3A_550 : i32
      %lt3A_553 = arith.cmpi slt, %mul3A_552, %select_n3A : i32
      %convert_element_type3A = arith.extui %lt3A_553 : i1 to i32
      %cond3A = arith.constant 0 : i32
      %cond3A_554 = arith.cmpi ne, %convert_element_type3A, %cond3A : i32
      scf.if %cond3A_554 {
        %add3A_563 = arith.constant 1 : i32
        %add3A_564 = arith.addi %mul3A_552, %add3A_563 : i32
        %lt3A_565 = arith.cmpi slt, %add3A_564, %select_n3A : i32
        %convert_element_type3A_566 = arith.extui %lt3A_565 : i1 to i32
        %cond3A_567 = arith.constant 0 : i32
        %cond3A_568 = arith.cmpi ne, %convert_element_type3A_566, %cond3A_567 : i32
        scf.if %cond3A_568 {
          %add3A_763 = arith.constant 1 : i32
          %add3A_764 = arith.addi %mul3A_552, %add3A_763 : i32
          %mul3A_765 = arith.constant 32 : i32
          %mul3A_766 = arith.muli %add3A_764, %mul3A_765 : i32
          %add3A_767 = arith.addi %add3A, %mul3A_766 : i32
          %mul3A_768 = arith.constant 64 : i32
          %mul3A_769 = arith.muli %add3A_767, %mul3A_768 : i32
          %multiple_of3A_770 = tpu.assume_multiple %mul3A_769, 64 : i32
          %dma_start3A_771 = tpu.memref_slice %arg4[%multiple_of3A_770] : memref<80000xi32, #tpu.memory_space<hbm>> -> memref<64xi32, #tpu.memory_space<hbm>>
          %dma_start3A_772 = tpu.memref_slice %arg4[%multiple_of3A_770] : memref<80000xi32, #tpu.memory_space<hbm>> -> memref<64xi32, #tpu.memory_space<hbm>>
          tpu.enqueue_dma source(%dma_start3A_772 : memref<64xi32, #tpu.memory_space<hbm>>) target(%arg9 : memref<64xi32, #tpu.memory_space<vmem>>) target_semaphore(%arg19 : memref<!tpu.dma_semaphore, #tpu.memory_space<semaphore_mem>>)
          %dma_start3A_773 = tpu.memref_slice %arg5[%multiple_of3A_770] : memref<80000xi32, #tpu.memory_space<hbm>> -> memref<64xi32, #tpu.memory_space<hbm>>
          %dma_start3A_774 = tpu.memref_slice %arg5[%multiple_of3A_770] : memref<80000xi32, #tpu.memory_space<hbm>> -> memref<64xi32, #tpu.memory_space<hbm>>
          tpu.enqueue_dma source(%dma_start3A_774 : memref<64xi32, #tpu.memory_space<hbm>>) target(%arg11 : memref<64xi32, #tpu.memory_space<vmem>>) target_semaphore(%arg19 : memref<!tpu.dma_semaphore, #tpu.memory_space<semaphore_mem>>)
        } else {
        }
        %dma_wait3A_569 = arith.constant 0 : i32
        %dma_wait3A_570 = tpu.memref_slice %arg4[%dma_wait3A_569] : memref<80000xi32, #tpu.memory_space<hbm>> -> memref<64xi32, #tpu.memory_space<hbm>>
        %dma_wait3A_571 = arith.constant 0 : i32
        %dma_wait3A_572 = tpu.memref_slice %arg4[%dma_wait3A_571] : memref<80000xi32, #tpu.memory_space<hbm>> -> memref<64xi32, #tpu.memory_space<hbm>>
        tpu.wait_dma2 semaphore(%arg18 : memref<!tpu.dma_semaphore, #tpu.memory_space<semaphore_mem>>) src(%dma_wait3A_572 : memref<64xi32, #tpu.memory_space<hbm>>) dst(%arg8 : memref<64xi32, #tpu.memory_space<vmem>>)
        %dma_wait3A_573 = arith.constant 0 : i32
        %dma_wait3A_574 = tpu.memref_slice %arg5[%dma_wait3A_573] : memref<80000xi32, #tpu.memory_space<hbm>> -> memref<64xi32, #tpu.memory_space<hbm>>
        %dma_wait3A_575 = arith.constant 0 : i32
        %dma_wait3A_576 = tpu.memref_slice %arg5[%dma_wait3A_575] : memref<80000xi32, #tpu.memory_space<hbm>> -> memref<64xi32, #tpu.memory_space<hbm>>
        tpu.wait_dma2 semaphore(%arg18 : memref<!tpu.dma_semaphore, #tpu.memory_space<semaphore_mem>>) src(%dma_wait3A_576 : memref<64xi32, #tpu.memory_space<hbm>>) dst(%arg10 : memref<64xi32, #tpu.memory_space<vmem>>)
        %ge3A = arith.constant 2 : i32
        %ge3A_577 = arith.cmpi sge, %mul3A_552, %ge3A : i32
        %convert_element_type3A_578 = arith.extui %ge3A_577 : i1 to i32
        %cond3A_579 = arith.constant 0 : i32
        %cond3A_580 = arith.cmpi ne, %convert_element_type3A_578, %cond3A_579 : i32
        scf.if %cond3A_580 {
          %dma_wait3A_763 = arith.constant 0 : i32
          %dma_wait3A_764 = arith.constant 0 : i32
          %dma_wait3A_765 = tpu.memref_slice %arg6[%dma_wait3A_763, %dma_wait3A_764] : memref<80000x256xf32, #tpu.memory_space<hbm>> -> memref<64x256xf32, #tpu.memory_space<hbm>>
          %dma_wait3A_766 = arith.constant 0 : i32
          %dma_wait3A_767 = arith.constant 0 : i32
          %dma_wait3A_768 = tpu.memref_slice %arg6[%dma_wait3A_766, %dma_wait3A_767] : memref<80000x256xf32, #tpu.memory_space<hbm>> -> memref<64x256xf32, #tpu.memory_space<hbm>>
          tpu.wait_dma2 semaphore(%arg20 : memref<!tpu.dma_semaphore, #tpu.memory_space<semaphore_mem>>) src(%arg12 : memref<64x256xf32, #tpu.memory_space<vmem>>) dst(%dma_wait3A_768 : memref<64x256xf32, #tpu.memory_space<hbm>>)
          %dma_wait3A_769 = arith.constant 0 : i32
          %dma_wait3A_770 = arith.constant 0 : i32
          %dma_wait3A_771 = tpu.memref_slice %arg7[%dma_wait3A_769, %dma_wait3A_770] : memref<80000x16xf32, #tpu.memory_space<hbm>> -> memref<64x16xf32, #tpu.memory_space<hbm>>
          %dma_wait3A_772 = arith.constant 0 : i32
          %dma_wait3A_773 = arith.constant 0 : i32
          %dma_wait3A_774 = tpu.memref_slice %arg7[%dma_wait3A_772, %dma_wait3A_773] : memref<80000x16xf32, #tpu.memory_space<hbm>> -> memref<64x16xf32, #tpu.memory_space<hbm>>
          tpu.wait_dma2 semaphore(%arg22 : memref<!tpu.dma_semaphore, #tpu.memory_space<semaphore_mem>>) src(%arg14 : memref<64x16xf32, #tpu.memory_space<vmem>>) dst(%dma_wait3A_774 : memref<64x16xf32, #tpu.memory_space<hbm>>)
        } else {
        }
        %dma_start3A_581 = arith.constant 0 : i32
        %dma_start3A_582 = arith.constant 0 : i32
        %dma_start3A_583 = tpu.memref_slice %arg2[%dma_start3A_581, %dma_start3A_582] : memref<10000x256xf32, #tpu.memory_space<hbm>> -> memref<10000x256xf32, #tpu.memory_space<hbm>>
        tpu.enqueue_indirect_dma source(%dma_start3A_583 : memref<10000x256xf32, #tpu.memory_space<hbm>>) target(%arg12 : memref<64x256xf32, #tpu.memory_space<vmem>>) offsets(%arg8 : memref<64xi32, #tpu.memory_space<vmem>>) semaphore(%arg17 : memref<!tpu.dma_semaphore, #tpu.memory_space<semaphore_mem>>)
        %get3A = arith.constant 0 : index
        %get3A_584 = tpu.vector_load %arg10[%get3A] {strides = array<i32>} : memref<64xi32, #tpu.memory_space<vmem>>, vector<16xi32>,
        %add3A_585 = arith.constant 0 : i32
        %add3A_586 = vector.broadcast %add3A_585 : i32 to vector<16xi32>
        %add3A_587 = arith.addi %iota3A, %add3A_586 : vector<16xi32>
        %mul3A_588 = arith.constant 4 : i32
        %mul3A_589 = vector.broadcast %mul3A_588 : i32 to vector<16xi32>
        %mul3A_590 = arith.muli %get3A_584, %mul3A_589 : vector<16xi32>
        %add3A_591 = arith.constant 0 : i32
        %add3A_592 = vector.broadcast %add3A_591 : i32 to vector<16xi32>
        %add3A_593 = arith.addi %mul3A_590, %add3A_592 : vector<16xi32>
        %gather3A = tpu.vector_load_idx %arg16[%add3A_593] : memref<40000xf32, #tpu.memory_space<vmem>>[vector<16xi32>], vector<16xf32>,
        %broadcast_in_dim3A_594 = arith.constant 0 : i32
        %broadcast_in_dim3A_595 = vector.broadcast %broadcast_in_dim3A_594 : i32 to vector<16xi32>
        tpu.vector_store_idx %arg14[%add3A_587, %broadcast_in_dim3A_595], %gather3A : memref<64x16xf32, #tpu.memory_space<vmem>>[vector<16xi32>, vector<16xi32>], vector<16xf32>,
        %mul3A_596 = arith.constant 4 : i32
        %mul3A_597 = vector.broadcast %mul3A_596 : i32 to vector<16xi32>
        %mul3A_598 = arith.muli %get3A_584, %mul3A_597 : vector<16xi32>
        %add3A_599 = arith.constant 1 : i32
        %add3A_600 = vector.broadcast %add3A_599 : i32 to vector<16xi32>
        %add3A_601 = arith.addi %mul3A_598, %add3A_600 : vector<16xi32>
        %gather3A_602 = tpu.vector_load_idx %arg16[%add3A_601] : memref<40000xf32, #tpu.memory_space<vmem>>[vector<16xi32>], vector<16xf32>,
        %broadcast_in_dim3A_603 = arith.constant 1 : i32
        %broadcast_in_dim3A_604 = vector.broadcast %broadcast_in_dim3A_603 : i32 to vector<16xi32>
        tpu.vector_store_idx %arg14[%add3A_587, %broadcast_in_dim3A_604], %gather3A_602 : memref<64x16xf32, #tpu.memory_space<vmem>>[vector<16xi32>, vector<16xi32>], vector<16xf32>,
        %mul3A_605 = arith.constant 4 : i32
        %mul3A_606 = vector.broadcast %mul3A_605 : i32 to vector<16xi32>
        %mul3A_607 = arith.muli %get3A_584, %mul3A_606 : vector<16xi32>
        %add3A_608 = arith.constant 2 : i32
        %add3A_609 = vector.broadcast %add3A_608 : i32 to vector<16xi32>
        %add3A_610 = arith.addi %mul3A_607, %add3A_609 : vector<16xi32>
        %gather3A_611 = tpu.vector_load_idx %arg16[%add3A_610] : memref<40000xf32, #tpu.memory_space<vmem>>[vector<16xi32>], vector<16xf32>,
        %broadcast_in_dim3A_612 = arith.constant 2 : i32
        %broadcast_in_dim3A_613 = vector.broadcast %broadcast_in_dim3A_612 : i32 to vector<16xi32>
        tpu.vector_store_idx %arg14[%add3A_587, %broadcast_in_dim3A_613], %gather3A_611 : memref<64x16xf32, #tpu.memory_space<vmem>>[vector<16xi32>, vector<16xi32>], vector<16xf32>,
        %mul3A_614 = arith.constant 4 : i32
        %mul3A_615 = vector.broadcast %mul3A_614 : i32 to vector<16xi32>
        %mul3A_616 = arith.muli %get3A_584, %mul3A_615 : vector<16xi32>
        %add3A_617 = arith.constant 3 : i32
        %add3A_618 = vector.broadcast %add3A_617 : i32 to vector<16xi32>
        %add3A_619 = arith.addi %mul3A_616, %add3A_618 : vector<16xi32>
        %gather3A_620 = tpu.vector_load_idx %arg16[%add3A_619] : memref<40000xf32, #tpu.memory_space<vmem>>[vector<16xi32>], vector<16xf32>,
        %broadcast_in_dim3A_621 = arith.constant 3 : i32
        %broadcast_in_dim3A_622 = vector.broadcast %broadcast_in_dim3A_621 : i32 to vector<16xi32>
        tpu.vector_store_idx %arg14[%add3A_587, %broadcast_in_dim3A_622], %gather3A_620 : memref<64x16xf32, #tpu.memory_space<vmem>>[vector<16xi32>, vector<16xi32>], vector<16xf32>,
        %get3A_623 = arith.constant 16 : index
        %get3A_624 = tpu.vector_load %arg10[%get3A_623] {strides = array<i32>} : memref<64xi32, #tpu.memory_space<vmem>>, vector<16xi32>,
        %add3A_625 = arith.constant 16 : i32
        %add3A_626 = vector.broadcast %add3A_625 : i32 to vector<16xi32>
        %add3A_627 = arith.addi %iota3A, %add3A_626 : vector<16xi32>
        %mul3A_628 = arith.constant 4 : i32
        %mul3A_629 = vector.broadcast %mul3A_628 : i32 to vector<16xi32>
        %mul3A_630 = arith.muli %get3A_624, %mul3A_629 : vector<16xi32>
        %add3A_631 = arith.constant 0 : i32
        %add3A_632 = vector.broadcast %add3A_631 : i32 to vector<16xi32>
        %add3A_633 = arith.addi %mul3A_630, %add3A_632 : vector<16xi32>
        %gather3A_634 = tpu.vector_load_idx %arg16[%add3A_633] : memref<40000xf32, #tpu.memory_space<vmem>>[vector<16xi32>], vector<16xf32>,
        %broadcast_in_dim3A_635 = arith.constant 0 : i32
        %broadcast_in_dim3A_636 = vector.broadcast %broadcast_in_dim3A_635 : i32 to vector<16xi32>
        tpu.vector_store_idx %arg14[%add3A_627, %broadcast_in_dim3A_636], %gather3A_634 : memref<64x16xf32, #tpu.memory_space<vmem>>[vector<16xi32>, vector<16xi32>], vector<16xf32>,
        %mul3A_637 = arith.constant 4 : i32
        %mul3A_638 = vector.broadcast %mul3A_637 : i32 to vector<16xi32>
        %mul3A_639 = arith.muli %get3A_624, %mul3A_638 : vector<16xi32>
        %add3A_640 = arith.constant 1 : i32
        %add3A_641 = vector.broadcast %add3A_640 : i32 to vector<16xi32>
        %add3A_642 = arith.addi %mul3A_639, %add3A_641 : vector<16xi32>
        %gather3A_643 = tpu.vector_load_idx %arg16[%add3A_642] : memref<40000xf32, #tpu.memory_space<vmem>>[vector<16xi32>], vector<16xf32>,
        %broadcast_in_dim3A_644 = arith.constant 1 : i32
        %broadcast_in_dim3A_645 = vector.broadcast %broadcast_in_dim3A_644 : i32 to vector<16xi32>
        tpu.vector_store_idx %arg14[%add3A_627, %broadcast_in_dim3A_645], %gather3A_643 : memref<64x16xf32, #tpu.memory_space<vmem>>[vector<16xi32>, vector<16xi32>], vector<16xf32>,
        %mul3A_646 = arith.constant 4 : i32
        %mul3A_647 = vector.broadcast %mul3A_646 : i32 to vector<16xi32>
        %mul3A_648 = arith.muli %get3A_624, %mul3A_647 : vector<16xi32>
        %add3A_649 = arith.constant 2 : i32
        %add3A_650 = vector.broadcast %add3A_649 : i32 to vector<16xi32>
        %add3A_651 = arith.addi %mul3A_648, %add3A_650 : vector<16xi32>
        %gather3A_652 = tpu.vector_load_idx %arg16[%add3A_651] : memref<40000xf32, #tpu.memory_space<vmem>>[vector<16xi32>], vector<16xf32>,
        %broadcast_in_dim3A_653 = arith.constant 2 : i32
        %broadcast_in_dim3A_654 = vector.broadcast %broadcast_in_dim3A_653 : i32 to vector<16xi32>
        tpu.vector_store_idx %arg14[%add3A_627, %broadcast_in_dim3A_654], %gather3A_652 : memref<64x16xf32, #tpu.memory_space<vmem>>[vector<16xi32>, vector<16xi32>], vector<16xf32>,
        %mul3A_655 = arith.constant 4 : i32
        %mul3A_656 = vector.broadcast %mul3A_655 : i32 to vector<16xi32>
        %mul3A_657 = arith.muli %get3A_624, %mul3A_656 : vector<16xi32>
        %add3A_658 = arith.constant 3 : i32
        %add3A_659 = vector.broadcast %add3A_658 : i32 to vector<16xi32>
        %add3A_660 = arith.addi %mul3A_657, %add3A_659 : vector<16xi32>
        %gather3A_661 = tpu.vector_load_idx %arg16[%add3A_660] : memref<40000xf32, #tpu.memory_space<vmem>>[vector<16xi32>], vector<16xf32>,
        %broadcast_in_dim3A_662 = arith.constant 3 : i32
        %broadcast_in_dim3A_663 = vector.broadcast %broadcast_in_dim3A_662 : i32 to vector<16xi32>
        tpu.vector_store_idx %arg14[%add3A_627, %broadcast_in_dim3A_663], %gather3A_661 : memref<64x16xf32, #tpu.memory_space<vmem>>[vector<16xi32>, vector<16xi32>], vector<16xf32>,
        %get3A_664 = arith.constant 32 : index
        %get3A_665 = tpu.vector_load %arg10[%get3A_664] {strides = array<i32>} : memref<64xi32, #tpu.memory_space<vmem>>, vector<16xi32>,
        %add3A_666 = arith.constant 32 : i32
        %add3A_667 = vector.broadcast %add3A_666 : i32 to vector<16xi32>
        %add3A_668 = arith.addi %iota3A, %add3A_667 : vector<16xi32>
        %mul3A_669 = arith.constant 4 : i32
        %mul3A_670 = vector.broadcast %mul3A_669 : i32 to vector<16xi32>
        %mul3A_671 = arith.muli %get3A_665, %mul3A_670 : vector<16xi32>
        %add3A_672 = arith.constant 0 : i32
        %add3A_673 = vector.broadcast %add3A_672 : i32 to vector<16xi32>
        %add3A_674 = arith.addi %mul3A_671, %add3A_673 : vector<16xi32>
        %gather3A_675 = tpu.vector_load_idx %arg16[%add3A_674] : memref<40000xf32, #tpu.memory_space<vmem>>[vector<16xi32>], vector<16xf32>,
        %broadcast_in_dim3A_676 = arith.constant 0 : i32
        %broadcast_in_dim3A_677 = vector.broadcast %broadcast_in_dim3A_676 : i32 to vector<16xi32>
        tpu.vector_store_idx %arg14[%add3A_668, %broadcast_in_dim3A_677], %gather3A_675 : memref<64x16xf32, #tpu.memory_space<vmem>>[vector<16xi32>, vector<16xi32>], vector<16xf32>,
        %mul3A_678 = arith.constant 4 : i32
        %mul3A_679 = vector.broadcast %mul3A_678 : i32 to vector<16xi32>
        %mul3A_680 = arith.muli %get3A_665, %mul3A_679 : vector<16xi32>
        %add3A_681 = arith.constant 1 : i32
        %add3A_682 = vector.broadcast %add3A_681 : i32 to vector<16xi32>
        %add3A_683 = arith.addi %mul3A_680, %add3A_682 : vector<16xi32>
        %gather3A_684 = tpu.vector_load_idx %arg16[%add3A_683] : memref<40000xf32, #tpu.memory_space<vmem>>[vector<16xi32>], vector<16xf32>,
        %broadcast_in_dim3A_685 = arith.constant 1 : i32
        %broadcast_in_dim3A_686 = vector.broadcast %broadcast_in_dim3A_685 : i32 to vector<16xi32>
        tpu.vector_store_idx %arg14[%add3A_668, %broadcast_in_dim3A_686], %gather3A_684 : memref<64x16xf32, #tpu.memory_space<vmem>>[vector<16xi32>, vector<16xi32>], vector<16xf32>,
        %mul3A_687 = arith.constant 4 : i32
        %mul3A_688 = vector.broadcast %mul3A_687 : i32 to vector<16xi32>
        %mul3A_689 = arith.muli %get3A_665, %mul3A_688 : vector<16xi32>
        %add3A_690 = arith.constant 2 : i32
        %add3A_691 = vector.broadcast %add3A_690 : i32 to vector<16xi32>
        %add3A_692 = arith.addi %mul3A_689, %add3A_691 : vector<16xi32>
        %gather3A_693 = tpu.vector_load_idx %arg16[%add3A_692] : memref<40000xf32, #tpu.memory_space<vmem>>[vector<16xi32>], vector<16xf32>,
        %broadcast_in_dim3A_694 = arith.constant 2 : i32
        %broadcast_in_dim3A_695 = vector.broadcast %broadcast_in_dim3A_694 : i32 to vector<16xi32>
        tpu.vector_store_idx %arg14[%add3A_668, %broadcast_in_dim3A_695], %gather3A_693 : memref<64x16xf32, #tpu.memory_space<vmem>>[vector<16xi32>, vector<16xi32>], vector<16xf32>,
        %mul3A_696 = arith.constant 4 : i32
        %mul3A_697 = vector.broadcast %mul3A_696 : i32 to vector<16xi32>
        %mul3A_698 = arith.muli %get3A_665, %mul3A_697 : vector<16xi32>
        %add3A_699 = arith.constant 3 : i32
        %add3A_700 = vector.broadcast %add3A_699 : i32 to vector<16xi32>
        %add3A_701 = arith.addi %mul3A_698, %add3A_700 : vector<16xi32>
        %gather3A_702 = tpu.vector_load_idx %arg16[%add3A_701] : memref<40000xf32, #tpu.memory_space<vmem>>[vector<16xi32>], vector<16xf32>,
        %broadcast_in_dim3A_703 = arith.constant 3 : i32
        %broadcast_in_dim3A_704 = vector.broadcast %broadcast_in_dim3A_703 : i32 to vector<16xi32>
        tpu.vector_store_idx %arg14[%add3A_668, %broadcast_in_dim3A_704], %gather3A_702 : memref<64x16xf32, #tpu.memory_space<vmem>>[vector<16xi32>, vector<16xi32>], vector<16xf32>,
        %get3A_705 = arith.constant 48 : index
        %get3A_706 = tpu.vector_load %arg10[%get3A_705] {strides = array<i32>} : memref<64xi32, #tpu.memory_space<vmem>>, vector<16xi32>,
        %add3A_707 = arith.constant 48 : i32
        %add3A_708 = vector.broadcast %add3A_707 : i32 to vector<16xi32>
        %add3A_709 = arith.addi %iota3A, %add3A_708 : vector<16xi32>
        %mul3A_710 = arith.constant 4 : i32
        %mul3A_711 = vector.broadcast %mul3A_710 : i32 to vector<16xi32>
        %mul3A_712 = arith.muli %get3A_706, %mul3A_711 : vector<16xi32>
        %add3A_713 = arith.constant 0 : i32
        %add3A_714 = vector.broadcast %add3A_713 : i32 to vector<16xi32>
        %add3A_715 = arith.addi %mul3A_712, %add3A_714 : vector<16xi32>
        %gather3A_716 = tpu.vector_load_idx %arg16[%add3A_715] : memref<40000xf32, #tpu.memory_space<vmem>>[vector<16xi32>], vector<16xf32>,
        %broadcast_in_dim3A_717 = arith.constant 0 : i32
        %broadcast_in_dim3A_718 = vector.broadcast %broadcast_in_dim3A_717 : i32 to vector<16xi32>
        tpu.vector_store_idx %arg14[%add3A_709, %broadcast_in_dim3A_718], %gather3A_716 : memref<64x16xf32, #tpu.memory_space<vmem>>[vector<16xi32>, vector<16xi32>], vector<16xf32>,
        %mul3A_719 = arith.constant 4 : i32
        %mul3A_720 = vector.broadcast %mul3A_719 : i32 to vector<16xi32>
        %mul3A_721 = arith.muli %get3A_706, %mul3A_720 : vector<16xi32>
        %add3A_722 = arith.constant 1 : i32
        %add3A_723 = vector.broadcast %add3A_722 : i32 to vector<16xi32>
        %add3A_724 = arith.addi %mul3A_721, %add3A_723 : vector<16xi32>
        %gather3A_725 = tpu.vector_load_idx %arg16[%add3A_724] : memref<40000xf32, #tpu.memory_space<vmem>>[vector<16xi32>], vector<16xf32>,
        %broadcast_in_dim3A_726 = arith.constant 1 : i32
        %broadcast_in_dim3A_727 = vector.broadcast %broadcast_in_dim3A_726 : i32 to vector<16xi32>
        tpu.vector_store_idx %arg14[%add3A_709, %broadcast_in_dim3A_727], %gather3A_725 : memref<64x16xf32, #tpu.memory_space<vmem>>[vector<16xi32>, vector<16xi32>], vector<16xf32>,
        %mul3A_728 = arith.constant 4 : i32
        %mul3A_729 = vector.broadcast %mul3A_728 : i32 to vector<16xi32>
        %mul3A_730 = arith.muli %get3A_706, %mul3A_729 : vector<16xi32>
        %add3A_731 = arith.constant 2 : i32
        %add3A_732 = vector.broadcast %add3A_731 : i32 to vector<16xi32>
        %add3A_733 = arith.addi %mul3A_730, %add3A_732 : vector<16xi32>
        %gather3A_734 = tpu.vector_load_idx %arg16[%add3A_733] : memref<40000xf32, #tpu.memory_space<vmem>>[vector<16xi32>], vector<16xf32>,
        %broadcast_in_dim3A_735 = arith.constant 2 : i32
        %broadcast_in_dim3A_736 = vector.broadcast %broadcast_in_dim3A_735 : i32 to vector<16xi32>
        tpu.vector_store_idx %arg14[%add3A_709, %broadcast_in_dim3A_736], %gather3A_734 : memref<64x16xf32, #tpu.memory_space<vmem>>[vector<16xi32>, vector<16xi32>], vector<16xf32>,
        %mul3A_737 = arith.constant 4 : i32
        %mul3A_738 = vector.broadcast %mul3A_737 : i32 to vector<16xi32>
        %mul3A_739 = arith.muli %get3A_706, %mul3A_738 : vector<16xi32>
        %add3A_740 = arith.constant 3 : i32
        %add3A_741 = vector.broadcast %add3A_740 : i32 to vector<16xi32>
        %add3A_742 = arith.addi %mul3A_739, %add3A_741 : vector<16xi32>
        %gather3A_743 = tpu.vector_load_idx %arg16[%add3A_742] : memref<40000xf32, #tpu.memory_space<vmem>>[vector<16xi32>], vector<16xf32>,
        %broadcast_in_dim3A_744 = arith.constant 3 : i32
        %broadcast_in_dim3A_745 = vector.broadcast %broadcast_in_dim3A_744 : i32 to vector<16xi32>
        tpu.vector_store_idx %arg14[%add3A_709, %broadcast_in_dim3A_745], %gather3A_743 : memref<64x16xf32, #tpu.memory_space<vmem>>[vector<16xi32>, vector<16xi32>], vector<16xf32>,
        %dma_wait3A_746 = arith.constant 0 : i32
        %dma_wait3A_747 = arith.constant 0 : i32
        %dma_wait3A_748 = tpu.memref_slice %arg2[%dma_wait3A_746, %dma_wait3A_747] : memref<10000x256xf32, #tpu.memory_space<hbm>> -> memref<10000x256xf32, #tpu.memory_space<hbm>>
        tpu.wait_indirect_dma semaphore(%arg17 : memref<!tpu.dma_semaphore, #tpu.memory_space<semaphore_mem>>) src(%dma_wait3A_748 : memref<10000x256xf32, #tpu.memory_space<hbm>>) dst(%arg12 : memref<64x256xf32, #tpu.memory_space<vmem>>)
        %mul3A_749 = arith.constant 32 : i32
        %mul3A_750 = arith.muli %mul3A_552, %mul3A_749 : i32
        %add3A_751 = arith.addi %add3A, %mul3A_750 : i32
        %mul3A_752 = arith.constant 64 : i32
        %mul3A_753 = arith.muli %add3A_751, %mul3A_752 : i32
        %multiple_of3A_754 = tpu.assume_multiple %mul3A_753, 64 : i32
        %dma_start3A_755 = arith.constant 0 : i32
        %dma_start3A_756 = tpu.memref_slice %arg6[%multiple_of3A_754, %dma_start3A_755] : memref<80000x256xf32, #tpu.memory_space<hbm>> -> memref<64x256xf32, #tpu.memory_space<hbm>>
        %dma_start3A_757 = arith.constant 0 : i32
        %dma_start3A_758 = tpu.memref_slice %arg6[%multiple_of3A_754, %dma_start3A_757] : memref<80000x256xf32, #tpu.memory_space<hbm>> -> memref<64x256xf32, #tpu.memory_space<hbm>>
        tpu.enqueue_dma source(%arg12 : memref<64x256xf32, #tpu.memory_space<vmem>>) target(%dma_start3A_758 : memref<64x256xf32, #tpu.memory_space<hbm>>) target_semaphore(%arg20 : memref<!tpu.dma_semaphore, #tpu.memory_space<semaphore_mem>>)
        %dma_start3A_759 = arith.constant 0 : i32
        %dma_start3A_760 = tpu.memref_slice %arg7[%multiple_of3A_754, %dma_start3A_759] : memref<80000x16xf32, #tpu.memory_space<hbm>> -> memref<64x16xf32, #tpu.memory_space<hbm>>
        %dma_start3A_761 = arith.constant 0 : i32
        %dma_start3A_762 = tpu.memref_slice %arg7[%multiple_of3A_754, %dma_start3A_761] : memref<80000x16xf32, #tpu.memory_space<hbm>> -> memref<64x16xf32, #tpu.memory_space<hbm>>
        tpu.enqueue_dma source(%arg14 : memref<64x16xf32, #tpu.memory_space<vmem>>) target(%dma_start3A_762 : memref<64x16xf32, #tpu.memory_space<hbm>>) target_semaphore(%arg22 : memref<!tpu.dma_semaphore, #tpu.memory_space<semaphore_mem>>)
      } else {
      }
      %mul3A_555 = arith.constant 2 : i32
      %mul3A_556 = arith.muli %mul3A_555, %scan3A_550 : i32
      %add3A_557 = arith.constant 1 : i32
      %add3A_558 = arith.addi %mul3A_556, %add3A_557 : i32
      %lt3A_559 = arith.cmpi slt, %add3A_558, %select_n3A : i32
      %convert_element_type3A_560 = arith.extui %lt3A_559 : i1 to i32
      %cond3A_561 = arith.constant 0 : i32
      %cond3A_562 = arith.cmpi ne, %convert_element_type3A_560, %cond3A_561 : i32
      scf.if %cond3A_562 {
        %add3A_563 = arith.constant 1 : i32
        %add3A_564 = arith.addi %add3A_558, %add3A_563 : i32
        %lt3A_565 = arith.cmpi slt, %add3A_564, %select_n3A : i32
        %convert_element_type3A_566 = arith.extui %lt3A_565 : i1 to i32
        %cond3A_567 = arith.constant 0 : i32
        %cond3A_568 = arith.cmpi ne, %convert_element_type3A_566, %cond3A_567 : i32
        scf.if %cond3A_568 {
          %add3A_763 = arith.constant 1 : i32
          %add3A_764 = arith.addi %add3A_558, %add3A_763 : i32
          %mul3A_765 = arith.constant 32 : i32
          %mul3A_766 = arith.muli %add3A_764, %mul3A_765 : i32
          %add3A_767 = arith.addi %add3A, %mul3A_766 : i32
          %mul3A_768 = arith.constant 64 : i32
          %mul3A_769 = arith.muli %add3A_767, %mul3A_768 : i32
          %multiple_of3A_770 = tpu.assume_multiple %mul3A_769, 64 : i32
          %dma_start3A_771 = tpu.memref_slice %arg4[%multiple_of3A_770] : memref<80000xi32, #tpu.memory_space<hbm>> -> memref<64xi32, #tpu.memory_space<hbm>>
          %dma_start3A_772 = tpu.memref_slice %arg4[%multiple_of3A_770] : memref<80000xi32, #tpu.memory_space<hbm>> -> memref<64xi32, #tpu.memory_space<hbm>>
          tpu.enqueue_dma source(%dma_start3A_772 : memref<64xi32, #tpu.memory_space<hbm>>) target(%arg8 : memref<64xi32, #tpu.memory_space<vmem>>) target_semaphore(%arg18 : memref<!tpu.dma_semaphore, #tpu.memory_space<semaphore_mem>>)
          %dma_start3A_773 = tpu.memref_slice %arg5[%multiple_of3A_770] : memref<80000xi32, #tpu.memory_space<hbm>> -> memref<64xi32, #tpu.memory_space<hbm>>
          %dma_start3A_774 = tpu.memref_slice %arg5[%multiple_of3A_770] : memref<80000xi32, #tpu.memory_space<hbm>> -> memref<64xi32, #tpu.memory_space<hbm>>
          tpu.enqueue_dma source(%dma_start3A_774 : memref<64xi32, #tpu.memory_space<hbm>>) target(%arg10 : memref<64xi32, #tpu.memory_space<vmem>>) target_semaphore(%arg18 : memref<!tpu.dma_semaphore, #tpu.memory_space<semaphore_mem>>)
        } else {
        }
        %dma_wait3A_569 = arith.constant 0 : i32
        %dma_wait3A_570 = tpu.memref_slice %arg4[%dma_wait3A_569] : memref<80000xi32, #tpu.memory_space<hbm>> -> memref<64xi32, #tpu.memory_space<hbm>>
        %dma_wait3A_571 = arith.constant 0 : i32
        %dma_wait3A_572 = tpu.memref_slice %arg4[%dma_wait3A_571] : memref<80000xi32, #tpu.memory_space<hbm>> -> memref<64xi32, #tpu.memory_space<hbm>>
        tpu.wait_dma2 semaphore(%arg19 : memref<!tpu.dma_semaphore, #tpu.memory_space<semaphore_mem>>) src(%dma_wait3A_572 : memref<64xi32, #tpu.memory_space<hbm>>) dst(%arg9 : memref<64xi32, #tpu.memory_space<vmem>>)
        %dma_wait3A_573 = arith.constant 0 : i32
        %dma_wait3A_574 = tpu.memref_slice %arg5[%dma_wait3A_573] : memref<80000xi32, #tpu.memory_space<hbm>> -> memref<64xi32, #tpu.memory_space<hbm>>
        %dma_wait3A_575 = arith.constant 0 : i32
        %dma_wait3A_576 = tpu.memref_slice %arg5[%dma_wait3A_575] : memref<80000xi32, #tpu.memory_space<hbm>> -> memref<64xi32, #tpu.memory_space<hbm>>
        tpu.wait_dma2 semaphore(%arg19 : memref<!tpu.dma_semaphore, #tpu.memory_space<semaphore_mem>>) src(%dma_wait3A_576 : memref<64xi32, #tpu.memory_space<hbm>>) dst(%arg11 : memref<64xi32, #tpu.memory_space<vmem>>)
        %ge3A = arith.constant 2 : i32
        %ge3A_577 = arith.cmpi sge, %add3A_558, %ge3A : i32
        %convert_element_type3A_578 = arith.extui %ge3A_577 : i1 to i32
        %cond3A_579 = arith.constant 0 : i32
        %cond3A_580 = arith.cmpi ne, %convert_element_type3A_578, %cond3A_579 : i32
        scf.if %cond3A_580 {
          %dma_wait3A_763 = arith.constant 0 : i32
          %dma_wait3A_764 = arith.constant 0 : i32
          %dma_wait3A_765 = tpu.memref_slice %arg6[%dma_wait3A_763, %dma_wait3A_764] : memref<80000x256xf32, #tpu.memory_space<hbm>> -> memref<64x256xf32, #tpu.memory_space<hbm>>
          %dma_wait3A_766 = arith.constant 0 : i32
          %dma_wait3A_767 = arith.constant 0 : i32
          %dma_wait3A_768 = tpu.memref_slice %arg6[%dma_wait3A_766, %dma_wait3A_767] : memref<80000x256xf32, #tpu.memory_space<hbm>> -> memref<64x256xf32, #tpu.memory_space<hbm>>
          tpu.wait_dma2 semaphore(%arg21 : memref<!tpu.dma_semaphore, #tpu.memory_space<semaphore_mem>>) src(%arg13 : memref<64x256xf32, #tpu.memory_space<vmem>>) dst(%dma_wait3A_768 : memref<64x256xf32, #tpu.memory_space<hbm>>)
          %dma_wait3A_769 = arith.constant 0 : i32
          %dma_wait3A_770 = arith.constant 0 : i32
          %dma_wait3A_771 = tpu.memref_slice %arg7[%dma_wait3A_769, %dma_wait3A_770] : memref<80000x16xf32, #tpu.memory_space<hbm>> -> memref<64x16xf32, #tpu.memory_space<hbm>>
          %dma_wait3A_772 = arith.constant 0 : i32
          %dma_wait3A_773 = arith.constant 0 : i32
          %dma_wait3A_774 = tpu.memref_slice %arg7[%dma_wait3A_772, %dma_wait3A_773] : memref<80000x16xf32, #tpu.memory_space<hbm>> -> memref<64x16xf32, #tpu.memory_space<hbm>>
          tpu.wait_dma2 semaphore(%arg23 : memref<!tpu.dma_semaphore, #tpu.memory_space<semaphore_mem>>) src(%arg15 : memref<64x16xf32, #tpu.memory_space<vmem>>) dst(%dma_wait3A_774 : memref<64x16xf32, #tpu.memory_space<hbm>>)
        } else {
        }
        %dma_start3A_581 = arith.constant 0 : i32
        %dma_start3A_582 = arith.constant 0 : i32
        %dma_start3A_583 = tpu.memref_slice %arg2[%dma_start3A_581, %dma_start3A_582] : memref<10000x256xf32, #tpu.memory_space<hbm>> -> memref<10000x256xf32, #tpu.memory_space<hbm>>
        tpu.enqueue_indirect_dma source(%dma_start3A_583 : memref<10000x256xf32, #tpu.memory_space<hbm>>) target(%arg13 : memref<64x256xf32, #tpu.memory_space<vmem>>) offsets(%arg9 : memref<64xi32, #tpu.memory_space<vmem>>) semaphore(%arg17 : memref<!tpu.dma_semaphore, #tpu.memory_space<semaphore_mem>>)
        %get3A = arith.constant 0 : index
        %get3A_584 = tpu.vector_load %arg11[%get3A] {strides = array<i32>} : memref<64xi32, #tpu.memory_space<vmem>>, vector<16xi32>,
        %add3A_585 = arith.constant 0 : i32
        %add3A_586 = vector.broadcast %add3A_585 : i32 to vector<16xi32>
        %add3A_587 = arith.addi %iota3A, %add3A_586 : vector<16xi32>
        %mul3A_588 = arith.constant 4 : i32
        %mul3A_589 = vector.broadcast %mul3A_588 : i32 to vector<16xi32>
        %mul3A_590 = arith.muli %get3A_584, %mul3A_589 : vector<16xi32>
        %add3A_591 = arith.constant 0 : i32
        %add3A_592 = vector.broadcast %add3A_591 : i32 to vector<16xi32>
        %add3A_593 = arith.addi %mul3A_590, %add3A_592 : vector<16xi32>
        %gather3A = tpu.vector_load_idx %arg16[%add3A_593] : memref<40000xf32, #tpu.memory_space<vmem>>[vector<16xi32>], vector<16xf32>,
        %broadcast_in_dim3A_594 = arith.constant 0 : i32
        %broadcast_in_dim3A_595 = vector.broadcast %broadcast_in_dim3A_594 : i32 to vector<16xi32>
        tpu.vector_store_idx %arg15[%add3A_587, %broadcast_in_dim3A_595], %gather3A : memref<64x16xf32, #tpu.memory_space<vmem>>[vector<16xi32>, vector<16xi32>], vector<16xf32>,
        %mul3A_596 = arith.constant 4 : i32
        %mul3A_597 = vector.broadcast %mul3A_596 : i32 to vector<16xi32>
        %mul3A_598 = arith.muli %get3A_584, %mul3A_597 : vector<16xi32>
        %add3A_599 = arith.constant 1 : i32
        %add3A_600 = vector.broadcast %add3A_599 : i32 to vector<16xi32>
        %add3A_601 = arith.addi %mul3A_598, %add3A_600 : vector<16xi32>
        %gather3A_602 = tpu.vector_load_idx %arg16[%add3A_601] : memref<40000xf32, #tpu.memory_space<vmem>>[vector<16xi32>], vector<16xf32>,
        %broadcast_in_dim3A_603 = arith.constant 1 : i32
        %broadcast_in_dim3A_604 = vector.broadcast %broadcast_in_dim3A_603 : i32 to vector<16xi32>
        tpu.vector_store_idx %arg15[%add3A_587, %broadcast_in_dim3A_604], %gather3A_602 : memref<64x16xf32, #tpu.memory_space<vmem>>[vector<16xi32>, vector<16xi32>], vector<16xf32>,
        %mul3A_605 = arith.constant 4 : i32
        %mul3A_606 = vector.broadcast %mul3A_605 : i32 to vector<16xi32>
        %mul3A_607 = arith.muli %get3A_584, %mul3A_606 : vector<16xi32>
        %add3A_608 = arith.constant 2 : i32
        %add3A_609 = vector.broadcast %add3A_608 : i32 to vector<16xi32>
        %add3A_610 = arith.addi %mul3A_607, %add3A_609 : vector<16xi32>
        %gather3A_611 = tpu.vector_load_idx %arg16[%add3A_610] : memref<40000xf32, #tpu.memory_space<vmem>>[vector<16xi32>], vector<16xf32>,
        %broadcast_in_dim3A_612 = arith.constant 2 : i32
        %broadcast_in_dim3A_613 = vector.broadcast %broadcast_in_dim3A_612 : i32 to vector<16xi32>
        tpu.vector_store_idx %arg15[%add3A_587, %broadcast_in_dim3A_613], %gather3A_611 : memref<64x16xf32, #tpu.memory_space<vmem>>[vector<16xi32>, vector<16xi32>], vector<16xf32>,
        %mul3A_614 = arith.constant 4 : i32
        %mul3A_615 = vector.broadcast %mul3A_614 : i32 to vector<16xi32>
        %mul3A_616 = arith.muli %get3A_584, %mul3A_615 : vector<16xi32>
        %add3A_617 = arith.constant 3 : i32
        %add3A_618 = vector.broadcast %add3A_617 : i32 to vector<16xi32>
        %add3A_619 = arith.addi %mul3A_616, %add3A_618 : vector<16xi32>
        %gather3A_620 = tpu.vector_load_idx %arg16[%add3A_619] : memref<40000xf32, #tpu.memory_space<vmem>>[vector<16xi32>], vector<16xf32>,
        %broadcast_in_dim3A_621 = arith.constant 3 : i32
        %broadcast_in_dim3A_622 = vector.broadcast %broadcast_in_dim3A_621 : i32 to vector<16xi32>
        tpu.vector_store_idx %arg15[%add3A_587, %broadcast_in_dim3A_622], %gather3A_620 : memref<64x16xf32, #tpu.memory_space<vmem>>[vector<16xi32>, vector<16xi32>], vector<16xf32>,
        %get3A_623 = arith.constant 16 : index
        %get3A_624 = tpu.vector_load %arg11[%get3A_623] {strides = array<i32>} : memref<64xi32, #tpu.memory_space<vmem>>, vector<16xi32>,
        %add3A_625 = arith.constant 16 : i32
        %add3A_626 = vector.broadcast %add3A_625 : i32 to vector<16xi32>
        %add3A_627 = arith.addi %iota3A, %add3A_626 : vector<16xi32>
        %mul3A_628 = arith.constant 4 : i32
        %mul3A_629 = vector.broadcast %mul3A_628 : i32 to vector<16xi32>
        %mul3A_630 = arith.muli %get3A_624, %mul3A_629 : vector<16xi32>
        %add3A_631 = arith.constant 0 : i32
        %add3A_632 = vector.broadcast %add3A_631 : i32 to vector<16xi32>
        %add3A_633 = arith.addi %mul3A_630, %add3A_632 : vector<16xi32>
        %gather3A_634 = tpu.vector_load_idx %arg16[%add3A_633] : memref<40000xf32, #tpu.memory_space<vmem>>[vector<16xi32>], vector<16xf32>,
        %broadcast_in_dim3A_635 = arith.constant 0 : i32
        %broadcast_in_dim3A_636 = vector.broadcast %broadcast_in_dim3A_635 : i32 to vector<16xi32>
        tpu.vector_store_idx %arg15[%add3A_627, %broadcast_in_dim3A_636], %gather3A_634 : memref<64x16xf32, #tpu.memory_space<vmem>>[vector<16xi32>, vector<16xi32>], vector<16xf32>,
        %mul3A_637 = arith.constant 4 : i32
        %mul3A_638 = vector.broadcast %mul3A_637 : i32 to vector<16xi32>
        %mul3A_639 = arith.muli %get3A_624, %mul3A_638 : vector<16xi32>
        %add3A_640 = arith.constant 1 : i32
        %add3A_641 = vector.broadcast %add3A_640 : i32 to vector<16xi32>
        %add3A_642 = arith.addi %mul3A_639, %add3A_641 : vector<16xi32>
        %gather3A_643 = tpu.vector_load_idx %arg16[%add3A_642] : memref<40000xf32, #tpu.memory_space<vmem>>[vector<16xi32>], vector<16xf32>,
        %broadcast_in_dim3A_644 = arith.constant 1 : i32
        %broadcast_in_dim3A_645 = vector.broadcast %broadcast_in_dim3A_644 : i32 to vector<16xi32>
        tpu.vector_store_idx %arg15[%add3A_627, %broadcast_in_dim3A_645], %gather3A_643 : memref<64x16xf32, #tpu.memory_space<vmem>>[vector<16xi32>, vector<16xi32>], vector<16xf32>,
        %mul3A_646 = arith.constant 4 : i32
        %mul3A_647 = vector.broadcast %mul3A_646 : i32 to vector<16xi32>
        %mul3A_648 = arith.muli %get3A_624, %mul3A_647 : vector<16xi32>
        %add3A_649 = arith.constant 2 : i32
        %add3A_650 = vector.broadcast %add3A_649 : i32 to vector<16xi32>
        %add3A_651 = arith.addi %mul3A_648, %add3A_650 : vector<16xi32>
        %gather3A_652 = tpu.vector_load_idx %arg16[%add3A_651] : memref<40000xf32, #tpu.memory_space<vmem>>[vector<16xi32>], vector<16xf32>,
        %broadcast_in_dim3A_653 = arith.constant 2 : i32
        %broadcast_in_dim3A_654 = vector.broadcast %broadcast_in_dim3A_653 : i32 to vector<16xi32>
        tpu.vector_store_idx %arg15[%add3A_627, %broadcast_in_dim3A_654], %gather3A_652 : memref<64x16xf32, #tpu.memory_space<vmem>>[vector<16xi32>, vector<16xi32>], vector<16xf32>,
        %mul3A_655 = arith.constant 4 : i32
        %mul3A_656 = vector.broadcast %mul3A_655 : i32 to vector<16xi32>
        %mul3A_657 = arith.muli %get3A_624, %mul3A_656 : vector<16xi32>
        %add3A_658 = arith.constant 3 : i32
        %add3A_659 = vector.broadcast %add3A_658 : i32 to vector<16xi32>
        %add3A_660 = arith.addi %mul3A_657, %add3A_659 : vector<16xi32>
        %gather3A_661 = tpu.vector_load_idx %arg16[%add3A_660] : memref<40000xf32, #tpu.memory_space<vmem>>[vector<16xi32>], vector<16xf32>,
        %broadcast_in_dim3A_662 = arith.constant 3 : i32
        %broadcast_in_dim3A_663 = vector.broadcast %broadcast_in_dim3A_662 : i32 to vector<16xi32>
        tpu.vector_store_idx %arg15[%add3A_627, %broadcast_in_dim3A_663], %gather3A_661 : memref<64x16xf32, #tpu.memory_space<vmem>>[vector<16xi32>, vector<16xi32>], vector<16xf32>,
        %get3A_664 = arith.constant 32 : index
        %get3A_665 = tpu.vector_load %arg11[%get3A_664] {strides = array<i32>} : memref<64xi32, #tpu.memory_space<vmem>>, vector<16xi32>,
        %add3A_666 = arith.constant 32 : i32
        %add3A_667 = vector.broadcast %add3A_666 : i32 to vector<16xi32>
        %add3A_668 = arith.addi %iota3A, %add3A_667 : vector<16xi32>
        %mul3A_669 = arith.constant 4 : i32
        %mul3A_670 = vector.broadcast %mul3A_669 : i32 to vector<16xi32>
        %mul3A_671 = arith.muli %get3A_665, %mul3A_670 : vector<16xi32>
        %add3A_672 = arith.constant 0 : i32
        %add3A_673 = vector.broadcast %add3A_672 : i32 to vector<16xi32>
        %add3A_674 = arith.addi %mul3A_671, %add3A_673 : vector<16xi32>
        %gather3A_675 = tpu.vector_load_idx %arg16[%add3A_674] : memref<40000xf32, #tpu.memory_space<vmem>>[vector<16xi32>], vector<16xf32>,
        %broadcast_in_dim3A_676 = arith.constant 0 : i32
        %broadcast_in_dim3A_677 = vector.broadcast %broadcast_in_dim3A_676 : i32 to vector<16xi32>
        tpu.vector_store_idx %arg15[%add3A_668, %broadcast_in_dim3A_677], %gather3A_675 : memref<64x16xf32, #tpu.memory_space<vmem>>[vector<16xi32>, vector<16xi32>], vector<16xf32>,
        %mul3A_678 = arith.constant 4 : i32
        %mul3A_679 = vector.broadcast %mul3A_678 : i32 to vector<16xi32>
        %mul3A_680 = arith.muli %get3A_665, %mul3A_679 : vector<16xi32>
        %add3A_681 = arith.constant 1 : i32
        %add3A_682 = vector.broadcast %add3A_681 : i32 to vector<16xi32>
        %add3A_683 = arith.addi %mul3A_680, %add3A_682 : vector<16xi32>
        %gather3A_684 = tpu.vector_load_idx %arg16[%add3A_683] : memref<40000xf32, #tpu.memory_space<vmem>>[vector<16xi32>], vector<16xf32>,
        %broadcast_in_dim3A_685 = arith.constant 1 : i32
        %broadcast_in_dim3A_686 = vector.broadcast %broadcast_in_dim3A_685 : i32 to vector<16xi32>
        tpu.vector_store_idx %arg15[%add3A_668, %broadcast_in_dim3A_686], %gather3A_684 : memref<64x16xf32, #tpu.memory_space<vmem>>[vector<16xi32>, vector<16xi32>], vector<16xf32>,
        %mul3A_687 = arith.constant 4 : i32
        %mul3A_688 = vector.broadcast %mul3A_687 : i32 to vector<16xi32>
        %mul3A_689 = arith.muli %get3A_665, %mul3A_688 : vector<16xi32>
        %add3A_690 = arith.constant 2 : i32
        %add3A_691 = vector.broadcast %add3A_690 : i32 to vector<16xi32>
        %add3A_692 = arith.addi %mul3A_689, %add3A_691 : vector<16xi32>
        %gather3A_693 = tpu.vector_load_idx %arg16[%add3A_692] : memref<40000xf32, #tpu.memory_space<vmem>>[vector<16xi32>], vector<16xf32>,
        %broadcast_in_dim3A_694 = arith.constant 2 : i32
        %broadcast_in_dim3A_695 = vector.broadcast %broadcast_in_dim3A_694 : i32 to vector<16xi32>
        tpu.vector_store_idx %arg15[%add3A_668, %broadcast_in_dim3A_695], %gather3A_693 : memref<64x16xf32, #tpu.memory_space<vmem>>[vector<16xi32>, vector<16xi32>], vector<16xf32>,
        %mul3A_696 = arith.constant 4 : i32
        %mul3A_697 = vector.broadcast %mul3A_696 : i32 to vector<16xi32>
        %mul3A_698 = arith.muli %get3A_665, %mul3A_697 : vector<16xi32>
        %add3A_699 = arith.constant 3 : i32
        %add3A_700 = vector.broadcast %add3A_699 : i32 to vector<16xi32>
        %add3A_701 = arith.addi %mul3A_698, %add3A_700 : vector<16xi32>
        %gather3A_702 = tpu.vector_load_idx %arg16[%add3A_701] : memref<40000xf32, #tpu.memory_space<vmem>>[vector<16xi32>], vector<16xf32>,
        %broadcast_in_dim3A_703 = arith.constant 3 : i32
        %broadcast_in_dim3A_704 = vector.broadcast %broadcast_in_dim3A_703 : i32 to vector<16xi32>
        tpu.vector_store_idx %arg15[%add3A_668, %broadcast_in_dim3A_704], %gather3A_702 : memref<64x16xf32, #tpu.memory_space<vmem>>[vector<16xi32>, vector<16xi32>], vector<16xf32>,
        %get3A_705 = arith.constant 48 : index
        %get3A_706 = tpu.vector_load %arg11[%get3A_705] {strides = array<i32>} : memref<64xi32, #tpu.memory_space<vmem>>, vector<16xi32>,
        %add3A_707 = arith.constant 48 : i32
        %add3A_708 = vector.broadcast %add3A_707 : i32 to vector<16xi32>
        %add3A_709 = arith.addi %iota3A, %add3A_708 : vector<16xi32>
        %mul3A_710 = arith.constant 4 : i32
        %mul3A_711 = vector.broadcast %mul3A_710 : i32 to vector<16xi32>
        %mul3A_712 = arith.muli %get3A_706, %mul3A_711 : vector<16xi32>
        %add3A_713 = arith.constant 0 : i32
        %add3A_714 = vector.broadcast %add3A_713 : i32 to vector<16xi32>
        %add3A_715 = arith.addi %mul3A_712, %add3A_714 : vector<16xi32>
        %gather3A_716 = tpu.vector_load_idx %arg16[%add3A_715] : memref<40000xf32, #tpu.memory_space<vmem>>[vector<16xi32>], vector<16xf32>,
        %broadcast_in_dim3A_717 = arith.constant 0 : i32
        %broadcast_in_dim3A_718 = vector.broadcast %broadcast_in_dim3A_717 : i32 to vector<16xi32>
        tpu.vector_store_idx %arg15[%add3A_709, %broadcast_in_dim3A_718], %gather3A_716 : memref<64x16xf32, #tpu.memory_space<vmem>>[vector<16xi32>, vector<16xi32>], vector<16xf32>,
        %mul3A_719 = arith.constant 4 : i32
        %mul3A_720 = vector.broadcast %mul3A_719 : i32 to vector<16xi32>
        %mul3A_721 = arith.muli %get3A_706, %mul3A_720 : vector<16xi32>
        %add3A_722 = arith.constant 1 : i32
        %add3A_723 = vector.broadcast %add3A_722 : i32 to vector<16xi32>
        %add3A_724 = arith.addi %mul3A_721, %add3A_723 : vector<16xi32>
        %gather3A_725 = tpu.vector_load_idx %arg16[%add3A_724] : memref<40000xf32, #tpu.memory_space<vmem>>[vector<16xi32>], vector<16xf32>,
        %broadcast_in_dim3A_726 = arith.constant 1 : i32
        %broadcast_in_dim3A_727 = vector.broadcast %broadcast_in_dim3A_726 : i32 to vector<16xi32>
        tpu.vector_store_idx %arg15[%add3A_709, %broadcast_in_dim3A_727], %gather3A_725 : memref<64x16xf32, #tpu.memory_space<vmem>>[vector<16xi32>, vector<16xi32>], vector<16xf32>,
        %mul3A_728 = arith.constant 4 : i32
        %mul3A_729 = vector.broadcast %mul3A_728 : i32 to vector<16xi32>
        %mul3A_730 = arith.muli %get3A_706, %mul3A_729 : vector<16xi32>
        %add3A_731 = arith.constant 2 : i32
        %add3A_732 = vector.broadcast %add3A_731 : i32 to vector<16xi32>
        %add3A_733 = arith.addi %mul3A_730, %add3A_732 : vector<16xi32>
        %gather3A_734 = tpu.vector_load_idx %arg16[%add3A_733] : memref<40000xf32, #tpu.memory_space<vmem>>[vector<16xi32>], vector<16xf32>,
        %broadcast_in_dim3A_735 = arith.constant 2 : i32
        %broadcast_in_dim3A_736 = vector.broadcast %broadcast_in_dim3A_735 : i32 to vector<16xi32>
        tpu.vector_store_idx %arg15[%add3A_709, %broadcast_in_dim3A_736], %gather3A_734 : memref<64x16xf32, #tpu.memory_space<vmem>>[vector<16xi32>, vector<16xi32>], vector<16xf32>,
        %mul3A_737 = arith.constant 4 : i32
        %mul3A_738 = vector.broadcast %mul3A_737 : i32 to vector<16xi32>
        %mul3A_739 = arith.muli %get3A_706, %mul3A_738 : vector<16xi32>
        %add3A_740 = arith.constant 3 : i32
        %add3A_741 = vector.broadcast %add3A_740 : i32 to vector<16xi32>
        %add3A_742 = arith.addi %mul3A_739, %add3A_741 : vector<16xi32>
        %gather3A_743 = tpu.vector_load_idx %arg16[%add3A_742] : memref<40000xf32, #tpu.memory_space<vmem>>[vector<16xi32>], vector<16xf32>,
        %broadcast_in_dim3A_744 = arith.constant 3 : i32
        %broadcast_in_dim3A_745 = vector.broadcast %broadcast_in_dim3A_744 : i32 to vector<16xi32>
        tpu.vector_store_idx %arg15[%add3A_709, %broadcast_in_dim3A_745], %gather3A_743 : memref<64x16xf32, #tpu.memory_space<vmem>>[vector<16xi32>, vector<16xi32>], vector<16xf32>,
        %dma_wait3A_746 = arith.constant 0 : i32
        %dma_wait3A_747 = arith.constant 0 : i32
        %dma_wait3A_748 = tpu.memref_slice %arg2[%dma_wait3A_746, %dma_wait3A_747] : memref<10000x256xf32, #tpu.memory_space<hbm>> -> memref<10000x256xf32, #tpu.memory_space<hbm>>
        tpu.wait_indirect_dma semaphore(%arg17 : memref<!tpu.dma_semaphore, #tpu.memory_space<semaphore_mem>>) src(%dma_wait3A_748 : memref<10000x256xf32, #tpu.memory_space<hbm>>) dst(%arg13 : memref<64x256xf32, #tpu.memory_space<vmem>>)
        %mul3A_749 = arith.constant 32 : i32
        %mul3A_750 = arith.muli %add3A_558, %mul3A_749 : i32
        %add3A_751 = arith.addi %add3A, %mul3A_750 : i32
        %mul3A_752 = arith.constant 64 : i32
        %mul3A_753 = arith.muli %add3A_751, %mul3A_752 : i32
        %multiple_of3A_754 = tpu.assume_multiple %mul3A_753, 64 : i32
        %dma_start3A_755 = arith.constant 0 : i32
        %dma_start3A_756 = tpu.memref_slice %arg6[%multiple_of3A_754, %dma_start3A_755] : memref<80000x256xf32, #tpu.memory_space<hbm>> -> memref<64x256xf32, #tpu.memory_space<hbm>>
        %dma_start3A_757 = arith.constant 0 : i32
        %dma_start3A_758 = tpu.memref_slice %arg6[%multiple_of3A_754, %dma_start3A_757] : memref<80000x256xf32, #tpu.memory_space<hbm>> -> memref<64x256xf32, #tpu.memory_space<hbm>>
        tpu.enqueue_dma source(%arg13 : memref<64x256xf32, #tpu.memory_space<vmem>>) target(%dma_start3A_758 : memref<64x256xf32, #tpu.memory_space<hbm>>) target_semaphore(%arg21 : memref<!tpu.dma_semaphore, #tpu.memory_space<semaphore_mem>>)
        %dma_start3A_759 = arith.constant 0 : i32
        %dma_start3A_760 = tpu.memref_slice %arg7[%multiple_of3A_754, %dma_start3A_759] : memref<80000x16xf32, #tpu.memory_space<hbm>> -> memref<64x16xf32, #tpu.memory_space<hbm>>
        %dma_start3A_761 = arith.constant 0 : i32
        %dma_start3A_762 = tpu.memref_slice %arg7[%multiple_of3A_754, %dma_start3A_761] : memref<80000x16xf32, #tpu.memory_space<hbm>> -> memref<64x16xf32, #tpu.memory_space<hbm>>
        tpu.enqueue_dma source(%arg15 : memref<64x16xf32, #tpu.memory_space<vmem>>) target(%dma_start3A_762 : memref<64x16xf32, #tpu.memory_space<hbm>>) target_semaphore(%arg23 : memref<!tpu.dma_semaphore, #tpu.memory_space<semaphore_mem>>)
      } else {
      }
    }
    %scan3A_526 = arith.constant 20 : i32
    %dma_wait3A = arith.constant 0 : i32
    %dma_wait3A_527 = arith.constant 0 : i32
    %dma_wait3A_528 = tpu.memref_slice %arg6[%dma_wait3A, %dma_wait3A_527] : memref<80000x256xf32, #tpu.memory_space<hbm>> -> memref<64x256xf32, #tpu.memory_space<hbm>>
    %dma_wait3A_529 = arith.constant 0 : i32
    %dma_wait3A_530 = arith.constant 0 : i32
    %dma_wait3A_531 = tpu.memref_slice %arg6[%dma_wait3A_529, %dma_wait3A_530] : memref<80000x256xf32, #tpu.memory_space<hbm>> -> memref<64x256xf32, #tpu.memory_space<hbm>>
    tpu.wait_dma2 semaphore(%arg20 : memref<!tpu.dma_semaphore, #tpu.memory_space<semaphore_mem>>) src(%arg12 : memref<64x256xf32, #tpu.memory_space<vmem>>) dst(%dma_wait3A_531 : memref<64x256xf32, #tpu.memory_space<hbm>>)
    %dma_wait3A_532 = arith.constant 0 : i32
    %dma_wait3A_533 = arith.constant 0 : i32
    %dma_wait3A_534 = tpu.memref_slice %arg7[%dma_wait3A_532, %dma_wait3A_533] : memref<80000x16xf32, #tpu.memory_space<hbm>> -> memref<64x16xf32, #tpu.memory_space<hbm>>
    %dma_wait3A_535 = arith.constant 0 : i32
    %dma_wait3A_536 = arith.constant 0 : i32
    %dma_wait3A_537 = tpu.memref_slice %arg7[%dma_wait3A_535, %dma_wait3A_536] : memref<80000x16xf32, #tpu.memory_space<hbm>> -> memref<64x16xf32, #tpu.memory_space<hbm>>
    tpu.wait_dma2 semaphore(%arg22 : memref<!tpu.dma_semaphore, #tpu.memory_space<semaphore_mem>>) src(%arg14 : memref<64x16xf32, #tpu.memory_space<vmem>>) dst(%dma_wait3A_537 : memref<64x16xf32, #tpu.memory_space<hbm>>)
    %dma_wait3A_538 = arith.constant 0 : i32
    %dma_wait3A_539 = arith.constant 0 : i32
    %dma_wait3A_540 = tpu.memref_slice %arg6[%dma_wait3A_538, %dma_wait3A_539] : memref<80000x256xf32, #tpu.memory_space<hbm>> -> memref<64x256xf32, #tpu.memory_space<hbm>>
    %dma_wait3A_541 = arith.constant 0 : i32
    %dma_wait3A_542 = arith.constant 0 : i32
    %dma_wait3A_543 = tpu.memref_slice %arg6[%dma_wait3A_541, %dma_wait3A_542] : memref<80000x256xf32, #tpu.memory_space<hbm>> -> memref<64x256xf32, #tpu.memory_space<hbm>>
    tpu.wait_dma2 semaphore(%arg21 : memref<!tpu.dma_semaphore, #tpu.memory_space<semaphore_mem>>) src(%arg13 : memref<64x256xf32, #tpu.memory_space<vmem>>) dst(%dma_wait3A_543 : memref<64x256xf32, #tpu.memory_space<hbm>>)
    %dma_wait3A_544 = arith.constant 0 : i32
    %dma_wait3A_545 = arith.constant 0 : i32
    %dma_wait3A_546 = tpu.memref_slice %arg7[%dma_wait3A_544, %dma_wait3A_545] : memref<80000x16xf32, #tpu.memory_space<hbm>> -> memref<64x16xf32, #tpu.memory_space<hbm>>
    %dma_wait3A_547 = arith.constant 0 : i32
    %dma_wait3A_548 = arith.constant 0 : i32
    %dma_wait3A_549 = tpu.memref_slice %arg7[%dma_wait3A_547, %dma_wait3A_548] : memref<80000x16xf32, #tpu.memory_space<hbm>> -> memref<64x16xf32, #tpu.memory_space<hbm>>
    tpu.wait_dma2 semaphore(%arg23 : memref<!tpu.dma_semaphore, #tpu.memory_space<semaphore_mem>>) src(%arg15 : memref<64x16xf32, #tpu.memory_space<vmem>>) dst(%dma_wait3A_549 : memref<64x16xf32, #tpu.memory_space<hbm>>)
    return
  }
}

#map = affine_map<(d0, d1) -> (0, 0)>
#map1 = affine_map<(d0, d1) -> (0)>
module attributes {stable_mosaic.version = 14 : i64} {
  func.func @_sc_scatter_body(%arg0: i32, %arg1: i32, %arg2: memref<80000x256xf32, #tpu.memory_space<hbm>>, %arg3: memref<80000xi32, #tpu.memory_space<hbm>>, %arg4: memref<128x256xf32, #tpu.memory_space<hbm>>, %arg5: memref<10240x256xf32, #tpu.memory_space<hbm>>, %arg6: memref<10240x256xf32, #tpu.memory_space<hbm>>, %arg7: memref<128xi32, #tpu.memory_space<vmem>>, %arg8: memref<128xi32, #tpu.memory_space<vmem>>, %arg9: memref<128x256xf32, #tpu.memory_space<vmem>>, %arg10: memref<128x256xf32, #tpu.memory_space<vmem>>, %arg11: memref<!tpu.dma_semaphore, #tpu.memory_space<semaphore_mem>>, %arg12: memref<!tpu.dma_semaphore, #tpu.memory_space<semaphore_mem>>, %arg13: memref<!tpu.dma_semaphore, #tpu.memory_space<semaphore_mem>>, %arg14: memref<!tpu.dma_semaphore, #tpu.memory_space<semaphore_mem>>, %arg15: memref<!tpu.dma_semaphore, #tpu.memory_space<semaphore_mem>>, %arg16: memref<!tpu.dma_semaphore, #tpu.memory_space<semaphore_mem>>) attributes {dimension_semantics = [#tpu.dimension_semantics<core_parallel>, #tpu.dimension_semantics<subcore_parallel>], iteration_bounds = array<i64: 2, 16>, scalar_prefetch = 0 : i64, scratch_operands = 10 : i64, tpu.core_type = #tpu.core_type<sc_vector_subcore>, window_params = [{transform_indices = #map}, {transform_indices = #map1}, {transform_indices = #map}, {transform_indices = #map}, {transform_indices = #map}]} {
    "tpu.region"() ({
      %run_scoped3A = tpu.sem_alloc : memref<!tpu.dma_semaphore, #tpu.memory_space<semaphore_mem>>
      tpu.enqueue_dma source(%arg4 : memref<128x256xf32, #tpu.memory_space<hbm>>) target(%arg9 : memref<128x256xf32, #tpu.memory_space<vmem>>) target_semaphore(%run_scoped3A : memref<!tpu.dma_semaphore, #tpu.memory_space<semaphore_mem>>)
      tpu.wait_dma2 semaphore(%run_scoped3A : memref<!tpu.dma_semaphore, #tpu.memory_space<semaphore_mem>>) src(%arg4 : memref<128x256xf32, #tpu.memory_space<hbm>>) dst(%arg9 : memref<128x256xf32, #tpu.memory_space<vmem>>)
      tpu.yield
    }) : () -> ()
    %eq3A = arith.constant 0 : i32
    %eq3A_0 = arith.cmpi eq, %arg0, %eq3A : i32
    %convert_element_type3A = arith.extui %eq3A_0 : i1 to i32
    %cond3A = arith.constant 0 : i32
    %cond3A_1 = arith.cmpi ne, %convert_element_type3A, %cond3A : i32
    scf.if %cond3A_1 {
      %mul3A_69 = arith.constant 640 : i32
      %mul3A_70 = arith.muli %arg1, %mul3A_69 : i32
      %add3A_71 = arith.constant 0 : i32
      %add3A_72 = arith.addi %mul3A_70, %add3A_71 : i32
      "tpu.region"() ({
        %run_scoped3A = tpu.sem_alloc : memref<!tpu.dma_semaphore, #tpu.memory_space<semaphore_mem>>
        %dma_start3A_89 = arith.constant 0 : i32
        %dma_start3A_90 = tpu.memref_slice %arg5[%add3A_72, %dma_start3A_89] : memref<10240x256xf32, #tpu.memory_space<hbm>> -> memref<128x256xf32, #tpu.memory_space<hbm>>
        %dma_start3A_91 = arith.constant 0 : i32
        %dma_start3A_92 = tpu.memref_slice %arg5[%add3A_72, %dma_start3A_91] : memref<10240x256xf32, #tpu.memory_space<hbm>> -> memref<128x256xf32, #tpu.memory_space<hbm>>
        tpu.enqueue_dma source(%arg9 : memref<128x256xf32, #tpu.memory_space<vmem>>) target(%dma_start3A_92 : memref<128x256xf32, #tpu.memory_space<hbm>>) target_semaphore(%run_scoped3A : memref<!tpu.dma_semaphore, #tpu.memory_space<semaphore_mem>>)
        %dma_wait3A = arith.constant 0 : i32
        %dma_wait3A_93 = tpu.memref_slice %arg5[%add3A_72, %dma_wait3A] : memref<10240x256xf32, #tpu.memory_space<hbm>> -> memref<128x256xf32, #tpu.memory_space<hbm>>
        %dma_wait3A_94 = arith.constant 0 : i32
        %dma_wait3A_95 = tpu.memref_slice %arg5[%add3A_72, %dma_wait3A_94] : memref<10240x256xf32, #tpu.memory_space<hbm>> -> memref<128x256xf32, #tpu.memory_space<hbm>>
        tpu.wait_dma2 semaphore(%run_scoped3A : memref<!tpu.dma_semaphore, #tpu.memory_space<semaphore_mem>>) src(%arg9 : memref<128x256xf32, #tpu.memory_space<vmem>>) dst(%dma_wait3A_95 : memref<128x256xf32, #tpu.memory_space<hbm>>)
        tpu.yield
      }) : () -> ()
      %mul3A_73 = arith.constant 640 : i32
      %mul3A_74 = arith.muli %arg1, %mul3A_73 : i32
      %add3A_75 = arith.constant 128 : i32
      %add3A_76 = arith.addi %mul3A_74, %add3A_75 : i32
      "tpu.region"() ({
        %run_scoped3A = tpu.sem_alloc : memref<!tpu.dma_semaphore, #tpu.memory_space<semaphore_mem>>
        %dma_start3A_89 = arith.constant 0 : i32
        %dma_start3A_90 = tpu.memref_slice %arg5[%add3A_76, %dma_start3A_89] : memref<10240x256xf32, #tpu.memory_space<hbm>> -> memref<128x256xf32, #tpu.memory_space<hbm>>
        %dma_start3A_91 = arith.constant 0 : i32
        %dma_start3A_92 = tpu.memref_slice %arg5[%add3A_76, %dma_start3A_91] : memref<10240x256xf32, #tpu.memory_space<hbm>> -> memref<128x256xf32, #tpu.memory_space<hbm>>
        tpu.enqueue_dma source(%arg9 : memref<128x256xf32, #tpu.memory_space<vmem>>) target(%dma_start3A_92 : memref<128x256xf32, #tpu.memory_space<hbm>>) target_semaphore(%run_scoped3A : memref<!tpu.dma_semaphore, #tpu.memory_space<semaphore_mem>>)
        %dma_wait3A = arith.constant 0 : i32
        %dma_wait3A_93 = tpu.memref_slice %arg5[%add3A_76, %dma_wait3A] : memref<10240x256xf32, #tpu.memory_space<hbm>> -> memref<128x256xf32, #tpu.memory_space<hbm>>
        %dma_wait3A_94 = arith.constant 0 : i32
        %dma_wait3A_95 = tpu.memref_slice %arg5[%add3A_76, %dma_wait3A_94] : memref<10240x256xf32, #tpu.memory_space<hbm>> -> memref<128x256xf32, #tpu.memory_space<hbm>>
        tpu.wait_dma2 semaphore(%run_scoped3A : memref<!tpu.dma_semaphore, #tpu.memory_space<semaphore_mem>>) src(%arg9 : memref<128x256xf32, #tpu.memory_space<vmem>>) dst(%dma_wait3A_95 : memref<128x256xf32, #tpu.memory_space<hbm>>)
        tpu.yield
      }) : () -> ()
      %mul3A_77 = arith.constant 640 : i32
      %mul3A_78 = arith.muli %arg1, %mul3A_77 : i32
      %add3A_79 = arith.constant 256 : i32
      %add3A_80 = arith.addi %mul3A_78, %add3A_79 : i32
      "tpu.region"() ({
        %run_scoped3A = tpu.sem_alloc : memref<!tpu.dma_semaphore, #tpu.memory_space<semaphore_mem>>
        %dma_start3A_89 = arith.constant 0 : i32
        %dma_start3A_90 = tpu.memref_slice %arg5[%add3A_80, %dma_start3A_89] : memref<10240x256xf32, #tpu.memory_space<hbm>> -> memref<128x256xf32, #tpu.memory_space<hbm>>
        %dma_start3A_91 = arith.constant 0 : i32
        %dma_start3A_92 = tpu.memref_slice %arg5[%add3A_80, %dma_start3A_91] : memref<10240x256xf32, #tpu.memory_space<hbm>> -> memref<128x256xf32, #tpu.memory_space<hbm>>
        tpu.enqueue_dma source(%arg9 : memref<128x256xf32, #tpu.memory_space<vmem>>) target(%dma_start3A_92 : memref<128x256xf32, #tpu.memory_space<hbm>>) target_semaphore(%run_scoped3A : memref<!tpu.dma_semaphore, #tpu.memory_space<semaphore_mem>>)
        %dma_wait3A = arith.constant 0 : i32
        %dma_wait3A_93 = tpu.memref_slice %arg5[%add3A_80, %dma_wait3A] : memref<10240x256xf32, #tpu.memory_space<hbm>> -> memref<128x256xf32, #tpu.memory_space<hbm>>
        %dma_wait3A_94 = arith.constant 0 : i32
        %dma_wait3A_95 = tpu.memref_slice %arg5[%add3A_80, %dma_wait3A_94] : memref<10240x256xf32, #tpu.memory_space<hbm>> -> memref<128x256xf32, #tpu.memory_space<hbm>>
        tpu.wait_dma2 semaphore(%run_scoped3A : memref<!tpu.dma_semaphore, #tpu.memory_space<semaphore_mem>>) src(%arg9 : memref<128x256xf32, #tpu.memory_space<vmem>>) dst(%dma_wait3A_95 : memref<128x256xf32, #tpu.memory_space<hbm>>)
        tpu.yield
      }) : () -> ()
      %mul3A_81 = arith.constant 640 : i32
      %mul3A_82 = arith.muli %arg1, %mul3A_81 : i32
      %add3A_83 = arith.constant 384 : i32
      %add3A_84 = arith.addi %mul3A_82, %add3A_83 : i32
      "tpu.region"() ({
        %run_scoped3A = tpu.sem_alloc : memref<!tpu.dma_semaphore, #tpu.memory_space<semaphore_mem>>
        %dma_start3A_89 = arith.constant 0 : i32
        %dma_start3A_90 = tpu.memref_slice %arg5[%add3A_84, %dma_start3A_89] : memref<10240x256xf32, #tpu.memory_space<hbm>> -> memref<128x256xf32, #tpu.memory_space<hbm>>
        %dma_start3A_91 = arith.constant 0 : i32
        %dma_start3A_92 = tpu.memref_slice %arg5[%add3A_84, %dma_start3A_91] : memref<10240x256xf32, #tpu.memory_space<hbm>> -> memref<128x256xf32, #tpu.memory_space<hbm>>
        tpu.enqueue_dma source(%arg9 : memref<128x256xf32, #tpu.memory_space<vmem>>) target(%dma_start3A_92 : memref<128x256xf32, #tpu.memory_space<hbm>>) target_semaphore(%run_scoped3A : memref<!tpu.dma_semaphore, #tpu.memory_space<semaphore_mem>>)
        %dma_wait3A = arith.constant 0 : i32
        %dma_wait3A_93 = tpu.memref_slice %arg5[%add3A_84, %dma_wait3A] : memref<10240x256xf32, #tpu.memory_space<hbm>> -> memref<128x256xf32, #tpu.memory_space<hbm>>
        %dma_wait3A_94 = arith.constant 0 : i32
        %dma_wait3A_95 = tpu.memref_slice %arg5[%add3A_84, %dma_wait3A_94] : memref<10240x256xf32, #tpu.memory_space<hbm>> -> memref<128x256xf32, #tpu.memory_space<hbm>>
        tpu.wait_dma2 semaphore(%run_scoped3A : memref<!tpu.dma_semaphore, #tpu.memory_space<semaphore_mem>>) src(%arg9 : memref<128x256xf32, #tpu.memory_space<vmem>>) dst(%dma_wait3A_95 : memref<128x256xf32, #tpu.memory_space<hbm>>)
        tpu.yield
      }) : () -> ()
      %mul3A_85 = arith.constant 640 : i32
      %mul3A_86 = arith.muli %arg1, %mul3A_85 : i32
      %add3A_87 = arith.constant 512 : i32
      %add3A_88 = arith.addi %mul3A_86, %add3A_87 : i32
      "tpu.region"() ({
        %run_scoped3A = tpu.sem_alloc : memref<!tpu.dma_semaphore, #tpu.memory_space<semaphore_mem>>
        %dma_start3A_89 = arith.constant 0 : i32
        %dma_start3A_90 = tpu.memref_slice %arg5[%add3A_88, %dma_start3A_89] : memref<10240x256xf32, #tpu.memory_space<hbm>> -> memref<128x256xf32, #tpu.memory_space<hbm>>
        %dma_start3A_91 = arith.constant 0 : i32
        %dma_start3A_92 = tpu.memref_slice %arg5[%add3A_88, %dma_start3A_91] : memref<10240x256xf32, #tpu.memory_space<hbm>> -> memref<128x256xf32, #tpu.memory_space<hbm>>
        tpu.enqueue_dma source(%arg9 : memref<128x256xf32, #tpu.memory_space<vmem>>) target(%dma_start3A_92 : memref<128x256xf32, #tpu.memory_space<hbm>>) target_semaphore(%run_scoped3A : memref<!tpu.dma_semaphore, #tpu.memory_space<semaphore_mem>>)
        %dma_wait3A = arith.constant 0 : i32
        %dma_wait3A_93 = tpu.memref_slice %arg5[%add3A_88, %dma_wait3A] : memref<10240x256xf32, #tpu.memory_space<hbm>> -> memref<128x256xf32, #tpu.memory_space<hbm>>
        %dma_wait3A_94 = arith.constant 0 : i32
        %dma_wait3A_95 = tpu.memref_slice %arg5[%add3A_88, %dma_wait3A_94] : memref<10240x256xf32, #tpu.memory_space<hbm>> -> memref<128x256xf32, #tpu.memory_space<hbm>>
        tpu.wait_dma2 semaphore(%run_scoped3A : memref<!tpu.dma_semaphore, #tpu.memory_space<semaphore_mem>>) src(%arg9 : memref<128x256xf32, #tpu.memory_space<vmem>>) dst(%dma_wait3A_95 : memref<128x256xf32, #tpu.memory_space<hbm>>)
        tpu.yield
      }) : () -> ()
    } else {
    }
    %eq3A_2 = arith.constant 1 : i32
    %eq3A_3 = arith.cmpi eq, %arg0, %eq3A_2 : i32
    %convert_element_type3A_4 = arith.extui %eq3A_3 : i1 to i32
    %cond3A_5 = arith.constant 0 : i32
    %cond3A_6 = arith.cmpi ne, %convert_element_type3A_4, %cond3A_5 : i32
    scf.if %cond3A_6 {
      %mul3A_69 = arith.constant 640 : i32
      %mul3A_70 = arith.muli %arg1, %mul3A_69 : i32
      %add3A_71 = arith.constant 0 : i32
      %add3A_72 = arith.addi %mul3A_70, %add3A_71 : i32
      "tpu.region"() ({
        %run_scoped3A = tpu.sem_alloc : memref<!tpu.dma_semaphore, #tpu.memory_space<semaphore_mem>>
        %dma_start3A_89 = arith.constant 0 : i32
        %dma_start3A_90 = tpu.memref_slice %arg6[%add3A_72, %dma_start3A_89] : memref<10240x256xf32, #tpu.memory_space<hbm>> -> memref<128x256xf32, #tpu.memory_space<hbm>>
        %dma_start3A_91 = arith.constant 0 : i32
        %dma_start3A_92 = tpu.memref_slice %arg6[%add3A_72, %dma_start3A_91] : memref<10240x256xf32, #tpu.memory_space<hbm>> -> memref<128x256xf32, #tpu.memory_space<hbm>>
        tpu.enqueue_dma source(%arg9 : memref<128x256xf32, #tpu.memory_space<vmem>>) target(%dma_start3A_92 : memref<128x256xf32, #tpu.memory_space<hbm>>) target_semaphore(%run_scoped3A : memref<!tpu.dma_semaphore, #tpu.memory_space<semaphore_mem>>)
        %dma_wait3A = arith.constant 0 : i32
        %dma_wait3A_93 = tpu.memref_slice %arg6[%add3A_72, %dma_wait3A] : memref<10240x256xf32, #tpu.memory_space<hbm>> -> memref<128x256xf32, #tpu.memory_space<hbm>>
        %dma_wait3A_94 = arith.constant 0 : i32
        %dma_wait3A_95 = tpu.memref_slice %arg6[%add3A_72, %dma_wait3A_94] : memref<10240x256xf32, #tpu.memory_space<hbm>> -> memref<128x256xf32, #tpu.memory_space<hbm>>
        tpu.wait_dma2 semaphore(%run_scoped3A : memref<!tpu.dma_semaphore, #tpu.memory_space<semaphore_mem>>) src(%arg9 : memref<128x256xf32, #tpu.memory_space<vmem>>) dst(%dma_wait3A_95 : memref<128x256xf32, #tpu.memory_space<hbm>>)
        tpu.yield
      }) : () -> ()
      %mul3A_73 = arith.constant 640 : i32
      %mul3A_74 = arith.muli %arg1, %mul3A_73 : i32
      %add3A_75 = arith.constant 128 : i32
      %add3A_76 = arith.addi %mul3A_74, %add3A_75 : i32
      "tpu.region"() ({
        %run_scoped3A = tpu.sem_alloc : memref<!tpu.dma_semaphore, #tpu.memory_space<semaphore_mem>>
        %dma_start3A_89 = arith.constant 0 : i32
        %dma_start3A_90 = tpu.memref_slice %arg6[%add3A_76, %dma_start3A_89] : memref<10240x256xf32, #tpu.memory_space<hbm>> -> memref<128x256xf32, #tpu.memory_space<hbm>>
        %dma_start3A_91 = arith.constant 0 : i32
        %dma_start3A_92 = tpu.memref_slice %arg6[%add3A_76, %dma_start3A_91] : memref<10240x256xf32, #tpu.memory_space<hbm>> -> memref<128x256xf32, #tpu.memory_space<hbm>>
        tpu.enqueue_dma source(%arg9 : memref<128x256xf32, #tpu.memory_space<vmem>>) target(%dma_start3A_92 : memref<128x256xf32, #tpu.memory_space<hbm>>) target_semaphore(%run_scoped3A : memref<!tpu.dma_semaphore, #tpu.memory_space<semaphore_mem>>)
        %dma_wait3A = arith.constant 0 : i32
        %dma_wait3A_93 = tpu.memref_slice %arg6[%add3A_76, %dma_wait3A] : memref<10240x256xf32, #tpu.memory_space<hbm>> -> memref<128x256xf32, #tpu.memory_space<hbm>>
        %dma_wait3A_94 = arith.constant 0 : i32
        %dma_wait3A_95 = tpu.memref_slice %arg6[%add3A_76, %dma_wait3A_94] : memref<10240x256xf32, #tpu.memory_space<hbm>> -> memref<128x256xf32, #tpu.memory_space<hbm>>
        tpu.wait_dma2 semaphore(%run_scoped3A : memref<!tpu.dma_semaphore, #tpu.memory_space<semaphore_mem>>) src(%arg9 : memref<128x256xf32, #tpu.memory_space<vmem>>) dst(%dma_wait3A_95 : memref<128x256xf32, #tpu.memory_space<hbm>>)
        tpu.yield
      }) : () -> ()
      %mul3A_77 = arith.constant 640 : i32
      %mul3A_78 = arith.muli %arg1, %mul3A_77 : i32
      %add3A_79 = arith.constant 256 : i32
      %add3A_80 = arith.addi %mul3A_78, %add3A_79 : i32
      "tpu.region"() ({
        %run_scoped3A = tpu.sem_alloc : memref<!tpu.dma_semaphore, #tpu.memory_space<semaphore_mem>>
        %dma_start3A_89 = arith.constant 0 : i32
        %dma_start3A_90 = tpu.memref_slice %arg6[%add3A_80, %dma_start3A_89] : memref<10240x256xf32, #tpu.memory_space<hbm>> -> memref<128x256xf32, #tpu.memory_space<hbm>>
        %dma_start3A_91 = arith.constant 0 : i32
        %dma_start3A_92 = tpu.memref_slice %arg6[%add3A_80, %dma_start3A_91] : memref<10240x256xf32, #tpu.memory_space<hbm>> -> memref<128x256xf32, #tpu.memory_space<hbm>>
        tpu.enqueue_dma source(%arg9 : memref<128x256xf32, #tpu.memory_space<vmem>>) target(%dma_start3A_92 : memref<128x256xf32, #tpu.memory_space<hbm>>) target_semaphore(%run_scoped3A : memref<!tpu.dma_semaphore, #tpu.memory_space<semaphore_mem>>)
        %dma_wait3A = arith.constant 0 : i32
        %dma_wait3A_93 = tpu.memref_slice %arg6[%add3A_80, %dma_wait3A] : memref<10240x256xf32, #tpu.memory_space<hbm>> -> memref<128x256xf32, #tpu.memory_space<hbm>>
        %dma_wait3A_94 = arith.constant 0 : i32
        %dma_wait3A_95 = tpu.memref_slice %arg6[%add3A_80, %dma_wait3A_94] : memref<10240x256xf32, #tpu.memory_space<hbm>> -> memref<128x256xf32, #tpu.memory_space<hbm>>
        tpu.wait_dma2 semaphore(%run_scoped3A : memref<!tpu.dma_semaphore, #tpu.memory_space<semaphore_mem>>) src(%arg9 : memref<128x256xf32, #tpu.memory_space<vmem>>) dst(%dma_wait3A_95 : memref<128x256xf32, #tpu.memory_space<hbm>>)
        tpu.yield
      }) : () -> ()
      %mul3A_81 = arith.constant 640 : i32
      %mul3A_82 = arith.muli %arg1, %mul3A_81 : i32
      %add3A_83 = arith.constant 384 : i32
      %add3A_84 = arith.addi %mul3A_82, %add3A_83 : i32
      "tpu.region"() ({
        %run_scoped3A = tpu.sem_alloc : memref<!tpu.dma_semaphore, #tpu.memory_space<semaphore_mem>>
        %dma_start3A_89 = arith.constant 0 : i32
        %dma_start3A_90 = tpu.memref_slice %arg6[%add3A_84, %dma_start3A_89] : memref<10240x256xf32, #tpu.memory_space<hbm>> -> memref<128x256xf32, #tpu.memory_space<hbm>>
        %dma_start3A_91 = arith.constant 0 : i32
        %dma_start3A_92 = tpu.memref_slice %arg6[%add3A_84, %dma_start3A_91] : memref<10240x256xf32, #tpu.memory_space<hbm>> -> memref<128x256xf32, #tpu.memory_space<hbm>>
        tpu.enqueue_dma source(%arg9 : memref<128x256xf32, #tpu.memory_space<vmem>>) target(%dma_start3A_92 : memref<128x256xf32, #tpu.memory_space<hbm>>) target_semaphore(%run_scoped3A : memref<!tpu.dma_semaphore, #tpu.memory_space<semaphore_mem>>)
        %dma_wait3A = arith.constant 0 : i32
        %dma_wait3A_93 = tpu.memref_slice %arg6[%add3A_84, %dma_wait3A] : memref<10240x256xf32, #tpu.memory_space<hbm>> -> memref<128x256xf32, #tpu.memory_space<hbm>>
        %dma_wait3A_94 = arith.constant 0 : i32
        %dma_wait3A_95 = tpu.memref_slice %arg6[%add3A_84, %dma_wait3A_94] : memref<10240x256xf32, #tpu.memory_space<hbm>> -> memref<128x256xf32, #tpu.memory_space<hbm>>
        tpu.wait_dma2 semaphore(%run_scoped3A : memref<!tpu.dma_semaphore, #tpu.memory_space<semaphore_mem>>) src(%arg9 : memref<128x256xf32, #tpu.memory_space<vmem>>) dst(%dma_wait3A_95 : memref<128x256xf32, #tpu.memory_space<hbm>>)
        tpu.yield
      }) : () -> ()
      %mul3A_85 = arith.constant 640 : i32
      %mul3A_86 = arith.muli %arg1, %mul3A_85 : i32
      %add3A_87 = arith.constant 512 : i32
      %add3A_88 = arith.addi %mul3A_86, %add3A_87 : i32
      "tpu.region"() ({
        %run_scoped3A = tpu.sem_alloc : memref<!tpu.dma_semaphore, #tpu.memory_space<semaphore_mem>>
        %dma_start3A_89 = arith.constant 0 : i32
        %dma_start3A_90 = tpu.memref_slice %arg6[%add3A_88, %dma_start3A_89] : memref<10240x256xf32, #tpu.memory_space<hbm>> -> memref<128x256xf32, #tpu.memory_space<hbm>>
        %dma_start3A_91 = arith.constant 0 : i32
        %dma_start3A_92 = tpu.memref_slice %arg6[%add3A_88, %dma_start3A_91] : memref<10240x256xf32, #tpu.memory_space<hbm>> -> memref<128x256xf32, #tpu.memory_space<hbm>>
        tpu.enqueue_dma source(%arg9 : memref<128x256xf32, #tpu.memory_space<vmem>>) target(%dma_start3A_92 : memref<128x256xf32, #tpu.memory_space<hbm>>) target_semaphore(%run_scoped3A : memref<!tpu.dma_semaphore, #tpu.memory_space<semaphore_mem>>)
        %dma_wait3A = arith.constant 0 : i32
        %dma_wait3A_93 = tpu.memref_slice %arg6[%add3A_88, %dma_wait3A] : memref<10240x256xf32, #tpu.memory_space<hbm>> -> memref<128x256xf32, #tpu.memory_space<hbm>>
        %dma_wait3A_94 = arith.constant 0 : i32
        %dma_wait3A_95 = tpu.memref_slice %arg6[%add3A_88, %dma_wait3A_94] : memref<10240x256xf32, #tpu.memory_space<hbm>> -> memref<128x256xf32, #tpu.memory_space<hbm>>
        tpu.wait_dma2 semaphore(%run_scoped3A : memref<!tpu.dma_semaphore, #tpu.memory_space<semaphore_mem>>) src(%arg9 : memref<128x256xf32, #tpu.memory_space<vmem>>) dst(%dma_wait3A_95 : memref<128x256xf32, #tpu.memory_space<hbm>>)
        tpu.yield
      }) : () -> ()
    } else {
    }
    %barrier3A = arith.constant 0 : index
    tpu.barrier barrier_id(%barrier3A)
    %eq3A_7 = arith.constant 0 : i32
    %eq3A_8 = arith.cmpi eq, %arg0, %eq3A_7 : i32
    %jit3A = arith.constant 313 : i32
    %jit3A_9 = arith.constant 312 : i32
    %select_n3A = arith.select %eq3A_8, %jit3A, %jit3A_9 : i32
    %jit3A_10 = arith.constant 16 : i32
    %div3A = arith.divsi %select_n3A, %jit3A_10 : i32
    %sign3A = arith.constant 0 : i32
    %sign3A_11 = arith.cmpi sgt, %select_n3A, %sign3A : i32
    %sign3A_12 = arith.extui %sign3A_11 : i1 to i32
    %sign3A_13 = arith.constant 0 : i32
    %sign3A_14 = arith.cmpi slt, %select_n3A, %sign3A_13 : i32
    %sign3A_15 = arith.extui %sign3A_14 : i1 to i32
    %sign3A_16 = arith.subi %sign3A_12, %sign3A_15 : i32
    %sign3A_17 = arith.constant 0 : i32
    %sign3A_18 = arith.cmpi sgt, %jit3A_10, %sign3A_17 : i32
    %sign3A_19 = arith.extui %sign3A_18 : i1 to i32
    %sign3A_20 = arith.constant 0 : i32
    %sign3A_21 = arith.cmpi slt, %jit3A_10, %sign3A_20 : i32
    %sign3A_22 = arith.extui %sign3A_21 : i1 to i32
    %sign3A_23 = arith.subi %sign3A_19, %sign3A_22 : i32
    %ne3A = arith.cmpi ne, %sign3A_16, %sign3A_23 : i32
    %rem3A = arith.remsi %select_n3A, %jit3A_10 : i32
    %ne3A_24 = arith.constant 0 : i32
    %ne3A_25 = arith.cmpi ne, %rem3A, %ne3A_24 : i32
    %and3A = arith.andi %ne3A, %ne3A_25 : i1
    %sub3A = arith.constant 1 : i32
    %sub3A_26 = arith.subi %div3A, %sub3A : i32
    %select_n3A_27 = arith.select %and3A, %sub3A_26, %div3A : i32
    %mul3A = arith.constant 16 : i32
    %mul3A_28 = arith.muli %select_n3A_27, %mul3A : i32
    %sub3A_29 = arith.subi %select_n3A, %mul3A_28 : i32
    %lt3A = arith.cmpi slt, %arg1, %sub3A_29 : i32
    %add3A = arith.constant 1 : i32
    %add3A_30 = arith.addi %select_n3A_27, %add3A : i32
    %select_n3A_31 = arith.select %lt3A, %add3A_30, %select_n3A_27 : i32
    %mul3A_32 = arith.constant 313 : i32
    %mul3A_33 = arith.muli %arg0, %mul3A_32 : i32
    %add3A_34 = arith.addi %mul3A_33, %arg1 : i32
    %add3A_35 = arith.constant 0 : i32
    %add3A_36 = arith.addi %add3A_34, %add3A_35 : i32
    %mul3A_37 = arith.constant 128 : i32
    %mul3A_38 = arith.muli %add3A_36, %mul3A_37 : i32
    %multiple_of3A = tpu.assume_multiple %mul3A_38, 128 : i32
    %dma_start3A = tpu.memref_slice %arg3[%multiple_of3A] : memref<80000xi32, #tpu.memory_space<hbm>> -> memref<128xi32, #tpu.memory_space<hbm>>
    %dma_start3A_39 = tpu.memref_slice %arg3[%multiple_of3A] : memref<80000xi32, #tpu.memory_space<hbm>> -> memref<128xi32, #tpu.memory_space<hbm>>
    tpu.enqueue_dma source(%dma_start3A_39 : memref<128xi32, #tpu.memory_space<hbm>>) target(%arg7 : memref<128xi32, #tpu.memory_space<vmem>>) target_semaphore(%arg11 : memref<!tpu.dma_semaphore, #tpu.memory_space<semaphore_mem>>)
    %dma_start3A_40 = arith.constant 0 : i32
    %dma_start3A_41 = tpu.memref_slice %arg2[%multiple_of3A, %dma_start3A_40] : memref<80000x256xf32, #tpu.memory_space<hbm>> -> memref<128x256xf32, #tpu.memory_space<hbm>>
    %dma_start3A_42 = arith.constant 0 : i32
    %dma_start3A_43 = tpu.memref_slice %arg2[%multiple_of3A, %dma_start3A_42] : memref<80000x256xf32, #tpu.memory_space<hbm>> -> memref<128x256xf32, #tpu.memory_space<hbm>>
    tpu.enqueue_dma source(%dma_start3A_43 : memref<128x256xf32, #tpu.memory_space<hbm>>) target(%arg9 : memref<128x256xf32, #tpu.memory_space<vmem>>) target_semaphore(%arg13 : memref<!tpu.dma_semaphore, #tpu.memory_space<semaphore_mem>>)
    %scan3A = arith.constant 0 : i32
    %scan3A_44 = arith.constant 0 : i32
    %scan3A_45 = arith.constant 10 : i32
    %scan3A_46 = arith.addi %scan3A_44, %scan3A_45 : i32
    %scan3A_47 = arith.constant 1 : i32
    scf.for %scan3A_69 = %scan3A_44 to %scan3A_46 step %scan3A_47  : i32 {
      %mul3A_70 = arith.constant 2 : i32
      %mul3A_71 = arith.muli %mul3A_70, %scan3A_69 : i32
      %lt3A_72 = arith.cmpi slt, %mul3A_71, %select_n3A_31 : i32
      %convert_element_type3A_73 = arith.extui %lt3A_72 : i1 to i32
      %cond3A_74 = arith.constant 0 : i32
      %cond3A_75 = arith.cmpi ne, %convert_element_type3A_73, %cond3A_74 : i32
      scf.if %cond3A_75 {
        %add3A_84 = arith.constant 1 : i32
        %add3A_85 = arith.addi %mul3A_71, %add3A_84 : i32
        %lt3A_86 = arith.cmpi slt, %add3A_85, %select_n3A_31 : i32
        %convert_element_type3A_87 = arith.extui %lt3A_86 : i1 to i32
        %cond3A_88 = arith.constant 0 : i32
        %cond3A_89 = arith.cmpi ne, %convert_element_type3A_87, %cond3A_88 : i32
        scf.if %cond3A_89 {
          %ge3A = arith.constant 1 : i32
          %ge3A_109 = arith.cmpi sge, %mul3A_71, %ge3A : i32
          %convert_element_type3A_110 = arith.extui %ge3A_109 : i1 to i32
          %cond3A_111 = arith.constant 0 : i32
          %cond3A_112 = arith.cmpi ne, %convert_element_type3A_110, %cond3A_111 : i32
          scf.if %cond3A_112 {
            %eq3A_130 = arith.constant 0 : i32
            %eq3A_131 = arith.cmpi eq, %arg0, %eq3A_130 : i32
            %convert_element_type3A_132 = arith.extui %eq3A_131 : i1 to i32
            %cond3A_133 = arith.constant 0 : i32
            %cond3A_134 = arith.cmpi ne, %convert_element_type3A_132, %cond3A_133 : i32
            scf.if %cond3A_134 {
              %dma_wait3A_140 = arith.constant 0 : i32
              %dma_wait3A_141 = arith.constant 0 : i32
              %dma_wait3A_142 = tpu.memref_slice %arg5[%dma_wait3A_140, %dma_wait3A_141] : memref<10240x256xf32, #tpu.memory_space<hbm>> -> memref<128x256xf32, #tpu.memory_space<hbm>>
              %dma_wait3A_143 = arith.constant 0 : i32
              %dma_wait3A_144 = arith.constant 0 : i32
              %dma_wait3A_145 = tpu.memref_slice %arg5[%dma_wait3A_143, %dma_wait3A_144] : memref<10240x256xf32, #tpu.memory_space<hbm>> -> memref<128x256xf32, #tpu.memory_space<hbm>>
              tpu.wait_dma2 semaphore(%arg16 : memref<!tpu.dma_semaphore, #tpu.memory_space<semaphore_mem>>) src(%arg10 : memref<128x256xf32, #tpu.memory_space<vmem>>) dst(%dma_wait3A_145 : memref<128x256xf32, #tpu.memory_space<hbm>>)
            } else {
            }
            %eq3A_135 = arith.constant 1 : i32
            %eq3A_136 = arith.cmpi eq, %arg0, %eq3A_135 : i32
            %convert_element_type3A_137 = arith.extui %eq3A_136 : i1 to i32
            %cond3A_138 = arith.constant 0 : i32
            %cond3A_139 = arith.cmpi ne, %convert_element_type3A_137, %cond3A_138 : i32
            scf.if %cond3A_139 {
              %dma_wait3A_140 = arith.constant 0 : i32
              %dma_wait3A_141 = arith.constant 0 : i32
              %dma_wait3A_142 = tpu.memref_slice %arg6[%dma_wait3A_140, %dma_wait3A_141] : memref<10240x256xf32, #tpu.memory_space<hbm>> -> memref<128x256xf32, #tpu.memory_space<hbm>>
              %dma_wait3A_143 = arith.constant 0 : i32
              %dma_wait3A_144 = arith.constant 0 : i32
              %dma_wait3A_145 = tpu.memref_slice %arg6[%dma_wait3A_143, %dma_wait3A_144] : memref<10240x256xf32, #tpu.memory_space<hbm>> -> memref<128x256xf32, #tpu.memory_space<hbm>>
              tpu.wait_dma2 semaphore(%arg16 : memref<!tpu.dma_semaphore, #tpu.memory_space<semaphore_mem>>) src(%arg10 : memref<128x256xf32, #tpu.memory_space<vmem>>) dst(%dma_wait3A_145 : memref<128x256xf32, #tpu.memory_space<hbm>>)
            } else {
            }
          } else {
          }
          %add3A_113 = arith.constant 1 : i32
          %add3A_114 = arith.addi %mul3A_71, %add3A_113 : i32
          %mul3A_115 = arith.constant 313 : i32
          %mul3A_116 = arith.muli %arg0, %mul3A_115 : i32
          %add3A_117 = arith.addi %mul3A_116, %arg1 : i32
          %mul3A_118 = arith.constant 16 : i32
          %mul3A_119 = arith.muli %add3A_114, %mul3A_118 : i32
          %add3A_120 = arith.addi %add3A_117, %mul3A_119 : i32
          %mul3A_121 = arith.constant 128 : i32
          %mul3A_122 = arith.muli %add3A_120, %mul3A_121 : i32
          %multiple_of3A_123 = tpu.assume_multiple %mul3A_122, 128 : i32
          %dma_start3A_124 = tpu.memref_slice %arg3[%multiple_of3A_123] : memref<80000xi32, #tpu.memory_space<hbm>> -> memref<128xi32, #tpu.memory_space<hbm>>
          %dma_start3A_125 = tpu.memref_slice %arg3[%multiple_of3A_123] : memref<80000xi32, #tpu.memory_space<hbm>> -> memref<128xi32, #tpu.memory_space<hbm>>
          tpu.enqueue_dma source(%dma_start3A_125 : memref<128xi32, #tpu.memory_space<hbm>>) target(%arg8 : memref<128xi32, #tpu.memory_space<vmem>>) target_semaphore(%arg12 : memref<!tpu.dma_semaphore, #tpu.memory_space<semaphore_mem>>)
          %dma_start3A_126 = arith.constant 0 : i32
          %dma_start3A_127 = tpu.memref_slice %arg2[%multiple_of3A_123, %dma_start3A_126] : memref<80000x256xf32, #tpu.memory_space<hbm>> -> memref<128x256xf32, #tpu.memory_space<hbm>>
          %dma_start3A_128 = arith.constant 0 : i32
          %dma_start3A_129 = tpu.memref_slice %arg2[%multiple_of3A_123, %dma_start3A_128] : memref<80000x256xf32, #tpu.memory_space<hbm>> -> memref<128x256xf32, #tpu.memory_space<hbm>>
          tpu.enqueue_dma source(%dma_start3A_129 : memref<128x256xf32, #tpu.memory_space<hbm>>) target(%arg10 : memref<128x256xf32, #tpu.memory_space<vmem>>) target_semaphore(%arg14 : memref<!tpu.dma_semaphore, #tpu.memory_space<semaphore_mem>>)
        } else {
        }
        %dma_wait3A = arith.constant 0 : i32
        %dma_wait3A_90 = tpu.memref_slice %arg3[%dma_wait3A] : memref<80000xi32, #tpu.memory_space<hbm>> -> memref<128xi32, #tpu.memory_space<hbm>>
        %dma_wait3A_91 = arith.constant 0 : i32
        %dma_wait3A_92 = tpu.memref_slice %arg3[%dma_wait3A_91] : memref<80000xi32, #tpu.memory_space<hbm>> -> memref<128xi32, #tpu.memory_space<hbm>>
        tpu.wait_dma2 semaphore(%arg11 : memref<!tpu.dma_semaphore, #tpu.memory_space<semaphore_mem>>) src(%dma_wait3A_92 : memref<128xi32, #tpu.memory_space<hbm>>) dst(%arg7 : memref<128xi32, #tpu.memory_space<vmem>>)
        %dma_wait3A_93 = arith.constant 0 : i32
        %dma_wait3A_94 = arith.constant 0 : i32
        %dma_wait3A_95 = tpu.memref_slice %arg2[%dma_wait3A_93, %dma_wait3A_94] : memref<80000x256xf32, #tpu.memory_space<hbm>> -> memref<128x256xf32, #tpu.memory_space<hbm>>
        %dma_wait3A_96 = arith.constant 0 : i32
        %dma_wait3A_97 = arith.constant 0 : i32
        %dma_wait3A_98 = tpu.memref_slice %arg2[%dma_wait3A_96, %dma_wait3A_97] : memref<80000x256xf32, #tpu.memory_space<hbm>> -> memref<128x256xf32, #tpu.memory_space<hbm>>
        tpu.wait_dma2 semaphore(%arg13 : memref<!tpu.dma_semaphore, #tpu.memory_space<semaphore_mem>>) src(%dma_wait3A_98 : memref<128x256xf32, #tpu.memory_space<hbm>>) dst(%arg9 : memref<128x256xf32, #tpu.memory_space<vmem>>)
        %eq3A_99 = arith.constant 0 : i32
        %eq3A_100 = arith.cmpi eq, %arg0, %eq3A_99 : i32
        %convert_element_type3A_101 = arith.extui %eq3A_100 : i1 to i32
        %cond3A_102 = arith.constant 0 : i32
        %cond3A_103 = arith.cmpi ne, %convert_element_type3A_101, %cond3A_102 : i32
        scf.if %cond3A_103 {
          %dma_start3A_109 = arith.constant 0 : i32
          %dma_start3A_110 = arith.constant 0 : i32
          %dma_start3A_111 = tpu.memref_slice %arg5[%dma_start3A_109, %dma_start3A_110] : memref<10240x256xf32, #tpu.memory_space<hbm>> -> memref<10240x256xf32, #tpu.memory_space<hbm>>
          tpu.enqueue_indirect_dma source(%arg9 : memref<128x256xf32, #tpu.memory_space<vmem>>) target(%dma_start3A_111 : memref<10240x256xf32, #tpu.memory_space<hbm>>) offsets(%arg7 : memref<128xi32, #tpu.memory_space<vmem>>) semaphore(%arg15 : memref<!tpu.dma_semaphore, #tpu.memory_space<semaphore_mem>>) {add = true}
        } else {
        }
        %eq3A_104 = arith.constant 1 : i32
        %eq3A_105 = arith.cmpi eq, %arg0, %eq3A_104 : i32
        %convert_element_type3A_106 = arith.extui %eq3A_105 : i1 to i32
        %cond3A_107 = arith.constant 0 : i32
        %cond3A_108 = arith.cmpi ne, %convert_element_type3A_106, %cond3A_107 : i32
        scf.if %cond3A_108 {
          %dma_start3A_109 = arith.constant 0 : i32
          %dma_start3A_110 = arith.constant 0 : i32
          %dma_start3A_111 = tpu.memref_slice %arg6[%dma_start3A_109, %dma_start3A_110] : memref<10240x256xf32, #tpu.memory_space<hbm>> -> memref<10240x256xf32, #tpu.memory_space<hbm>>
          tpu.enqueue_indirect_dma source(%arg9 : memref<128x256xf32, #tpu.memory_space<vmem>>) target(%dma_start3A_111 : memref<10240x256xf32, #tpu.memory_space<hbm>>) offsets(%arg7 : memref<128xi32, #tpu.memory_space<vmem>>) semaphore(%arg15 : memref<!tpu.dma_semaphore, #tpu.memory_space<semaphore_mem>>) {add = true}
        } else {
        }
      } else {
      }
      %mul3A_76 = arith.constant 2 : i32
      %mul3A_77 = arith.muli %mul3A_76, %scan3A_69 : i32
      %add3A_78 = arith.constant 1 : i32
      %add3A_79 = arith.addi %mul3A_77, %add3A_78 : i32
      %lt3A_80 = arith.cmpi slt, %add3A_79, %select_n3A_31 : i32
      %convert_element_type3A_81 = arith.extui %lt3A_80 : i1 to i32
      %cond3A_82 = arith.constant 0 : i32
      %cond3A_83 = arith.cmpi ne, %convert_element_type3A_81, %cond3A_82 : i32
      scf.if %cond3A_83 {
        %add3A_84 = arith.constant 1 : i32
        %add3A_85 = arith.addi %add3A_79, %add3A_84 : i32
        %lt3A_86 = arith.cmpi slt, %add3A_85, %select_n3A_31 : i32
        %convert_element_type3A_87 = arith.extui %lt3A_86 : i1 to i32
        %cond3A_88 = arith.constant 0 : i32
        %cond3A_89 = arith.cmpi ne, %convert_element_type3A_87, %cond3A_88 : i32
        scf.if %cond3A_89 {
          %ge3A = arith.constant 1 : i32
          %ge3A_109 = arith.cmpi sge, %add3A_79, %ge3A : i32
          %convert_element_type3A_110 = arith.extui %ge3A_109 : i1 to i32
          %cond3A_111 = arith.constant 0 : i32
          %cond3A_112 = arith.cmpi ne, %convert_element_type3A_110, %cond3A_111 : i32
          scf.if %cond3A_112 {
            %eq3A_130 = arith.constant 0 : i32
            %eq3A_131 = arith.cmpi eq, %arg0, %eq3A_130 : i32
            %convert_element_type3A_132 = arith.extui %eq3A_131 : i1 to i32
            %cond3A_133 = arith.constant 0 : i32
            %cond3A_134 = arith.cmpi ne, %convert_element_type3A_132, %cond3A_133 : i32
            scf.if %cond3A_134 {
              %dma_wait3A_140 = arith.constant 0 : i32
              %dma_wait3A_141 = arith.constant 0 : i32
              %dma_wait3A_142 = tpu.memref_slice %arg5[%dma_wait3A_140, %dma_wait3A_141] : memref<10240x256xf32, #tpu.memory_space<hbm>> -> memref<128x256xf32, #tpu.memory_space<hbm>>
              %dma_wait3A_143 = arith.constant 0 : i32
              %dma_wait3A_144 = arith.constant 0 : i32
              %dma_wait3A_145 = tpu.memref_slice %arg5[%dma_wait3A_143, %dma_wait3A_144] : memref<10240x256xf32, #tpu.memory_space<hbm>> -> memref<128x256xf32, #tpu.memory_space<hbm>>
              tpu.wait_dma2 semaphore(%arg15 : memref<!tpu.dma_semaphore, #tpu.memory_space<semaphore_mem>>) src(%arg9 : memref<128x256xf32, #tpu.memory_space<vmem>>) dst(%dma_wait3A_145 : memref<128x256xf32, #tpu.memory_space<hbm>>)
            } else {
            }
            %eq3A_135 = arith.constant 1 : i32
            %eq3A_136 = arith.cmpi eq, %arg0, %eq3A_135 : i32
            %convert_element_type3A_137 = arith.extui %eq3A_136 : i1 to i32
            %cond3A_138 = arith.constant 0 : i32
            %cond3A_139 = arith.cmpi ne, %convert_element_type3A_137, %cond3A_138 : i32
            scf.if %cond3A_139 {
              %dma_wait3A_140 = arith.constant 0 : i32
              %dma_wait3A_141 = arith.constant 0 : i32
              %dma_wait3A_142 = tpu.memref_slice %arg6[%dma_wait3A_140, %dma_wait3A_141] : memref<10240x256xf32, #tpu.memory_space<hbm>> -> memref<128x256xf32, #tpu.memory_space<hbm>>
              %dma_wait3A_143 = arith.constant 0 : i32
              %dma_wait3A_144 = arith.constant 0 : i32
              %dma_wait3A_145 = tpu.memref_slice %arg6[%dma_wait3A_143, %dma_wait3A_144] : memref<10240x256xf32, #tpu.memory_space<hbm>> -> memref<128x256xf32, #tpu.memory_space<hbm>>
              tpu.wait_dma2 semaphore(%arg15 : memref<!tpu.dma_semaphore, #tpu.memory_space<semaphore_mem>>) src(%arg9 : memref<128x256xf32, #tpu.memory_space<vmem>>) dst(%dma_wait3A_145 : memref<128x256xf32, #tpu.memory_space<hbm>>)
            } else {
            }
          } else {
          }
          %add3A_113 = arith.constant 1 : i32
          %add3A_114 = arith.addi %add3A_79, %add3A_113 : i32
          %mul3A_115 = arith.constant 313 : i32
          %mul3A_116 = arith.muli %arg0, %mul3A_115 : i32
          %add3A_117 = arith.addi %mul3A_116, %arg1 : i32
          %mul3A_118 = arith.constant 16 : i32
          %mul3A_119 = arith.muli %add3A_114, %mul3A_118 : i32
          %add3A_120 = arith.addi %add3A_117, %mul3A_119 : i32
          %mul3A_121 = arith.constant 128 : i32
          %mul3A_122 = arith.muli %add3A_120, %mul3A_121 : i32
          %multiple_of3A_123 = tpu.assume_multiple %mul3A_122, 128 : i32
          %dma_start3A_124 = tpu.memref_slice %arg3[%multiple_of3A_123] : memref<80000xi32, #tpu.memory_space<hbm>> -> memref<128xi32, #tpu.memory_space<hbm>>
          %dma_start3A_125 = tpu.memref_slice %arg3[%multiple_of3A_123] : memref<80000xi32, #tpu.memory_space<hbm>> -> memref<128xi32, #tpu.memory_space<hbm>>
          tpu.enqueue_dma source(%dma_start3A_125 : memref<128xi32, #tpu.memory_space<hbm>>) target(%arg7 : memref<128xi32, #tpu.memory_space<vmem>>) target_semaphore(%arg11 : memref<!tpu.dma_semaphore, #tpu.memory_space<semaphore_mem>>)
          %dma_start3A_126 = arith.constant 0 : i32
          %dma_start3A_127 = tpu.memref_slice %arg2[%multiple_of3A_123, %dma_start3A_126] : memref<80000x256xf32, #tpu.memory_space<hbm>> -> memref<128x256xf32, #tpu.memory_space<hbm>>
          %dma_start3A_128 = arith.constant 0 : i32
          %dma_start3A_129 = tpu.memref_slice %arg2[%multiple_of3A_123, %dma_start3A_128] : memref<80000x256xf32, #tpu.memory_space<hbm>> -> memref<128x256xf32, #tpu.memory_space<hbm>>
          tpu.enqueue_dma source(%dma_start3A_129 : memref<128x256xf32, #tpu.memory_space<hbm>>) target(%arg9 : memref<128x256xf32, #tpu.memory_space<vmem>>) target_semaphore(%arg13 : memref<!tpu.dma_semaphore, #tpu.memory_space<semaphore_mem>>)
        } else {
        }
        %dma_wait3A = arith.constant 0 : i32
        %dma_wait3A_90 = tpu.memref_slice %arg3[%dma_wait3A] : memref<80000xi32, #tpu.memory_space<hbm>> -> memref<128xi32, #tpu.memory_space<hbm>>
        %dma_wait3A_91 = arith.constant 0 : i32
        %dma_wait3A_92 = tpu.memref_slice %arg3[%dma_wait3A_91] : memref<80000xi32, #tpu.memory_space<hbm>> -> memref<128xi32, #tpu.memory_space<hbm>>
        tpu.wait_dma2 semaphore(%arg12 : memref<!tpu.dma_semaphore, #tpu.memory_space<semaphore_mem>>) src(%dma_wait3A_92 : memref<128xi32, #tpu.memory_space<hbm>>) dst(%arg8 : memref<128xi32, #tpu.memory_space<vmem>>)
        %dma_wait3A_93 = arith.constant 0 : i32
        %dma_wait3A_94 = arith.constant 0 : i32
        %dma_wait3A_95 = tpu.memref_slice %arg2[%dma_wait3A_93, %dma_wait3A_94] : memref<80000x256xf32, #tpu.memory_space<hbm>> -> memref<128x256xf32, #tpu.memory_space<hbm>>
        %dma_wait3A_96 = arith.constant 0 : i32
        %dma_wait3A_97 = arith.constant 0 : i32
        %dma_wait3A_98 = tpu.memref_slice %arg2[%dma_wait3A_96, %dma_wait3A_97] : memref<80000x256xf32, #tpu.memory_space<hbm>> -> memref<128x256xf32, #tpu.memory_space<hbm>>
        tpu.wait_dma2 semaphore(%arg14 : memref<!tpu.dma_semaphore, #tpu.memory_space<semaphore_mem>>) src(%dma_wait3A_98 : memref<128x256xf32, #tpu.memory_space<hbm>>) dst(%arg10 : memref<128x256xf32, #tpu.memory_space<vmem>>)
        %eq3A_99 = arith.constant 0 : i32
        %eq3A_100 = arith.cmpi eq, %arg0, %eq3A_99 : i32
        %convert_element_type3A_101 = arith.extui %eq3A_100 : i1 to i32
        %cond3A_102 = arith.constant 0 : i32
        %cond3A_103 = arith.cmpi ne, %convert_element_type3A_101, %cond3A_102 : i32
        scf.if %cond3A_103 {
          %dma_start3A_109 = arith.constant 0 : i32
          %dma_start3A_110 = arith.constant 0 : i32
          %dma_start3A_111 = tpu.memref_slice %arg5[%dma_start3A_109, %dma_start3A_110] : memref<10240x256xf32, #tpu.memory_space<hbm>> -> memref<10240x256xf32, #tpu.memory_space<hbm>>
          tpu.enqueue_indirect_dma source(%arg10 : memref<128x256xf32, #tpu.memory_space<vmem>>) target(%dma_start3A_111 : memref<10240x256xf32, #tpu.memory_space<hbm>>) offsets(%arg8 : memref<128xi32, #tpu.memory_space<vmem>>) semaphore(%arg16 : memref<!tpu.dma_semaphore, #tpu.memory_space<semaphore_mem>>) {add = true}
        } else {
        }
        %eq3A_104 = arith.constant 1 : i32
        %eq3A_105 = arith.cmpi eq, %arg0, %eq3A_104 : i32
        %convert_element_type3A_106 = arith.extui %eq3A_105 : i1 to i32
        %cond3A_107 = arith.constant 0 : i32
        %cond3A_108 = arith.cmpi ne, %convert_element_type3A_106, %cond3A_107 : i32
        scf.if %cond3A_108 {
          %dma_start3A_109 = arith.constant 0 : i32
          %dma_start3A_110 = arith.constant 0 : i32
          %dma_start3A_111 = tpu.memref_slice %arg6[%dma_start3A_109, %dma_start3A_110] : memref<10240x256xf32, #tpu.memory_space<hbm>> -> memref<10240x256xf32, #tpu.memory_space<hbm>>
          tpu.enqueue_indirect_dma source(%arg10 : memref<128x256xf32, #tpu.memory_space<vmem>>) target(%dma_start3A_111 : memref<10240x256xf32, #tpu.memory_space<hbm>>) offsets(%arg8 : memref<128xi32, #tpu.memory_space<vmem>>) semaphore(%arg16 : memref<!tpu.dma_semaphore, #tpu.memory_space<semaphore_mem>>) {add = true}
        } else {
        }
      } else {
      }
    }
    %scan3A_48 = arith.constant 10 : i32
    %eq3A_49 = arith.constant 0 : i32
    %eq3A_50 = arith.cmpi eq, %arg0, %eq3A_49 : i32
    %convert_element_type3A_51 = arith.extui %eq3A_50 : i1 to i32
    %cond3A_52 = arith.constant 0 : i32
    %cond3A_53 = arith.cmpi ne, %convert_element_type3A_51, %cond3A_52 : i32
    scf.if %cond3A_53 {
      %dma_wait3A = arith.constant 0 : i32
      %dma_wait3A_69 = arith.constant 0 : i32
      %dma_wait3A_70 = tpu.memref_slice %arg5[%dma_wait3A, %dma_wait3A_69] : memref<10240x256xf32, #tpu.memory_space<hbm>> -> memref<128x256xf32, #tpu.memory_space<hbm>>
      %dma_wait3A_71 = arith.constant 0 : i32
      %dma_wait3A_72 = arith.constant 0 : i32
      %dma_wait3A_73 = tpu.memref_slice %arg5[%dma_wait3A_71, %dma_wait3A_72] : memref<10240x256xf32, #tpu.memory_space<hbm>> -> memref<128x256xf32, #tpu.memory_space<hbm>>
      tpu.wait_dma2 semaphore(%arg15 : memref<!tpu.dma_semaphore, #tpu.memory_space<semaphore_mem>>) src(%arg9 : memref<128x256xf32, #tpu.memory_space<vmem>>) dst(%dma_wait3A_73 : memref<128x256xf32, #tpu.memory_space<hbm>>)
    } else {
    }
    %eq3A_54 = arith.constant 1 : i32
    %eq3A_55 = arith.cmpi eq, %arg0, %eq3A_54 : i32
    %convert_element_type3A_56 = arith.extui %eq3A_55 : i1 to i32
    %cond3A_57 = arith.constant 0 : i32
    %cond3A_58 = arith.cmpi ne, %convert_element_type3A_56, %cond3A_57 : i32
    scf.if %cond3A_58 {
      %dma_wait3A = arith.constant 0 : i32
      %dma_wait3A_69 = arith.constant 0 : i32
      %dma_wait3A_70 = tpu.memref_slice %arg6[%dma_wait3A, %dma_wait3A_69] : memref<10240x256xf32, #tpu.memory_space<hbm>> -> memref<128x256xf32, #tpu.memory_space<hbm>>
      %dma_wait3A_71 = arith.constant 0 : i32
      %dma_wait3A_72 = arith.constant 0 : i32
      %dma_wait3A_73 = tpu.memref_slice %arg6[%dma_wait3A_71, %dma_wait3A_72] : memref<10240x256xf32, #tpu.memory_space<hbm>> -> memref<128x256xf32, #tpu.memory_space<hbm>>
      tpu.wait_dma2 semaphore(%arg15 : memref<!tpu.dma_semaphore, #tpu.memory_space<semaphore_mem>>) src(%arg9 : memref<128x256xf32, #tpu.memory_space<vmem>>) dst(%dma_wait3A_73 : memref<128x256xf32, #tpu.memory_space<hbm>>)
    } else {
    }
    %eq3A_59 = arith.constant 0 : i32
    %eq3A_60 = arith.cmpi eq, %arg0, %eq3A_59 : i32
    %convert_element_type3A_61 = arith.extui %eq3A_60 : i1 to i32
    %cond3A_62 = arith.constant 0 : i32
    %cond3A_63 = arith.cmpi ne, %convert_element_type3A_61, %cond3A_62 : i32
    scf.if %cond3A_63 {
      %dma_wait3A = arith.constant 0 : i32
      %dma_wait3A_69 = arith.constant 0 : i32
      %dma_wait3A_70 = tpu.memref_slice %arg5[%dma_wait3A, %dma_wait3A_69] : memref<10240x256xf32, #tpu.memory_space<hbm>> -> memref<128x256xf32, #tpu.memory_space<hbm>>
      %dma_wait3A_71 = arith.constant 0 : i32
      %dma_wait3A_72 = arith.constant 0 : i32
      %dma_wait3A_73 = tpu.memref_slice %arg5[%dma_wait3A_71, %dma_wait3A_72] : memref<10240x256xf32, #tpu.memory_space<hbm>> -> memref<128x256xf32, #tpu.memory_space<hbm>>
      tpu.wait_dma2 semaphore(%arg16 : memref<!tpu.dma_semaphore, #tpu.memory_space<semaphore_mem>>) src(%arg10 : memref<128x256xf32, #tpu.memory_space<vmem>>) dst(%dma_wait3A_73 : memref<128x256xf32, #tpu.memory_space<hbm>>)
    } else {
    }
    %eq3A_64 = arith.constant 1 : i32
    %eq3A_65 = arith.cmpi eq, %arg0, %eq3A_64 : i32
    %convert_element_type3A_66 = arith.extui %eq3A_65 : i1 to i32
    %cond3A_67 = arith.constant 0 : i32
    %cond3A_68 = arith.cmpi ne, %convert_element_type3A_66, %cond3A_67 : i32
    scf.if %cond3A_68 {
      %dma_wait3A = arith.constant 0 : i32
      %dma_wait3A_69 = arith.constant 0 : i32
      %dma_wait3A_70 = tpu.memref_slice %arg6[%dma_wait3A, %dma_wait3A_69] : memref<10240x256xf32, #tpu.memory_space<hbm>> -> memref<128x256xf32, #tpu.memory_space<hbm>>
      %dma_wait3A_71 = arith.constant 0 : i32
      %dma_wait3A_72 = arith.constant 0 : i32
      %dma_wait3A_73 = tpu.memref_slice %arg6[%dma_wait3A_71, %dma_wait3A_72] : memref<10240x256xf32, #tpu.memory_space<hbm>> -> memref<128x256xf32, #tpu.memory_space<hbm>>
      tpu.wait_dma2 semaphore(%arg16 : memref<!tpu.dma_semaphore, #tpu.memory_space<semaphore_mem>>) src(%arg10 : memref<128x256xf32, #tpu.memory_space<vmem>>) dst(%dma_wait3A_73 : memref<128x256xf32, #tpu.memory_space<hbm>>)
    } else {
    }
    return
  }
}

#map = affine_map<(d0, d1) -> (0, 0)>
#map1 = affine_map<(d0, d1) -> (0)>
module attributes {stable_mosaic.version = 14 : i64} {
  func.func @_sc_scatter_body(%arg0: i32, %arg1: i32, %arg2: memref<80000x256xf32, #tpu.memory_space<hbm>>, %arg3: memref<80000xi32, #tpu.memory_space<hbm>>, %arg4: memref<128x256xf32, #tpu.memory_space<hbm>>, %arg5: memref<10240x256xf32, #tpu.memory_space<hbm>>, %arg6: memref<10240x256xf32, #tpu.memory_space<hbm>>, %arg7: memref<128xi32, #tpu.memory_space<vmem>>, %arg8: memref<128xi32, #tpu.memory_space<vmem>>, %arg9: memref<128x256xf32, #tpu.memory_space<vmem>>, %arg10: memref<128x256xf32, #tpu.memory_space<vmem>>, %arg11: memref<!tpu.dma_semaphore, #tpu.memory_space<semaphore_mem>>, %arg12: memref<!tpu.dma_semaphore, #tpu.memory_space<semaphore_mem>>, %arg13: memref<!tpu.dma_semaphore, #tpu.memory_space<semaphore_mem>>, %arg14: memref<!tpu.dma_semaphore, #tpu.memory_space<semaphore_mem>>, %arg15: memref<!tpu.dma_semaphore, #tpu.memory_space<semaphore_mem>>, %arg16: memref<!tpu.dma_semaphore, #tpu.memory_space<semaphore_mem>>) attributes {dimension_semantics = [#tpu.dimension_semantics<core_parallel>, #tpu.dimension_semantics<subcore_parallel>], iteration_bounds = array<i64: 2, 16>, scalar_prefetch = 0 : i64, scratch_operands = 10 : i64, tpu.core_type = #tpu.core_type<sc_vector_subcore>, window_params = [{transform_indices = #map}, {transform_indices = #map1}, {transform_indices = #map}, {transform_indices = #map}, {transform_indices = #map}]} {
    "tpu.region"() ({
      %run_scoped3A = tpu.sem_alloc : memref<!tpu.dma_semaphore, #tpu.memory_space<semaphore_mem>>
      tpu.enqueue_dma source(%arg4 : memref<128x256xf32, #tpu.memory_space<hbm>>) target(%arg9 : memref<128x256xf32, #tpu.memory_space<vmem>>) target_semaphore(%run_scoped3A : memref<!tpu.dma_semaphore, #tpu.memory_space<semaphore_mem>>)
      tpu.wait_dma2 semaphore(%run_scoped3A : memref<!tpu.dma_semaphore, #tpu.memory_space<semaphore_mem>>) src(%arg4 : memref<128x256xf32, #tpu.memory_space<hbm>>) dst(%arg9 : memref<128x256xf32, #tpu.memory_space<vmem>>)
      tpu.yield
    }) : () -> ()
    %eq3A = arith.constant 0 : i32
    %eq3A_0 = arith.cmpi eq, %arg0, %eq3A : i32
    %convert_element_type3A = arith.extui %eq3A_0 : i1 to i32
    %cond3A = arith.constant 0 : i32
    %cond3A_1 = arith.cmpi ne, %convert_element_type3A, %cond3A : i32
    scf.if %cond3A_1 {
      %mul3A_69 = arith.constant 640 : i32
      %mul3A_70 = arith.muli %arg1, %mul3A_69 : i32
      %add3A_71 = arith.constant 0 : i32
      %add3A_72 = arith.addi %mul3A_70, %add3A_71 : i32
      "tpu.region"() ({
        %run_scoped3A = tpu.sem_alloc : memref<!tpu.dma_semaphore, #tpu.memory_space<semaphore_mem>>
        %dma_start3A_89 = arith.constant 0 : i32
        %dma_start3A_90 = tpu.memref_slice %arg5[%add3A_72, %dma_start3A_89] : memref<10240x256xf32, #tpu.memory_space<hbm>> -> memref<128x256xf32, #tpu.memory_space<hbm>>
        %dma_start3A_91 = arith.constant 0 : i32
        %dma_start3A_92 = tpu.memref_slice %arg5[%add3A_72, %dma_start3A_91] : memref<10240x256xf32, #tpu.memory_space<hbm>> -> memref<128x256xf32, #tpu.memory_space<hbm>>
        tpu.enqueue_dma source(%arg9 : memref<128x256xf32, #tpu.memory_space<vmem>>) target(%dma_start3A_92 : memref<128x256xf32, #tpu.memory_space<hbm>>) target_semaphore(%run_scoped3A : memref<!tpu.dma_semaphore, #tpu.memory_space<semaphore_mem>>)
        %dma_wait3A = arith.constant 0 : i32
        %dma_wait3A_93 = tpu.memref_slice %arg5[%add3A_72, %dma_wait3A] : memref<10240x256xf32, #tpu.memory_space<hbm>> -> memref<128x256xf32, #tpu.memory_space<hbm>>
        %dma_wait3A_94 = arith.constant 0 : i32
        %dma_wait3A_95 = tpu.memref_slice %arg5[%add3A_72, %dma_wait3A_94] : memref<10240x256xf32, #tpu.memory_space<hbm>> -> memref<128x256xf32, #tpu.memory_space<hbm>>
        tpu.wait_dma2 semaphore(%run_scoped3A : memref<!tpu.dma_semaphore, #tpu.memory_space<semaphore_mem>>) src(%arg9 : memref<128x256xf32, #tpu.memory_space<vmem>>) dst(%dma_wait3A_95 : memref<128x256xf32, #tpu.memory_space<hbm>>)
        tpu.yield
      }) : () -> ()
      %mul3A_73 = arith.constant 640 : i32
      %mul3A_74 = arith.muli %arg1, %mul3A_73 : i32
      %add3A_75 = arith.constant 128 : i32
      %add3A_76 = arith.addi %mul3A_74, %add3A_75 : i32
      "tpu.region"() ({
        %run_scoped3A = tpu.sem_alloc : memref<!tpu.dma_semaphore, #tpu.memory_space<semaphore_mem>>
        %dma_start3A_89 = arith.constant 0 : i32
        %dma_start3A_90 = tpu.memref_slice %arg5[%add3A_76, %dma_start3A_89] : memref<10240x256xf32, #tpu.memory_space<hbm>> -> memref<128x256xf32, #tpu.memory_space<hbm>>
        %dma_start3A_91 = arith.constant 0 : i32
        %dma_start3A_92 = tpu.memref_slice %arg5[%add3A_76, %dma_start3A_91] : memref<10240x256xf32, #tpu.memory_space<hbm>> -> memref<128x256xf32, #tpu.memory_space<hbm>>
        tpu.enqueue_dma source(%arg9 : memref<128x256xf32, #tpu.memory_space<vmem>>) target(%dma_start3A_92 : memref<128x256xf32, #tpu.memory_space<hbm>>) target_semaphore(%run_scoped3A : memref<!tpu.dma_semaphore, #tpu.memory_space<semaphore_mem>>)
        %dma_wait3A = arith.constant 0 : i32
        %dma_wait3A_93 = tpu.memref_slice %arg5[%add3A_76, %dma_wait3A] : memref<10240x256xf32, #tpu.memory_space<hbm>> -> memref<128x256xf32, #tpu.memory_space<hbm>>
        %dma_wait3A_94 = arith.constant 0 : i32
        %dma_wait3A_95 = tpu.memref_slice %arg5[%add3A_76, %dma_wait3A_94] : memref<10240x256xf32, #tpu.memory_space<hbm>> -> memref<128x256xf32, #tpu.memory_space<hbm>>
        tpu.wait_dma2 semaphore(%run_scoped3A : memref<!tpu.dma_semaphore, #tpu.memory_space<semaphore_mem>>) src(%arg9 : memref<128x256xf32, #tpu.memory_space<vmem>>) dst(%dma_wait3A_95 : memref<128x256xf32, #tpu.memory_space<hbm>>)
        tpu.yield
      }) : () -> ()
      %mul3A_77 = arith.constant 640 : i32
      %mul3A_78 = arith.muli %arg1, %mul3A_77 : i32
      %add3A_79 = arith.constant 256 : i32
      %add3A_80 = arith.addi %mul3A_78, %add3A_79 : i32
      "tpu.region"() ({
        %run_scoped3A = tpu.sem_alloc : memref<!tpu.dma_semaphore, #tpu.memory_space<semaphore_mem>>
        %dma_start3A_89 = arith.constant 0 : i32
        %dma_start3A_90 = tpu.memref_slice %arg5[%add3A_80, %dma_start3A_89] : memref<10240x256xf32, #tpu.memory_space<hbm>> -> memref<128x256xf32, #tpu.memory_space<hbm>>
        %dma_start3A_91 = arith.constant 0 : i32
        %dma_start3A_92 = tpu.memref_slice %arg5[%add3A_80, %dma_start3A_91] : memref<10240x256xf32, #tpu.memory_space<hbm>> -> memref<128x256xf32, #tpu.memory_space<hbm>>
        tpu.enqueue_dma source(%arg9 : memref<128x256xf32, #tpu.memory_space<vmem>>) target(%dma_start3A_92 : memref<128x256xf32, #tpu.memory_space<hbm>>) target_semaphore(%run_scoped3A : memref<!tpu.dma_semaphore, #tpu.memory_space<semaphore_mem>>)
        %dma_wait3A = arith.constant 0 : i32
        %dma_wait3A_93 = tpu.memref_slice %arg5[%add3A_80, %dma_wait3A] : memref<10240x256xf32, #tpu.memory_space<hbm>> -> memref<128x256xf32, #tpu.memory_space<hbm>>
        %dma_wait3A_94 = arith.constant 0 : i32
        %dma_wait3A_95 = tpu.memref_slice %arg5[%add3A_80, %dma_wait3A_94] : memref<10240x256xf32, #tpu.memory_space<hbm>> -> memref<128x256xf32, #tpu.memory_space<hbm>>
        tpu.wait_dma2 semaphore(%run_scoped3A : memref<!tpu.dma_semaphore, #tpu.memory_space<semaphore_mem>>) src(%arg9 : memref<128x256xf32, #tpu.memory_space<vmem>>) dst(%dma_wait3A_95 : memref<128x256xf32, #tpu.memory_space<hbm>>)
        tpu.yield
      }) : () -> ()
      %mul3A_81 = arith.constant 640 : i32
      %mul3A_82 = arith.muli %arg1, %mul3A_81 : i32
      %add3A_83 = arith.constant 384 : i32
      %add3A_84 = arith.addi %mul3A_82, %add3A_83 : i32
      "tpu.region"() ({
        %run_scoped3A = tpu.sem_alloc : memref<!tpu.dma_semaphore, #tpu.memory_space<semaphore_mem>>
        %dma_start3A_89 = arith.constant 0 : i32
        %dma_start3A_90 = tpu.memref_slice %arg5[%add3A_84, %dma_start3A_89] : memref<10240x256xf32, #tpu.memory_space<hbm>> -> memref<128x256xf32, #tpu.memory_space<hbm>>
        %dma_start3A_91 = arith.constant 0 : i32
        %dma_start3A_92 = tpu.memref_slice %arg5[%add3A_84, %dma_start3A_91] : memref<10240x256xf32, #tpu.memory_space<hbm>> -> memref<128x256xf32, #tpu.memory_space<hbm>>
        tpu.enqueue_dma source(%arg9 : memref<128x256xf32, #tpu.memory_space<vmem>>) target(%dma_start3A_92 : memref<128x256xf32, #tpu.memory_space<hbm>>) target_semaphore(%run_scoped3A : memref<!tpu.dma_semaphore, #tpu.memory_space<semaphore_mem>>)
        %dma_wait3A = arith.constant 0 : i32
        %dma_wait3A_93 = tpu.memref_slice %arg5[%add3A_84, %dma_wait3A] : memref<10240x256xf32, #tpu.memory_space<hbm>> -> memref<128x256xf32, #tpu.memory_space<hbm>>
        %dma_wait3A_94 = arith.constant 0 : i32
        %dma_wait3A_95 = tpu.memref_slice %arg5[%add3A_84, %dma_wait3A_94] : memref<10240x256xf32, #tpu.memory_space<hbm>> -> memref<128x256xf32, #tpu.memory_space<hbm>>
        tpu.wait_dma2 semaphore(%run_scoped3A : memref<!tpu.dma_semaphore, #tpu.memory_space<semaphore_mem>>) src(%arg9 : memref<128x256xf32, #tpu.memory_space<vmem>>) dst(%dma_wait3A_95 : memref<128x256xf32, #tpu.memory_space<hbm>>)
        tpu.yield
      }) : () -> ()
      %mul3A_85 = arith.constant 640 : i32
      %mul3A_86 = arith.muli %arg1, %mul3A_85 : i32
      %add3A_87 = arith.constant 512 : i32
      %add3A_88 = arith.addi %mul3A_86, %add3A_87 : i32
      "tpu.region"() ({
        %run_scoped3A = tpu.sem_alloc : memref<!tpu.dma_semaphore, #tpu.memory_space<semaphore_mem>>
        %dma_start3A_89 = arith.constant 0 : i32
        %dma_start3A_90 = tpu.memref_slice %arg5[%add3A_88, %dma_start3A_89] : memref<10240x256xf32, #tpu.memory_space<hbm>> -> memref<128x256xf32, #tpu.memory_space<hbm>>
        %dma_start3A_91 = arith.constant 0 : i32
        %dma_start3A_92 = tpu.memref_slice %arg5[%add3A_88, %dma_start3A_91] : memref<10240x256xf32, #tpu.memory_space<hbm>> -> memref<128x256xf32, #tpu.memory_space<hbm>>
        tpu.enqueue_dma source(%arg9 : memref<128x256xf32, #tpu.memory_space<vmem>>) target(%dma_start3A_92 : memref<128x256xf32, #tpu.memory_space<hbm>>) target_semaphore(%run_scoped3A : memref<!tpu.dma_semaphore, #tpu.memory_space<semaphore_mem>>)
        %dma_wait3A = arith.constant 0 : i32
        %dma_wait3A_93 = tpu.memref_slice %arg5[%add3A_88, %dma_wait3A] : memref<10240x256xf32, #tpu.memory_space<hbm>> -> memref<128x256xf32, #tpu.memory_space<hbm>>
        %dma_wait3A_94 = arith.constant 0 : i32
        %dma_wait3A_95 = tpu.memref_slice %arg5[%add3A_88, %dma_wait3A_94] : memref<10240x256xf32, #tpu.memory_space<hbm>> -> memref<128x256xf32, #tpu.memory_space<hbm>>
        tpu.wait_dma2 semaphore(%run_scoped3A : memref<!tpu.dma_semaphore, #tpu.memory_space<semaphore_mem>>) src(%arg9 : memref<128x256xf32, #tpu.memory_space<vmem>>) dst(%dma_wait3A_95 : memref<128x256xf32, #tpu.memory_space<hbm>>)
        tpu.yield
      }) : () -> ()
    } else {
    }
    %eq3A_2 = arith.constant 1 : i32
    %eq3A_3 = arith.cmpi eq, %arg0, %eq3A_2 : i32
    %convert_element_type3A_4 = arith.extui %eq3A_3 : i1 to i32
    %cond3A_5 = arith.constant 0 : i32
    %cond3A_6 = arith.cmpi ne, %convert_element_type3A_4, %cond3A_5 : i32
    scf.if %cond3A_6 {
      %mul3A_69 = arith.constant 640 : i32
      %mul3A_70 = arith.muli %arg1, %mul3A_69 : i32
      %add3A_71 = arith.constant 0 : i32
      %add3A_72 = arith.addi %mul3A_70, %add3A_71 : i32
      "tpu.region"() ({
        %run_scoped3A = tpu.sem_alloc : memref<!tpu.dma_semaphore, #tpu.memory_space<semaphore_mem>>
        %dma_start3A_89 = arith.constant 0 : i32
        %dma_start3A_90 = tpu.memref_slice %arg6[%add3A_72, %dma_start3A_89] : memref<10240x256xf32, #tpu.memory_space<hbm>> -> memref<128x256xf32, #tpu.memory_space<hbm>>
        %dma_start3A_91 = arith.constant 0 : i32
        %dma_start3A_92 = tpu.memref_slice %arg6[%add3A_72, %dma_start3A_91] : memref<10240x256xf32, #tpu.memory_space<hbm>> -> memref<128x256xf32, #tpu.memory_space<hbm>>
        tpu.enqueue_dma source(%arg9 : memref<128x256xf32, #tpu.memory_space<vmem>>) target(%dma_start3A_92 : memref<128x256xf32, #tpu.memory_space<hbm>>) target_semaphore(%run_scoped3A : memref<!tpu.dma_semaphore, #tpu.memory_space<semaphore_mem>>)
        %dma_wait3A = arith.constant 0 : i32
        %dma_wait3A_93 = tpu.memref_slice %arg6[%add3A_72, %dma_wait3A] : memref<10240x256xf32, #tpu.memory_space<hbm>> -> memref<128x256xf32, #tpu.memory_space<hbm>>
        %dma_wait3A_94 = arith.constant 0 : i32
        %dma_wait3A_95 = tpu.memref_slice %arg6[%add3A_72, %dma_wait3A_94] : memref<10240x256xf32, #tpu.memory_space<hbm>> -> memref<128x256xf32, #tpu.memory_space<hbm>>
        tpu.wait_dma2 semaphore(%run_scoped3A : memref<!tpu.dma_semaphore, #tpu.memory_space<semaphore_mem>>) src(%arg9 : memref<128x256xf32, #tpu.memory_space<vmem>>) dst(%dma_wait3A_95 : memref<128x256xf32, #tpu.memory_space<hbm>>)
        tpu.yield
      }) : () -> ()
      %mul3A_73 = arith.constant 640 : i32
      %mul3A_74 = arith.muli %arg1, %mul3A_73 : i32
      %add3A_75 = arith.constant 128 : i32
      %add3A_76 = arith.addi %mul3A_74, %add3A_75 : i32
      "tpu.region"() ({
        %run_scoped3A = tpu.sem_alloc : memref<!tpu.dma_semaphore, #tpu.memory_space<semaphore_mem>>
        %dma_start3A_89 = arith.constant 0 : i32
        %dma_start3A_90 = tpu.memref_slice %arg6[%add3A_76, %dma_start3A_89] : memref<10240x256xf32, #tpu.memory_space<hbm>> -> memref<128x256xf32, #tpu.memory_space<hbm>>
        %dma_start3A_91 = arith.constant 0 : i32
        %dma_start3A_92 = tpu.memref_slice %arg6[%add3A_76, %dma_start3A_91] : memref<10240x256xf32, #tpu.memory_space<hbm>> -> memref<128x256xf32, #tpu.memory_space<hbm>>
        tpu.enqueue_dma source(%arg9 : memref<128x256xf32, #tpu.memory_space<vmem>>) target(%dma_start3A_92 : memref<128x256xf32, #tpu.memory_space<hbm>>) target_semaphore(%run_scoped3A : memref<!tpu.dma_semaphore, #tpu.memory_space<semaphore_mem>>)
        %dma_wait3A = arith.constant 0 : i32
        %dma_wait3A_93 = tpu.memref_slice %arg6[%add3A_76, %dma_wait3A] : memref<10240x256xf32, #tpu.memory_space<hbm>> -> memref<128x256xf32, #tpu.memory_space<hbm>>
        %dma_wait3A_94 = arith.constant 0 : i32
        %dma_wait3A_95 = tpu.memref_slice %arg6[%add3A_76, %dma_wait3A_94] : memref<10240x256xf32, #tpu.memory_space<hbm>> -> memref<128x256xf32, #tpu.memory_space<hbm>>
        tpu.wait_dma2 semaphore(%run_scoped3A : memref<!tpu.dma_semaphore, #tpu.memory_space<semaphore_mem>>) src(%arg9 : memref<128x256xf32, #tpu.memory_space<vmem>>) dst(%dma_wait3A_95 : memref<128x256xf32, #tpu.memory_space<hbm>>)
        tpu.yield
      }) : () -> ()
      %mul3A_77 = arith.constant 640 : i32
      %mul3A_78 = arith.muli %arg1, %mul3A_77 : i32
      %add3A_79 = arith.constant 256 : i32
      %add3A_80 = arith.addi %mul3A_78, %add3A_79 : i32
      "tpu.region"() ({
        %run_scoped3A = tpu.sem_alloc : memref<!tpu.dma_semaphore, #tpu.memory_space<semaphore_mem>>
        %dma_start3A_89 = arith.constant 0 : i32
        %dma_start3A_90 = tpu.memref_slice %arg6[%add3A_80, %dma_start3A_89] : memref<10240x256xf32, #tpu.memory_space<hbm>> -> memref<128x256xf32, #tpu.memory_space<hbm>>
        %dma_start3A_91 = arith.constant 0 : i32
        %dma_start3A_92 = tpu.memref_slice %arg6[%add3A_80, %dma_start3A_91] : memref<10240x256xf32, #tpu.memory_space<hbm>> -> memref<128x256xf32, #tpu.memory_space<hbm>>
        tpu.enqueue_dma source(%arg9 : memref<128x256xf32, #tpu.memory_space<vmem>>) target(%dma_start3A_92 : memref<128x256xf32, #tpu.memory_space<hbm>>) target_semaphore(%run_scoped3A : memref<!tpu.dma_semaphore, #tpu.memory_space<semaphore_mem>>)
        %dma_wait3A = arith.constant 0 : i32
        %dma_wait3A_93 = tpu.memref_slice %arg6[%add3A_80, %dma_wait3A] : memref<10240x256xf32, #tpu.memory_space<hbm>> -> memref<128x256xf32, #tpu.memory_space<hbm>>
        %dma_wait3A_94 = arith.constant 0 : i32
        %dma_wait3A_95 = tpu.memref_slice %arg6[%add3A_80, %dma_wait3A_94] : memref<10240x256xf32, #tpu.memory_space<hbm>> -> memref<128x256xf32, #tpu.memory_space<hbm>>
        tpu.wait_dma2 semaphore(%run_scoped3A : memref<!tpu.dma_semaphore, #tpu.memory_space<semaphore_mem>>) src(%arg9 : memref<128x256xf32, #tpu.memory_space<vmem>>) dst(%dma_wait3A_95 : memref<128x256xf32, #tpu.memory_space<hbm>>)
        tpu.yield
      }) : () -> ()
      %mul3A_81 = arith.constant 640 : i32
      %mul3A_82 = arith.muli %arg1, %mul3A_81 : i32
      %add3A_83 = arith.constant 384 : i32
      %add3A_84 = arith.addi %mul3A_82, %add3A_83 : i32
      "tpu.region"() ({
        %run_scoped3A = tpu.sem_alloc : memref<!tpu.dma_semaphore, #tpu.memory_space<semaphore_mem>>
        %dma_start3A_89 = arith.constant 0 : i32
        %dma_start3A_90 = tpu.memref_slice %arg6[%add3A_84, %dma_start3A_89] : memref<10240x256xf32, #tpu.memory_space<hbm>> -> memref<128x256xf32, #tpu.memory_space<hbm>>
        %dma_start3A_91 = arith.constant 0 : i32
        %dma_start3A_92 = tpu.memref_slice %arg6[%add3A_84, %dma_start3A_91] : memref<10240x256xf32, #tpu.memory_space<hbm>> -> memref<128x256xf32, #tpu.memory_space<hbm>>
        tpu.enqueue_dma source(%arg9 : memref<128x256xf32, #tpu.memory_space<vmem>>) target(%dma_start3A_92 : memref<128x256xf32, #tpu.memory_space<hbm>>) target_semaphore(%run_scoped3A : memref<!tpu.dma_semaphore, #tpu.memory_space<semaphore_mem>>)
        %dma_wait3A = arith.constant 0 : i32
        %dma_wait3A_93 = tpu.memref_slice %arg6[%add3A_84, %dma_wait3A] : memref<10240x256xf32, #tpu.memory_space<hbm>> -> memref<128x256xf32, #tpu.memory_space<hbm>>
        %dma_wait3A_94 = arith.constant 0 : i32
        %dma_wait3A_95 = tpu.memref_slice %arg6[%add3A_84, %dma_wait3A_94] : memref<10240x256xf32, #tpu.memory_space<hbm>> -> memref<128x256xf32, #tpu.memory_space<hbm>>
        tpu.wait_dma2 semaphore(%run_scoped3A : memref<!tpu.dma_semaphore, #tpu.memory_space<semaphore_mem>>) src(%arg9 : memref<128x256xf32, #tpu.memory_space<vmem>>) dst(%dma_wait3A_95 : memref<128x256xf32, #tpu.memory_space<hbm>>)
        tpu.yield
      }) : () -> ()
      %mul3A_85 = arith.constant 640 : i32
      %mul3A_86 = arith.muli %arg1, %mul3A_85 : i32
      %add3A_87 = arith.constant 512 : i32
      %add3A_88 = arith.addi %mul3A_86, %add3A_87 : i32
      "tpu.region"() ({
        %run_scoped3A = tpu.sem_alloc : memref<!tpu.dma_semaphore, #tpu.memory_space<semaphore_mem>>
        %dma_start3A_89 = arith.constant 0 : i32
        %dma_start3A_90 = tpu.memref_slice %arg6[%add3A_88, %dma_start3A_89] : memref<10240x256xf32, #tpu.memory_space<hbm>> -> memref<128x256xf32, #tpu.memory_space<hbm>>
        %dma_start3A_91 = arith.constant 0 : i32
        %dma_start3A_92 = tpu.memref_slice %arg6[%add3A_88, %dma_start3A_91] : memref<10240x256xf32, #tpu.memory_space<hbm>> -> memref<128x256xf32, #tpu.memory_space<hbm>>
        tpu.enqueue_dma source(%arg9 : memref<128x256xf32, #tpu.memory_space<vmem>>) target(%dma_start3A_92 : memref<128x256xf32, #tpu.memory_space<hbm>>) target_semaphore(%run_scoped3A : memref<!tpu.dma_semaphore, #tpu.memory_space<semaphore_mem>>)
        %dma_wait3A = arith.constant 0 : i32
        %dma_wait3A_93 = tpu.memref_slice %arg6[%add3A_88, %dma_wait3A] : memref<10240x256xf32, #tpu.memory_space<hbm>> -> memref<128x256xf32, #tpu.memory_space<hbm>>
        %dma_wait3A_94 = arith.constant 0 : i32
        %dma_wait3A_95 = tpu.memref_slice %arg6[%add3A_88, %dma_wait3A_94] : memref<10240x256xf32, #tpu.memory_space<hbm>> -> memref<128x256xf32, #tpu.memory_space<hbm>>
        tpu.wait_dma2 semaphore(%run_scoped3A : memref<!tpu.dma_semaphore, #tpu.memory_space<semaphore_mem>>) src(%arg9 : memref<128x256xf32, #tpu.memory_space<vmem>>) dst(%dma_wait3A_95 : memref<128x256xf32, #tpu.memory_space<hbm>>)
        tpu.yield
      }) : () -> ()
    } else {
    }
    %barrier3A = arith.constant 0 : index
    tpu.barrier barrier_id(%barrier3A)
    %eq3A_7 = arith.constant 0 : i32
    %eq3A_8 = arith.cmpi eq, %arg0, %eq3A_7 : i32
    %jit3A = arith.constant 313 : i32
    %jit3A_9 = arith.constant 312 : i32
    %select_n3A = arith.select %eq3A_8, %jit3A, %jit3A_9 : i32
    %jit3A_10 = arith.constant 16 : i32
    %div3A = arith.divsi %select_n3A, %jit3A_10 : i32
    %sign3A = arith.constant 0 : i32
    %sign3A_11 = arith.cmpi sgt, %select_n3A, %sign3A : i32
    %sign3A_12 = arith.extui %sign3A_11 : i1 to i32
    %sign3A_13 = arith.constant 0 : i32
    %sign3A_14 = arith.cmpi slt, %select_n3A, %sign3A_13 : i32
    %sign3A_15 = arith.extui %sign3A_14 : i1 to i32
    %sign3A_16 = arith.subi %sign3A_12, %sign3A_15 : i32
    %sign3A_17 = arith.constant 0 : i32
    %sign3A_18 = arith.cmpi sgt, %jit3A_10, %sign3A_17 : i32
    %sign3A_19 = arith.extui %sign3A_18 : i1 to i32
    %sign3A_20 = arith.constant 0 : i32
    %sign3A_21 = arith.cmpi slt, %jit3A_10, %sign3A_20 : i32
    %sign3A_22 = arith.extui %sign3A_21 : i1 to i32
    %sign3A_23 = arith.subi %sign3A_19, %sign3A_22 : i32
    %ne3A = arith.cmpi ne, %sign3A_16, %sign3A_23 : i32
    %rem3A = arith.remsi %select_n3A, %jit3A_10 : i32
    %ne3A_24 = arith.constant 0 : i32
    %ne3A_25 = arith.cmpi ne, %rem3A, %ne3A_24 : i32
    %and3A = arith.andi %ne3A, %ne3A_25 : i1
    %sub3A = arith.constant 1 : i32
    %sub3A_26 = arith.subi %div3A, %sub3A : i32
    %select_n3A_27 = arith.select %and3A, %sub3A_26, %div3A : i32
    %mul3A = arith.constant 16 : i32
    %mul3A_28 = arith.muli %select_n3A_27, %mul3A : i32
    %sub3A_29 = arith.subi %select_n3A, %mul3A_28 : i32
    %lt3A = arith.cmpi slt, %arg1, %sub3A_29 : i32
    %add3A = arith.constant 1 : i32
    %add3A_30 = arith.addi %select_n3A_27, %add3A : i32
    %select_n3A_31 = arith.select %lt3A, %add3A_30, %select_n3A_27 : i32
    %mul3A_32 = arith.constant 313 : i32
    %mul3A_33 = arith.muli %arg0, %mul3A_32 : i32
    %add3A_34 = arith.addi %mul3A_33, %arg1 : i32
    %add3A_35 = arith.constant 0 : i32
    %add3A_36 = arith.addi %add3A_34, %add3A_35 : i32
    %mul3A_37 = arith.constant 128 : i32
    %mul3A_38 = arith.muli %add3A_36, %mul3A_37 : i32
    %multiple_of3A = tpu.assume_multiple %mul3A_38, 128 : i32
    %dma_start3A = tpu.memref_slice %arg3[%multiple_of3A] : memref<80000xi32, #tpu.memory_space<hbm>> -> memref<128xi32, #tpu.memory_space<hbm>>
    %dma_start3A_39 = tpu.memref_slice %arg3[%multiple_of3A] : memref<80000xi32, #tpu.memory_space<hbm>> -> memref<128xi32, #tpu.memory_space<hbm>>
    tpu.enqueue_dma source(%dma_start3A_39 : memref<128xi32, #tpu.memory_space<hbm>>) target(%arg7 : memref<128xi32, #tpu.memory_space<vmem>>) target_semaphore(%arg11 : memref<!tpu.dma_semaphore, #tpu.memory_space<semaphore_mem>>)
    %dma_start3A_40 = arith.constant 0 : i32
    %dma_start3A_41 = tpu.memref_slice %arg2[%multiple_of3A, %dma_start3A_40] : memref<80000x256xf32, #tpu.memory_space<hbm>> -> memref<128x256xf32, #tpu.memory_space<hbm>>
    %dma_start3A_42 = arith.constant 0 : i32
    %dma_start3A_43 = tpu.memref_slice %arg2[%multiple_of3A, %dma_start3A_42] : memref<80000x256xf32, #tpu.memory_space<hbm>> -> memref<128x256xf32, #tpu.memory_space<hbm>>
    tpu.enqueue_dma source(%dma_start3A_43 : memref<128x256xf32, #tpu.memory_space<hbm>>) target(%arg9 : memref<128x256xf32, #tpu.memory_space<vmem>>) target_semaphore(%arg13 : memref<!tpu.dma_semaphore, #tpu.memory_space<semaphore_mem>>)
    %scan3A = arith.constant 0 : i32
    %scan3A_44 = arith.constant 0 : i32
    %scan3A_45 = arith.constant 10 : i32
    %scan3A_46 = arith.addi %scan3A_44, %scan3A_45 : i32
    %scan3A_47 = arith.constant 1 : i32
    scf.for %scan3A_69 = %scan3A_44 to %scan3A_46 step %scan3A_47  : i32 {
      %mul3A_70 = arith.constant 2 : i32
      %mul3A_71 = arith.muli %mul3A_70, %scan3A_69 : i32
      %lt3A_72 = arith.cmpi slt, %mul3A_71, %select_n3A_31 : i32
      %convert_element_type3A_73 = arith.extui %lt3A_72 : i1 to i32
      %cond3A_74 = arith.constant 0 : i32
      %cond3A_75 = arith.cmpi ne, %convert_element_type3A_73, %cond3A_74 : i32
      scf.if %cond3A_75 {
        %add3A_84 = arith.constant 1 : i32
        %add3A_85 = arith.addi %mul3A_71, %add3A_84 : i32
        %lt3A_86 = arith.cmpi slt, %add3A_85, %select_n3A_31 : i32
        %convert_element_type3A_87 = arith.extui %lt3A_86 : i1 to i32
        %cond3A_88 = arith.constant 0 : i32
        %cond3A_89 = arith.cmpi ne, %convert_element_type3A_87, %cond3A_88 : i32
        scf.if %cond3A_89 {
          %ge3A = arith.constant 1 : i32
          %ge3A_109 = arith.cmpi sge, %mul3A_71, %ge3A : i32
          %convert_element_type3A_110 = arith.extui %ge3A_109 : i1 to i32
          %cond3A_111 = arith.constant 0 : i32
          %cond3A_112 = arith.cmpi ne, %convert_element_type3A_110, %cond3A_111 : i32
          scf.if %cond3A_112 {
            %eq3A_130 = arith.constant 0 : i32
            %eq3A_131 = arith.cmpi eq, %arg0, %eq3A_130 : i32
            %convert_element_type3A_132 = arith.extui %eq3A_131 : i1 to i32
            %cond3A_133 = arith.constant 0 : i32
            %cond3A_134 = arith.cmpi ne, %convert_element_type3A_132, %cond3A_133 : i32
            scf.if %cond3A_134 {
              %dma_wait3A_140 = arith.constant 0 : i32
              %dma_wait3A_141 = arith.constant 0 : i32
              %dma_wait3A_142 = tpu.memref_slice %arg5[%dma_wait3A_140, %dma_wait3A_141] : memref<10240x256xf32, #tpu.memory_space<hbm>> -> memref<128x256xf32, #tpu.memory_space<hbm>>
              %dma_wait3A_143 = arith.constant 0 : i32
              %dma_wait3A_144 = arith.constant 0 : i32
              %dma_wait3A_145 = tpu.memref_slice %arg5[%dma_wait3A_143, %dma_wait3A_144] : memref<10240x256xf32, #tpu.memory_space<hbm>> -> memref<128x256xf32, #tpu.memory_space<hbm>>
              tpu.wait_dma2 semaphore(%arg16 : memref<!tpu.dma_semaphore, #tpu.memory_space<semaphore_mem>>) src(%arg10 : memref<128x256xf32, #tpu.memory_space<vmem>>) dst(%dma_wait3A_145 : memref<128x256xf32, #tpu.memory_space<hbm>>)
            } else {
            }
            %eq3A_135 = arith.constant 1 : i32
            %eq3A_136 = arith.cmpi eq, %arg0, %eq3A_135 : i32
            %convert_element_type3A_137 = arith.extui %eq3A_136 : i1 to i32
            %cond3A_138 = arith.constant 0 : i32
            %cond3A_139 = arith.cmpi ne, %convert_element_type3A_137, %cond3A_138 : i32
            scf.if %cond3A_139 {
              %dma_wait3A_140 = arith.constant 0 : i32
              %dma_wait3A_141 = arith.constant 0 : i32
              %dma_wait3A_142 = tpu.memref_slice %arg6[%dma_wait3A_140, %dma_wait3A_141] : memref<10240x256xf32, #tpu.memory_space<hbm>> -> memref<128x256xf32, #tpu.memory_space<hbm>>
              %dma_wait3A_143 = arith.constant 0 : i32
              %dma_wait3A_144 = arith.constant 0 : i32
              %dma_wait3A_145 = tpu.memref_slice %arg6[%dma_wait3A_143, %dma_wait3A_144] : memref<10240x256xf32, #tpu.memory_space<hbm>> -> memref<128x256xf32, #tpu.memory_space<hbm>>
              tpu.wait_dma2 semaphore(%arg16 : memref<!tpu.dma_semaphore, #tpu.memory_space<semaphore_mem>>) src(%arg10 : memref<128x256xf32, #tpu.memory_space<vmem>>) dst(%dma_wait3A_145 : memref<128x256xf32, #tpu.memory_space<hbm>>)
            } else {
            }
          } else {
          }
          %add3A_113 = arith.constant 1 : i32
          %add3A_114 = arith.addi %mul3A_71, %add3A_113 : i32
          %mul3A_115 = arith.constant 313 : i32
          %mul3A_116 = arith.muli %arg0, %mul3A_115 : i32
          %add3A_117 = arith.addi %mul3A_116, %arg1 : i32
          %mul3A_118 = arith.constant 16 : i32
          %mul3A_119 = arith.muli %add3A_114, %mul3A_118 : i32
          %add3A_120 = arith.addi %add3A_117, %mul3A_119 : i32
          %mul3A_121 = arith.constant 128 : i32
          %mul3A_122 = arith.muli %add3A_120, %mul3A_121 : i32
          %multiple_of3A_123 = tpu.assume_multiple %mul3A_122, 128 : i32
          %dma_start3A_124 = tpu.memref_slice %arg3[%multiple_of3A_123] : memref<80000xi32, #tpu.memory_space<hbm>> -> memref<128xi32, #tpu.memory_space<hbm>>
          %dma_start3A_125 = tpu.memref_slice %arg3[%multiple_of3A_123] : memref<80000xi32, #tpu.memory_space<hbm>> -> memref<128xi32, #tpu.memory_space<hbm>>
          tpu.enqueue_dma source(%dma_start3A_125 : memref<128xi32, #tpu.memory_space<hbm>>) target(%arg8 : memref<128xi32, #tpu.memory_space<vmem>>) target_semaphore(%arg12 : memref<!tpu.dma_semaphore, #tpu.memory_space<semaphore_mem>>)
          %dma_start3A_126 = arith.constant 0 : i32
          %dma_start3A_127 = tpu.memref_slice %arg2[%multiple_of3A_123, %dma_start3A_126] : memref<80000x256xf32, #tpu.memory_space<hbm>> -> memref<128x256xf32, #tpu.memory_space<hbm>>
          %dma_start3A_128 = arith.constant 0 : i32
          %dma_start3A_129 = tpu.memref_slice %arg2[%multiple_of3A_123, %dma_start3A_128] : memref<80000x256xf32, #tpu.memory_space<hbm>> -> memref<128x256xf32, #tpu.memory_space<hbm>>
          tpu.enqueue_dma source(%dma_start3A_129 : memref<128x256xf32, #tpu.memory_space<hbm>>) target(%arg10 : memref<128x256xf32, #tpu.memory_space<vmem>>) target_semaphore(%arg14 : memref<!tpu.dma_semaphore, #tpu.memory_space<semaphore_mem>>)
        } else {
        }
        %dma_wait3A = arith.constant 0 : i32
        %dma_wait3A_90 = tpu.memref_slice %arg3[%dma_wait3A] : memref<80000xi32, #tpu.memory_space<hbm>> -> memref<128xi32, #tpu.memory_space<hbm>>
        %dma_wait3A_91 = arith.constant 0 : i32
        %dma_wait3A_92 = tpu.memref_slice %arg3[%dma_wait3A_91] : memref<80000xi32, #tpu.memory_space<hbm>> -> memref<128xi32, #tpu.memory_space<hbm>>
        tpu.wait_dma2 semaphore(%arg11 : memref<!tpu.dma_semaphore, #tpu.memory_space<semaphore_mem>>) src(%dma_wait3A_92 : memref<128xi32, #tpu.memory_space<hbm>>) dst(%arg7 : memref<128xi32, #tpu.memory_space<vmem>>)
        %dma_wait3A_93 = arith.constant 0 : i32
        %dma_wait3A_94 = arith.constant 0 : i32
        %dma_wait3A_95 = tpu.memref_slice %arg2[%dma_wait3A_93, %dma_wait3A_94] : memref<80000x256xf32, #tpu.memory_space<hbm>> -> memref<128x256xf32, #tpu.memory_space<hbm>>
        %dma_wait3A_96 = arith.constant 0 : i32
        %dma_wait3A_97 = arith.constant 0 : i32
        %dma_wait3A_98 = tpu.memref_slice %arg2[%dma_wait3A_96, %dma_wait3A_97] : memref<80000x256xf32, #tpu.memory_space<hbm>> -> memref<128x256xf32, #tpu.memory_space<hbm>>
        tpu.wait_dma2 semaphore(%arg13 : memref<!tpu.dma_semaphore, #tpu.memory_space<semaphore_mem>>) src(%dma_wait3A_98 : memref<128x256xf32, #tpu.memory_space<hbm>>) dst(%arg9 : memref<128x256xf32, #tpu.memory_space<vmem>>)
        %eq3A_99 = arith.constant 0 : i32
        %eq3A_100 = arith.cmpi eq, %arg0, %eq3A_99 : i32
        %convert_element_type3A_101 = arith.extui %eq3A_100 : i1 to i32
        %cond3A_102 = arith.constant 0 : i32
        %cond3A_103 = arith.cmpi ne, %convert_element_type3A_101, %cond3A_102 : i32
        scf.if %cond3A_103 {
          %dma_start3A_109 = arith.constant 0 : i32
          %dma_start3A_110 = arith.constant 0 : i32
          %dma_start3A_111 = tpu.memref_slice %arg5[%dma_start3A_109, %dma_start3A_110] : memref<10240x256xf32, #tpu.memory_space<hbm>> -> memref<10240x256xf32, #tpu.memory_space<hbm>>
          tpu.enqueue_indirect_dma source(%arg9 : memref<128x256xf32, #tpu.memory_space<vmem>>) target(%dma_start3A_111 : memref<10240x256xf32, #tpu.memory_space<hbm>>) offsets(%arg7 : memref<128xi32, #tpu.memory_space<vmem>>) semaphore(%arg15 : memref<!tpu.dma_semaphore, #tpu.memory_space<semaphore_mem>>) {add = true}
        } else {
        }
        %eq3A_104 = arith.constant 1 : i32
        %eq3A_105 = arith.cmpi eq, %arg0, %eq3A_104 : i32
        %convert_element_type3A_106 = arith.extui %eq3A_105 : i1 to i32
        %cond3A_107 = arith.constant 0 : i32
        %cond3A_108 = arith.cmpi ne, %convert_element_type3A_106, %cond3A_107 : i32
        scf.if %cond3A_108 {
          %dma_start3A_109 = arith.constant 0 : i32
          %dma_start3A_110 = arith.constant 0 : i32
          %dma_start3A_111 = tpu.memref_slice %arg6[%dma_start3A_109, %dma_start3A_110] : memref<10240x256xf32, #tpu.memory_space<hbm>> -> memref<10240x256xf32, #tpu.memory_space<hbm>>
          tpu.enqueue_indirect_dma source(%arg9 : memref<128x256xf32, #tpu.memory_space<vmem>>) target(%dma_start3A_111 : memref<10240x256xf32, #tpu.memory_space<hbm>>) offsets(%arg7 : memref<128xi32, #tpu.memory_space<vmem>>) semaphore(%arg15 : memref<!tpu.dma_semaphore, #tpu.memory_space<semaphore_mem>>) {add = true}
        } else {
        }
      } else {
      }
      %mul3A_76 = arith.constant 2 : i32
      %mul3A_77 = arith.muli %mul3A_76, %scan3A_69 : i32
      %add3A_78 = arith.constant 1 : i32
      %add3A_79 = arith.addi %mul3A_77, %add3A_78 : i32
      %lt3A_80 = arith.cmpi slt, %add3A_79, %select_n3A_31 : i32
      %convert_element_type3A_81 = arith.extui %lt3A_80 : i1 to i32
      %cond3A_82 = arith.constant 0 : i32
      %cond3A_83 = arith.cmpi ne, %convert_element_type3A_81, %cond3A_82 : i32
      scf.if %cond3A_83 {
        %add3A_84 = arith.constant 1 : i32
        %add3A_85 = arith.addi %add3A_79, %add3A_84 : i32
        %lt3A_86 = arith.cmpi slt, %add3A_85, %select_n3A_31 : i32
        %convert_element_type3A_87 = arith.extui %lt3A_86 : i1 to i32
        %cond3A_88 = arith.constant 0 : i32
        %cond3A_89 = arith.cmpi ne, %convert_element_type3A_87, %cond3A_88 : i32
        scf.if %cond3A_89 {
          %ge3A = arith.constant 1 : i32
          %ge3A_109 = arith.cmpi sge, %add3A_79, %ge3A : i32
          %convert_element_type3A_110 = arith.extui %ge3A_109 : i1 to i32
          %cond3A_111 = arith.constant 0 : i32
          %cond3A_112 = arith.cmpi ne, %convert_element_type3A_110, %cond3A_111 : i32
          scf.if %cond3A_112 {
            %eq3A_130 = arith.constant 0 : i32
            %eq3A_131 = arith.cmpi eq, %arg0, %eq3A_130 : i32
            %convert_element_type3A_132 = arith.extui %eq3A_131 : i1 to i32
            %cond3A_133 = arith.constant 0 : i32
            %cond3A_134 = arith.cmpi ne, %convert_element_type3A_132, %cond3A_133 : i32
            scf.if %cond3A_134 {
              %dma_wait3A_140 = arith.constant 0 : i32
              %dma_wait3A_141 = arith.constant 0 : i32
              %dma_wait3A_142 = tpu.memref_slice %arg5[%dma_wait3A_140, %dma_wait3A_141] : memref<10240x256xf32, #tpu.memory_space<hbm>> -> memref<128x256xf32, #tpu.memory_space<hbm>>
              %dma_wait3A_143 = arith.constant 0 : i32
              %dma_wait3A_144 = arith.constant 0 : i32
              %dma_wait3A_145 = tpu.memref_slice %arg5[%dma_wait3A_143, %dma_wait3A_144] : memref<10240x256xf32, #tpu.memory_space<hbm>> -> memref<128x256xf32, #tpu.memory_space<hbm>>
              tpu.wait_dma2 semaphore(%arg15 : memref<!tpu.dma_semaphore, #tpu.memory_space<semaphore_mem>>) src(%arg9 : memref<128x256xf32, #tpu.memory_space<vmem>>) dst(%dma_wait3A_145 : memref<128x256xf32, #tpu.memory_space<hbm>>)
            } else {
            }
            %eq3A_135 = arith.constant 1 : i32
            %eq3A_136 = arith.cmpi eq, %arg0, %eq3A_135 : i32
            %convert_element_type3A_137 = arith.extui %eq3A_136 : i1 to i32
            %cond3A_138 = arith.constant 0 : i32
            %cond3A_139 = arith.cmpi ne, %convert_element_type3A_137, %cond3A_138 : i32
            scf.if %cond3A_139 {
              %dma_wait3A_140 = arith.constant 0 : i32
              %dma_wait3A_141 = arith.constant 0 : i32
              %dma_wait3A_142 = tpu.memref_slice %arg6[%dma_wait3A_140, %dma_wait3A_141] : memref<10240x256xf32, #tpu.memory_space<hbm>> -> memref<128x256xf32, #tpu.memory_space<hbm>>
              %dma_wait3A_143 = arith.constant 0 : i32
              %dma_wait3A_144 = arith.constant 0 : i32
              %dma_wait3A_145 = tpu.memref_slice %arg6[%dma_wait3A_143, %dma_wait3A_144] : memref<10240x256xf32, #tpu.memory_space<hbm>> -> memref<128x256xf32, #tpu.memory_space<hbm>>
              tpu.wait_dma2 semaphore(%arg15 : memref<!tpu.dma_semaphore, #tpu.memory_space<semaphore_mem>>) src(%arg9 : memref<128x256xf32, #tpu.memory_space<vmem>>) dst(%dma_wait3A_145 : memref<128x256xf32, #tpu.memory_space<hbm>>)
            } else {
            }
          } else {
          }
          %add3A_113 = arith.constant 1 : i32
          %add3A_114 = arith.addi %add3A_79, %add3A_113 : i32
          %mul3A_115 = arith.constant 313 : i32
          %mul3A_116 = arith.muli %arg0, %mul3A_115 : i32
          %add3A_117 = arith.addi %mul3A_116, %arg1 : i32
          %mul3A_118 = arith.constant 16 : i32
          %mul3A_119 = arith.muli %add3A_114, %mul3A_118 : i32
          %add3A_120 = arith.addi %add3A_117, %mul3A_119 : i32
          %mul3A_121 = arith.constant 128 : i32
          %mul3A_122 = arith.muli %add3A_120, %mul3A_121 : i32
          %multiple_of3A_123 = tpu.assume_multiple %mul3A_122, 128 : i32
          %dma_start3A_124 = tpu.memref_slice %arg3[%multiple_of3A_123] : memref<80000xi32, #tpu.memory_space<hbm>> -> memref<128xi32, #tpu.memory_space<hbm>>
          %dma_start3A_125 = tpu.memref_slice %arg3[%multiple_of3A_123] : memref<80000xi32, #tpu.memory_space<hbm>> -> memref<128xi32, #tpu.memory_space<hbm>>
          tpu.enqueue_dma source(%dma_start3A_125 : memref<128xi32, #tpu.memory_space<hbm>>) target(%arg7 : memref<128xi32, #tpu.memory_space<vmem>>) target_semaphore(%arg11 : memref<!tpu.dma_semaphore, #tpu.memory_space<semaphore_mem>>)
          %dma_start3A_126 = arith.constant 0 : i32
          %dma_start3A_127 = tpu.memref_slice %arg2[%multiple_of3A_123, %dma_start3A_126] : memref<80000x256xf32, #tpu.memory_space<hbm>> -> memref<128x256xf32, #tpu.memory_space<hbm>>
          %dma_start3A_128 = arith.constant 0 : i32
          %dma_start3A_129 = tpu.memref_slice %arg2[%multiple_of3A_123, %dma_start3A_128] : memref<80000x256xf32, #tpu.memory_space<hbm>> -> memref<128x256xf32, #tpu.memory_space<hbm>>
          tpu.enqueue_dma source(%dma_start3A_129 : memref<128x256xf32, #tpu.memory_space<hbm>>) target(%arg9 : memref<128x256xf32, #tpu.memory_space<vmem>>) target_semaphore(%arg13 : memref<!tpu.dma_semaphore, #tpu.memory_space<semaphore_mem>>)
        } else {
        }
        %dma_wait3A = arith.constant 0 : i32
        %dma_wait3A_90 = tpu.memref_slice %arg3[%dma_wait3A] : memref<80000xi32, #tpu.memory_space<hbm>> -> memref<128xi32, #tpu.memory_space<hbm>>
        %dma_wait3A_91 = arith.constant 0 : i32
        %dma_wait3A_92 = tpu.memref_slice %arg3[%dma_wait3A_91] : memref<80000xi32, #tpu.memory_space<hbm>> -> memref<128xi32, #tpu.memory_space<hbm>>
        tpu.wait_dma2 semaphore(%arg12 : memref<!tpu.dma_semaphore, #tpu.memory_space<semaphore_mem>>) src(%dma_wait3A_92 : memref<128xi32, #tpu.memory_space<hbm>>) dst(%arg8 : memref<128xi32, #tpu.memory_space<vmem>>)
        %dma_wait3A_93 = arith.constant 0 : i32
        %dma_wait3A_94 = arith.constant 0 : i32
        %dma_wait3A_95 = tpu.memref_slice %arg2[%dma_wait3A_93, %dma_wait3A_94] : memref<80000x256xf32, #tpu.memory_space<hbm>> -> memref<128x256xf32, #tpu.memory_space<hbm>>
        %dma_wait3A_96 = arith.constant 0 : i32
        %dma_wait3A_97 = arith.constant 0 : i32
        %dma_wait3A_98 = tpu.memref_slice %arg2[%dma_wait3A_96, %dma_wait3A_97] : memref<80000x256xf32, #tpu.memory_space<hbm>> -> memref<128x256xf32, #tpu.memory_space<hbm>>
        tpu.wait_dma2 semaphore(%arg14 : memref<!tpu.dma_semaphore, #tpu.memory_space<semaphore_mem>>) src(%dma_wait3A_98 : memref<128x256xf32, #tpu.memory_space<hbm>>) dst(%arg10 : memref<128x256xf32, #tpu.memory_space<vmem>>)
        %eq3A_99 = arith.constant 0 : i32
        %eq3A_100 = arith.cmpi eq, %arg0, %eq3A_99 : i32
        %convert_element_type3A_101 = arith.extui %eq3A_100 : i1 to i32
        %cond3A_102 = arith.constant 0 : i32
        %cond3A_103 = arith.cmpi ne, %convert_element_type3A_101, %cond3A_102 : i32
        scf.if %cond3A_103 {
          %dma_start3A_109 = arith.constant 0 : i32
          %dma_start3A_110 = arith.constant 0 : i32
          %dma_start3A_111 = tpu.memref_slice %arg5[%dma_start3A_109, %dma_start3A_110] : memref<10240x256xf32, #tpu.memory_space<hbm>> -> memref<10240x256xf32, #tpu.memory_space<hbm>>
          tpu.enqueue_indirect_dma source(%arg10 : memref<128x256xf32, #tpu.memory_space<vmem>>) target(%dma_start3A_111 : memref<10240x256xf32, #tpu.memory_space<hbm>>) offsets(%arg8 : memref<128xi32, #tpu.memory_space<vmem>>) semaphore(%arg16 : memref<!tpu.dma_semaphore, #tpu.memory_space<semaphore_mem>>) {add = true}
        } else {
        }
        %eq3A_104 = arith.constant 1 : i32
        %eq3A_105 = arith.cmpi eq, %arg0, %eq3A_104 : i32
        %convert_element_type3A_106 = arith.extui %eq3A_105 : i1 to i32
        %cond3A_107 = arith.constant 0 : i32
        %cond3A_108 = arith.cmpi ne, %convert_element_type3A_106, %cond3A_107 : i32
        scf.if %cond3A_108 {
          %dma_start3A_109 = arith.constant 0 : i32
          %dma_start3A_110 = arith.constant 0 : i32
          %dma_start3A_111 = tpu.memref_slice %arg6[%dma_start3A_109, %dma_start3A_110] : memref<10240x256xf32, #tpu.memory_space<hbm>> -> memref<10240x256xf32, #tpu.memory_space<hbm>>
          tpu.enqueue_indirect_dma source(%arg10 : memref<128x256xf32, #tpu.memory_space<vmem>>) target(%dma_start3A_111 : memref<10240x256xf32, #tpu.memory_space<hbm>>) offsets(%arg8 : memref<128xi32, #tpu.memory_space<vmem>>) semaphore(%arg16 : memref<!tpu.dma_semaphore, #tpu.memory_space<semaphore_mem>>) {add = true}
        } else {
        }
      } else {
      }
    }
    %scan3A_48 = arith.constant 10 : i32
    %eq3A_49 = arith.constant 0 : i32
    %eq3A_50 = arith.cmpi eq, %arg0, %eq3A_49 : i32
    %convert_element_type3A_51 = arith.extui %eq3A_50 : i1 to i32
    %cond3A_52 = arith.constant 0 : i32
    %cond3A_53 = arith.cmpi ne, %convert_element_type3A_51, %cond3A_52 : i32
    scf.if %cond3A_53 {
      %dma_wait3A = arith.constant 0 : i32
      %dma_wait3A_69 = arith.constant 0 : i32
      %dma_wait3A_70 = tpu.memref_slice %arg5[%dma_wait3A, %dma_wait3A_69] : memref<10240x256xf32, #tpu.memory_space<hbm>> -> memref<128x256xf32, #tpu.memory_space<hbm>>
      %dma_wait3A_71 = arith.constant 0 : i32
      %dma_wait3A_72 = arith.constant 0 : i32
      %dma_wait3A_73 = tpu.memref_slice %arg5[%dma_wait3A_71, %dma_wait3A_72] : memref<10240x256xf32, #tpu.memory_space<hbm>> -> memref<128x256xf32, #tpu.memory_space<hbm>>
      tpu.wait_dma2 semaphore(%arg15 : memref<!tpu.dma_semaphore, #tpu.memory_space<semaphore_mem>>) src(%arg9 : memref<128x256xf32, #tpu.memory_space<vmem>>) dst(%dma_wait3A_73 : memref<128x256xf32, #tpu.memory_space<hbm>>)
    } else {
    }
    %eq3A_54 = arith.constant 1 : i32
    %eq3A_55 = arith.cmpi eq, %arg0, %eq3A_54 : i32
    %convert_element_type3A_56 = arith.extui %eq3A_55 : i1 to i32
    %cond3A_57 = arith.constant 0 : i32
    %cond3A_58 = arith.cmpi ne, %convert_element_type3A_56, %cond3A_57 : i32
    scf.if %cond3A_58 {
      %dma_wait3A = arith.constant 0 : i32
      %dma_wait3A_69 = arith.constant 0 : i32
      %dma_wait3A_70 = tpu.memref_slice %arg6[%dma_wait3A, %dma_wait3A_69] : memref<10240x256xf32, #tpu.memory_space<hbm>> -> memref<128x256xf32, #tpu.memory_space<hbm>>
      %dma_wait3A_71 = arith.constant 0 : i32
      %dma_wait3A_72 = arith.constant 0 : i32
      %dma_wait3A_73 = tpu.memref_slice %arg6[%dma_wait3A_71, %dma_wait3A_72] : memref<10240x256xf32, #tpu.memory_space<hbm>> -> memref<128x256xf32, #tpu.memory_space<hbm>>
      tpu.wait_dma2 semaphore(%arg15 : memref<!tpu.dma_semaphore, #tpu.memory_space<semaphore_mem>>) src(%arg9 : memref<128x256xf32, #tpu.memory_space<vmem>>) dst(%dma_wait3A_73 : memref<128x256xf32, #tpu.memory_space<hbm>>)
    } else {
    }
    %eq3A_59 = arith.constant 0 : i32
    %eq3A_60 = arith.cmpi eq, %arg0, %eq3A_59 : i32
    %convert_element_type3A_61 = arith.extui %eq3A_60 : i1 to i32
    %cond3A_62 = arith.constant 0 : i32
    %cond3A_63 = arith.cmpi ne, %convert_element_type3A_61, %cond3A_62 : i32
    scf.if %cond3A_63 {
      %dma_wait3A = arith.constant 0 : i32
      %dma_wait3A_69 = arith.constant 0 : i32
      %dma_wait3A_70 = tpu.memref_slice %arg5[%dma_wait3A, %dma_wait3A_69] : memref<10240x256xf32, #tpu.memory_space<hbm>> -> memref<128x256xf32, #tpu.memory_space<hbm>>
      %dma_wait3A_71 = arith.constant 0 : i32
      %dma_wait3A_72 = arith.constant 0 : i32
      %dma_wait3A_73 = tpu.memref_slice %arg5[%dma_wait3A_71, %dma_wait3A_72] : memref<10240x256xf32, #tpu.memory_space<hbm>> -> memref<128x256xf32, #tpu.memory_space<hbm>>
      tpu.wait_dma2 semaphore(%arg16 : memref<!tpu.dma_semaphore, #tpu.memory_space<semaphore_mem>>) src(%arg10 : memref<128x256xf32, #tpu.memory_space<vmem>>) dst(%dma_wait3A_73 : memref<128x256xf32, #tpu.memory_space<hbm>>)
    } else {
    }
    %eq3A_64 = arith.constant 1 : i32
    %eq3A_65 = arith.cmpi eq, %arg0, %eq3A_64 : i32
    %convert_element_type3A_66 = arith.extui %eq3A_65 : i1 to i32
    %cond3A_67 = arith.constant 0 : i32
    %cond3A_68 = arith.cmpi ne, %convert_element_type3A_66, %cond3A_67 : i32
    scf.if %cond3A_68 {
      %dma_wait3A = arith.constant 0 : i32
      %dma_wait3A_69 = arith.constant 0 : i32
      %dma_wait3A_70 = tpu.memref_slice %arg6[%dma_wait3A, %dma_wait3A_69] : memref<10240x256xf32, #tpu.memory_space<hbm>> -> memref<128x256xf32, #tpu.memory_space<hbm>>
      %dma_wait3A_71 = arith.constant 0 : i32
      %dma_wait3A_72 = arith.constant 0 : i32
      %dma_wait3A_73 = tpu.memref_slice %arg6[%dma_wait3A_71, %dma_wait3A_72] : memref<10240x256xf32, #tpu.memory_space<hbm>> -> memref<128x256xf32, #tpu.memory_space<hbm>>
      tpu.wait_dma2 semaphore(%arg16 : memref<!tpu.dma_semaphore, #tpu.memory_space<semaphore_mem>>) src(%arg10 : memref<128x256xf32, #tpu.memory_space<vmem>>) dst(%dma_wait3A_73 : memref<128x256xf32, #tpu.memory_space<hbm>>)
    } else {
    }
    return
  }
}

module attributes {stable_mosaic.version = 14 : i64} {
  func.func @_prep_body(%arg0: memref<10000x256xf32, #tpu.memory_space<vmem>>, %arg1: memref<1280x16xf32, #tpu.memory_space<vmem>>, %arg2: memref<1024x1024xf32, #tpu.memory_space<vmem>>, %arg3: memref<1x1024xf32, #tpu.memory_space<vmem>>, %arg4: memref<1x16xf32, #tpu.memory_space<vmem>>, %arg5: memref<10000x16xf32, #tpu.memory_space<vmem>>, %arg6: memref<1024x16xf32, #tpu.memory_space<vmem>>, %arg7: memref<1x16xf32, #tpu.memory_space<vmem>>) attributes {dimension_semantics = [], scalar_prefetch = 0 : i64, scratch_operands = 0 : i64, tpu.core_type = #tpu.core_type<tc>} {
    %get3A = arith.constant 0 : index
    %get3A_0 = arith.constant 0 : index
    %get3A_1 = vector.load %arg1[%get3A, %get3A_0] : memref<1280x16xf32, #tpu.memory_space<vmem>>, vector<1280x16xf32>
    %slice3A = vector.extract_strided_slice %get3A_1 {offsets = [0, 0], sizes = [1024, 16], strides = [1, 1]} : vector<1280x16xf32> to vector<1024x16xf32>
    %slice3A_2 = vector.extract_strided_slice %get3A_1 {offsets = [1024, 0], sizes = [256, 16], strides = [1, 1]} : vector<1280x16xf32> to vector<256x16xf32>
    %get3A_3 = arith.constant 0 : index
    %get3A_4 = arith.constant 0 : index
    %get3A_5 = vector.load %arg0[%get3A_3, %get3A_4] : memref<10000x256xf32, #tpu.memory_space<vmem>>, vector<10000x256xf32>
    %dot_general3A = arith.constant dense<0.000000e+00> : vector<10000x16xf32>
    %dot_general3A_6 = tpu.matmul %get3A_5, %slice3A_2, %dot_general3A {dimension_numbers = #tpu.dot_dimension_numbers<[1], [0], [0], [1], [0, 0, 1, 1], [], []>, transpose_lhs_hint = false} : vector<10000x256xf32>, vector<256x16xf32>, vector<10000x16xf32> -> vector<10000x16xf32>
    %swap3A = arith.constant 0 : index
    %swap3A_7 = arith.constant 0 : index
    %swap3A_8 = vector.load %arg5[%swap3A, %swap3A_7] : memref<10000x16xf32, #tpu.memory_space<vmem>>, vector<10000x16xf32>
    tpu.vector_store %arg5[%swap3A, %swap3A_7], %dot_general3A_6 {strides = array<i32>} : memref<10000x16xf32, #tpu.memory_space<vmem>>, vector<10000x16xf32>,
    %get3A_9 = arith.constant 0 : index
    %get3A_10 = arith.constant 0 : index
    %get3A_11 = vector.load %arg2[%get3A_9, %get3A_10] : memref<1024x1024xf32, #tpu.memory_space<vmem>>, vector<1024x1024xf32>
    %dot_general3A_12 = arith.constant dense<0.000000e+00> : vector<1024x16xf32>
    %dot_general3A_13 = tpu.matmul %get3A_11, %slice3A, %dot_general3A_12 {dimension_numbers = #tpu.dot_dimension_numbers<[1], [0], [0], [1], [0, 0, 1, 1], [], []>, transpose_lhs_hint = false} : vector<1024x1024xf32>, vector<1024x16xf32>, vector<1024x16xf32> -> vector<1024x16xf32>
    %swap3A_14 = arith.constant 0 : index
    %swap3A_15 = arith.constant 0 : index
    %swap3A_16 = vector.load %arg6[%swap3A_14, %swap3A_15] : memref<1024x16xf32, #tpu.memory_space<vmem>>, vector<1024x16xf32>
    tpu.vector_store %arg6[%swap3A_14, %swap3A_15], %dot_general3A_13 {strides = array<i32>} : memref<1024x16xf32, #tpu.memory_space<vmem>>, vector<1024x16xf32>,
    %get3A_17 = arith.constant 0 : index
    %get3A_18 = arith.constant 0 : index
    %get3A_19 = vector.load %arg3[%get3A_17, %get3A_18] : memref<1x1024xf32, #tpu.memory_space<vmem>>, vector<1x1024xf32>
    %dot_general3A_20 = arith.constant dense<0.000000e+00> : vector<1x16xf32>
    %dot_general3A_21 = tpu.matmul %get3A_19, %slice3A, %dot_general3A_20 {dimension_numbers = #tpu.dot_dimension_numbers<[1], [0], [0], [1], [0, 0, 1, 1], [], []>, transpose_lhs_hint = false} : vector<1x1024xf32>, vector<1024x16xf32>, vector<1x16xf32> -> vector<1x16xf32>
    %get3A_22 = arith.constant 0 : index
    %get3A_23 = arith.constant 0 : index
    %get3A_24 = vector.load %arg4[%get3A_22, %get3A_23] : memref<1x16xf32, #tpu.memory_space<vmem>>, vector<1x16xf32>
    %add3A = arith.addf %dot_general3A_21, %get3A_24 : vector<1x16xf32>
    %swap3A_25 = arith.constant 0 : index
    %swap3A_26 = arith.constant 0 : index
    %swap3A_27 = vector.load %arg7[%swap3A_25, %swap3A_26] : memref<1x16xf32, #tpu.memory_space<vmem>>, vector<1x16xf32>
    tpu.vector_store %arg7[%swap3A_25, %swap3A_26], %add3A {strides = array<i32>} : memref<1x16xf32, #tpu.memory_space<vmem>>, vector<1x16xf32>,
    return
  }
}

module attributes {stable_mosaic.version = 14 : i64} {
  func.func @_pass1_body(%arg0: i32, %arg1: memref<2000x256xf32, #tpu.memory_space<vmem>>, %arg2: memref<2000x16xbf16, #tpu.memory_space<vmem>>, %arg3: memref<2000x16xf32, #tpu.memory_space<vmem>>, %arg4: memref<272x1024xbf16, #tpu.memory_space<vmem>>, %arg5: memref<1x1024xf32, #tpu.memory_space<vmem>>, %arg6: memref<1024x16xbf16, #tpu.memory_space<vmem>>, %arg7: memref<1x16xf32, #tpu.memory_space<vmem>>, %arg8: memref<2000x16xf32, #tpu.memory_space<vmem>>, %arg9: memref<1x16xf32, #tpu.memory_space<vmem>>, %arg10: memref<1x16xf32, #tpu.memory_space<vmem>>, %arg11: memref<1x16xf32, #tpu.memory_space<vmem>>, %arg12: memref<1x16xf32, #tpu.memory_space<vmem>>) attributes {dimension_semantics = [#tpu.dimension_semantics<arbitrary>], iteration_bounds = array<i64: 40>, scalar_prefetch = 0 : i64, scratch_operands = 2 : i64, tpu.core_type = #tpu.core_type<tc>, window_params = [{transform_indices = @transform_0, window_bounds = array<i64: 2000, 256>}, {transform_indices = @transform_1, window_bounds = array<i64: 2000, 16>}, {transform_indices = @transform_2, window_bounds = array<i64: 2000, 16>}, {pipeline_mode = #tpu.pipeline_mode<synchronous>, transform_indices = @transform_3, window_bounds = array<i64: 272, 1024>}, {pipeline_mode = #tpu.pipeline_mode<synchronous>, transform_indices = @transform_4, window_bounds = array<i64: 1, 1024>}, {pipeline_mode = #tpu.pipeline_mode<synchronous>, transform_indices = @transform_5, window_bounds = array<i64: 1024, 16>}, {pipeline_mode = #tpu.pipeline_mode<synchronous>, transform_indices = @transform_6, window_bounds = array<i64: 1, 16>}, {transform_indices = @transform_7, window_bounds = array<i64: 2000, 16>}, {pipeline_mode = #tpu.pipeline_mode<synchronous>, transform_indices = @transform_8, window_bounds = array<i64: 1, 16>}, {pipeline_mode = #tpu.pipeline_mode<synchronous>, transform_indices = @transform_9, window_bounds = array<i64: 1, 16>}]} {
    %get3A = arith.constant 0 : index
    %get3A_0 = arith.constant 0 : index
    %get3A_1 = vector.load %arg4[%get3A, %get3A_0] : memref<272x1024xbf16, #tpu.memory_space<vmem>>, vector<272x1024xbf16>
    %get3A_2 = arith.constant 0 : index
    %get3A_3 = arith.constant 0 : index
    %get3A_4 = vector.load %arg1[%get3A_2, %get3A_3] : memref<2000x256xf32, #tpu.memory_space<vmem>>, vector<2000x256xf32>
    %convert_element_type3A = arith.truncf %get3A_4 : vector<2000x256xf32> to vector<2000x256xbf16>
    %get3A_5 = arith.constant 0 : index
    %get3A_6 = arith.constant 0 : index
    %get3A_7 = vector.load %arg2[%get3A_5, %get3A_6] : memref<2000x16xbf16, #tpu.memory_space<vmem>>, vector<2000x16xbf16>
    %slice3A = vector.extract_strided_slice %get3A_1 {offsets = [0, 0], sizes = [256, 1024], strides = [1, 1]} : vector<272x1024xbf16> to vector<256x1024xbf16>
    %dot_general3A = arith.constant dense<0.000000e+00> : vector<2000x1024xf32>
    %dot_general3A_8 = tpu.matmul %convert_element_type3A, %slice3A, %dot_general3A {dimension_numbers = #tpu.dot_dimension_numbers<[1], [0], [0], [1], [0, 0, 1, 1], [], []>, transpose_lhs_hint = false} : vector<2000x256xbf16>, vector<256x1024xbf16>, vector<2000x1024xf32> -> vector<2000x1024xf32>
    %slice3A_9 = vector.extract_strided_slice %get3A_1 {offsets = [256, 0], sizes = [16, 1024], strides = [1, 1]} : vector<272x1024xbf16> to vector<16x1024xbf16>
    %dot_general3A_10 = arith.constant dense<0.000000e+00> : vector<2000x1024xf32>
    %dot_general3A_11 = tpu.matmul %get3A_7, %slice3A_9, %dot_general3A_10 {dimension_numbers = #tpu.dot_dimension_numbers<[1], [0], [0], [1], [0, 0, 1, 1], [], []>, transpose_lhs_hint = false} : vector<2000x16xbf16>, vector<16x1024xbf16>, vector<2000x1024xf32> -> vector<2000x1024xf32>
    %add3A = arith.addf %dot_general3A_8, %dot_general3A_11 : vector<2000x1024xf32>
    %get3A_12 = arith.constant 0 : index
    %get3A_13 = arith.constant 0 : index
    %get3A_14 = vector.load %arg5[%get3A_12, %get3A_13] : memref<1x1024xf32, #tpu.memory_space<vmem>>, vector<1x1024xf32>
    %add3A_15 = vector.broadcast %get3A_14 : vector<1x1024xf32> to vector<2000x1024xf32>
    %add3A_16 = arith.addf %add3A, %add3A_15 : vector<2000x1024xf32>
    %ge3A = arith.constant 0.000000e+00 : f32
    %ge3A_17 = vector.broadcast %ge3A : f32 to vector<2000x1024xf32>
    %ge3A_18 = arith.cmpf oge, %add3A_16, %ge3A_17 : vector<2000x1024xf32>
    %mul3A = arith.constant 2.000000e-01 : f32
    %mul3A_19 = vector.broadcast %mul3A : f32 to vector<2000x1024xf32>
    %mul3A_20 = arith.mulf %mul3A_19, %add3A_16 : vector<2000x1024xf32>
    %select_n3A = arith.select %ge3A_18, %add3A_16, %mul3A_20 : vector<2000x1024xi1>, vector<2000x1024xf32>
    %convert_element_type3A_21 = arith.truncf %select_n3A : vector<2000x1024xf32> to vector<2000x1024xbf16>
    %get3A_22 = arith.constant 0 : index
    %get3A_23 = arith.constant 0 : index
    %get3A_24 = vector.load %arg6[%get3A_22, %get3A_23] : memref<1024x16xbf16, #tpu.memory_space<vmem>>, vector<1024x16xbf16>
    %dot_general3A_25 = arith.constant dense<0.000000e+00> : vector<2000x16xf32>
    %dot_general3A_26 = tpu.matmul %convert_element_type3A_21, %get3A_24, %dot_general3A_25 {dimension_numbers = #tpu.dot_dimension_numbers<[1], [0], [0], [1], [0, 0, 1, 1], [], []>, transpose_lhs_hint = false} : vector<2000x1024xbf16>, vector<1024x16xbf16>, vector<2000x16xf32> -> vector<2000x16xf32>
    %get3A_27 = arith.constant 0 : index
    %get3A_28 = arith.constant 0 : index
    %get3A_29 = vector.load %arg7[%get3A_27, %get3A_28] : memref<1x16xf32, #tpu.memory_space<vmem>>, vector<1x16xf32>
    %add3A_30 = vector.broadcast %get3A_29 : vector<1x16xf32> to vector<2000x16xf32>
    %add3A_31 = arith.addf %dot_general3A_26, %add3A_30 : vector<2000x16xf32>
    %get3A_32 = arith.constant 0 : index
    %get3A_33 = arith.constant 0 : index
    %get3A_34 = vector.load %arg3[%get3A_32, %get3A_33] : memref<2000x16xf32, #tpu.memory_space<vmem>>, vector<2000x16xf32>
    %add3A_35 = arith.addf %add3A_31, %get3A_34 : vector<2000x16xf32>
    %swap3A = arith.constant 0 : index
    %swap3A_36 = arith.constant 0 : index
    %swap3A_37 = vector.load %arg8[%swap3A, %swap3A_36] : memref<2000x16xf32, #tpu.memory_space<vmem>>, vector<2000x16xf32>
    tpu.vector_store %arg8[%swap3A, %swap3A_36], %add3A_35 {strides = array<i32>} : memref<2000x16xf32, #tpu.memory_space<vmem>>, vector<2000x16xf32>,
    %reduce_max3A = arith.constant dense<0xFF800000> : vector<16xf32>
    %reduce_max3A_38 = vector.multi_reduction <maximumf>, %add3A_35, %reduce_max3A [0] : vector<2000x16xf32> to vector<16xf32>
    %broadcast_in_dim3A = vector.shape_cast %reduce_max3A_38 : vector<16xf32> to vector<1x16xf32>
    %eq3A = arith.constant 0 : i32
    %eq3A_39 = arith.cmpi eq, %arg0, %eq3A : i32
    %convert_element_type3A_40 = arith.extui %eq3A_39 : i1 to i32
    %cond3A = arith.constant 0 : i32
    %cond3A_41 = arith.cmpi ne, %convert_element_type3A_40, %cond3A : i32
    scf.if %cond3A_41 {
      %swap3A_58 = arith.constant 0 : index
      %swap3A_59 = arith.constant 0 : index
      %swap3A_60 = vector.load %arg11[%swap3A_58, %swap3A_59] : memref<1x16xf32, #tpu.memory_space<vmem>>, vector<1x16xf32>
      tpu.vector_store %arg11[%swap3A_58, %swap3A_59], %broadcast_in_dim3A {strides = array<i32>} : memref<1x16xf32, #tpu.memory_space<vmem>>, vector<1x16xf32>,
      %sub3A = vector.broadcast %broadcast_in_dim3A : vector<1x16xf32> to vector<2000x16xf32>
      %sub3A_61 = arith.subf %add3A_35, %sub3A : vector<2000x16xf32>
      %exp3A = math.exp %sub3A_61 : vector<2000x16xf32>
      %reduce_sum3A = arith.constant dense<0.000000e+00> : vector<16xf32>
      %reduce_sum3A_62 = vector.multi_reduction <add>, %exp3A, %reduce_sum3A [0] : vector<2000x16xf32> to vector<16xf32>
      %broadcast_in_dim3A_63 = vector.shape_cast %reduce_sum3A_62 : vector<16xf32> to vector<1x16xf32>
      %swap3A_64 = arith.constant 0 : index
      %swap3A_65 = arith.constant 0 : index
      %swap3A_66 = vector.load %arg12[%swap3A_64, %swap3A_65] : memref<1x16xf32, #tpu.memory_space<vmem>>, vector<1x16xf32>
      tpu.vector_store %arg12[%swap3A_64, %swap3A_65], %broadcast_in_dim3A_63 {strides = array<i32>} : memref<1x16xf32, #tpu.memory_space<vmem>>, vector<1x16xf32>,
    } else {
    }
    %gt3A = arith.constant 0 : i32
    %gt3A_42 = arith.cmpi sgt, %arg0, %gt3A : i32
    %convert_element_type3A_43 = arith.extui %gt3A_42 : i1 to i32
    %cond3A_44 = arith.constant 0 : i32
    %cond3A_45 = arith.cmpi ne, %convert_element_type3A_43, %cond3A_44 : i32
    scf.if %cond3A_45 {
      %get3A_58 = arith.constant 0 : index
      %get3A_59 = arith.constant 0 : index
      %get3A_60 = vector.load %arg11[%get3A_58, %get3A_59] : memref<1x16xf32, #tpu.memory_space<vmem>>, vector<1x16xf32>
      %max3A = arith.maximumf %get3A_60, %broadcast_in_dim3A : vector<1x16xf32>
      %get3A_61 = arith.constant 0 : index
      %get3A_62 = arith.constant 0 : index
      %get3A_63 = vector.load %arg12[%get3A_61, %get3A_62] : memref<1x16xf32, #tpu.memory_space<vmem>>, vector<1x16xf32>
      %sub3A = arith.subf %get3A_60, %max3A : vector<1x16xf32>
      %exp3A = math.exp %sub3A : vector<1x16xf32>
      %mul3A_64 = arith.mulf %get3A_63, %exp3A : vector<1x16xf32>
      %sub3A_65 = vector.broadcast %max3A : vector<1x16xf32> to vector<2000x16xf32>
      %sub3A_66 = arith.subf %add3A_35, %sub3A_65 : vector<2000x16xf32>
      %exp3A_67 = math.exp %sub3A_66 : vector<2000x16xf32>
      %reduce_sum3A = arith.constant dense<0.000000e+00> : vector<16xf32>
      %reduce_sum3A_68 = vector.multi_reduction <add>, %exp3A_67, %reduce_sum3A [0] : vector<2000x16xf32> to vector<16xf32>
      %broadcast_in_dim3A_69 = vector.shape_cast %reduce_sum3A_68 : vector<16xf32> to vector<1x16xf32>
      %add3A_70 = arith.addf %mul3A_64, %broadcast_in_dim3A_69 : vector<1x16xf32>
      %swap3A_71 = arith.constant 0 : index
      %swap3A_72 = arith.constant 0 : index
      %swap3A_73 = vector.load %arg12[%swap3A_71, %swap3A_72] : memref<1x16xf32, #tpu.memory_space<vmem>>, vector<1x16xf32>
      tpu.vector_store %arg12[%swap3A_71, %swap3A_72], %add3A_70 {strides = array<i32>} : memref<1x16xf32, #tpu.memory_space<vmem>>, vector<1x16xf32>,
      %swap3A_74 = arith.constant 0 : index
      %swap3A_75 = arith.constant 0 : index
      %swap3A_76 = vector.load %arg11[%swap3A_74, %swap3A_75] : memref<1x16xf32, #tpu.memory_space<vmem>>, vector<1x16xf32>
      tpu.vector_store %arg11[%swap3A_74, %swap3A_75], %max3A {strides = array<i32>} : memref<1x16xf32, #tpu.memory_space<vmem>>, vector<1x16xf32>,
    } else {
    }
    %get3A_46 = arith.constant 0 : index
    %get3A_47 = arith.constant 0 : index
    %get3A_48 = vector.load %arg11[%get3A_46, %get3A_47] : memref<1x16xf32, #tpu.memory_space<vmem>>, vector<1x16xf32>
    %swap3A_49 = arith.constant 0 : index
    %swap3A_50 = arith.constant 0 : index
    %swap3A_51 = vector.load %arg9[%swap3A_49, %swap3A_50] : memref<1x16xf32, #tpu.memory_space<vmem>>, vector<1x16xf32>
    tpu.vector_store %arg9[%swap3A_49, %swap3A_50], %get3A_48 {strides = array<i32>} : memref<1x16xf32, #tpu.memory_space<vmem>>, vector<1x16xf32>,
    %get3A_52 = arith.constant 0 : index
    %get3A_53 = arith.constant 0 : index
    %get3A_54 = vector.load %arg12[%get3A_52, %get3A_53] : memref<1x16xf32, #tpu.memory_space<vmem>>, vector<1x16xf32>
    %swap3A_55 = arith.constant 0 : index
    %swap3A_56 = arith.constant 0 : index
    %swap3A_57 = vector.load %arg10[%swap3A_55, %swap3A_56] : memref<1x16xf32, #tpu.memory_space<vmem>>, vector<1x16xf32>
    tpu.vector_store %arg10[%swap3A_55, %swap3A_56], %get3A_54 {strides = array<i32>} : memref<1x16xf32, #tpu.memory_space<vmem>>, vector<1x16xf32>,
    return
  }
  func.func @transform_0(%arg0: i32) -> (i32, i32) {
    %c0_i32 = arith.constant 0 : i32
    %c0_i32_0 = arith.constant 0 : i32
    return %arg0, %c0_i32 : i32, i32
  }
  func.func @transform_1(%arg0: i32) -> (i32, i32) {
    %c0_i32 = arith.constant 0 : i32
    %c0_i32_0 = arith.constant 0 : i32
    return %arg0, %c0_i32 : i32, i32
  }
  func.func @transform_2(%arg0: i32) -> (i32, i32) {
    %c0_i32 = arith.constant 0 : i32
    %c0_i32_0 = arith.constant 0 : i32
    return %arg0, %c0_i32 : i32, i32
  }
  func.func @transform_3(%arg0: i32) -> (i32, i32) {
    %c0_i32 = arith.constant 0 : i32
    %c0_i32_0 = arith.constant 0 : i32
    %c0_i32_1 = arith.constant 0 : i32
    return %c0_i32, %c0_i32_0 : i32, i32
  }
  func.func @transform_4(%arg0: i32) -> (i32, i32) {
    %c0_i32 = arith.constant 0 : i32
    %c0_i32_0 = arith.constant 0 : i32
    %c0_i32_1 = arith.constant 0 : i32
    return %c0_i32, %c0_i32_0 : i32, i32
  }
  func.func @transform_5(%arg0: i32) -> (i32, i32) {
    %c0_i32 = arith.constant 0 : i32
    %c0_i32_0 = arith.constant 0 : i32
    %c0_i32_1 = arith.constant 0 : i32
    return %c0_i32, %c0_i32_0 : i32, i32
  }
  func.func @transform_6(%arg0: i32) -> (i32, i32) {
    %c0_i32 = arith.constant 0 : i32
    %c0_i32_0 = arith.constant 0 : i32
    %c0_i32_1 = arith.constant 0 : i32
    return %c0_i32, %c0_i32_0 : i32, i32
  }
  func.func @transform_7(%arg0: i32) -> (i32, i32) {
    %c0_i32 = arith.constant 0 : i32
    %c0_i32_0 = arith.constant 0 : i32
    return %arg0, %c0_i32 : i32, i32
  }
  func.func @transform_8(%arg0: i32) -> (i32, i32) {
    %c0_i32 = arith.constant 0 : i32
    %c0_i32_0 = arith.constant 0 : i32
    %c0_i32_1 = arith.constant 0 : i32
    return %c0_i32, %c0_i32_0 : i32, i32
  }
  func.func @transform_9(%arg0: i32) -> (i32, i32) {
    %c0_i32 = arith.constant 0 : i32
    %c0_i32_0 = arith.constant 0 : i32
    %c0_i32_1 = arith.constant 0 : i32
    return %c0_i32, %c0_i32_0 : i32, i32
  }
}

module attributes {stable_mosaic.version = 14 : i64} {
  func.func @_pass2_body(%arg0: i32, %arg1: memref<1600x256xf32, #tpu.memory_space<vmem>>, %arg2: memref<1600x16xbf16, #tpu.memory_space<vmem>>, %arg3: memref<1600x16xf32, #tpu.memory_space<vmem>>, %arg4: memref<1x16xf32, #tpu.memory_space<vmem>>, %arg5: memref<1x16xf32, #tpu.memory_space<vmem>>, %arg6: memref<1x16xf32, #tpu.memory_space<vmem>>, %arg7: memref<1x16xf32, #tpu.memory_space<vmem>>, %arg8: memref<272x1024xbf16, #tpu.memory_space<vmem>>, %arg9: memref<1x1024xf32, #tpu.memory_space<vmem>>, %arg10: memref<1024x1024xbf16, #tpu.memory_space<vmem>>, %arg11: memref<16x256xf32, #tpu.memory_space<vmem>>, %arg12: memref<1600x256xf32, #tpu.memory_space<vmem>>) attributes {dimension_semantics = [#tpu.dimension_semantics<arbitrary>], iteration_bounds = array<i64: 50>, scalar_prefetch = 0 : i64, scratch_operands = 0 : i64, tpu.core_type = #tpu.core_type<tc>, window_params = [{transform_indices = @transform_0, window_bounds = array<i64: 1600, 256>}, {transform_indices = @transform_1, window_bounds = array<i64: 1600, 16>}, {transform_indices = @transform_2, window_bounds = array<i64: 1600, 16>}, {pipeline_mode = #tpu.pipeline_mode<synchronous>, transform_indices = @transform_3, window_bounds = array<i64: 1, 16>}, {pipeline_mode = #tpu.pipeline_mode<synchronous>, transform_indices = @transform_4, window_bounds = array<i64: 1, 16>}, {pipeline_mode = #tpu.pipeline_mode<synchronous>, transform_indices = @transform_5, window_bounds = array<i64: 1, 16>}, {pipeline_mode = #tpu.pipeline_mode<synchronous>, transform_indices = @transform_6, window_bounds = array<i64: 1, 16>}, {pipeline_mode = #tpu.pipeline_mode<synchronous>, transform_indices = @transform_7, window_bounds = array<i64: 272, 1024>}, {pipeline_mode = #tpu.pipeline_mode<synchronous>, transform_indices = @transform_8, window_bounds = array<i64: 1, 1024>}, {pipeline_mode = #tpu.pipeline_mode<synchronous>, transform_indices = @transform_9, window_bounds = array<i64: 1024, 1024>}, {pipeline_mode = #tpu.pipeline_mode<synchronous>, transform_indices = @transform_10, window_bounds = array<i64: 16, 256>}, {transform_indices = @transform_11, window_bounds = array<i64: 1600, 256>}]} {
    %get3A = arith.constant 0 : index
    %get3A_0 = arith.constant 0 : index
    %get3A_1 = vector.load %arg8[%get3A, %get3A_0] : memref<272x1024xbf16, #tpu.memory_space<vmem>>, vector<272x1024xbf16>
    %get3A_2 = arith.constant 0 : index
    %get3A_3 = arith.constant 0 : index
    %get3A_4 = vector.load %arg1[%get3A_2, %get3A_3] : memref<1600x256xf32, #tpu.memory_space<vmem>>, vector<1600x256xf32>
    %convert_element_type3A = arith.truncf %get3A_4 : vector<1600x256xf32> to vector<1600x256xbf16>
    %get3A_5 = arith.constant 0 : index
    %get3A_6 = arith.constant 0 : index
    %get3A_7 = vector.load %arg2[%get3A_5, %get3A_6] : memref<1600x16xbf16, #tpu.memory_space<vmem>>, vector<1600x16xbf16>
    %slice3A = vector.extract_strided_slice %get3A_1 {offsets = [0, 0], sizes = [256, 1024], strides = [1, 1]} : vector<272x1024xbf16> to vector<256x1024xbf16>
    %dot_general3A = arith.constant dense<0.000000e+00> : vector<1600x1024xf32>
    %dot_general3A_8 = tpu.matmul %convert_element_type3A, %slice3A, %dot_general3A {dimension_numbers = #tpu.dot_dimension_numbers<[1], [0], [0], [1], [0, 0, 1, 1], [], []>, transpose_lhs_hint = false} : vector<1600x256xbf16>, vector<256x1024xbf16>, vector<1600x1024xf32> -> vector<1600x1024xf32>
    %slice3A_9 = vector.extract_strided_slice %get3A_1 {offsets = [256, 0], sizes = [16, 1024], strides = [1, 1]} : vector<272x1024xbf16> to vector<16x1024xbf16>
    %dot_general3A_10 = arith.constant dense<0.000000e+00> : vector<1600x1024xf32>
    %dot_general3A_11 = tpu.matmul %get3A_7, %slice3A_9, %dot_general3A_10 {dimension_numbers = #tpu.dot_dimension_numbers<[1], [0], [0], [1], [0, 0, 1, 1], [], []>, transpose_lhs_hint = false} : vector<1600x16xbf16>, vector<16x1024xbf16>, vector<1600x1024xf32> -> vector<1600x1024xf32>
    %add3A = arith.addf %dot_general3A_8, %dot_general3A_11 : vector<1600x1024xf32>
    %get3A_12 = arith.constant 0 : index
    %get3A_13 = arith.constant 0 : index
    %get3A_14 = vector.load %arg9[%get3A_12, %get3A_13] : memref<1x1024xf32, #tpu.memory_space<vmem>>, vector<1x1024xf32>
    %add3A_15 = vector.broadcast %get3A_14 : vector<1x1024xf32> to vector<1600x1024xf32>
    %add3A_16 = arith.addf %add3A, %add3A_15 : vector<1600x1024xf32>
    %ge3A = arith.constant 0.000000e+00 : f32
    %ge3A_17 = vector.broadcast %ge3A : f32 to vector<1600x1024xf32>
    %ge3A_18 = arith.cmpf oge, %add3A_16, %ge3A_17 : vector<1600x1024xf32>
    %mul3A = arith.constant 2.000000e-01 : f32
    %mul3A_19 = vector.broadcast %mul3A : f32 to vector<1600x1024xf32>
    %mul3A_20 = arith.mulf %mul3A_19, %add3A_16 : vector<1600x1024xf32>
    %select_n3A = arith.select %ge3A_18, %add3A_16, %mul3A_20 : vector<1600x1024xi1>, vector<1600x1024xf32>
    %convert_element_type3A_21 = arith.truncf %select_n3A : vector<1600x1024xf32> to vector<1600x1024xbf16>
    %get3A_22 = arith.constant 0 : index
    %get3A_23 = arith.constant 0 : index
    %get3A_24 = vector.load %arg4[%get3A_22, %get3A_23] : memref<1x16xf32, #tpu.memory_space<vmem>>, vector<1x16xf32>
    %get3A_25 = arith.constant 0 : index
    %get3A_26 = arith.constant 0 : index
    %get3A_27 = vector.load %arg6[%get3A_25, %get3A_26] : memref<1x16xf32, #tpu.memory_space<vmem>>, vector<1x16xf32>
    %max3A = arith.maximumf %get3A_24, %get3A_27 : vector<1x16xf32>
    %get3A_28 = arith.constant 0 : index
    %get3A_29 = arith.constant 0 : index
    %get3A_30 = vector.load %arg5[%get3A_28, %get3A_29] : memref<1x16xf32, #tpu.memory_space<vmem>>, vector<1x16xf32>
    %sub3A = arith.subf %get3A_24, %max3A : vector<1x16xf32>
    %exp3A = math.exp %sub3A : vector<1x16xf32>
    %mul3A_31 = arith.mulf %get3A_30, %exp3A : vector<1x16xf32>
    %get3A_32 = arith.constant 0 : index
    %get3A_33 = arith.constant 0 : index
    %get3A_34 = vector.load %arg7[%get3A_32, %get3A_33] : memref<1x16xf32, #tpu.memory_space<vmem>>, vector<1x16xf32>
    %sub3A_35 = arith.subf %get3A_27, %max3A : vector<1x16xf32>
    %exp3A_36 = math.exp %sub3A_35 : vector<1x16xf32>
    %mul3A_37 = arith.mulf %get3A_34, %exp3A_36 : vector<1x16xf32>
    %add3A_38 = arith.addf %mul3A_31, %mul3A_37 : vector<1x16xf32>
    %get3A_39 = arith.constant 0 : index
    %get3A_40 = arith.constant 0 : index
    %get3A_41 = vector.load %arg3[%get3A_39, %get3A_40] : memref<1600x16xf32, #tpu.memory_space<vmem>>, vector<1600x16xf32>
    %sub3A_42 = vector.broadcast %max3A : vector<1x16xf32> to vector<1600x16xf32>
    %sub3A_43 = arith.subf %get3A_41, %sub3A_42 : vector<1600x16xf32>
    %exp3A_44 = math.exp %sub3A_43 : vector<1600x16xf32>
    %div3A = vector.broadcast %add3A_38 : vector<1x16xf32> to vector<1600x16xf32>
    %div3A_45 = arith.divf %exp3A_44, %div3A : vector<1600x16xf32>
    %mul3A_46 = arith.constant 2.500000e-01 : f32
    %mul3A_47 = vector.broadcast %mul3A_46 : f32 to vector<1600x16xf32>
    %mul3A_48 = arith.mulf %div3A_45, %mul3A_47 : vector<1600x16xf32>
    %get3A_49 = arith.constant 0 : index
    %get3A_50 = arith.constant 0 : index
    %get3A_51 = vector.load %arg10[%get3A_49, %get3A_50] : memref<1024x1024xbf16, #tpu.memory_space<vmem>>, vector<1024x1024xbf16>
    %get3A_52 = arith.constant 0 : index
    %get3A_53 = arith.constant 0 : index
    %get3A_54 = vector.load %arg11[%get3A_52, %get3A_53] : memref<16x256xf32, #tpu.memory_space<vmem>>, vector<16x256xf32>
    %dot_general3A_55 = arith.constant dense<0.000000e+00> : vector<1600x256xf32>
    %dot_general3A_56 = tpu.matmul %mul3A_48, %get3A_54, %dot_general3A_55 {dimension_numbers = #tpu.dot_dimension_numbers<[1], [0], [0], [1], [0, 0, 1, 1], [], []>, transpose_lhs_hint = false} : vector<1600x16xf32>, vector<16x256xf32>, vector<1600x256xf32> -> vector<1600x256xf32>
    %slice3A_57 = vector.extract_strided_slice %get3A_51 {offsets = [0, 0], sizes = [1024, 256], strides = [1, 1]} : vector<1024x1024xbf16> to vector<1024x256xbf16>
    %dot_general3A_58 = arith.constant dense<0.000000e+00> : vector<1600x256xf32>
    %dot_general3A_59 = tpu.matmul %convert_element_type3A_21, %slice3A_57, %dot_general3A_58 {dimension_numbers = #tpu.dot_dimension_numbers<[1], [0], [0], [1], [0, 0, 1, 1], [], []>, transpose_lhs_hint = false} : vector<1600x1024xbf16>, vector<1024x256xbf16>, vector<1600x256xf32> -> vector<1600x256xf32>
    %slice3A_60 = vector.extract_strided_slice %mul3A_48 {offsets = [0, 0], sizes = [1600, 1], strides = [1, 1]} : vector<1600x16xf32> to vector<1600x1xf32>
    %mul3A_61 = vector.broadcast %slice3A_60 : vector<1600x1xf32> to vector<1600x256xf32>
    %mul3A_62 = arith.mulf %dot_general3A_59, %mul3A_61 : vector<1600x256xf32>
    %add3A_63 = arith.addf %dot_general3A_56, %mul3A_62 : vector<1600x256xf32>
    %slice3A_64 = vector.extract_strided_slice %get3A_51 {offsets = [0, 256], sizes = [1024, 256], strides = [1, 1]} : vector<1024x1024xbf16> to vector<1024x256xbf16>
    %dot_general3A_65 = arith.constant dense<0.000000e+00> : vector<1600x256xf32>
    %dot_general3A_66 = tpu.matmul %convert_element_type3A_21, %slice3A_64, %dot_general3A_65 {dimension_numbers = #tpu.dot_dimension_numbers<[1], [0], [0], [1], [0, 0, 1, 1], [], []>, transpose_lhs_hint = false} : vector<1600x1024xbf16>, vector<1024x256xbf16>, vector<1600x256xf32> -> vector<1600x256xf32>
    %slice3A_67 = vector.extract_strided_slice %mul3A_48 {offsets = [0, 1], sizes = [1600, 1], strides = [1, 1]} : vector<1600x16xf32> to vector<1600x1xf32>
    %mul3A_68 = vector.broadcast %slice3A_67 : vector<1600x1xf32> to vector<1600x256xf32>
    %mul3A_69 = arith.mulf %dot_general3A_66, %mul3A_68 : vector<1600x256xf32>
    %add3A_70 = arith.addf %add3A_63, %mul3A_69 : vector<1600x256xf32>
    %slice3A_71 = vector.extract_strided_slice %get3A_51 {offsets = [0, 512], sizes = [1024, 256], strides = [1, 1]} : vector<1024x1024xbf16> to vector<1024x256xbf16>
    %dot_general3A_72 = arith.constant dense<0.000000e+00> : vector<1600x256xf32>
    %dot_general3A_73 = tpu.matmul %convert_element_type3A_21, %slice3A_71, %dot_general3A_72 {dimension_numbers = #tpu.dot_dimension_numbers<[1], [0], [0], [1], [0, 0, 1, 1], [], []>, transpose_lhs_hint = false} : vector<1600x1024xbf16>, vector<1024x256xbf16>, vector<1600x256xf32> -> vector<1600x256xf32>
    %slice3A_74 = vector.extract_strided_slice %mul3A_48 {offsets = [0, 2], sizes = [1600, 1], strides = [1, 1]} : vector<1600x16xf32> to vector<1600x1xf32>
    %mul3A_75 = vector.broadcast %slice3A_74 : vector<1600x1xf32> to vector<1600x256xf32>
    %mul3A_76 = arith.mulf %dot_general3A_73, %mul3A_75 : vector<1600x256xf32>
    %add3A_77 = arith.addf %add3A_70, %mul3A_76 : vector<1600x256xf32>
    %slice3A_78 = vector.extract_strided_slice %get3A_51 {offsets = [0, 768], sizes = [1024, 256], strides = [1, 1]} : vector<1024x1024xbf16> to vector<1024x256xbf16>
    %dot_general3A_79 = arith.constant dense<0.000000e+00> : vector<1600x256xf32>
    %dot_general3A_80 = tpu.matmul %convert_element_type3A_21, %slice3A_78, %dot_general3A_79 {dimension_numbers = #tpu.dot_dimension_numbers<[1], [0], [0], [1], [0, 0, 1, 1], [], []>, transpose_lhs_hint = false} : vector<1600x1024xbf16>, vector<1024x256xbf16>, vector<1600x256xf32> -> vector<1600x256xf32>
    %slice3A_81 = vector.extract_strided_slice %mul3A_48 {offsets = [0, 3], sizes = [1600, 1], strides = [1, 1]} : vector<1600x16xf32> to vector<1600x1xf32>
    %mul3A_82 = vector.broadcast %slice3A_81 : vector<1600x1xf32> to vector<1600x256xf32>
    %mul3A_83 = arith.mulf %dot_general3A_80, %mul3A_82 : vector<1600x256xf32>
    %add3A_84 = arith.addf %add3A_77, %mul3A_83 : vector<1600x256xf32>
    %swap3A = arith.constant 0 : index
    %swap3A_85 = arith.constant 0 : index
    %swap3A_86 = vector.load %arg12[%swap3A, %swap3A_85] : memref<1600x256xf32, #tpu.memory_space<vmem>>, vector<1600x256xf32>
    tpu.vector_store %arg12[%swap3A, %swap3A_85], %add3A_84 {strides = array<i32>} : memref<1600x256xf32, #tpu.memory_space<vmem>>, vector<1600x256xf32>,
    return
  }
  func.func @transform_0(%arg0: i32) -> (i32, i32) {
    %c0_i32 = arith.constant 0 : i32
    %c0_i32_0 = arith.constant 0 : i32
    return %arg0, %c0_i32 : i32, i32
  }
  func.func @transform_1(%arg0: i32) -> (i32, i32) {
    %c0_i32 = arith.constant 0 : i32
    %c0_i32_0 = arith.constant 0 : i32
    return %arg0, %c0_i32 : i32, i32
  }
  func.func @transform_2(%arg0: i32) -> (i32, i32) {
    %c0_i32 = arith.constant 0 : i32
    %c0_i32_0 = arith.constant 0 : i32
    return %arg0, %c0_i32 : i32, i32
  }
  func.func @transform_3(%arg0: i32) -> (i32, i32) {
    %c0_i32 = arith.constant 0 : i32
    %c0_i32_0 = arith.constant 0 : i32
    %c0_i32_1 = arith.constant 0 : i32
    return %c0_i32, %c0_i32_0 : i32, i32
  }
  func.func @transform_4(%arg0: i32) -> (i32, i32) {
    %c0_i32 = arith.constant 0 : i32
    %c0_i32_0 = arith.constant 0 : i32
    %c0_i32_1 = arith.constant 0 : i32
    return %c0_i32, %c0_i32_0 : i32, i32
  }
  func.func @transform_5(%arg0: i32) -> (i32, i32) {
    %c0_i32 = arith.constant 0 : i32
    %c0_i32_0 = arith.constant 0 : i32
    %c0_i32_1 = arith.constant 0 : i32
    return %c0_i32, %c0_i32_0 : i32, i32
  }
  func.func @transform_6(%arg0: i32) -> (i32, i32) {
    %c0_i32 = arith.constant 0 : i32
    %c0_i32_0 = arith.constant 0 : i32
    %c0_i32_1 = arith.constant 0 : i32
    return %c0_i32, %c0_i32_0 : i32, i32
  }
  func.func @transform_7(%arg0: i32) -> (i32, i32) {
    %c0_i32 = arith.constant 0 : i32
    %c0_i32_0 = arith.constant 0 : i32
    %c0_i32_1 = arith.constant 0 : i32
    return %c0_i32, %c0_i32_0 : i32, i32
  }
  func.func @transform_8(%arg0: i32) -> (i32, i32) {
    %c0_i32 = arith.constant 0 : i32
    %c0_i32_0 = arith.constant 0 : i32
    %c0_i32_1 = arith.constant 0 : i32
    return %c0_i32, %c0_i32_0 : i32, i32
  }
  func.func @transform_9(%arg0: i32) -> (i32, i32) {
    %c0_i32 = arith.constant 0 : i32
    %c0_i32_0 = arith.constant 0 : i32
    %c0_i32_1 = arith.constant 0 : i32
    return %c0_i32, %c0_i32_0 : i32, i32
  }
  func.func @transform_10(%arg0: i32) -> (i32, i32) {
    %c0_i32 = arith.constant 0 : i32
    %c0_i32_0 = arith.constant 0 : i32
    %c0_i32_1 = arith.constant 0 : i32
    return %c0_i32, %c0_i32_0 : i32, i32
  }
  func.func @transform_11(%arg0: i32) -> (i32, i32) {
    %c0_i32 = arith.constant 0 : i32
    %c0_i32_0 = arith.constant 0 : i32
    return %arg0, %c0_i32 : i32, i32
  }
}

module attributes {stable_mosaic.version = 14 : i64} {
  func.func @_pass3_body(%arg0: i32, %arg1: memref<2000x256xf32, #tpu.memory_space<vmem>>, %arg2: memref<2000x256xf32, #tpu.memory_space<vmem>>, %arg3: memref<2000x256xf32, #tpu.memory_space<vmem>>, %arg4: memref<2000x256xf32, #tpu.memory_space<vmem>>, %arg5: memref<2000x256xf32, #tpu.memory_space<vmem>>, %arg6: memref<512x256xf32, #tpu.memory_space<vmem>>, %arg7: memref<1x256xf32, #tpu.memory_space<vmem>>, %arg8: memref<1x256xf32, #tpu.memory_space<vmem>>, %arg9: memref<1x256xf32, #tpu.memory_space<vmem>>, %arg10: memref<2000x256xf32, #tpu.memory_space<vmem>>) attributes {dimension_semantics = [#tpu.dimension_semantics<arbitrary>], iteration_bounds = array<i64: 5>, scalar_prefetch = 0 : i64, scratch_operands = 0 : i64, tpu.core_type = #tpu.core_type<tc>, window_params = [{transform_indices = @transform_0, window_bounds = array<i64: 2000, 256>}, {transform_indices = @transform_1, window_bounds = array<i64: 2000, 256>}, {transform_indices = @transform_2, window_bounds = array<i64: 2000, 256>}, {transform_indices = @transform_3, window_bounds = array<i64: 2000, 256>}, {transform_indices = @transform_4, window_bounds = array<i64: 2000, 256>}, {pipeline_mode = #tpu.pipeline_mode<synchronous>, transform_indices = @transform_5, window_bounds = array<i64: 512, 256>}, {pipeline_mode = #tpu.pipeline_mode<synchronous>, transform_indices = @transform_6, window_bounds = array<i64: 1, 256>}, {pipeline_mode = #tpu.pipeline_mode<synchronous>, transform_indices = @transform_7, window_bounds = array<i64: 1, 256>}, {pipeline_mode = #tpu.pipeline_mode<synchronous>, transform_indices = @transform_8, window_bounds = array<i64: 1, 256>}, {transform_indices = @transform_9, window_bounds = array<i64: 2000, 256>}]} {
    %get3A = arith.constant 0 : index
    %get3A_0 = arith.constant 0 : index
    %get3A_1 = vector.load %arg6[%get3A, %get3A_0] : memref<512x256xf32, #tpu.memory_space<vmem>>, vector<512x256xf32>
    %get3A_2 = arith.constant 0 : index
    %get3A_3 = arith.constant 0 : index
    %get3A_4 = vector.load %arg2[%get3A_2, %get3A_3] : memref<2000x256xf32, #tpu.memory_space<vmem>>, vector<2000x256xf32>
    %get3A_5 = arith.constant 0 : index
    %get3A_6 = arith.constant 0 : index
    %get3A_7 = vector.load %arg3[%get3A_5, %get3A_6] : memref<2000x256xf32, #tpu.memory_space<vmem>>, vector<2000x256xf32>
    %add3A = arith.addf %get3A_4, %get3A_7 : vector<2000x256xf32>
    %get3A_8 = arith.constant 0 : index
    %get3A_9 = arith.constant 0 : index
    %get3A_10 = vector.load %arg4[%get3A_8, %get3A_9] : memref<2000x256xf32, #tpu.memory_space<vmem>>, vector<2000x256xf32>
    %get3A_11 = arith.constant 0 : index
    %get3A_12 = arith.constant 0 : index
    %get3A_13 = vector.load %arg5[%get3A_11, %get3A_12] : memref<2000x256xf32, #tpu.memory_space<vmem>>, vector<2000x256xf32>
    %add3A_14 = arith.addf %get3A_10, %get3A_13 : vector<2000x256xf32>
    %add3A_15 = arith.addf %add3A, %add3A_14 : vector<2000x256xf32>
    %get3A_16 = arith.constant 0 : index
    %get3A_17 = arith.constant 0 : index
    %get3A_18 = vector.load %arg1[%get3A_16, %get3A_17] : memref<2000x256xf32, #tpu.memory_space<vmem>>, vector<2000x256xf32>
    %slice3A = vector.extract_strided_slice %get3A_1 {offsets = [0, 0], sizes = [256, 256], strides = [1, 1]} : vector<512x256xf32> to vector<256x256xf32>
    %dot_general3A = arith.constant dense<0.000000e+00> : vector<2000x256xf32>
    %dot_general3A_19 = tpu.matmul %get3A_18, %slice3A, %dot_general3A {dimension_numbers = #tpu.dot_dimension_numbers<[1], [0], [0], [1], [0, 0, 1, 1], [], []>, precision = #tpu.contract_precision<fp32>, transpose_lhs_hint = false} : vector<2000x256xf32>, vector<256x256xf32>, vector<2000x256xf32> -> vector<2000x256xf32>
    %slice3A_20 = vector.extract_strided_slice %get3A_1 {offsets = [256, 0], sizes = [256, 256], strides = [1, 1]} : vector<512x256xf32> to vector<256x256xf32>
    %dot_general3A_21 = arith.constant dense<0.000000e+00> : vector<2000x256xf32>
    %dot_general3A_22 = tpu.matmul %add3A_15, %slice3A_20, %dot_general3A_21 {dimension_numbers = #tpu.dot_dimension_numbers<[1], [0], [0], [1], [0, 0, 1, 1], [], []>, precision = #tpu.contract_precision<fp32>, transpose_lhs_hint = false} : vector<2000x256xf32>, vector<256x256xf32>, vector<2000x256xf32> -> vector<2000x256xf32>
    %add3A_23 = arith.addf %dot_general3A_19, %dot_general3A_22 : vector<2000x256xf32>
    %get3A_24 = arith.constant 0 : index
    %get3A_25 = arith.constant 0 : index
    %get3A_26 = vector.load %arg7[%get3A_24, %get3A_25] : memref<1x256xf32, #tpu.memory_space<vmem>>, vector<1x256xf32>
    %add3A_27 = vector.broadcast %get3A_26 : vector<1x256xf32> to vector<2000x256xf32>
    %add3A_28 = arith.addf %add3A_23, %add3A_27 : vector<2000x256xf32>
    %reduce_sum3A = arith.constant dense<0.000000e+00> : vector<2000xf32>
    %reduce_sum3A_29 = vector.multi_reduction <add>, %add3A_28, %reduce_sum3A [1] : vector<2000x256xf32> to vector<2000xf32>
    %broadcast_in_dim3A = vector.shape_cast %reduce_sum3A_29 : vector<2000xf32> to vector<2000x1xf32>
    %div3A = arith.constant 2.560000e+02 : f32
    %div3A_30 = vector.broadcast %div3A : f32 to vector<2000x1xf32>
    %div3A_31 = arith.divf %broadcast_in_dim3A, %div3A_30 : vector<2000x1xf32>
    %sub3A = vector.broadcast %div3A_31 : vector<2000x1xf32> to vector<2000x256xf32>
    %sub3A_32 = arith.subf %add3A_28, %sub3A : vector<2000x256xf32>
    %mul3A = arith.mulf %sub3A_32, %sub3A_32 : vector<2000x256xf32>
    %reduce_sum3A_33 = arith.constant dense<0.000000e+00> : vector<2000xf32>
    %reduce_sum3A_34 = vector.multi_reduction <add>, %mul3A, %reduce_sum3A_33 [1] : vector<2000x256xf32> to vector<2000xf32>
    %broadcast_in_dim3A_35 = vector.shape_cast %reduce_sum3A_34 : vector<2000xf32> to vector<2000x1xf32>
    %div3A_36 = arith.constant 2.560000e+02 : f32
    %div3A_37 = vector.broadcast %div3A_36 : f32 to vector<2000x1xf32>
    %div3A_38 = arith.divf %broadcast_in_dim3A_35, %div3A_37 : vector<2000x1xf32>
    %add3A_39 = arith.constant 9.99999974E-6 : f32
    %add3A_40 = vector.broadcast %add3A_39 : f32 to vector<2000x1xf32>
    %add3A_41 = arith.addf %div3A_38, %add3A_40 : vector<2000x1xf32>
    %rsqrt3A = math.rsqrt %add3A_41 : vector<2000x1xf32>
    %mul3A_42 = vector.broadcast %rsqrt3A : vector<2000x1xf32> to vector<2000x256xf32>
    %mul3A_43 = arith.mulf %sub3A_32, %mul3A_42 : vector<2000x256xf32>
    %get3A_44 = arith.constant 0 : index
    %get3A_45 = arith.constant 0 : index
    %get3A_46 = vector.load %arg8[%get3A_44, %get3A_45] : memref<1x256xf32, #tpu.memory_space<vmem>>, vector<1x256xf32>
    %mul3A_47 = vector.broadcast %get3A_46 : vector<1x256xf32> to vector<2000x256xf32>
    %mul3A_48 = arith.mulf %mul3A_43, %mul3A_47 : vector<2000x256xf32>
    %get3A_49 = arith.constant 0 : index
    %get3A_50 = arith.constant 0 : index
    %get3A_51 = vector.load %arg9[%get3A_49, %get3A_50] : memref<1x256xf32, #tpu.memory_space<vmem>>, vector<1x256xf32>
    %add3A_52 = vector.broadcast %get3A_51 : vector<1x256xf32> to vector<2000x256xf32>
    %add3A_53 = arith.addf %mul3A_48, %add3A_52 : vector<2000x256xf32>
    %ge3A = arith.constant 0.000000e+00 : f32
    %ge3A_54 = vector.broadcast %ge3A : f32 to vector<2000x256xf32>
    %ge3A_55 = arith.cmpf oge, %add3A_53, %ge3A_54 : vector<2000x256xf32>
    %mul3A_56 = arith.constant 2.000000e-01 : f32
    %mul3A_57 = vector.broadcast %mul3A_56 : f32 to vector<2000x256xf32>
    %mul3A_58 = arith.mulf %mul3A_57, %add3A_53 : vector<2000x256xf32>
    %select_n3A = arith.select %ge3A_55, %add3A_53, %mul3A_58 : vector<2000x256xi1>, vector<2000x256xf32>
    %swap3A = arith.constant 0 : index
    %swap3A_59 = arith.constant 0 : index
    %swap3A_60 = vector.load %arg10[%swap3A, %swap3A_59] : memref<2000x256xf32, #tpu.memory_space<vmem>>, vector<2000x256xf32>
    tpu.vector_store %arg10[%swap3A, %swap3A_59], %select_n3A {strides = array<i32>} : memref<2000x256xf32, #tpu.memory_space<vmem>>, vector<2000x256xf32>,
    return
  }
  func.func @transform_0(%arg0: i32) -> (i32, i32) {
    %c0_i32 = arith.constant 0 : i32
    %c0_i32_0 = arith.constant 0 : i32
    return %arg0, %c0_i32 : i32, i32
  }
  func.func @transform_1(%arg0: i32) -> (i32, i32) {
    %c0_i32 = arith.constant 0 : i32
    %c0_i32_0 = arith.constant 0 : i32
    return %arg0, %c0_i32 : i32, i32
  }
  func.func @transform_2(%arg0: i32) -> (i32, i32) {
    %c0_i32 = arith.constant 0 : i32
    %c0_i32_0 = arith.constant 0 : i32
    return %arg0, %c0_i32 : i32, i32
  }
  func.func @transform_3(%arg0: i32) -> (i32, i32) {
    %c0_i32 = arith.constant 0 : i32
    %c0_i32_0 = arith.constant 0 : i32
    return %arg0, %c0_i32 : i32, i32
  }
  func.func @transform_4(%arg0: i32) -> (i32, i32) {
    %c0_i32 = arith.constant 0 : i32
    %c0_i32_0 = arith.constant 0 : i32
    return %arg0, %c0_i32 : i32, i32
  }
  func.func @transform_5(%arg0: i32) -> (i32, i32) {
    %c0_i32 = arith.constant 0 : i32
    %c0_i32_0 = arith.constant 0 : i32
    %c0_i32_1 = arith.constant 0 : i32
    return %c0_i32, %c0_i32_0 : i32, i32
  }
  func.func @transform_6(%arg0: i32) -> (i32, i32) {
    %c0_i32 = arith.constant 0 : i32
    %c0_i32_0 = arith.constant 0 : i32
    %c0_i32_1 = arith.constant 0 : i32
    return %c0_i32, %c0_i32_0 : i32, i32
  }
  func.func @transform_7(%arg0: i32) -> (i32, i32) {
    %c0_i32 = arith.constant 0 : i32
    %c0_i32_0 = arith.constant 0 : i32
    %c0_i32_1 = arith.constant 0 : i32
    return %c0_i32, %c0_i32_0 : i32, i32
  }
  func.func @transform_8(%arg0: i32) -> (i32, i32) {
    %c0_i32 = arith.constant 0 : i32
    %c0_i32_0 = arith.constant 0 : i32
    %c0_i32_1 = arith.constant 0 : i32
    return %c0_i32, %c0_i32_0 : i32, i32
  }
  func.func @transform_9(%arg0: i32) -> (i32, i32) {
    %c0_i32 = arith.constant 0 : i32
    %c0_i32_0 = arith.constant 0 : i32
    return %arg0, %c0_i32 : i32, i32
  }
}

</mosaic_0001>

<sc_bundles>
// kernel: kernel.12.cloned.1.call-start
scs
__scs_entry_jumppad:
0x0: {  	(pc) =	sbr.rel $0x88, $3  }
0x1: {  	(tag) =	ssettag $0x0;
	lr =	simm.s32 $0x1  }
0x2: {  	[smem:$0x3F94] =	sst lr;
	_ =	strace $0xD0000000  }
0x3: {  	_ = 	snop  }
0x4: {  	_ = 	snop  }
0x5: {  	_ = 	snop  }
0x6: {  	_ = 	snop  }
0x7: {  	_ = 	snop  }
__scs_overlays_trampoline_lowered:
0x8: {  	[smem:$0x3FA3] =	sst s0  }
0x9: {  	[smem:$0x3FA4] =	sst s1  }
0xa: {  	[smem:$0x3FA5] =	sst s2  }
0xb: {  	[smem:$0x3FA6] =	sst s3  }
0xc: {  	[smem:$0x3FA7] =	sst s4  }
0xd: {  	[smem:$0x3FA8] =	sst s5  }
0xe: {  	[smem:$0x3FA9] =	sst s6  }
0xf: {  	[smem:$0x3FAA] =	sst s7  }
0x10: {  	[smem:$0x3FAB] =	sst s8  }
0x11: {  	[smem:$0x3FAC] =	sst s9;
	s0 =	simm.s32 @!p0 $0x0  }
0x12: {  	s1 =	sld [smem:$0x3F92];
	s0 =	simm.s32 @p0 $0x1  }
0x13: {  	[smem:$0x3FAD] =	sst s0;
	s0 =	simm.s32 @!p1 $0x0  }
0x14: {  	s2 =	sld [smem:$0x3F91];
	s0 =	simm.s32 @p1 $0x1  }
0x15: {  	[smem:$0x3FAE] =	sst s0;
	s0 =	simm.s32 @!p2 $0x0  }
0x16: {  	s3 =	sld [smem:$0x3FDB];
	s0 =	simm.s32 @p2 $0x1  }
0x17: {  	s4 =	simm.s32 $0x1BF5;
	[smem:$0x3FB0] =	sst s0  }
0x18: {  	s0 =	sld [smem:$0x3F93];
	_ =	swait.ge [sflag:s4], $0x0  }
0x19: {  	s7 =	sld [smem:$0x3F94]  }
0x1a: {  	s8 =	sadd.s32 $0xFFFFE003, lr  }
0x1b: {  	s9 =	sadd.s32 $0xFFFFFEF7, lr;
	s5 =	simm.s32 $0xFFFFFFFF;
	p2 =	slt.u32 s8, $0xFFFFF086  }
0x1c: {  	p1 =	slt.u32 s9, $0xF7A;
	s5 =	simm.s32 @!p2 $0x0  }
0x1d: {  	s5 =	simm.s32 @p1 $0x1;
	p0 =	seq.s32 s7, s2  }
0x1e: {  	s7 =	smul.u32 @!p0 $0xF7A, s2;
	p2 =	seq.s32 @!p0 s5, $0x0  }
0x1f: {  	s9 =	smul.u32 $0xF7A, s1;
	s8 =	simm.s32 @!p0 $0x1BF5;
	p2 =	por !p2, p0  }
0x20: {  	[sflag:s8] =	ssyncset.s32 @!p0 $0xFFFFF086;
	s6 =	sadd.s32 @!p0 s3, s7;
	s7 =	simm.s32 @!p0 $0x108  }
0x21: {  	s3 =	sadd.s32 s3, s9;
	s6 =	sadd.s32 @!p0 $0x88, s6;
	s7 =	simm.s32 @p2 $0x1082  }
0x22: {  	[simem:s7], [sflag:s8] =	dma.local @!p0 [hbm:s6], $0xF7A  }
0x23: {  	s9 =	sor.u32 $0xD0000000, s2;
	s6 =	simm.s32 $0x108;
	_ =	swait.ge @!p0 [sflag:s8], $0x0  }
0x24: {  	s3 =	sadd.s32 $0x88, s3;
	s6 =	simm.s32 @!p1 $0x1082;
	[sflag:s4] =	ssyncset.s32 $0xFFFFF086  }
0x25: {  	[simem:s6], [sflag:s4] =	dma.local [hbm:s3], $0xF7A  }
0x26: {  	[smem:$0x3F94] =	sst s1;
	(tag) =	ssettag s2;
	_ =	strace s9  }
0x27: {  	s1 =	sld [smem:$0x3FA4]  }
0x28: {  	s2 =	sld [smem:$0x3FA5]  }
0x29: {  	s4 =	sld [smem:$0x3FA7]  }
0x2a: {  	p0 =	seq.s32 s5, $0x0;
	s5 =	sld [smem:$0x3FA8]  }
0x2b: {  	s6 =	sld [smem:$0x3FA9]  }
0x2c: {  	s7 =	sld [smem:$0x3FAA]  }
0x2d: {  	s3 =	simm.s32 $0x108;
	s8 =	sld [smem:$0x3FAB]  }
0x2e: {  	s3 =	simm.s32 @!p0 $0x1082;
	s9 =	sld [smem:$0x3FAC]  }
0x2f: {  	lr =	sadd.s32 s0, s3;
	s0 =	sld [smem:$0x3FA3]  }
0x30: {  	s3 =	sld [smem:$0x3FA6]  }
0x31: {  	[smem:$0x3FAF] =	sst s10  }
0x32: {  	s10 =	sld [smem:$0x3FAD];
	_ =	sdelay $0x3  }
0x33: {  	p0 =	seq.s32 s10, $0x1;
	s10 =	sld [smem:$0x3FAF];
	_ =	sdelay $0x3  }
0x34: {  	[smem:$0x3FAF] =	sst s10  }
0x35: {  	s10 =	sld [smem:$0x3FAE];
	_ =	sdelay $0x3  }
0x36: {  	p1 =	seq.s32 s10, $0x1;
	s10 =	sld [smem:$0x3FAF];
	_ =	sdelay $0x3  }
0x37: {  	[smem:$0x3FAF] =	sst s10  }
0x38: {  	s10 =	sld [smem:$0x3FB0]  }
0x39: {  	_ = 	snop;
	(pc) =	sbr.ind lr, $3  }
0x3a: {  	_ = 	snop  }
0x3b: {  	_ = 	snop  }
0x3c: {  	p2 =	seq.s32 s10, $0x1;
	s10 =	sld [smem:$0x3FAF]  }
0x3d: {  	_ =	shalt  }
0x3e: {  	_ =	shalt  }
0x3f: {  	_ =	shalt  }
0x40: {  	_ =	shalt  }
0x41: {  	_ =	shalt  }
0x42: {  	_ =	shalt  }
0x43: {  	_ =	shalt  }
0x44: {  	_ =	shalt  }
0x45: {  	_ =	shalt  }
0x46: {  	_ =	shalt  }
0x47: {  	_ =	shalt  }
0x48: {  	_ =	shalt  }
0x49: {  	_ =	shalt  }
0x4a: {  	_ =	shalt  }
0x4b: {  	_ =	shalt  }
0x4c: {  	_ =	shalt  }
0x4d: {  	_ =	shalt  }
0x4e: {  	_ =	shalt  }
0x4f: {  	_ =	shalt  }
0x50: {  	_ =	shalt  }
0x51: {  	_ =	shalt  }
0x52: {  	_ =	shalt  }
0x53: {  	_ =	shalt  }
0x54: {  	_ =	shalt  }
0x55: {  	_ =	shalt  }
0x56: {  	_ =	shalt  }
0x57: {  	_ =	shalt  }
0x58: {  	_ =	shalt  }
0x59: {  	_ =	shalt  }
0x5a: {  	_ =	shalt  }
0x5b: {  	_ =	shalt  }
0x5c: {  	_ =	shalt  }
0x5d: {  	_ =	shalt  }
0x5e: {  	_ =	shalt  }
0x5f: {  	_ =	shalt  }
0x60: {  	_ =	shalt  }
0x61: {  	_ =	shalt  }
0x62: {  	_ =	shalt  }
0x63: {  	_ =	shalt  }
0x64: {  	_ =	shalt  }
0x65: {  	_ =	shalt  }
0x66: {  	_ =	shalt  }
0x67: {  	_ =	shalt  }
0x68: {  	_ =	shalt  }
0x69: {  	_ =	shalt  }
0x6a: {  	_ =	shalt  }
0x6b: {  	_ =	shalt  }
0x6c: {  	_ =	shalt  }
0x6d: {  	_ =	shalt  }
0x6e: {  	_ =	shalt  }
0x6f: {  	_ =	shalt  }
0x70: {  	_ =	shalt  }
0x71: {  	_ =	shalt  }
0x72: {  	_ =	shalt  }
0x73: {  	_ =	shalt  }
0x74: {  	_ =	shalt  }
0x75: {  	_ =	shalt  }
0x76: {  	_ =	shalt  }
0x77: {  	_ =	shalt  }
0x78: {  	_ =	shalt  }
0x79: {  	_ =	shalt  }
0x7a: {  	_ =	shalt  }
0x7b: {  	_ =	shalt  }
0x7c: {  	_ =	shalt  }
0x7d: {  	_ =	shalt  }
0x7e: {  	_ =	shalt  }
0x7f: {  	_ =	shalt  }
0x80: {  	_ =	shalt  }
0x81: {  	_ =	shalt  }
0x82: {  	_ =	shalt  }
0x83: {  	_ =	shalt  }
0x84: {  	_ =	shalt  }
0x85: {  	_ =	shalt  }
0x86: {  	_ =	shalt  }
0x87: {  	_ =	shalt  }
.Lfunc_end0:
.L_simem_size_0:
called_computation_lowered:
.L_overlay_start_0:
0x88: {  	s2 =	sld [smem:$0x3FD9]  }
0x89: {  	s3 =	sld [smem:$0x3FFE];
	_ =	sdelay $0x1  }
0x8a: {  	s1 =	srdreg.scid  }
0x8b: {  	s0 =	sand.u32 $0x1, s1  }
0x8c: {  	s17 =	sshll.u32 s0, $0xA;
	s2 =	sadd.s32 s3, s2  }
0x8d: {  	s2 =	sadd.s32 s2, s17  }
0x8e: {  	[smem:$0x3FBB] =	sst s2  }
0x8f: {  	_ = 	snop  }
0x90: {  	s4 =	sld [smem:$0x3FC9]  }
0x91: {  	s18 =	sld [smem:$0x3FD0];
	(tm) =	ssettm $0x1  }
0x92: {  	s19 =	sld [smem:$0x3FFB];
	_ =	sdelay $0x3  }
0x93: {  	_ =	strace s19  }
0x94: {  	s2 =	sld [smem:$0x3FFC];
	_ =	sdelay $0x3  }
0x95: {  	_ =	strace s2  }
0x96: {  	s2 =	sld [smem:$0x3FFD];
	_ =	sdelay $0x3  }
0x97: {  	_ =	strace s2  }
0x98: {  	_ =	strace $0x8FFFFFFF  }
0x99: {  	s20 =	sld [smem:$0x3FDB];
	_ =	sdelay $0x1  }
0x9a: {  	s5 =	simm.s32 $_scs_section_size  }
0x9b: {  	s6 =	simm.s32 $_size__tile_overlayer_lowered;
	s7 =	simm.s32 $_tile_overlayer_lowered  }
0x9c: {  	s8 =	simm.s32 $0x1BFF;
	s21 =	sshll.u32 s7, $0x1;
	s5 =	sadd.s32 s5, s20  }
0x9d: {  	s22 =	simm.s32 $0x0;
	s6 =	sshll.u32 s6, $0x1;
	s7 =	sadd.s32 s21, s5  }
0x9e: {  	[timem:s22], [sflag:s8] =	dma.local [hbm:s7], s6  }
0x9f: {  	_ =	swait.ge [sflag:s8], s6  }
0xa0: {  	s6 =	ssub.s32 $0x0, s6;
	[sflag:s8] =	ssyncset.done $0x0  }
0xa1: {  	[sflag:s8] =	ssyncadd.s32 s6;
	_ =	sdelay $0x1  }
0xa2: {  	s23 =	simm.s32 $0x1B8B  }
0xa3: {  	_ =	swait.ge [sflag:s23], $0x1  }
0xa4: {  	[sflag:s23] =	ssyncset.done $0x0  }
0xa5: {  	[sflag:s23] =	ssyncadd.s32 $0xFFFFFFFF  }
0xa6: {  	s6 =	sld [smem:$0x0]  }
0xa7: {  	s7 =	sand.u32 $0xFFFFFFFE, s1  }
0xa8: {  	p0 =	sne.s32 s1, s7  }
0xa9: {  	s7 =	sshll.u32 @p0 s7, $0xE  }
0xaa: {  	s7 =	sadd.s32 @p0 $0x11B8D, s7;
	s8 =	sshll.u32 @p0 s6, $0x11  }
0xab: {  	s7 =	sor.u32 @p0 s8, s7  }
0xac: {  	[sflag:s7] =	ssyncadd.remote.s32 @p0 $0x1;
	_ =	sdelay $0x1  }
0xad: {  	s7 =	simm.s32 @p0 $0x1B8D  }
0xae: {  	_ =	swait.eq @p0 [sflag:s7], $0x1  }
0xaf: {  	[sflag:s7] =	ssyncadd.s32 @p0 $0xFFFFFFFF  }
0xb0: {  	s8 =	sshll.u32 @!p0 s1, $0xE  }
0xb1: {  	s8 =	sor.u32 @!p0 $0x4000, s8;
	s7 =	simm.s32 @!p0 $0x1B8D  }
0xb2: {  	s6 =	sshll.u32 @!p0 s6, $0x11;
	s8 =	sadd.s32 @!p0 $0x11B8D, s8;
	_ =	swait.eq @!p0 [sflag:s7], $0x1  }
0xb3: {  	s6 =	sor.u32 @!p0 s6, s8;
	[sflag:s7] =	ssyncadd.s32 @!p0 $0xFFFFFFFF  }
0xb4: {  	s25 =	simm.s32 $0x1B8E;
	s24 =	sld [smem:$0x3FFE];
	[sflag:s6] =	ssyncadd.remote.s32 @!p0 $0x1  }
0xb5: {  	s26 =	simm.s32 $execute0_lowered;
	[smem:$0x3FD2] =	sst s25  }
0xb6: {  	s7 =	sshll.u32 s26, $0x1;
	_ =	strace $0x80000049;
	[dreg:$0x1] =	wrdreg $0xFFFFFFFF  }
0xb7: {  	s28 =	simm.s32 $_size_execute0_lowered;
	s5 =	sadd.s32 s5, s7;
	[dreg:$0x0] =	wrdreg $0x0  }
0xb8: {  	s7 =	sshll.u32 s28, $0x1;
	[dreg:$0x2] =	wrdreg s5  }
0xb9: {  	[dreg:$0x3] =	wrdreg s7  }
0xba: {  	[dreg:$0x4] =	wrdreg $0xC0  }
0xbb: {  	_ =	task [dreg:s22], $0x5FFFF  }
0xbc: {  	[dreg:$0x1] =	wrdreg $0xFFFFFFFF  }
0xbd: {  	[dreg:$0x0] =	wrdreg $0x60  }
0xbe: {  	[dreg:$0x2] =	wrdreg s4  }
0xbf: {  	[dreg:$0x3] =	wrdreg s24  }
0xc0: {  	[dreg:$0x4] =	wrdreg s18  }
0xc1: {  	[dreg:$0x5] =	wrdreg $0x9  }
0xc2: {  	_ =	task.clear_ibuf [dreg:s22], $0x6FFFF;
	_ =	strace $0x90000049  }
0xc3: {  	s29 =	simm.s32 $0x9;
	_ =	strace $0x8000004B  }
0xc4: {  	_ =	swait.ge [sflag:s29], $0x1  }
0xc5: {  	[sflag:s29] =	ssyncadd.s32 $0xFFFFFFFF  }
0xc6: {  	_ =	strace $0x9000004B  }
0xc7: {  	_ =	sfence  }
0xc8: {  	s30 =	sld [smem:$0x0];
	_ =	sdelay $0x2  }
0xc9: {  	s31 =	sshll.u32 s1, $0xD;
	s1 =	sshrl.u32 s1, $0x2  }
0xca: {  	s4 =	sand.u32 $0x4000, s31;
	s1 =	sadd.s32 s1, s30  }
0xcb: {  	s0 =	sor.u32 s4, s0;
	s1 =	sshll.u32 s1, $0x11  }
0xcc: {  	s0 =	sor.u32 s1, s0  }
0xcd: {  	s0 =	sadd.s32 $0x8F2B, s0  }
0xce: {  	[sflag:s0] =	ssyncadd.remote.s32 $0x1  }
0xcf: {  	_ =	sfence.sel $0xFFFF  }
0xd0: {  	[dreg:$0x0] =	wrdreg $0xFFFFFFFF;
	(pc) =	sbr.abs _section_cstart, $3  }
0xd1: {  	[dreg:$0x1] =	wrdreg $0xFFFFFFFF  }
0xd2: {  	_ =	task.clear_ibuf [dreg:s22], $0x2FFFF;
	_ =	strace $0x9FFFFFFF  }
0xd3: {  	(tm) =	ssettm $0x7FFFFFFF  }
tec
execute0_lowered:
.L_overlay_start_1:
0x0: {  	(tag) =	ssettag $0x1  }
0x1: {  	s1 =	rddreg [dreg:$0x0]  }
0x2: {  	s0 =	rddreg [dreg:$0x1]  }
0x3: {  	s3 =	rddreg [dreg:$0x2];
	s2 =	simm.s32 $0x0  }
0x4: {  	s10 =	stileid.u32;
	s20 =	srdreg.scid;
	s13 =	simm.s32 $0xC200  }
0x5: {  	s16 =	simm.s32 $0x2;
	s17 =	simm.s32 $0x200;
	s28 =	simm.s32 $0x3  }
0x6: {  	s29 =	simm.s32 $0x4200;
	s30 =	simm.s32 $0x4A00;
	s31 =	simm.s32 $0x5200  }
0x7: {  	s15 =	simm.s32 $0x6A00;
	[smem:$0x7FF] =	sst s2;
	s4 =	sadd.s32 $0x5E00, s0  }
0x8: {  	s6 =	sadd.s32 $0x3B5A00, s0;
	s5 =	sshll.u32 s10, $0xC;
	s21 =	sshll.u32 s10, $0xB  }
0x9: {  	p0 =	seq.s32 s10, $0x0;
	s10 =	sshll.u32 s10, $0x4;
	_ =	strace $0x8000004A  }
0xa: {  	[dreg:$0x4] =	wrdreg s4;
	s4 =	sand.u32 $0x1, s20;
	s7 =	sadd.s32 s5, s0  }
0xb: {  	s0 =	sadd.s32 s21, s0;
	s5 =	simm.s32 $0x28;
	s25 =	sadd.s32 s10, s6  }
0xc: {  	s26 =	sadd.s32 s10, s3;
	s21 =	simm.s32 $0x2200;
	s8 =	ssub.s32 $0x2, s4  }
0xd: {  	s12 =	sshll.u32 s4, $0x3;
	s5 =	simm.s32 @!p0 $0x27;
	s23 =	sshll.u32 s4, $0xA  }
0xe: {  	s4 =	sshll.u32 s4, $0xB;
	s9 =	sshrl.u32 s8, $0x1;
	s22 =	sor.u32 s12, s10  }
0xf: {  	s0 =	sadd.s32 s23, s0;
	s24 =	sadd.s32 s4, s7;
	s23 =	simm.s32 $0x3200  }
0x10: {  	v0 =	vimm.f32 $0.0e+00;
	v4 =	vlaneseq.u32;
	s4 =	simm.s32 $0x7200;
	s7 =	simm.s32 $0xA200;
	s10 =	simm.s32 $0x0  }
0x11: {  	vm0 =	vmmov $0xffff;
	v3 =	vshrl.u32 v4, $0x3;
	v2 =	vmul.u32 $0x80, v4;
	s8 =	ssub.s32 s8, s9;
	s11 =	sadd.s32 s6, s22;
	s9 =	sadd.s32 s3, s22  }
0x12: {  	v1 =	vand.u32 $0x7, v4;
	v4 =	vor.u32 $0x8, v4;
	v3 =	vmul.u32 $0x8, v3;
	s0 =	sadd.s32 $0x3B8200, s0;
	s22 =	simm.s32 $0x2A00;
	[dreg:$0x5] =	wrdreg s11  }
.Ltmp0:
0x13: {  	v5 =	vor.u32 $0x1, v2;
	v6 =	vor.u32 $0x2, v2;
	v7 =	vor.u32 $0x3, v2;
	s3 =	simm.s32 $0x6200;
	[dreg:$0x6] =	wrdreg s9;
	(pc) =	sbr.rel .LBB2_1-.Ltmp0, $4  }
0x14: {  	v8 =	vor.u32 $0x800, v2;
	v9 =	vor.u32 $0x801, v2;
	v10 =	vor.u32 $0x802, v2;
	s6 =	simm.s32 $0x7A00;
	s8 =	smax.u32 s8, $0x1;
	[dreg:$0x8] =	wrdreg s0  }
0x15: {  	v11 =	vor.u32 $0x803, v2;
	v12 =	vor.u32 $0x1000, v2;
	v13 =	vor.u32 $0x1001, v2;
	s0 =	sadd.s32 $0x4F0A00, s24;
	s11 =	sadd.s32 s12, s25;
	s12 =	sadd.s32 s12, s26  }
0x16: {  	v14 =	vor.u32 $0x1002, v2;
	v15 =	vor.u32 $0x1003, v2;
	v16 =	vor.u32 $0x1800, v2;
	s24 =	simm.s32 $0x3A00;
	s25 =	simm.s32 $0x8200;
	[dreg:$0x7] =	wrdreg s8  }
0x17: {  	v17 =	vor.u32 $0x1801, v2;
	v18 =	vor.u32 $0x1802, v2;
	v19 =	vor.u32 $0x1803, v2;
	s26 =	simm.s32 $0x1;
	[dreg:$0x9] =	wrdreg s0;
	s0 =	simm.s32 $0x5A00  }
.LBB2_7:
0x18: {  	s8 =	simm.s32 $0x4  }
0x19: {  	_ =	swait.ge [sflag:s8], $0x4000  }
0x1a: {  	[sflag:s8] =	ssyncset.done $0x0  }
0x1b: {  	s18 =	simm.s32 $0x6;
	[sflag:s8] =	ssyncadd.s32 $0xFFFFC000  }
0x1c: {  	_ =	swait.ge [sflag:s18], $0x2000  }
0x1d: {  	[sflag:s18] =	ssyncset.done $0x0  }
0x1e: {  	s19 =	simm.s32 $0x5;
	[sflag:s18] =	ssyncadd.s32 $0xFFFFE000  }
0x1f: {  	_ =	swait.ge [sflag:s19], $0x4000  }
0x20: {  	[sflag:s19] =	ssyncset.done $0x0  }
0x21: {  	s9 =	simm.s32 $0x7;
	[sflag:s19] =	ssyncadd.s32 $0xFFFFC000  }
0x22: {  	_ =	swait.ge [sflag:s9], $0x2000  }
0x23: {  	s10 =	rddreg [dreg:$0xa]  }
0x24: {  	s20 =	rddreg [dreg:$0x7];
	s10 =	sadd.s32 $0x1, s10  }
0x25: {  	p0 =	sne.s32 s10, s20  }
.Ltmp1:
0x26: {  	_ = 	snop;
	(pc) =	sbr.rel @!p0 .LBB2_8-.Ltmp1, $3  }
0x27: {  	_ =	sdelay $0x1  }
0x28: {  	[sflag:s9] =	ssyncset.done $0x0  }
0x29: {  	[sflag:s9] =	ssyncadd.s32 $0xFFFFE000  }
.LBB2_1:
0x2a: {  	[dreg:$0xa] =	wrdreg s10  }
0x2b: {  	s8 =	rddreg [dreg:$0x4];
	s18 =	simm.s32 $0x8  }
0x2c: {  	[tilespmem:s13], [sflag:$0x8] =	stream.linear.gather [hbm4b:s8+s2], $0x9C80, $0x38;
	[tilespmem:$0x15E80] =	vst v63  }
0x2d: {  	_ =	swait.ge [sflag:s18], $0x9C80  }
0x2e: {  	[sflag:s18] =	ssyncset.done $0x0  }
0x2f: {  	[sflag:s18] =	ssyncadd.s32 $0xFFFF6380  }
0x30: {  	[tilespmem:$0x8200] =	vst v0  }
0x31: {  	[tilespmem:$0x8280] =	vst v0  }
0x32: {  	[tilespmem:$0x8300] =	vst v0  }
0x33: {  	[tilespmem:$0x8380] =	vst v0  }
0x34: {  	[tilespmem:$0x8400] =	vst v0  }
0x35: {  	[tilespmem:$0x8480] =	vst v0  }
0x36: {  	[tilespmem:$0x8500] =	vst v0  }
0x37: {  	[tilespmem:$0x8580] =	vst v0  }
0x38: {  	[tilespmem:$0x8600] =	vst v0  }
0x39: {  	[tilespmem:$0x8680] =	vst v0  }
0x3a: {  	[tilespmem:$0x8700] =	vst v0  }
0x3b: {  	[tilespmem:$0x8780] =	vst v0  }
0x3c: {  	[tilespmem:$0x8800] =	vst v0  }
0x3d: {  	[tilespmem:$0x8880] =	vst v0  }
0x3e: {  	[tilespmem:$0x8900] =	vst v0  }
0x3f: {  	[tilespmem:$0x8980] =	vst v0  }
0x40: {  	[tilespmem:$0x8A00] =	vst v0  }
0x41: {  	[tilespmem:$0x8A80] =	vst v0  }
0x42: {  	[tilespmem:$0x8B00] =	vst v0  }
0x43: {  	[tilespmem:$0x8B80] =	vst v0  }
0x44: {  	[tilespmem:$0x8C00] =	vst v0  }
0x45: {  	[tilespmem:$0x8C80] =	vst v0  }
0x46: {  	[tilespmem:$0x8D00] =	vst v0  }
0x47: {  	[tilespmem:$0x8D80] =	vst v0  }
0x48: {  	[tilespmem:$0x8E00] =	vst v0  }
0x49: {  	[tilespmem:$0x8E80] =	vst v0  }
0x4a: {  	[tilespmem:$0x8F00] =	vst v0  }
0x4b: {  	[tilespmem:$0x8F80] =	vst v0  }
0x4c: {  	[tilespmem:$0x9000] =	vst v0  }
0x4d: {  	[tilespmem:$0x9080] =	vst v0  }
0x4e: {  	[tilespmem:$0x9100] =	vst v0  }
0x4f: {  	[tilespmem:$0x9180] =	vst v0  }
0x50: {  	[tilespmem:$0x9200] =	vst v0  }
0x51: {  	[tilespmem:$0x9280] =	vst v0  }
0x52: {  	[tilespmem:$0x9300] =	vst v0  }
0x53: {  	[tilespmem:$0x9380] =	vst v0  }
0x54: {  	[tilespmem:$0x9400] =	vst v0  }
0x55: {  	[tilespmem:$0x9480] =	vst v0  }
0x56: {  	[tilespmem:$0x9500] =	vst v0  }
0x57: {  	[tilespmem:$0x9580] =	vst v0  }
0x58: {  	[tilespmem:$0x9600] =	vst v0  }
0x59: {  	[tilespmem:$0x9680] =	vst v0  }
0x5a: {  	[tilespmem:$0x9700] =	vst v0  }
0x5b: {  	[tilespmem:$0x9780] =	vst v0  }
0x5c: {  	[tilespmem:$0x9800] =	vst v0  }
0x5d: {  	[tilespmem:$0x9880] =	vst v0  }
0x5e: {  	[tilespmem:$0x9900] =	vst v0  }
0x5f: {  	[tilespmem:$0x9980] =	vst v0  }
0x60: {  	[tilespmem:$0x9A00] =	vst v0  }
0x61: {  	[tilespmem:$0x9A80] =	vst v0  }
0x62: {  	[tilespmem:$0x9B00] =	vst v0  }
0x63: {  	[tilespmem:$0x9B80] =	vst v0  }
0x64: {  	[tilespmem:$0x9C00] =	vst v0  }
0x65: {  	[tilespmem:$0x9C80] =	vst v0  }
0x66: {  	[tilespmem:$0x9D00] =	vst v0  }
0x67: {  	[tilespmem:$0x9D80] =	vst v0  }
0x68: {  	[tilespmem:$0x9E00] =	vst v0  }
0x69: {  	[tilespmem:$0x9E80] =	vst v0  }
0x6a: {  	[tilespmem:$0x9F00] =	vst v0  }
0x6b: {  	[tilespmem:$0x9F80] =	vst v0  }
0x6c: {  	[tilespmem:$0xA000] =	vst v0  }
0x6d: {  	[tilespmem:$0xA080] =	vst v0  }
0x6e: {  	[tilespmem:$0xA100] =	vst v0  }
0x6f: {  	[tilespmem:$0xA180] =	vst v0  }
0x70: {  	[tilespmem:$0xA200] =	vst v0  }
0x71: {  	[tilespmem:$0xA280] =	vst v0  }
0x72: {  	[tilespmem:$0xA300] =	vst v0  }
0x73: {  	[tilespmem:$0xA380] =	vst v0  }
0x74: {  	[tilespmem:$0xA400] =	vst v0  }
0x75: {  	[tilespmem:$0xA480] =	vst v0  }
0x76: {  	[tilespmem:$0xA500] =	vst v0  }
0x77: {  	[tilespmem:$0xA580] =	vst v0  }
0x78: {  	[tilespmem:$0xA600] =	vst v0  }
0x79: {  	[tilespmem:$0xA680] =	vst v0  }
0x7a: {  	[tilespmem:$0xA700] =	vst v0  }
0x7b: {  	[tilespmem:$0xA780] =	vst v0  }
0x7c: {  	[tilespmem:$0xA800] =	vst v0  }
0x7d: {  	[tilespmem:$0xA880] =	vst v0  }
0x7e: {  	[tilespmem:$0xA900] =	vst v0  }
0x7f: {  	[tilespmem:$0xA980] =	vst v0  }
0x80: {  	[tilespmem:$0xAA00] =	vst v0  }
0x81: {  	[tilespmem:$0xAA80] =	vst v0  }
0x82: {  	[tilespmem:$0xAB00] =	vst v0  }
0x83: {  	[tilespmem:$0xAB80] =	vst v0  }
0x84: {  	[tilespmem:$0xAC00] =	vst v0  }
0x85: {  	[tilespmem:$0xAC80] =	vst v0  }
0x86: {  	[tilespmem:$0xAD00] =	vst v0  }
0x87: {  	[tilespmem:$0xAD80] =	vst v0  }
0x88: {  	[tilespmem:$0xAE00] =	vst v0  }
0x89: {  	[tilespmem:$0xAE80] =	vst v0  }
0x8a: {  	[tilespmem:$0xAF00] =	vst v0  }
0x8b: {  	[tilespmem:$0xAF80] =	vst v0  }
0x8c: {  	[tilespmem:$0xB000] =	vst v0  }
0x8d: {  	[tilespmem:$0xB080] =	vst v0  }
0x8e: {  	[tilespmem:$0xB100] =	vst v0  }
0x8f: {  	[tilespmem:$0xB180] =	vst v0  }
0x90: {  	[tilespmem:$0xB200] =	vst v0  }
0x91: {  	[tilespmem:$0xB280] =	vst v0  }
0x92: {  	[tilespmem:$0xB300] =	vst v0  }
0x93: {  	[tilespmem:$0xB380] =	vst v0  }
0x94: {  	[tilespmem:$0xB400] =	vst v0  }
0x95: {  	[tilespmem:$0xB480] =	vst v0  }
0x96: {  	[tilespmem:$0xB500] =	vst v0  }
0x97: {  	[tilespmem:$0xB580] =	vst v0  }
0x98: {  	[tilespmem:$0xB600] =	vst v0  }
0x99: {  	[tilespmem:$0xB680] =	vst v0  }
0x9a: {  	[tilespmem:$0xB700] =	vst v0  }
0x9b: {  	[tilespmem:$0xB780] =	vst v0  }
0x9c: {  	[tilespmem:$0xB800] =	vst v0  }
0x9d: {  	[tilespmem:$0xB880] =	vst v0  }
0x9e: {  	[tilespmem:$0xB900] =	vst v0  }
0x9f: {  	[tilespmem:$0xB980] =	vst v0  }
0xa0: {  	[tilespmem:$0xBA00] =	vst v0  }
0xa1: {  	[tilespmem:$0xBA80] =	vst v0  }
0xa2: {  	[tilespmem:$0xBB00] =	vst v0  }
0xa3: {  	[tilespmem:$0xBB80] =	vst v0  }
0xa4: {  	[tilespmem:$0xBC00] =	vst v0  }
0xa5: {  	[tilespmem:$0xBC80] =	vst v0  }
0xa6: {  	[tilespmem:$0xBD00] =	vst v0  }
0xa7: {  	[tilespmem:$0xBD80] =	vst v0  }
0xa8: {  	[tilespmem:$0xBE00] =	vst v0  }
0xa9: {  	[tilespmem:$0xBE80] =	vst v0  }
0xaa: {  	[tilespmem:$0xBF00] =	vst v0  }
0xab: {  	[tilespmem:$0xBF80] =	vst v0  }
0xac: {  	[tilespmem:$0xC000] =	vst v0  }
0xad: {  	[tilespmem:$0xC080] =	vst v0  }
0xae: {  	s19 =	rddreg [dreg:$0x5];
	[tilespmem:$0xC100] =	vst v0  }
.Ltmp2:
0xaf: {  	s20 =	rddreg [dreg:$0x6];
	[tilespmem:$0xC180] =	vst v0;
	(pc) =	sbr.rel .LBB2_2-.Ltmp2, $4  }
0xb0: {  	[tilespmem:s2], [sflag:$0x2] =	stream.linear.gather [hbm4b:s19+s2], $0x40, $0x38;
	[tilespmem:$0x15E80] =	vst v63  }
0xb1: {  	s9 =	simm.s32 $0x100;
	s10 =	rddreg [dreg:$0x8]  }
0xb2: {  	[tilespmem:s9], [sflag:$0x2] =	stream.linear.gather [hbm4b:s20+s2], $0x40, $0x38;
	[tilespmem:$0x15E80] =	vst v63  }
0xb3: {  	s14 =	simm.s32 $0x0;
	s8 =	simm.s32 $0x0;
	s9 =	rddreg [dreg:$0x9]  }
.LBB2_6:
0xb4: {  	s14 =	sadd.s32 $0x200, s14  }
0xb5: {  	p0 =	sne.s32 s14, $0x2800  }
.Ltmp3:
0xb6: {  	_ = 	snop;
	(pc) =	sbr.rel @!p0 .LBB2_7-.Ltmp3, $2  }
0xb7: {  	_ =	sdelay $0x2  }
0xb8: {  	s10 =	sadd.s32 $0x10000, s10;
	s9 =	sadd.s32 $0x20000, s9;
	s8 =	smov.u32 s18  }
.LBB2_2:
0xb9: {  	p1 =	sge.u32 s8, s5  }
.Ltmp4:
0xba: {  	_ = 	snop;
	(pc) =	sbr.rel @p1 .LBB2_4-.Ltmp4, $3  }
0xbb: {  	_ =	sdelay $0x1  }
0xbc: {  	s18 =	sadd.s32 $0x1, s8  }
0xbd: {  	p0 =	sge.u32 s18, s5  }
0xbe: {  	s18 =	sadd.s32 @!p0 s14, s11  }
0xbf: {  	s19 =	simm.s32 @!p0 $0x0;
	s20 =	simm.s32 @!p0 $0x80;
	s18 =	sadd.s32 @!p0 $0x100, s18  }
0xc0: {  	[tilespmem:s20], [sflag:$0x3] =	stream.linear.gather @!p0 [hbm4b:s18+s19], $0x40, $0x38;
	[tilespmem:$0x15E80] =	vst v63  }
0xc1: {  	s18 =	sadd.s32 @!p0 s14, s12  }
0xc2: {  	s20 =	simm.s32 @!p0 $0x180;
	s18 =	sadd.s32 @!p0 $0x100, s18  }
0xc3: {  	[tilespmem:s20], [sflag:$0x3] =	stream.linear.gather @!p0 [hbm4b:s18+s19], $0x40, $0x38;
	[tilespmem:$0x15E80] =	vst v63  }
0xc4: {  	_ =	swait.ge [sflag:s16], $0x40  }
0xc5: {  	[sflag:s16] =	ssyncset.done $0x0  }
0xc6: {  	[sflag:s16] =	ssyncadd.s32 $0xFFFFFFC0  }
0xc7: {  	_ =	swait.ge [sflag:s16], $0x40  }
0xc8: {  	p1 =	seq.s32 s14, $0x0;
	[sflag:s16] =	ssyncset.done $0x0  }
0xc9: {  	s18 =	simm.s32 @!p1 $0x4;
	[sflag:s16] =	ssyncadd.s32 $0xFFFFFFC0  }
0xca: {  	_ =	swait.ge @!p1 [sflag:s18], $0x4000  }
0xcb: {  	[sflag:s18] =	ssyncset.done @!p1 $0x0  }
0xcc: {  	[sflag:s18] =	ssyncadd.s32 @!p1 $0xFFFFC000;
	s18 =	simm.s32 @!p1 $0x6  }
0xcd: {  	_ =	swait.ge @!p1 [sflag:s18], $0x2000  }
0xce: {  	[sflag:s18] =	ssyncset.done @!p1 $0x0  }
0xcf: {  	[sflag:s18] =	ssyncadd.s32 @!p1 $0xFFFFE000  }
0xd0: {  	v20 =	vld [tilespmem:$0x0];
	_ =	sdelay $0x4  }
0xd1: {  	v21 =	vshll.u32 v20, $0x1  }
0xd2: {  	v20 =	vand.u32 $0x7, v20;
	v21 =	vand.u32 $0xFFFFFFF0, v21  }
0xd3: {  	v20 =	vor.u32 v20, v21  }
0xd4: {  	v21 =	vperm.xlane v20, v1;
	_ =	sdelay $0x1  }
0xd5: {  	v20 =	vperm.xlane v20, v4;
	v21 =	vadd.s32 v3, v21;
	_ =	sdelay $0x1  }
0xd6: {  	v20 =	vadd.s32 v3, v20;
	_ =	sdelay $0x2  }
0xd7: {  	[tilespmem:s17], [sflag:$0x1] =	stream.indirect_vreg.gather [hbm4b:s1+s2], $0x80, v21, vm0, $0xb8;
	[tilespmem:$0x15E80] =	vst v63  }
0xd8: {  	s20 =	simm.s32 $0xA00  }
0xd9: {  	[tilespmem:s20], [sflag:$0x1] =	stream.indirect_vreg.gather [hbm4b:s1+s2], $0x80, v20, vm0, $0xb8;
	[tilespmem:$0x15E80] =	vst v63  }
0xda: {  	v20 =	vld [tilespmem:$0x10];
	_ =	sdelay $0x4  }
0xdb: {  	v54 =	vshll.u32 v20, $0x1  }
0xdc: {  	v20 =	vand.u32 $0x7, v20;
	v21 =	vand.u32 $0xFFFFFFF0, v54  }
0xdd: {  	v20 =	vor.u32 v20, v21  }
0xde: {  	v21 =	vperm.xlane v20, v1;
	_ =	sdelay $0x1  }
0xdf: {  	v20 =	vperm.xlane v20, v4;
	v21 =	vadd.s32 v3, v21;
	_ =	sdelay $0x1  }
0xe0: {  	v20 =	vadd.s32 v3, v20;
	_ =	sdelay $0x1  }
0xe1: {  	s19 =	simm.s32 $0x1200  }
0xe2: {  	[tilespmem:s19], [sflag:$0x1] =	stream.indirect_vreg.gather [hbm4b:s1+s2], $0x80, v21, vm0, $0xb8;
	[tilespmem:$0x15E80] =	vst v63  }
0xe3: {  	s20 =	simm.s32 $0x1A00  }
0xe4: {  	[tilespmem:s20], [sflag:$0x1] =	stream.indirect_vreg.gather [hbm4b:s1+s2], $0x80, v20, vm0, $0xb8;
	[tilespmem:$0x15E80] =	vst v63  }
0xe5: {  	v20 =	vld [tilespmem:$0x20];
	_ =	sdelay $0x4  }
0xe6: {  	v55 =	vshll.u32 v20, $0x1  }
0xe7: {  	v20 =	vand.u32 $0x7, v20;
	v21 =	vand.u32 $0xFFFFFFF0, v55  }
0xe8: {  	v20 =	vor.u32 v20, v21  }
0xe9: {  	v21 =	vperm.xlane v20, v1;
	_ =	sdelay $0x1  }
0xea: {  	v20 =	vperm.xlane v20, v4;
	v21 =	vadd.s32 v3, v21;
	_ =	sdelay $0x1  }
0xeb: {  	v20 =	vadd.s32 v3, v20;
	_ =	sdelay $0x2  }
0xec: {  	[tilespmem:s21], [sflag:$0x1] =	stream.indirect_vreg.gather [hbm4b:s1+s2], $0x80, v21, vm0, $0xb8;
	[tilespmem:$0x15E80] =	vst v63  }
0xed: {  	_ = 	snop  }
0xee: {  	[tilespmem:s22], [sflag:$0x1] =	stream.indirect_vreg.gather [hbm4b:s1+s2], $0x80, v20, vm0, $0xb8;
	[tilespmem:$0x15E80] =	vst v63  }
0xef: {  	v20 =	vld [tilespmem:$0x30];
	_ =	sdelay $0x4  }
0xf0: {  	v56 =	vshll.u32 v20, $0x1  }
0xf1: {  	v20 =	vand.u32 $0x7, v20;
	v21 =	vand.u32 $0xFFFFFFF0, v56  }
0xf2: {  	v20 =	vor.u32 v20, v21  }
0xf3: {  	v21 =	vperm.xlane v20, v1;
	_ =	sdelay $0x1  }
0xf4: {  	v20 =	vperm.xlane v20, v4;
	v21 =	vadd.s32 v3, v21;
	_ =	sdelay $0x1  }
0xf5: {  	v20 =	vadd.s32 v3, v20;
	_ =	sdelay $0x2  }
0xf6: {  	[tilespmem:s23], [sflag:$0x1] =	stream.indirect_vreg.gather [hbm4b:s1+s2], $0x80, v21, vm0, $0xb8;
	[tilespmem:$0x15E80] =	vst v63  }
0xf7: {  	_ = 	snop  }
0xf8: {  	[tilespmem:s24], [sflag:$0x1] =	stream.indirect_vreg.gather [hbm4b:s1+s2], $0x80, v20, vm0, $0xb8;
	[tilespmem:$0x15E80] =	vst v63  }
0xf9: {  	v20 =	vld [tilespmem:$0x100];
	_ =	sdelay $0x4  }
0xfa: {  	v20 =	vshll.u32 v20, $0x2;
	_ =	sdelay $0x4  }
0xfb: {  	v21 =	vld.idx.msk [tilespmem:v20+s13+$0x0], $0xffff  }
0xfc: {  	v22 =	vor.u32 $0x1, v20;
	_ =	sdelay $0x3  }
0xfd: {  	[tilespmem:v2+s25+$0x0] =	vst.idx.msk $0xffff, v21  }
0xfe: {  	v21 =	vld.idx.msk [tilespmem:v22+s13+$0x0], $0xffff  }
0xff: {  	v57 =	vor.u32 $0x2, v20;
	_ =	sdelay $0x3  }
0x100: {  	[tilespmem:v5+s25+$0x0] =	vst.idx.msk $0xffff, v21  }
0x101: {  	v21 =	vld.idx.msk [tilespmem:v57+s13+$0x0], $0xffff  }
0x102: {  	v20 =	vor.u32 $0x3, v20;
	_ =	sdelay $0x3  }
0x103: {  	[tilespmem:v6+s25+$0x0] =	vst.idx.msk $0xffff, v21  }
0x104: {  	v20 =	vld.idx.msk [tilespmem:v20+s13+$0x0], $0xffff;
	_ =	sdelay $0x4  }
0x105: {  	[tilespmem:v7+s25+$0x0] =	vst.idx.msk $0xffff, v20  }
0x106: {  	v20 =	vld [tilespmem:$0x110];
	_ =	sdelay $0x4  }
0x107: {  	v20 =	vshll.u32 v20, $0x2;
	_ =	sdelay $0x4  }
0x108: {  	v21 =	vld.idx.msk [tilespmem:v20+s13+$0x0], $0xffff  }
0x109: {  	v58 =	vor.u32 $0x1, v20;
	_ =	sdelay $0x3  }
0x10a: {  	[tilespmem:v8+s25+$0x0] =	vst.idx.msk $0xffff, v21  }
0x10b: {  	v21 =	vld.idx.msk [tilespmem:v58+s13+$0x0], $0xffff  }
0x10c: {  	v59 =	vor.u32 $0x2, v20;
	_ =	sdelay $0x3  }
0x10d: {  	[tilespmem:v9+s25+$0x0] =	vst.idx.msk $0xffff, v21  }
0x10e: {  	v21 =	vld.idx.msk [tilespmem:v59+s13+$0x0], $0xffff  }
0x10f: {  	v20 =	vor.u32 $0x3, v20;
	_ =	sdelay $0x3  }
0x110: {  	[tilespmem:v10+s25+$0x0] =	vst.idx.msk $0xffff, v21  }
0x111: {  	v20 =	vld.idx.msk [tilespmem:v20+s13+$0x0], $0xffff;
	_ =	sdelay $0x4  }
0x112: {  	[tilespmem:v11+s25+$0x0] =	vst.idx.msk $0xffff, v20  }
0x113: {  	v20 =	vld [tilespmem:$0x120];
	_ =	sdelay $0x4  }
0x114: {  	v20 =	vshll.u32 v20, $0x2;
	_ =	sdelay $0x4  }
0x115: {  	v21 =	vld.idx.msk [tilespmem:v20+s13+$0x0], $0xffff  }
0x116: {  	v60 =	vor.u32 $0x1, v20;
	_ =	sdelay $0x3  }
0x117: {  	[tilespmem:v12+s25+$0x0] =	vst.idx.msk $0xffff, v21  }
0x118: {  	v21 =	vld.idx.msk [tilespmem:v60+s13+$0x0], $0xffff  }
0x119: {  	v61 =	vor.u32 $0x2, v20;
	_ =	sdelay $0x3  }
0x11a: {  	[tilespmem:v13+s25+$0x0] =	vst.idx.msk $0xffff, v21  }
0x11b: {  	v21 =	vld.idx.msk [tilespmem:v61+s13+$0x0], $0xffff  }
0x11c: {  	v20 =	vor.u32 $0x3, v20;
	_ =	sdelay $0x3  }
0x11d: {  	[tilespmem:v14+s25+$0x0] =	vst.idx.msk $0xffff, v21  }
0x11e: {  	v20 =	vld.idx.msk [tilespmem:v20+s13+$0x0], $0xffff;
	_ =	sdelay $0x4  }
0x11f: {  	[tilespmem:v15+s25+$0x0] =	vst.idx.msk $0xffff, v20  }
0x120: {  	v20 =	vld [tilespmem:$0x130];
	_ =	sdelay $0x4  }
0x121: {  	v20 =	vshll.u32 v20, $0x2;
	_ =	sdelay $0x4  }
0x122: {  	v21 =	vld.idx.msk [tilespmem:v20+s13+$0x0], $0xffff  }
0x123: {  	v62 =	vor.u32 $0x1, v20;
	_ =	sdelay $0x3  }
0x124: {  	[tilespmem:v16+s25+$0x0] =	vst.idx.msk $0xffff, v21  }
0x125: {  	v21 =	vld.idx.msk [tilespmem:v62+s13+$0x0], $0xffff  }
0x126: {  	v63 =	vor.u32 $0x2, v20;
	_ =	sdelay $0x3  }
0x127: {  	[tilespmem:v17+s25+$0x0] =	vst.idx.msk $0xffff, v21  }
0x128: {  	v21 =	vld.idx.msk [tilespmem:v63+s13+$0x0], $0xffff  }
0x129: {  	v20 =	vor.u32 $0x3, v20;
	_ =	sdelay $0x3  }
0x12a: {  	[tilespmem:v18+s25+$0x0] =	vst.idx.msk $0xffff, v21  }
0x12b: {  	v20 =	vld.idx.msk [tilespmem:v20+s13+$0x0], $0xffff;
	_ =	sdelay $0x4  }
0x12c: {  	[tilespmem:v19+s25+$0x0] =	vst.idx.msk $0xffff, v20  }
0x12d: {  	_ =	swait.ge [sflag:s26], $0x4000  }
0x12e: {  	[sflag:s26] =	ssyncset.done $0x0  }
0x12f: {  	[sflag:s26] =	ssyncadd.s32 $0xFFFFC000  }
0x130: {  	[hbm4b:s9+s2] =	stream.linear.scatter [tilespmem:s17], [sflag:$0x4], $0x4000, $0x38;
	[tilespmem:$0x15E80] =	vst v63  }
0x131: {  	_ = 	snop  }
0x132: {  	[hbm4b:s10+s2] =	stream.linear.scatter [tilespmem:s25], [sflag:$0x6], $0x2000, $0x38;
	[tilespmem:$0x15E80] =	vst v63  }
.LBB2_4:
.Ltmp5:
0x133: {  	(pc) =	sbr.rel @p0 .LBB2_6-.Ltmp5, $2  }
0x134: {  	_ =	sdelay $0x2  }
0x135: {  	s18 =	sadd.s32 $0x2, s8  }
0x136: {  	s8 =	sadd.s32 $0x2, s8  }
0x137: {  	p0 =	sge.u32 s8, s5  }
0x138: {  	s8 =	sadd.s32 @!p0 s14, s11  }
0x139: {  	s19 =	simm.s32 @!p0 $0x0;
	s8 =	sadd.s32 @!p0 $0x200, s8  }
0x13a: {  	[tilespmem:s19], [sflag:$0x2] =	stream.linear.gather @!p0 [hbm4b:s8+s19], $0x40, $0x38;
	[tilespmem:$0x15E80] =	vst v63  }
0x13b: {  	s8 =	sadd.s32 @!p0 s14, s12  }
0x13c: {  	s20 =	simm.s32 @!p0 $0x100;
	s8 =	sadd.s32 @!p0 $0x200, s8  }
0x13d: {  	[tilespmem:s20], [sflag:$0x2] =	stream.linear.gather @!p0 [hbm4b:s8+s19], $0x40, $0x38;
	[tilespmem:$0x15E80] =	vst v63  }
0x13e: {  	_ =	swait.ge [sflag:s28], $0x40  }
0x13f: {  	[sflag:s28] =	ssyncset.done $0x0  }
0x140: {  	[sflag:s28] =	ssyncadd.s32 $0xFFFFFFC0  }
0x141: {  	_ =	swait.ge [sflag:s28], $0x40  }
0x142: {  	p0 =	seq.s32 s14, $0x0;
	[sflag:s28] =	ssyncset.done $0x0  }
0x143: {  	s8 =	simm.s32 @!p0 $0x5;
	[sflag:s28] =	ssyncadd.s32 $0xFFFFFFC0  }
0x144: {  	_ =	swait.ge @!p0 [sflag:s8], $0x4000  }
0x145: {  	[sflag:s8] =	ssyncset.done @!p0 $0x0  }
0x146: {  	[sflag:s8] =	ssyncadd.s32 @!p0 $0xFFFFC000;
	s8 =	simm.s32 @!p0 $0x7  }
0x147: {  	_ =	swait.ge @!p0 [sflag:s8], $0x2000  }
0x148: {  	[sflag:s8] =	ssyncset.done @!p0 $0x0  }
0x149: {  	[sflag:s8] =	ssyncadd.s32 @!p0 $0xFFFFE000  }
0x14a: {  	v20 =	vld [tilespmem:$0x80];
	_ =	sdelay $0x4  }
0x14b: {  	v21 =	vshll.u32 v20, $0x1  }
0x14c: {  	v20 =	vand.u32 $0x7, v20;
	v21 =	vand.u32 $0xFFFFFFF0, v21  }
0x14d: {  	v20 =	vor.u32 v20, v21  }
0x14e: {  	v21 =	vperm.xlane v20, v1;
	_ =	sdelay $0x1  }
0x14f: {  	v20 =	vperm.xlane v20, v4;
	v21 =	vadd.s32 v3, v21;
	_ =	sdelay $0x1  }
0x150: {  	v20 =	vadd.s32 v3, v20;
	_ =	sdelay $0x2  }
0x151: {  	[tilespmem:s29], [sflag:$0x1] =	stream.indirect_vreg.gather [hbm4b:s1+s2], $0x80, v21, vm0, $0xb8;
	[tilespmem:$0x15E80] =	vst v63  }
0x152: {  	_ = 	snop  }
0x153: {  	[tilespmem:s30], [sflag:$0x1] =	stream.indirect_vreg.gather [hbm4b:s1+s2], $0x80, v20, vm0, $0xb8;
	[tilespmem:$0x15E80] =	vst v63  }
0x154: {  	v20 =	vld [tilespmem:$0x90];
	_ =	sdelay $0x4  }
0x155: {  	v54 =	vshll.u32 v20, $0x1  }
0x156: {  	v20 =	vand.u32 $0x7, v20;
	v21 =	vand.u32 $0xFFFFFFF0, v54  }
0x157: {  	v20 =	vor.u32 v20, v21  }
0x158: {  	v21 =	vperm.xlane v20, v1;
	_ =	sdelay $0x1  }
0x159: {  	v20 =	vperm.xlane v20, v4;
	v21 =	vadd.s32 v3, v21;
	_ =	sdelay $0x1  }
0x15a: {  	v20 =	vadd.s32 v3, v20;
	_ =	sdelay $0x2  }
0x15b: {  	[tilespmem:s31], [sflag:$0x1] =	stream.indirect_vreg.gather [hbm4b:s1+s2], $0x80, v21, vm0, $0xb8;
	[tilespmem:$0x15E80] =	vst v63  }
0x15c: {  	_ = 	snop  }
0x15d: {  	[tilespmem:s0], [sflag:$0x1] =	stream.indirect_vreg.gather [hbm4b:s1+s2], $0x80, v20, vm0, $0xb8;
	[tilespmem:$0x15E80] =	vst v63  }
0x15e: {  	v20 =	vld [tilespmem:$0xA0];
	_ =	sdelay $0x4  }
0x15f: {  	v55 =	vshll.u32 v20, $0x1  }
0x160: {  	v20 =	vand.u32 $0x7, v20;
	v21 =	vand.u32 $0xFFFFFFF0, v55  }
0x161: {  	v20 =	vor.u32 v20, v21  }
0x162: {  	v21 =	vperm.xlane v20, v1;
	_ =	sdelay $0x1  }
0x163: {  	v20 =	vperm.xlane v20, v4;
	v21 =	vadd.s32 v3, v21;
	_ =	sdelay $0x1  }
0x164: {  	v20 =	vadd.s32 v3, v20;
	_ =	sdelay $0x2  }
0x165: {  	[tilespmem:s3], [sflag:$0x1] =	stream.indirect_vreg.gather [hbm4b:s1+s2], $0x80, v21, vm0, $0xb8;
	[tilespmem:$0x15E80] =	vst v63  }
0x166: {  	_ = 	snop  }
0x167: {  	[tilespmem:s15], [sflag:$0x1] =	stream.indirect_vreg.gather [hbm4b:s1+s2], $0x80, v20, vm0, $0xb8;
	[tilespmem:$0x15E80] =	vst v63  }
0x168: {  	v20 =	vld [tilespmem:$0xB0];
	_ =	sdelay $0x4  }
0x169: {  	v56 =	vshll.u32 v20, $0x1  }
0x16a: {  	v20 =	vand.u32 $0x7, v20;
	v21 =	vand.u32 $0xFFFFFFF0, v56  }
0x16b: {  	v20 =	vor.u32 v20, v21  }
0x16c: {  	v21 =	vperm.xlane v20, v1;
	_ =	sdelay $0x1  }
0x16d: {  	v20 =	vperm.xlane v20, v4;
	v21 =	vadd.s32 v3, v21;
	_ =	sdelay $0x1  }
0x16e: {  	v20 =	vadd.s32 v3, v20;
	_ =	sdelay $0x2  }
0x16f: {  	[tilespmem:s4], [sflag:$0x1] =	stream.indirect_vreg.gather [hbm4b:s1+s2], $0x80, v21, vm0, $0xb8;
	[tilespmem:$0x15E80] =	vst v63  }
0x170: {  	_ = 	snop  }
0x171: {  	[tilespmem:s6], [sflag:$0x1] =	stream.indirect_vreg.gather [hbm4b:s1+s2], $0x80, v20, vm0, $0xb8;
	[tilespmem:$0x15E80] =	vst v63  }
0x172: {  	v20 =	vld [tilespmem:$0x180];
	_ =	sdelay $0x4  }
0x173: {  	v20 =	vshll.u32 v20, $0x2;
	_ =	sdelay $0x4  }
0x174: {  	v21 =	vld.idx.msk [tilespmem:v20+s13+$0x0], $0xffff  }
0x175: {  	v22 =	vor.u32 $0x1, v20;
	_ =	sdelay $0x3  }
0x176: {  	[tilespmem:v2+s7+$0x0] =	vst.idx.msk $0xffff, v21  }
0x177: {  	v21 =	vld.idx.msk [tilespmem:v22+s13+$0x0], $0xffff  }
0x178: {  	v57 =	vor.u32 $0x2, v20;
	_ =	sdelay $0x3  }
0x179: {  	[tilespmem:v5+s7+$0x0] =	vst.idx.msk $0xffff, v21  }
0x17a: {  	v21 =	vld.idx.msk [tilespmem:v57+s13+$0x0], $0xffff  }
0x17b: {  	v20 =	vor.u32 $0x3, v20;
	_ =	sdelay $0x3  }
0x17c: {  	[tilespmem:v6+s7+$0x0] =	vst.idx.msk $0xffff, v21  }
0x17d: {  	v20 =	vld.idx.msk [tilespmem:v20+s13+$0x0], $0xffff;
	_ =	sdelay $0x4  }
0x17e: {  	[tilespmem:v7+s7+$0x0] =	vst.idx.msk $0xffff, v20  }
0x17f: {  	v20 =	vld [tilespmem:$0x190];
	_ =	sdelay $0x4  }
0x180: {  	v20 =	vshll.u32 v20, $0x2;
	_ =	sdelay $0x4  }
0x181: {  	v21 =	vld.idx.msk [tilespmem:v20+s13+$0x0], $0xffff  }
0x182: {  	v58 =	vor.u32 $0x1, v20;
	_ =	sdelay $0x3  }
0x183: {  	[tilespmem:v8+s7+$0x0] =	vst.idx.msk $0xffff, v21  }
0x184: {  	v21 =	vld.idx.msk [tilespmem:v58+s13+$0x0], $0xffff  }
0x185: {  	v59 =	vor.u32 $0x2, v20;
	_ =	sdelay $0x3  }
0x186: {  	[tilespmem:v9+s7+$0x0] =	vst.idx.msk $0xffff, v21  }
0x187: {  	v21 =	vld.idx.msk [tilespmem:v59+s13+$0x0], $0xffff  }
0x188: {  	v20 =	vor.u32 $0x3, v20;
	_ =	sdelay $0x3  }
0x189: {  	[tilespmem:v10+s7+$0x0] =	vst.idx.msk $0xffff, v21  }
0x18a: {  	v20 =	vld.idx.msk [tilespmem:v20+s13+$0x0], $0xffff;
	_ =	sdelay $0x4  }
0x18b: {  	[tilespmem:v11+s7+$0x0] =	vst.idx.msk $0xffff, v20  }
0x18c: {  	v20 =	vld [tilespmem:$0x1A0];
	_ =	sdelay $0x4  }
0x18d: {  	v20 =	vshll.u32 v20, $0x2;
	_ =	sdelay $0x4  }
0x18e: {  	v21 =	vld.idx.msk [tilespmem:v20+s13+$0x0], $0xffff  }
0x18f: {  	v60 =	vor.u32 $0x1, v20;
	_ =	sdelay $0x3  }
0x190: {  	[tilespmem:v12+s7+$0x0] =	vst.idx.msk $0xffff, v21  }
0x191: {  	v21 =	vld.idx.msk [tilespmem:v60+s13+$0x0], $0xffff  }
0x192: {  	v61 =	vor.u32 $0x2, v20;
	_ =	sdelay $0x3  }
0x193: {  	[tilespmem:v13+s7+$0x0] =	vst.idx.msk $0xffff, v21  }
0x194: {  	v21 =	vld.idx.msk [tilespmem:v61+s13+$0x0], $0xffff  }
0x195: {  	v20 =	vor.u32 $0x3, v20;
	_ =	sdelay $0x3  }
0x196: {  	[tilespmem:v14+s7+$0x0] =	vst.idx.msk $0xffff, v21  }
0x197: {  	v20 =	vld.idx.msk [tilespmem:v20+s13+$0x0], $0xffff;
	_ =	sdelay $0x4  }
0x198: {  	[tilespmem:v15+s7+$0x0] =	vst.idx.msk $0xffff, v20  }
0x199: {  	v20 =	vld [tilespmem:$0x1B0];
	_ =	sdelay $0x4  }
0x19a: {  	v20 =	vshll.u32 v20, $0x2;
	_ =	sdelay $0x4  }
0x19b: {  	v21 =	vld.idx.msk [tilespmem:v20+s13+$0x0], $0xffff  }
0x19c: {  	v62 =	vor.u32 $0x1, v20;
	_ =	sdelay $0x3  }
0x19d: {  	[tilespmem:v16+s7+$0x0] =	vst.idx.msk $0xffff, v21  }
0x19e: {  	v21 =	vld.idx.msk [tilespmem:v62+s13+$0x0], $0xffff  }
0x19f: {  	v63 =	vor.u32 $0x2, v20;
	_ =	sdelay $0x3  }
0x1a0: {  	[tilespmem:v17+s7+$0x0] =	vst.idx.msk $0xffff, v21  }
0x1a1: {  	v21 =	vld.idx.msk [tilespmem:v63+s13+$0x0], $0xffff  }
0x1a2: {  	v20 =	vor.u32 $0x3, v20;
	_ =	sdelay $0x3  }
0x1a3: {  	[tilespmem:v18+s7+$0x0] =	vst.idx.msk $0xffff, v21  }
0x1a4: {  	v20 =	vld.idx.msk [tilespmem:v20+s13+$0x0], $0xffff;
	_ =	sdelay $0x4  }
0x1a5: {  	[tilespmem:v19+s7+$0x0] =	vst.idx.msk $0xffff, v20  }
0x1a6: {  	_ =	swait.ge [sflag:s26], $0x4000  }
.Ltmp6:
0x1a7: {  	[sflag:s26] =	ssyncset.done $0x0;
	(pc) =	sbr.rel .LBB2_6-.Ltmp6, $4  }
0x1a8: {  	s19 =	sadd.s32 $0x10000, s9;
	[sflag:s26] =	ssyncadd.s32 $0xFFFFC000  }
0x1a9: {  	[hbm4b:s19+s2] =	stream.linear.scatter [tilespmem:s29], [sflag:$0x5], $0x4000, $0x38;
	[tilespmem:$0x15E80] =	vst v63  }
0x1aa: {  	s20 =	sadd.s32 $0x8000, s10  }
0x1ab: {  	[hbm4b:s20+s2] =	stream.linear.scatter [tilespmem:s7], [sflag:$0x7], $0x2000, $0x38;
	[tilespmem:$0x15E80] =	vst v63  }
.LBB2_8:
0x1ac: {  	_ =	sfence.sel $0x180000  }
0x1ad: {  	[bflag:$0x0] =	sbarrier.arrive $0xFFFF  }
0x1ae: {  	_ =	strace $0x9000004A  }
0x1af: {  	s0 =	stileid.u32;
	[bflag:$0x2] =	sbarrier.arrive $0xFFFF  }
0x1b0: {  	p0 =	sne.s32 s0, $0x0;
	s0 =	rddreg [dreg:$0x3]  }
0x1b1: {  	s0 =	sadd.s32 @!p0 $0x100000, s0  }
0x1b2: {  	[sflag:s0] =	ssyncadd.tile.s32 @!p0 $0x1;
	_ =	shalt  }
.Lfunc_end2:
_tile_overlayer_lowered:
.L_overlay_start_2:
0x1b3: {  	(tag) =	ssettag $0x2  }
0x1b4: {  	s0 =	rddreg [dreg:$0x0];
	s2 =	stileid.u32  }
0x1b5: {  	s1 =	rddreg [dreg:$0x1];
	p0 =	sne.s32 s2, $0x0  }
0x1b6: {  	s3 =	rddreg [dreg:$0x2];
	[bflag:$0x3] =	sbarrier.arrive $0xFFFF;
	s2 =	simm.s32 @!p0 $0x1C08  }
0x1b7: {  	[timem:s3], [sflag:s2] =	dma.local @!p0 [hbm:s0], s1  }
0x1b8: {  	s0 =	simm.s32 @!p0 $0x8  }
0x1b9: {  	_ =	swait.ge @!p0 [sflag:s0], s1  }
0x1ba: {  	s1 =	ssub.s32 @!p0 $0x0, s1;
	[sflag:s0] =	ssyncset.done @!p0 $0x0  }
0x1bb: {  	[sflag:s0] =	ssyncadd.s32 @!p0 s1  }
0x1bc: {  	[bflag:$0x3] =	sbarrier.arrive $0xFFFF  }
0x1bd: {  	_ =	shalt  }

// kernel: kernel.15.cloned.1.call-start
scs
__scs_entry_jumppad:
0x0: {  	(pc) =	sbr.rel $0x88, $3  }
0x1: {  	(tag) =	ssettag $0x0;
	lr =	simm.s32 $0x1  }
0x2: {  	[smem:$0x3F94] =	sst lr;
	_ =	strace $0xD0000000  }
0x3: {  	_ = 	snop  }
0x4: {  	_ = 	snop  }
0x5: {  	_ = 	snop  }
0x6: {  	_ = 	snop  }
0x7: {  	_ = 	snop  }
__scs_overlays_trampoline_lowered:
0x8: {  	[smem:$0x3FA3] =	sst s0  }
0x9: {  	[smem:$0x3FA4] =	sst s1  }
0xa: {  	[smem:$0x3FA5] =	sst s2  }
0xb: {  	[smem:$0x3FA6] =	sst s3  }
0xc: {  	[smem:$0x3FA7] =	sst s4  }
0xd: {  	[smem:$0x3FA8] =	sst s5  }
0xe: {  	[smem:$0x3FA9] =	sst s6  }
0xf: {  	[smem:$0x3FAA] =	sst s7  }
0x10: {  	[smem:$0x3FAB] =	sst s8  }
0x11: {  	[smem:$0x3FAC] =	sst s9;
	s0 =	simm.s32 @!p0 $0x0  }
0x12: {  	s1 =	sld [smem:$0x3F92];
	s0 =	simm.s32 @p0 $0x1  }
0x13: {  	[smem:$0x3FAD] =	sst s0;
	s0 =	simm.s32 @!p1 $0x0  }
0x14: {  	s2 =	sld [smem:$0x3F91];
	s0 =	simm.s32 @p1 $0x1  }
0x15: {  	[smem:$0x3FAE] =	sst s0;
	s0 =	simm.s32 @!p2 $0x0  }
0x16: {  	s3 =	sld [smem:$0x3FDB];
	s0 =	simm.s32 @p2 $0x1  }
0x17: {  	s4 =	simm.s32 $0x1BF5;
	[smem:$0x3FB0] =	sst s0  }
0x18: {  	s0 =	sld [smem:$0x3F93];
	_ =	swait.ge [sflag:s4], $0x0  }
0x19: {  	s7 =	sld [smem:$0x3F94]  }
0x1a: {  	s8 =	sadd.s32 $0xFFFFE003, lr  }
0x1b: {  	s9 =	sadd.s32 $0xFFFFFEF7, lr;
	s5 =	simm.s32 $0xFFFFFFFF;
	p2 =	slt.u32 s8, $0xFFFFF086  }
0x1c: {  	p1 =	slt.u32 s9, $0xF7A;
	s5 =	simm.s32 @!p2 $0x0  }
0x1d: {  	s5 =	simm.s32 @p1 $0x1;
	p0 =	seq.s32 s7, s2  }
0x1e: {  	s7 =	smul.u32 @!p0 $0xF7A, s2;
	p2 =	seq.s32 @!p0 s5, $0x0  }
0x1f: {  	s9 =	smul.u32 $0xF7A, s1;
	s8 =	simm.s32 @!p0 $0x1BF5;
	p2 =	por !p2, p0  }
0x20: {  	[sflag:s8] =	ssyncset.s32 @!p0 $0xFFFFF086;
	s6 =	sadd.s32 @!p0 s3, s7;
	s7 =	simm.s32 @!p0 $0x108  }
0x21: {  	s3 =	sadd.s32 s3, s9;
	s6 =	sadd.s32 @!p0 $0x88, s6;
	s7 =	simm.s32 @p2 $0x1082  }
0x22: {  	[simem:s7], [sflag:s8] =	dma.local @!p0 [hbm:s6], $0xF7A  }
0x23: {  	s9 =	sor.u32 $0xD0000000, s2;
	s6 =	simm.s32 $0x108;
	_ =	swait.ge @!p0 [sflag:s8], $0x0  }
0x24: {  	s3 =	sadd.s32 $0x88, s3;
	s6 =	simm.s32 @!p1 $0x1082;
	[sflag:s4] =	ssyncset.s32 $0xFFFFF086  }
0x25: {  	[simem:s6], [sflag:s4] =	dma.local [hbm:s3], $0xF7A  }
0x26: {  	[smem:$0x3F94] =	sst s1;
	(tag) =	ssettag s2;
	_ =	strace s9  }
0x27: {  	s1 =	sld [smem:$0x3FA4]  }
0x28: {  	s2 =	sld [smem:$0x3FA5]  }
0x29: {  	s4 =	sld [smem:$0x3FA7]  }
0x2a: {  	p0 =	seq.s32 s5, $0x0;
	s5 =	sld [smem:$0x3FA8]  }
0x2b: {  	s6 =	sld [smem:$0x3FA9]  }
0x2c: {  	s7 =	sld [smem:$0x3FAA]  }
0x2d: {  	s3 =	simm.s32 $0x108;
	s8 =	sld [smem:$0x3FAB]  }
0x2e: {  	s3 =	simm.s32 @!p0 $0x1082;
	s9 =	sld [smem:$0x3FAC]  }
0x2f: {  	lr =	sadd.s32 s0, s3;
	s0 =	sld [smem:$0x3FA3]  }
0x30: {  	s3 =	sld [smem:$0x3FA6]  }
0x31: {  	[smem:$0x3FAF] =	sst s10  }
0x32: {  	s10 =	sld [smem:$0x3FAD];
	_ =	sdelay $0x3  }
0x33: {  	p0 =	seq.s32 s10, $0x1;
	s10 =	sld [smem:$0x3FAF];
	_ =	sdelay $0x3  }
0x34: {  	[smem:$0x3FAF] =	sst s10  }
0x35: {  	s10 =	sld [smem:$0x3FAE];
	_ =	sdelay $0x3  }
0x36: {  	p1 =	seq.s32 s10, $0x1;
	s10 =	sld [smem:$0x3FAF];
	_ =	sdelay $0x3  }
0x37: {  	[smem:$0x3FAF] =	sst s10  }
0x38: {  	s10 =	sld [smem:$0x3FB0]  }
0x39: {  	_ = 	snop;
	(pc) =	sbr.ind lr, $3  }
0x3a: {  	_ = 	snop  }
0x3b: {  	_ = 	snop  }
0x3c: {  	p2 =	seq.s32 s10, $0x1;
	s10 =	sld [smem:$0x3FAF]  }
0x3d: {  	_ =	shalt  }
0x3e: {  	_ =	shalt  }
0x3f: {  	_ =	shalt  }
0x40: {  	_ =	shalt  }
0x41: {  	_ =	shalt  }
0x42: {  	_ =	shalt  }
0x43: {  	_ =	shalt  }
0x44: {  	_ =	shalt  }
0x45: {  	_ =	shalt  }
0x46: {  	_ =	shalt  }
0x47: {  	_ =	shalt  }
0x48: {  	_ =	shalt  }
0x49: {  	_ =	shalt  }
0x4a: {  	_ =	shalt  }
0x4b: {  	_ =	shalt  }
0x4c: {  	_ =	shalt  }
0x4d: {  	_ =	shalt  }
0x4e: {  	_ =	shalt  }
0x4f: {  	_ =	shalt  }
0x50: {  	_ =	shalt  }
0x51: {  	_ =	shalt  }
0x52: {  	_ =	shalt  }
0x53: {  	_ =	shalt  }
0x54: {  	_ =	shalt  }
0x55: {  	_ =	shalt  }
0x56: {  	_ =	shalt  }
0x57: {  	_ =	shalt  }
0x58: {  	_ =	shalt  }
0x59: {  	_ =	shalt  }
0x5a: {  	_ =	shalt  }
0x5b: {  	_ =	shalt  }
0x5c: {  	_ =	shalt  }
0x5d: {  	_ =	shalt  }
0x5e: {  	_ =	shalt  }
0x5f: {  	_ =	shalt  }
0x60: {  	_ =	shalt  }
0x61: {  	_ =	shalt  }
0x62: {  	_ =	shalt  }
0x63: {  	_ =	shalt  }
0x64: {  	_ =	shalt  }
0x65: {  	_ =	shalt  }
0x66: {  	_ =	shalt  }
0x67: {  	_ =	shalt  }
0x68: {  	_ =	shalt  }
0x69: {  	_ =	shalt  }
0x6a: {  	_ =	shalt  }
0x6b: {  	_ =	shalt  }
0x6c: {  	_ =	shalt  }
0x6d: {  	_ =	shalt  }
0x6e: {  	_ =	shalt  }
0x6f: {  	_ =	shalt  }
0x70: {  	_ =	shalt  }
0x71: {  	_ =	shalt  }
0x72: {  	_ =	shalt  }
0x73: {  	_ =	shalt  }
0x74: {  	_ =	shalt  }
0x75: {  	_ =	shalt  }
0x76: {  	_ =	shalt  }
0x77: {  	_ =	shalt  }
0x78: {  	_ =	shalt  }
0x79: {  	_ =	shalt  }
0x7a: {  	_ =	shalt  }
0x7b: {  	_ =	shalt  }
0x7c: {  	_ =	shalt  }
0x7d: {  	_ =	shalt  }
0x7e: {  	_ =	shalt  }
0x7f: {  	_ =	shalt  }
0x80: {  	_ =	shalt  }
0x81: {  	_ =	shalt  }
0x82: {  	_ =	shalt  }
0x83: {  	_ =	shalt  }
0x84: {  	_ =	shalt  }
0x85: {  	_ =	shalt  }
0x86: {  	_ =	shalt  }
0x87: {  	_ =	shalt  }
.Lfunc_end0:
.L_simem_size_0:
called_computation.1_lowered:
.L_overlay_start_0:
0x88: {  	s2 =	sld [smem:$0x3FD9]  }
0x89: {  	s3 =	sld [smem:$0x3FFE];
	_ =	sdelay $0x1  }
0x8a: {  	s1 =	srdreg.scid  }
0x8b: {  	s0 =	sand.u32 $0x1, s1  }
0x8c: {  	s17 =	sshll.u32 s0, $0xA;
	s2 =	sadd.s32 s3, s2  }
0x8d: {  	s2 =	sadd.s32 s2, s17  }
0x8e: {  	[smem:$0x3FBB] =	sst s2  }
0x8f: {  	_ = 	snop  }
0x90: {  	s2 =	sld [smem:$0x3FC9];
	(tm) =	ssettm $0x1  }
0x91: {  	s18 =	sld [smem:$0x3FFB];
	_ =	sdelay $0x3  }
0x92: {  	_ =	strace s18  }
0x93: {  	s3 =	sld [smem:$0x3FFC];
	_ =	sdelay $0x3  }
0x94: {  	_ =	strace s3  }
0x95: {  	s3 =	sld [smem:$0x3FFD];
	_ =	sdelay $0x3  }
0x96: {  	_ =	strace s3  }
0x97: {  	_ =	strace $0x8FFFFFFF  }
0x98: {  	s19 =	sld [smem:$0x3FDB];
	_ =	sdelay $0x1  }
0x99: {  	s4 =	simm.s32 $_scs_section_size  }
0x9a: {  	s5 =	simm.s32 $_size__tile_overlayer_lowered;
	s6 =	simm.s32 $_tile_overlayer_lowered  }
0x9b: {  	s22 =	simm.s32 $0x1BFF;
	s21 =	sshll.u32 s6, $0x1;
	s3 =	sadd.s32 s4, s19  }
0x9c: {  	s7 =	simm.s32 $0x0;
	s20 =	sshll.u32 s5, $0x1;
	s5 =	sadd.s32 s21, s3  }
0x9d: {  	[timem:s7], [sflag:s22] =	dma.local [hbm:s5], s20  }
0x9e: {  	_ =	swait.ge [sflag:s22], s20  }
0x9f: {  	s4 =	ssub.s32 $0x0, s20;
	[sflag:s22] =	ssyncset.done $0x0  }
0xa0: {  	[sflag:s22] =	ssyncadd.s32 s4;
	_ =	sdelay $0x1  }
0xa1: {  	s23 =	simm.s32 $0x1B8B  }
0xa2: {  	_ =	swait.ge [sflag:s23], $0x1  }
0xa3: {  	[sflag:s23] =	ssyncset.done $0x0  }
0xa4: {  	s25 =	simm.s32 $0x1B8E;
	s24 =	sld [smem:$0x3FFE];
	[sflag:s23] =	ssyncadd.s32 $0xFFFFFFFF  }
0xa5: {  	s26 =	simm.s32 $execute0_lowered;
	[smem:$0x3FD2] =	sst s25  }
0xa6: {  	s5 =	sshll.u32 s26, $0x1;
	_ =	strace $0x80000046;
	[dreg:$0x1] =	wrdreg $0xFFFFFFFF  }
0xa7: {  	s28 =	simm.s32 $_size_execute0_lowered;
	s3 =	sadd.s32 s3, s5;
	[dreg:$0x0] =	wrdreg $0x0  }
0xa8: {  	s5 =	sshll.u32 s28, $0x1;
	[dreg:$0x2] =	wrdreg s3  }
0xa9: {  	[dreg:$0x3] =	wrdreg s5  }
0xaa: {  	[dreg:$0x4] =	wrdreg $0xC0  }
0xab: {  	_ =	task [dreg:s7], $0x5FFFF  }
0xac: {  	[dreg:$0x1] =	wrdreg $0xFFFFFFFF  }
0xad: {  	[dreg:$0x0] =	wrdreg $0x60  }
0xae: {  	[dreg:$0x2] =	wrdreg s2  }
0xaf: {  	[dreg:$0x3] =	wrdreg s24  }
0xb0: {  	[dreg:$0x4] =	wrdreg $0xA  }
0xb1: {  	_ =	task.clear_ibuf [dreg:s7], $0x5FFFF;
	_ =	strace $0x90000046  }
0xb2: {  	s29 =	simm.s32 $0xA;
	_ =	strace $0x80000048  }
0xb3: {  	_ =	swait.ge [sflag:s29], $0x1  }
0xb4: {  	[sflag:s29] =	ssyncadd.s32 $0xFFFFFFFF  }
0xb5: {  	_ =	strace $0x90000048  }
0xb6: {  	_ =	sfence  }
0xb7: {  	s30 =	sld [smem:$0x0];
	_ =	sdelay $0x2  }
0xb8: {  	s31 =	sshll.u32 s1, $0xD;
	s1 =	sshrl.u32 s1, $0x2  }
0xb9: {  	s3 =	sand.u32 $0x4000, s31;
	s1 =	sadd.s32 s1, s30  }
0xba: {  	s0 =	sor.u32 s3, s0;
	s1 =	sshll.u32 s1, $0x11  }
0xbb: {  	s0 =	sor.u32 s1, s0  }
0xbc: {  	s0 =	sadd.s32 $0x8F2B, s0  }
0xbd: {  	[sflag:s0] =	ssyncadd.remote.s32 $0x1  }
0xbe: {  	_ =	sfence.sel $0xFFFF  }
0xbf: {  	[dreg:$0x0] =	wrdreg $0xFFFFFFFF;
	(pc) =	sbr.abs _section_cstart, $3  }
0xc0: {  	[dreg:$0x1] =	wrdreg $0xFFFFFFFF  }
0xc1: {  	_ =	task.clear_ibuf [dreg:s7], $0x2FFFF;
	_ =	strace $0x9FFFFFFF  }
0xc2: {  	(tm) =	ssettm $0x7FFFFFFF  }
0xc3: {  	_ =	shalt  }
tec
execute0_lowered:
.L_overlay_start_1:
0x0: {  	(tag) =	ssettag $0x1  }
0x1: {  	s1 =	rddreg [dreg:$0x0]  }
0x2: {  	s0 =	rddreg [dreg:$0x1];
	s2 =	simm.s32 $0x0;
	s10 =	stileid.u32  }
0x3: {  	s4 =	srdreg.scid;
	s13 =	simm.s32 $0xC200;
	s16 =	simm.s32 $0x2  }
0x4: {  	s17 =	simm.s32 $0x200;
	s28 =	simm.s32 $0x3;
	s29 =	simm.s32 $0x4200  }
0x5: {  	s30 =	simm.s32 $0x4A00;
	s31 =	simm.s32 $0x5200;
	s15 =	simm.s32 $0x6A00  }
0x6: {  	[smem:$0x7FF] =	sst s2;
	s3 =	sadd.s32 $0x5E00, s0;
	s21 =	sadd.s32 $0x9A00, s0  }
0x7: {  	s6 =	sadd.s32 $0x7200, s0;
	s5 =	sshll.u32 s10, $0xC;
	s4 =	sand.u32 $0x1, s4  }
0x8: {  	s22 =	sshll.u32 s10, $0xB;
	p0 =	seq.s32 s10, $0x0;
	s10 =	sshll.u32 s10, $0x4  }
0x9: {  	_ =	strace $0x80000047;
	[dreg:$0x3] =	wrdreg s3;
	s7 =	sadd.s32 s5, s0  }
0xa: {  	s8 =	ssub.s32 $0x2, s4;
	s0 =	sadd.s32 s22, s0;
	s5 =	simm.s32 $0x28  }
0xb: {  	s12 =	sshll.u32 s4, $0x3;
	s24 =	sshll.u32 s4, $0xA;
	s4 =	sshll.u32 s4, $0xB  }
0xc: {  	s3 =	sadd.s32 s10, s21;
	s26 =	sadd.s32 s10, s6;
	s22 =	simm.s32 $0x2A00  }
0xd: {  	s9 =	sshrl.u32 s8, $0x1;
	s5 =	simm.s32 @!p0 $0x27;
	s23 =	sor.u32 s12, s10  }
0xe: {  	s0 =	sadd.s32 s24, s0;
	s25 =	sadd.s32 s4, s7;
	s24 =	simm.s32 $0x3A00  }
0xf: {  	v0 =	vimm.f32 $0.0e+00;
	v4 =	vlaneseq.u32;
	s4 =	simm.s32 $0x7200;
	s7 =	simm.s32 $0xA200;
	s10 =	simm.s32 $0x0  }
0x10: {  	vm0 =	vmmov $0xffff;
	v3 =	vshrl.u32 v4, $0x3;
	v2 =	vmul.u32 $0x80, v4;
	s8 =	ssub.s32 s8, s9;
	s11 =	sadd.s32 s21, s23;
	s9 =	sadd.s32 s6, s23  }
0x11: {  	v1 =	vand.u32 $0x7, v4;
	v4 =	vor.u32 $0x8, v4;
	v3 =	vmul.u32 $0x8, v3;
	s0 =	sadd.s32 $0xC200, s0;
	s21 =	simm.s32 $0x2200;
	[dreg:$0x4] =	wrdreg s11  }
.Ltmp0:
0x12: {  	v5 =	vor.u32 $0x1, v2;
	v6 =	vor.u32 $0x2, v2;
	v7 =	vor.u32 $0x3, v2;
	s23 =	simm.s32 $0x3200;
	[dreg:$0x5] =	wrdreg s9;
	(pc) =	sbr.rel .LBB2_1-.Ltmp0, $4  }
0x13: {  	v8 =	vor.u32 $0x800, v2;
	v9 =	vor.u32 $0x801, v2;
	v10 =	vor.u32 $0x802, v2;
	s6 =	simm.s32 $0x7A00;
	s8 =	smax.u32 s8, $0x1;
	[dreg:$0x7] =	wrdreg s0  }
0x14: {  	v11 =	vor.u32 $0x803, v2;
	v12 =	vor.u32 $0x1000, v2;
	v13 =	vor.u32 $0x1001, v2;
	s0 =	sadd.s32 $0x144A00, s25;
	s11 =	sadd.s32 s12, s3;
	s12 =	sadd.s32 s12, s26  }
0x15: {  	v14 =	vor.u32 $0x1002, v2;
	v15 =	vor.u32 $0x1003, v2;
	v16 =	vor.u32 $0x1800, v2;
	s25 =	simm.s32 $0x8200;
	s26 =	simm.s32 $0x1;
	[dreg:$0x6] =	wrdreg s8  }
0x16: {  	v17 =	vor.u32 $0x1801, v2;
	v18 =	vor.u32 $0x1802, v2;
	v19 =	vor.u32 $0x1803, v2;
	s3 =	simm.s32 $0x6200;
	[dreg:$0x8] =	wrdreg s0;
	s0 =	simm.s32 $0x5A00  }
.LBB2_7:
0x17: {  	s8 =	simm.s32 $0x4  }
0x18: {  	_ =	swait.ge [sflag:s8], $0x4000  }
0x19: {  	[sflag:s8] =	ssyncset.done $0x0  }
0x1a: {  	s18 =	simm.s32 $0x6;
	[sflag:s8] =	ssyncadd.s32 $0xFFFFC000  }
0x1b: {  	_ =	swait.ge [sflag:s18], $0x2000  }
0x1c: {  	[sflag:s18] =	ssyncset.done $0x0  }
0x1d: {  	s19 =	simm.s32 $0x5;
	[sflag:s18] =	ssyncadd.s32 $0xFFFFE000  }
0x1e: {  	_ =	swait.ge [sflag:s19], $0x4000  }
0x1f: {  	[sflag:s19] =	ssyncset.done $0x0  }
0x20: {  	s9 =	simm.s32 $0x7;
	[sflag:s19] =	ssyncadd.s32 $0xFFFFC000  }
0x21: {  	_ =	swait.ge [sflag:s9], $0x2000  }
0x22: {  	s10 =	rddreg [dreg:$0x9]  }
0x23: {  	s20 =	rddreg [dreg:$0x6];
	s10 =	sadd.s32 $0x1, s10  }
0x24: {  	p0 =	sne.s32 s10, s20  }
.Ltmp1:
0x25: {  	_ = 	snop;
	(pc) =	sbr.rel @!p0 .LBB2_8-.Ltmp1, $3  }
0x26: {  	_ =	sdelay $0x1  }
0x27: {  	[sflag:s9] =	ssyncset.done $0x0  }
0x28: {  	[sflag:s9] =	ssyncadd.s32 $0xFFFFE000  }
.LBB2_1:
0x29: {  	[dreg:$0x9] =	wrdreg s10  }
0x2a: {  	s8 =	rddreg [dreg:$0x3];
	s18 =	simm.s32 $0x8  }
0x2b: {  	[tilespmem:s13], [sflag:$0x8] =	stream.linear.gather [hbm4b:s8+s2], $0x9C80, $0x38;
	[tilespmem:$0x15E80] =	vst v63  }
0x2c: {  	_ =	swait.ge [sflag:s18], $0x9C80  }
0x2d: {  	[sflag:s18] =	ssyncset.done $0x0  }
0x2e: {  	[sflag:s18] =	ssyncadd.s32 $0xFFFF6380  }
0x2f: {  	[tilespmem:$0x8200] =	vst v0  }
0x30: {  	[tilespmem:$0x8280] =	vst v0  }
0x31: {  	[tilespmem:$0x8300] =	vst v0  }
0x32: {  	[tilespmem:$0x8380] =	vst v0  }
0x33: {  	[tilespmem:$0x8400] =	vst v0  }
0x34: {  	[tilespmem:$0x8480] =	vst v0  }
0x35: {  	[tilespmem:$0x8500] =	vst v0  }
0x36: {  	[tilespmem:$0x8580] =	vst v0  }
0x37: {  	[tilespmem:$0x8600] =	vst v0  }
0x38: {  	[tilespmem:$0x8680] =	vst v0  }
0x39: {  	[tilespmem:$0x8700] =	vst v0  }
0x3a: {  	[tilespmem:$0x8780] =	vst v0  }
0x3b: {  	[tilespmem:$0x8800] =	vst v0  }
0x3c: {  	[tilespmem:$0x8880] =	vst v0  }
0x3d: {  	[tilespmem:$0x8900] =	vst v0  }
0x3e: {  	[tilespmem:$0x8980] =	vst v0  }
0x3f: {  	[tilespmem:$0x8A00] =	vst v0  }
0x40: {  	[tilespmem:$0x8A80] =	vst v0  }
0x41: {  	[tilespmem:$0x8B00] =	vst v0  }
0x42: {  	[tilespmem:$0x8B80] =	vst v0  }
0x43: {  	[tilespmem:$0x8C00] =	vst v0  }
0x44: {  	[tilespmem:$0x8C80] =	vst v0  }
0x45: {  	[tilespmem:$0x8D00] =	vst v0  }
0x46: {  	[tilespmem:$0x8D80] =	vst v0  }
0x47: {  	[tilespmem:$0x8E00] =	vst v0  }
0x48: {  	[tilespmem:$0x8E80] =	vst v0  }
0x49: {  	[tilespmem:$0x8F00] =	vst v0  }
0x4a: {  	[tilespmem:$0x8F80] =	vst v0  }
0x4b: {  	[tilespmem:$0x9000] =	vst v0  }
0x4c: {  	[tilespmem:$0x9080] =	vst v0  }
0x4d: {  	[tilespmem:$0x9100] =	vst v0  }
0x4e: {  	[tilespmem:$0x9180] =	vst v0  }
0x4f: {  	[tilespmem:$0x9200] =	vst v0  }
0x50: {  	[tilespmem:$0x9280] =	vst v0  }
0x51: {  	[tilespmem:$0x9300] =	vst v0  }
0x52: {  	[tilespmem:$0x9380] =	vst v0  }
0x53: {  	[tilespmem:$0x9400] =	vst v0  }
0x54: {  	[tilespmem:$0x9480] =	vst v0  }
0x55: {  	[tilespmem:$0x9500] =	vst v0  }
0x56: {  	[tilespmem:$0x9580] =	vst v0  }
0x57: {  	[tilespmem:$0x9600] =	vst v0  }
0x58: {  	[tilespmem:$0x9680] =	vst v0  }
0x59: {  	[tilespmem:$0x9700] =	vst v0  }
0x5a: {  	[tilespmem:$0x9780] =	vst v0  }
0x5b: {  	[tilespmem:$0x9800] =	vst v0  }
0x5c: {  	[tilespmem:$0x9880] =	vst v0  }
0x5d: {  	[tilespmem:$0x9900] =	vst v0  }
0x5e: {  	[tilespmem:$0x9980] =	vst v0  }
0x5f: {  	[tilespmem:$0x9A00] =	vst v0  }
0x60: {  	[tilespmem:$0x9A80] =	vst v0  }
0x61: {  	[tilespmem:$0x9B00] =	vst v0  }
0x62: {  	[tilespmem:$0x9B80] =	vst v0  }
0x63: {  	[tilespmem:$0x9C00] =	vst v0  }
0x64: {  	[tilespmem:$0x9C80] =	vst v0  }
0x65: {  	[tilespmem:$0x9D00] =	vst v0  }
0x66: {  	[tilespmem:$0x9D80] =	vst v0  }
0x67: {  	[tilespmem:$0x9E00] =	vst v0  }
0x68: {  	[tilespmem:$0x9E80] =	vst v0  }
0x69: {  	[tilespmem:$0x9F00] =	vst v0  }
0x6a: {  	[tilespmem:$0x9F80] =	vst v0  }
0x6b: {  	[tilespmem:$0xA000] =	vst v0  }
0x6c: {  	[tilespmem:$0xA080] =	vst v0  }
0x6d: {  	[tilespmem:$0xA100] =	vst v0  }
0x6e: {  	[tilespmem:$0xA180] =	vst v0  }
0x6f: {  	[tilespmem:$0xA200] =	vst v0  }
0x70: {  	[tilespmem:$0xA280] =	vst v0  }
0x71: {  	[tilespmem:$0xA300] =	vst v0  }
0x72: {  	[tilespmem:$0xA380] =	vst v0  }
0x73: {  	[tilespmem:$0xA400] =	vst v0  }
0x74: {  	[tilespmem:$0xA480] =	vst v0  }
0x75: {  	[tilespmem:$0xA500] =	vst v0  }
0x76: {  	[tilespmem:$0xA580] =	vst v0  }
0x77: {  	[tilespmem:$0xA600] =	vst v0  }
0x78: {  	[tilespmem:$0xA680] =	vst v0  }
0x79: {  	[tilespmem:$0xA700] =	vst v0  }
0x7a: {  	[tilespmem:$0xA780] =	vst v0  }
0x7b: {  	[tilespmem:$0xA800] =	vst v0  }
0x7c: {  	[tilespmem:$0xA880] =	vst v0  }
0x7d: {  	[tilespmem:$0xA900] =	vst v0  }
0x7e: {  	[tilespmem:$0xA980] =	vst v0  }
0x7f: {  	[tilespmem:$0xAA00] =	vst v0  }
0x80: {  	[tilespmem:$0xAA80] =	vst v0  }
0x81: {  	[tilespmem:$0xAB00] =	vst v0  }
0x82: {  	[tilespmem:$0xAB80] =	vst v0  }
0x83: {  	[tilespmem:$0xAC00] =	vst v0  }
0x84: {  	[tilespmem:$0xAC80] =	vst v0  }
0x85: {  	[tilespmem:$0xAD00] =	vst v0  }
0x86: {  	[tilespmem:$0xAD80] =	vst v0  }
0x87: {  	[tilespmem:$0xAE00] =	vst v0  }
0x88: {  	[tilespmem:$0xAE80] =	vst v0  }
0x89: {  	[tilespmem:$0xAF00] =	vst v0  }
0x8a: {  	[tilespmem:$0xAF80] =	vst v0  }
0x8b: {  	[tilespmem:$0xB000] =	vst v0  }
0x8c: {  	[tilespmem:$0xB080] =	vst v0  }
0x8d: {  	[tilespmem:$0xB100] =	vst v0  }
0x8e: {  	[tilespmem:$0xB180] =	vst v0  }
0x8f: {  	[tilespmem:$0xB200] =	vst v0  }
0x90: {  	[tilespmem:$0xB280] =	vst v0  }
0x91: {  	[tilespmem:$0xB300] =	vst v0  }
0x92: {  	[tilespmem:$0xB380] =	vst v0  }
0x93: {  	[tilespmem:$0xB400] =	vst v0  }
0x94: {  	[tilespmem:$0xB480] =	vst v0  }
0x95: {  	[tilespmem:$0xB500] =	vst v0  }
0x96: {  	[tilespmem:$0xB580] =	vst v0  }
0x97: {  	[tilespmem:$0xB600] =	vst v0  }
0x98: {  	[tilespmem:$0xB680] =	vst v0  }
0x99: {  	[tilespmem:$0xB700] =	vst v0  }
0x9a: {  	[tilespmem:$0xB780] =	vst v0  }
0x9b: {  	[tilespmem:$0xB800] =	vst v0  }
0x9c: {  	[tilespmem:$0xB880] =	vst v0  }
0x9d: {  	[tilespmem:$0xB900] =	vst v0  }
0x9e: {  	[tilespmem:$0xB980] =	vst v0  }
0x9f: {  	[tilespmem:$0xBA00] =	vst v0  }
0xa0: {  	[tilespmem:$0xBA80] =	vst v0  }
0xa1: {  	[tilespmem:$0xBB00] =	vst v0  }
0xa2: {  	[tilespmem:$0xBB80] =	vst v0  }
0xa3: {  	[tilespmem:$0xBC00] =	vst v0  }
0xa4: {  	[tilespmem:$0xBC80] =	vst v0  }
0xa5: {  	[tilespmem:$0xBD00] =	vst v0  }
0xa6: {  	[tilespmem:$0xBD80] =	vst v0  }
0xa7: {  	[tilespmem:$0xBE00] =	vst v0  }
0xa8: {  	[tilespmem:$0xBE80] =	vst v0  }
0xa9: {  	[tilespmem:$0xBF00] =	vst v0  }
0xaa: {  	[tilespmem:$0xBF80] =	vst v0  }
0xab: {  	[tilespmem:$0xC000] =	vst v0  }
0xac: {  	[tilespmem:$0xC080] =	vst v0  }
0xad: {  	s19 =	rddreg [dreg:$0x4];
	[tilespmem:$0xC100] =	vst v0  }
.Ltmp2:
0xae: {  	s20 =	rddreg [dreg:$0x5];
	[tilespmem:$0xC180] =	vst v0;
	(pc) =	sbr.rel .LBB2_2-.Ltmp2, $4  }
0xaf: {  	[tilespmem:s2], [sflag:$0x2] =	stream.linear.gather [hbm4b:s19+s2], $0x40, $0x38;
	[tilespmem:$0x15E80] =	vst v63  }
0xb0: {  	s9 =	simm.s32 $0x100;
	s10 =	rddreg [dreg:$0x7]  }
0xb1: {  	[tilespmem:s9], [sflag:$0x2] =	stream.linear.gather [hbm4b:s20+s2], $0x40, $0x38;
	[tilespmem:$0x15E80] =	vst v63  }
0xb2: {  	s14 =	simm.s32 $0x0;
	s8 =	simm.s32 $0x0;
	s9 =	rddreg [dreg:$0x8]  }
.LBB2_6:
0xb3: {  	s14 =	sadd.s32 $0x200, s14  }
0xb4: {  	p0 =	sne.s32 s14, $0x2800  }
.Ltmp3:
0xb5: {  	_ = 	snop;
	(pc) =	sbr.rel @!p0 .LBB2_7-.Ltmp3, $2  }
0xb6: {  	_ =	sdelay $0x2  }
0xb7: {  	s10 =	sadd.s32 $0x10000, s10;
	s9 =	sadd.s32 $0x20000, s9;
	s8 =	smov.u32 s18  }
.LBB2_2:
0xb8: {  	p1 =	sge.u32 s8, s5  }
.Ltmp4:
0xb9: {  	_ = 	snop;
	(pc) =	sbr.rel @p1 .LBB2_4-.Ltmp4, $3  }
0xba: {  	_ =	sdelay $0x1  }
0xbb: {  	s18 =	sadd.s32 $0x1, s8  }
0xbc: {  	p0 =	sge.u32 s18, s5  }
0xbd: {  	s18 =	sadd.s32 @!p0 s14, s11  }
0xbe: {  	s19 =	simm.s32 @!p0 $0x0;
	s20 =	simm.s32 @!p0 $0x80;
	s18 =	sadd.s32 @!p0 $0x100, s18  }
0xbf: {  	[tilespmem:s20], [sflag:$0x3] =	stream.linear.gather @!p0 [hbm4b:s18+s19], $0x40, $0x38;
	[tilespmem:$0x15E80] =	vst v63  }
0xc0: {  	s18 =	sadd.s32 @!p0 s14, s12  }
0xc1: {  	s20 =	simm.s32 @!p0 $0x180;
	s18 =	sadd.s32 @!p0 $0x100, s18  }
0xc2: {  	[tilespmem:s20], [sflag:$0x3] =	stream.linear.gather @!p0 [hbm4b:s18+s19], $0x40, $0x38;
	[tilespmem:$0x15E80] =	vst v63  }
0xc3: {  	_ =	swait.ge [sflag:s16], $0x40  }
0xc4: {  	[sflag:s16] =	ssyncset.done $0x0  }
0xc5: {  	[sflag:s16] =	ssyncadd.s32 $0xFFFFFFC0  }
0xc6: {  	_ =	swait.ge [sflag:s16], $0x40  }
0xc7: {  	p1 =	seq.s32 s14, $0x0;
	[sflag:s16] =	ssyncset.done $0x0  }
0xc8: {  	s18 =	simm.s32 @!p1 $0x4;
	[sflag:s16] =	ssyncadd.s32 $0xFFFFFFC0  }
0xc9: {  	_ =	swait.ge @!p1 [sflag:s18], $0x4000  }
0xca: {  	[sflag:s18] =	ssyncset.done @!p1 $0x0  }
0xcb: {  	[sflag:s18] =	ssyncadd.s32 @!p1 $0xFFFFC000;
	s18 =	simm.s32 @!p1 $0x6  }
0xcc: {  	_ =	swait.ge @!p1 [sflag:s18], $0x2000  }
0xcd: {  	[sflag:s18] =	ssyncset.done @!p1 $0x0  }
0xce: {  	[sflag:s18] =	ssyncadd.s32 @!p1 $0xFFFFE000  }
0xcf: {  	v20 =	vld [tilespmem:$0x0];
	_ =	sdelay $0x4  }
0xd0: {  	v21 =	vshll.u32 v20, $0x1  }
0xd1: {  	v20 =	vand.u32 $0x7, v20;
	v21 =	vand.u32 $0xFFFFFFF0, v21  }
0xd2: {  	v20 =	vor.u32 v20, v21  }
0xd3: {  	v21 =	vperm.xlane v20, v1;
	_ =	sdelay $0x1  }
0xd4: {  	v20 =	vperm.xlane v20, v4;
	v21 =	vadd.s32 v3, v21;
	_ =	sdelay $0x1  }
0xd5: {  	v20 =	vadd.s32 v3, v20;
	_ =	sdelay $0x2  }
0xd6: {  	[tilespmem:s17], [sflag:$0x1] =	stream.indirect_vreg.gather [hbm4b:s1+s2], $0x80, v21, vm0, $0xb8;
	[tilespmem:$0x15E80] =	vst v63  }
0xd7: {  	s20 =	simm.s32 $0xA00  }
0xd8: {  	[tilespmem:s20], [sflag:$0x1] =	stream.indirect_vreg.gather [hbm4b:s1+s2], $0x80, v20, vm0, $0xb8;
	[tilespmem:$0x15E80] =	vst v63  }
0xd9: {  	v20 =	vld [tilespmem:$0x10];
	_ =	sdelay $0x4  }
0xda: {  	v54 =	vshll.u32 v20, $0x1  }
0xdb: {  	v20 =	vand.u32 $0x7, v20;
	v21 =	vand.u32 $0xFFFFFFF0, v54  }
0xdc: {  	v20 =	vor.u32 v20, v21  }
0xdd: {  	v21 =	vperm.xlane v20, v1;
	_ =	sdelay $0x1  }
0xde: {  	v20 =	vperm.xlane v20, v4;
	v21 =	vadd.s32 v3, v21;
	_ =	sdelay $0x1  }
0xdf: {  	v20 =	vadd.s32 v3, v20;
	_ =	sdelay $0x1  }
0xe0: {  	s19 =	simm.s32 $0x1200  }
0xe1: {  	[tilespmem:s19], [sflag:$0x1] =	stream.indirect_vreg.gather [hbm4b:s1+s2], $0x80, v21, vm0, $0xb8;
	[tilespmem:$0x15E80] =	vst v63  }
0xe2: {  	s20 =	simm.s32 $0x1A00  }
0xe3: {  	[tilespmem:s20], [sflag:$0x1] =	stream.indirect_vreg.gather [hbm4b:s1+s2], $0x80, v20, vm0, $0xb8;
	[tilespmem:$0x15E80] =	vst v63  }
0xe4: {  	v20 =	vld [tilespmem:$0x20];
	_ =	sdelay $0x4  }
0xe5: {  	v55 =	vshll.u32 v20, $0x1  }
0xe6: {  	v20 =	vand.u32 $0x7, v20;
	v21 =	vand.u32 $0xFFFFFFF0, v55  }
0xe7: {  	v20 =	vor.u32 v20, v21  }
0xe8: {  	v21 =	vperm.xlane v20, v1;
	_ =	sdelay $0x1  }
0xe9: {  	v20 =	vperm.xlane v20, v4;
	v21 =	vadd.s32 v3, v21;
	_ =	sdelay $0x1  }
0xea: {  	v20 =	vadd.s32 v3, v20;
	_ =	sdelay $0x2  }
0xeb: {  	[tilespmem:s21], [sflag:$0x1] =	stream.indirect_vreg.gather [hbm4b:s1+s2], $0x80, v21, vm0, $0xb8;
	[tilespmem:$0x15E80] =	vst v63  }
0xec: {  	_ = 	snop  }
0xed: {  	[tilespmem:s22], [sflag:$0x1] =	stream.indirect_vreg.gather [hbm4b:s1+s2], $0x80, v20, vm0, $0xb8;
	[tilespmem:$0x15E80] =	vst v63  }
0xee: {  	v20 =	vld [tilespmem:$0x30];
	_ =	sdelay $0x4  }
0xef: {  	v56 =	vshll.u32 v20, $0x1  }
0xf0: {  	v20 =	vand.u32 $0x7, v20;
	v21 =	vand.u32 $0xFFFFFFF0, v56  }
0xf1: {  	v20 =	vor.u32 v20, v21  }
0xf2: {  	v21 =	vperm.xlane v20, v1;
	_ =	sdelay $0x1  }
0xf3: {  	v20 =	vperm.xlane v20, v4;
	v21 =	vadd.s32 v3, v21;
	_ =	sdelay $0x1  }
0xf4: {  	v20 =	vadd.s32 v3, v20;
	_ =	sdelay $0x2  }
0xf5: {  	[tilespmem:s23], [sflag:$0x1] =	stream.indirect_vreg.gather [hbm4b:s1+s2], $0x80, v21, vm0, $0xb8;
	[tilespmem:$0x15E80] =	vst v63  }
0xf6: {  	_ = 	snop  }
0xf7: {  	[tilespmem:s24], [sflag:$0x1] =	stream.indirect_vreg.gather [hbm4b:s1+s2], $0x80, v20, vm0, $0xb8;
	[tilespmem:$0x15E80] =	vst v63  }
0xf8: {  	v20 =	vld [tilespmem:$0x100];
	_ =	sdelay $0x4  }
0xf9: {  	v20 =	vshll.u32 v20, $0x2;
	_ =	sdelay $0x4  }
0xfa: {  	v21 =	vld.idx.msk [tilespmem:v20+s13+$0x0], $0xffff  }
0xfb: {  	v22 =	vor.u32 $0x1, v20;
	_ =	sdelay $0x3  }
0xfc: {  	[tilespmem:v2+s25+$0x0] =	vst.idx.msk $0xffff, v21  }
0xfd: {  	v21 =	vld.idx.msk [tilespmem:v22+s13+$0x0], $0xffff  }
0xfe: {  	v57 =	vor.u32 $0x2, v20;
	_ =	sdelay $0x3  }
0xff: {  	[tilespmem:v5+s25+$0x0] =	vst.idx.msk $0xffff, v21  }
0x100: {  	v21 =	vld.idx.msk [tilespmem:v57+s13+$0x0], $0xffff  }
0x101: {  	v20 =	vor.u32 $0x3, v20;
	_ =	sdelay $0x3  }
0x102: {  	[tilespmem:v6+s25+$0x0] =	vst.idx.msk $0xffff, v21  }
0x103: {  	v20 =	vld.idx.msk [tilespmem:v20+s13+$0x0], $0xffff;
	_ =	sdelay $0x4  }
0x104: {  	[tilespmem:v7+s25+$0x0] =	vst.idx.msk $0xffff, v20  }
0x105: {  	v20 =	vld [tilespmem:$0x110];
	_ =	sdelay $0x4  }
0x106: {  	v20 =	vshll.u32 v20, $0x2;
	_ =	sdelay $0x4  }
0x107: {  	v21 =	vld.idx.msk [tilespmem:v20+s13+$0x0], $0xffff  }
0x108: {  	v58 =	vor.u32 $0x1, v20;
	_ =	sdelay $0x3  }
0x109: {  	[tilespmem:v8+s25+$0x0] =	vst.idx.msk $0xffff, v21  }
0x10a: {  	v21 =	vld.idx.msk [tilespmem:v58+s13+$0x0], $0xffff  }
0x10b: {  	v59 =	vor.u32 $0x2, v20;
	_ =	sdelay $0x3  }
0x10c: {  	[tilespmem:v9+s25+$0x0] =	vst.idx.msk $0xffff, v21  }
0x10d: {  	v21 =	vld.idx.msk [tilespmem:v59+s13+$0x0], $0xffff  }
0x10e: {  	v20 =	vor.u32 $0x3, v20;
	_ =	sdelay $0x3  }
0x10f: {  	[tilespmem:v10+s25+$0x0] =	vst.idx.msk $0xffff, v21  }
0x110: {  	v20 =	vld.idx.msk [tilespmem:v20+s13+$0x0], $0xffff;
	_ =	sdelay $0x4  }
0x111: {  	[tilespmem:v11+s25+$0x0] =	vst.idx.msk $0xffff, v20  }
0x112: {  	v20 =	vld [tilespmem:$0x120];
	_ =	sdelay $0x4  }
0x113: {  	v20 =	vshll.u32 v20, $0x2;
	_ =	sdelay $0x4  }
0x114: {  	v21 =	vld.idx.msk [tilespmem:v20+s13+$0x0], $0xffff  }
0x115: {  	v60 =	vor.u32 $0x1, v20;
	_ =	sdelay $0x3  }
0x116: {  	[tilespmem:v12+s25+$0x0] =	vst.idx.msk $0xffff, v21  }
0x117: {  	v21 =	vld.idx.msk [tilespmem:v60+s13+$0x0], $0xffff  }
0x118: {  	v61 =	vor.u32 $0x2, v20;
	_ =	sdelay $0x3  }
0x119: {  	[tilespmem:v13+s25+$0x0] =	vst.idx.msk $0xffff, v21  }
0x11a: {  	v21 =	vld.idx.msk [tilespmem:v61+s13+$0x0], $0xffff  }
0x11b: {  	v20 =	vor.u32 $0x3, v20;
	_ =	sdelay $0x3  }
0x11c: {  	[tilespmem:v14+s25+$0x0] =	vst.idx.msk $0xffff, v21  }
0x11d: {  	v20 =	vld.idx.msk [tilespmem:v20+s13+$0x0], $0xffff;
	_ =	sdelay $0x4  }
0x11e: {  	[tilespmem:v15+s25+$0x0] =	vst.idx.msk $0xffff, v20  }
0x11f: {  	v20 =	vld [tilespmem:$0x130];
	_ =	sdelay $0x4  }
0x120: {  	v20 =	vshll.u32 v20, $0x2;
	_ =	sdelay $0x4  }
0x121: {  	v21 =	vld.idx.msk [tilespmem:v20+s13+$0x0], $0xffff  }
0x122: {  	v62 =	vor.u32 $0x1, v20;
	_ =	sdelay $0x3  }
0x123: {  	[tilespmem:v16+s25+$0x0] =	vst.idx.msk $0xffff, v21  }
0x124: {  	v21 =	vld.idx.msk [tilespmem:v62+s13+$0x0], $0xffff  }
0x125: {  	v63 =	vor.u32 $0x2, v20;
	_ =	sdelay $0x3  }
0x126: {  	[tilespmem:v17+s25+$0x0] =	vst.idx.msk $0xffff, v21  }
0x127: {  	v21 =	vld.idx.msk [tilespmem:v63+s13+$0x0], $0xffff  }
0x128: {  	v20 =	vor.u32 $0x3, v20;
	_ =	sdelay $0x3  }
0x129: {  	[tilespmem:v18+s25+$0x0] =	vst.idx.msk $0xffff, v21  }
0x12a: {  	v20 =	vld.idx.msk [tilespmem:v20+s13+$0x0], $0xffff;
	_ =	sdelay $0x4  }
0x12b: {  	[tilespmem:v19+s25+$0x0] =	vst.idx.msk $0xffff, v20  }
0x12c: {  	_ =	swait.ge [sflag:s26], $0x4000  }
0x12d: {  	[sflag:s26] =	ssyncset.done $0x0  }
0x12e: {  	[sflag:s26] =	ssyncadd.s32 $0xFFFFC000  }
0x12f: {  	[hbm4b:s9+s2] =	stream.linear.scatter [tilespmem:s17], [sflag:$0x4], $0x4000, $0x38;
	[tilespmem:$0x15E80] =	vst v63  }
0x130: {  	_ = 	snop  }
0x131: {  	[hbm4b:s10+s2] =	stream.linear.scatter [tilespmem:s25], [sflag:$0x6], $0x2000, $0x38;
	[tilespmem:$0x15E80] =	vst v63  }
.LBB2_4:
.Ltmp5:
0x132: {  	(pc) =	sbr.rel @p0 .LBB2_6-.Ltmp5, $2  }
0x133: {  	_ =	sdelay $0x2  }
0x134: {  	s18 =	sadd.s32 $0x2, s8  }
0x135: {  	s8 =	sadd.s32 $0x2, s8  }
0x136: {  	p0 =	sge.u32 s8, s5  }
0x137: {  	s8 =	sadd.s32 @!p0 s14, s11  }
0x138: {  	s19 =	simm.s32 @!p0 $0x0;
	s8 =	sadd.s32 @!p0 $0x200, s8  }
0x139: {  	[tilespmem:s19], [sflag:$0x2] =	stream.linear.gather @!p0 [hbm4b:s8+s19], $0x40, $0x38;
	[tilespmem:$0x15E80] =	vst v63  }
0x13a: {  	s8 =	sadd.s32 @!p0 s14, s12  }
0x13b: {  	s20 =	simm.s32 @!p0 $0x100;
	s8 =	sadd.s32 @!p0 $0x200, s8  }
0x13c: {  	[tilespmem:s20], [sflag:$0x2] =	stream.linear.gather @!p0 [hbm4b:s8+s19], $0x40, $0x38;
	[tilespmem:$0x15E80] =	vst v63  }
0x13d: {  	_ =	swait.ge [sflag:s28], $0x40  }
0x13e: {  	[sflag:s28] =	ssyncset.done $0x0  }
0x13f: {  	[sflag:s28] =	ssyncadd.s32 $0xFFFFFFC0  }
0x140: {  	_ =	swait.ge [sflag:s28], $0x40  }
0x141: {  	p0 =	seq.s32 s14, $0x0;
	[sflag:s28] =	ssyncset.done $0x0  }
0x142: {  	s8 =	simm.s32 @!p0 $0x5;
	[sflag:s28] =	ssyncadd.s32 $0xFFFFFFC0  }
0x143: {  	_ =	swait.ge @!p0 [sflag:s8], $0x4000  }
0x144: {  	[sflag:s8] =	ssyncset.done @!p0 $0x0  }
0x145: {  	[sflag:s8] =	ssyncadd.s32 @!p0 $0xFFFFC000;
	s8 =	simm.s32 @!p0 $0x7  }
0x146: {  	_ =	swait.ge @!p0 [sflag:s8], $0x2000  }
0x147: {  	[sflag:s8] =	ssyncset.done @!p0 $0x0  }
0x148: {  	[sflag:s8] =	ssyncadd.s32 @!p0 $0xFFFFE000  }
0x149: {  	v20 =	vld [tilespmem:$0x80];
	_ =	sdelay $0x4  }
0x14a: {  	v21 =	vshll.u32 v20, $0x1  }
0x14b: {  	v20 =	vand.u32 $0x7, v20;
	v21 =	vand.u32 $0xFFFFFFF0, v21  }
0x14c: {  	v20 =	vor.u32 v20, v21  }
0x14d: {  	v21 =	vperm.xlane v20, v1;
	_ =	sdelay $0x1  }
0x14e: {  	v20 =	vperm.xlane v20, v4;
	v21 =	vadd.s32 v3, v21;
	_ =	sdelay $0x1  }
0x14f: {  	v20 =	vadd.s32 v3, v20;
	_ =	sdelay $0x2  }
0x150: {  	[tilespmem:s29], [sflag:$0x1] =	stream.indirect_vreg.gather [hbm4b:s1+s2], $0x80, v21, vm0, $0xb8;
	[tilespmem:$0x15E80] =	vst v63  }
0x151: {  	_ = 	snop  }
0x152: {  	[tilespmem:s30], [sflag:$0x1] =	stream.indirect_vreg.gather [hbm4b:s1+s2], $0x80, v20, vm0, $0xb8;
	[tilespmem:$0x15E80] =	vst v63  }
0x153: {  	v20 =	vld [tilespmem:$0x90];
	_ =	sdelay $0x4  }
0x154: {  	v54 =	vshll.u32 v20, $0x1  }
0x155: {  	v20 =	vand.u32 $0x7, v20;
	v21 =	vand.u32 $0xFFFFFFF0, v54  }
0x156: {  	v20 =	vor.u32 v20, v21  }
0x157: {  	v21 =	vperm.xlane v20, v1;
	_ =	sdelay $0x1  }
0x158: {  	v20 =	vperm.xlane v20, v4;
	v21 =	vadd.s32 v3, v21;
	_ =	sdelay $0x1  }
0x159: {  	v20 =	vadd.s32 v3, v20;
	_ =	sdelay $0x2  }
0x15a: {  	[tilespmem:s31], [sflag:$0x1] =	stream.indirect_vreg.gather [hbm4b:s1+s2], $0x80, v21, vm0, $0xb8;
	[tilespmem:$0x15E80] =	vst v63  }
0x15b: {  	_ = 	snop  }
0x15c: {  	[tilespmem:s0], [sflag:$0x1] =	stream.indirect_vreg.gather [hbm4b:s1+s2], $0x80, v20, vm0, $0xb8;
	[tilespmem:$0x15E80] =	vst v63  }
0x15d: {  	v20 =	vld [tilespmem:$0xA0];
	_ =	sdelay $0x4  }
0x15e: {  	v55 =	vshll.u32 v20, $0x1  }
0x15f: {  	v20 =	vand.u32 $0x7, v20;
	v21 =	vand.u32 $0xFFFFFFF0, v55  }
0x160: {  	v20 =	vor.u32 v20, v21  }
0x161: {  	v21 =	vperm.xlane v20, v1;
	_ =	sdelay $0x1  }
0x162: {  	v20 =	vperm.xlane v20, v4;
	v21 =	vadd.s32 v3, v21;
	_ =	sdelay $0x1  }
0x163: {  	v20 =	vadd.s32 v3, v20;
	_ =	sdelay $0x2  }
0x164: {  	[tilespmem:s3], [sflag:$0x1] =	stream.indirect_vreg.gather [hbm4b:s1+s2], $0x80, v21, vm0, $0xb8;
	[tilespmem:$0x15E80] =	vst v63  }
0x165: {  	_ = 	snop  }
0x166: {  	[tilespmem:s15], [sflag:$0x1] =	stream.indirect_vreg.gather [hbm4b:s1+s2], $0x80, v20, vm0, $0xb8;
	[tilespmem:$0x15E80] =	vst v63  }
0x167: {  	v20 =	vld [tilespmem:$0xB0];
	_ =	sdelay $0x4  }
0x168: {  	v56 =	vshll.u32 v20, $0x1  }
0x169: {  	v20 =	vand.u32 $0x7, v20;
	v21 =	vand.u32 $0xFFFFFFF0, v56  }
0x16a: {  	v20 =	vor.u32 v20, v21  }
0x16b: {  	v21 =	vperm.xlane v20, v1;
	_ =	sdelay $0x1  }
0x16c: {  	v20 =	vperm.xlane v20, v4;
	v21 =	vadd.s32 v3, v21;
	_ =	sdelay $0x1  }
0x16d: {  	v20 =	vadd.s32 v3, v20;
	_ =	sdelay $0x2  }
0x16e: {  	[tilespmem:s4], [sflag:$0x1] =	stream.indirect_vreg.gather [hbm4b:s1+s2], $0x80, v21, vm0, $0xb8;
	[tilespmem:$0x15E80] =	vst v63  }
0x16f: {  	_ = 	snop  }
0x170: {  	[tilespmem:s6], [sflag:$0x1] =	stream.indirect_vreg.gather [hbm4b:s1+s2], $0x80, v20, vm0, $0xb8;
	[tilespmem:$0x15E80] =	vst v63  }
0x171: {  	v20 =	vld [tilespmem:$0x180];
	_ =	sdelay $0x4  }
0x172: {  	v20 =	vshll.u32 v20, $0x2;
	_ =	sdelay $0x4  }
0x173: {  	v21 =	vld.idx.msk [tilespmem:v20+s13+$0x0], $0xffff  }
0x174: {  	v22 =	vor.u32 $0x1, v20;
	_ =	sdelay $0x3  }
0x175: {  	[tilespmem:v2+s7+$0x0] =	vst.idx.msk $0xffff, v21  }
0x176: {  	v21 =	vld.idx.msk [tilespmem:v22+s13+$0x0], $0xffff  }
0x177: {  	v57 =	vor.u32 $0x2, v20;
	_ =	sdelay $0x3  }
0x178: {  	[tilespmem:v5+s7+$0x0] =	vst.idx.msk $0xffff, v21  }
0x179: {  	v21 =	vld.idx.msk [tilespmem:v57+s13+$0x0], $0xffff  }
0x17a: {  	v20 =	vor.u32 $0x3, v20;
	_ =	sdelay $0x3  }
0x17b: {  	[tilespmem:v6+s7+$0x0] =	vst.idx.msk $0xffff, v21  }
0x17c: {  	v20 =	vld.idx.msk [tilespmem:v20+s13+$0x0], $0xffff;
	_ =	sdelay $0x4  }
0x17d: {  	[tilespmem:v7+s7+$0x0] =	vst.idx.msk $0xffff, v20  }
0x17e: {  	v20 =	vld [tilespmem:$0x190];
	_ =	sdelay $0x4  }
0x17f: {  	v20 =	vshll.u32 v20, $0x2;
	_ =	sdelay $0x4  }
0x180: {  	v21 =	vld.idx.msk [tilespmem:v20+s13+$0x0], $0xffff  }
0x181: {  	v58 =	vor.u32 $0x1, v20;
	_ =	sdelay $0x3  }
0x182: {  	[tilespmem:v8+s7+$0x0] =	vst.idx.msk $0xffff, v21  }
0x183: {  	v21 =	vld.idx.msk [tilespmem:v58+s13+$0x0], $0xffff  }
0x184: {  	v59 =	vor.u32 $0x2, v20;
	_ =	sdelay $0x3  }
0x185: {  	[tilespmem:v9+s7+$0x0] =	vst.idx.msk $0xffff, v21  }
0x186: {  	v21 =	vld.idx.msk [tilespmem:v59+s13+$0x0], $0xffff  }
0x187: {  	v20 =	vor.u32 $0x3, v20;
	_ =	sdelay $0x3  }
0x188: {  	[tilespmem:v10+s7+$0x0] =	vst.idx.msk $0xffff, v21  }
0x189: {  	v20 =	vld.idx.msk [tilespmem:v20+s13+$0x0], $0xffff;
	_ =	sdelay $0x4  }
0x18a: {  	[tilespmem:v11+s7+$0x0] =	vst.idx.msk $0xffff, v20  }
0x18b: {  	v20 =	vld [tilespmem:$0x1A0];
	_ =	sdelay $0x4  }
0x18c: {  	v20 =	vshll.u32 v20, $0x2;
	_ =	sdelay $0x4  }
0x18d: {  	v21 =	vld.idx.msk [tilespmem:v20+s13+$0x0], $0xffff  }
0x18e: {  	v60 =	vor.u32 $0x1, v20;
	_ =	sdelay $0x3  }
0x18f: {  	[tilespmem:v12+s7+$0x0] =	vst.idx.msk $0xffff, v21  }
0x190: {  	v21 =	vld.idx.msk [tilespmem:v60+s13+$0x0], $0xffff  }
0x191: {  	v61 =	vor.u32 $0x2, v20;
	_ =	sdelay $0x3  }
0x192: {  	[tilespmem:v13+s7+$0x0] =	vst.idx.msk $0xffff, v21  }
0x193: {  	v21 =	vld.idx.msk [tilespmem:v61+s13+$0x0], $0xffff  }
0x194: {  	v20 =	vor.u32 $0x3, v20;
	_ =	sdelay $0x3  }
0x195: {  	[tilespmem:v14+s7+$0x0] =	vst.idx.msk $0xffff, v21  }
0x196: {  	v20 =	vld.idx.msk [tilespmem:v20+s13+$0x0], $0xffff;
	_ =	sdelay $0x4  }
0x197: {  	[tilespmem:v15+s7+$0x0] =	vst.idx.msk $0xffff, v20  }
0x198: {  	v20 =	vld [tilespmem:$0x1B0];
	_ =	sdelay $0x4  }
0x199: {  	v20 =	vshll.u32 v20, $0x2;
	_ =	sdelay $0x4  }
0x19a: {  	v21 =	vld.idx.msk [tilespmem:v20+s13+$0x0], $0xffff  }
0x19b: {  	v62 =	vor.u32 $0x1, v20;
	_ =	sdelay $0x3  }
0x19c: {  	[tilespmem:v16+s7+$0x0] =	vst.idx.msk $0xffff, v21  }
0x19d: {  	v21 =	vld.idx.msk [tilespmem:v62+s13+$0x0], $0xffff  }
0x19e: {  	v63 =	vor.u32 $0x2, v20;
	_ =	sdelay $0x3  }
0x19f: {  	[tilespmem:v17+s7+$0x0] =	vst.idx.msk $0xffff, v21  }
0x1a0: {  	v21 =	vld.idx.msk [tilespmem:v63+s13+$0x0], $0xffff  }
0x1a1: {  	v20 =	vor.u32 $0x3, v20;
	_ =	sdelay $0x3  }
0x1a2: {  	[tilespmem:v18+s7+$0x0] =	vst.idx.msk $0xffff, v21  }
0x1a3: {  	v20 =	vld.idx.msk [tilespmem:v20+s13+$0x0], $0xffff;
	_ =	sdelay $0x4  }
0x1a4: {  	[tilespmem:v19+s7+$0x0] =	vst.idx.msk $0xffff, v20  }
0x1a5: {  	_ =	swait.ge [sflag:s26], $0x4000  }
.Ltmp6:
0x1a6: {  	[sflag:s26] =	ssyncset.done $0x0;
	(pc) =	sbr.rel .LBB2_6-.Ltmp6, $4  }
0x1a7: {  	s19 =	sadd.s32 $0x10000, s9;
	[sflag:s26] =	ssyncadd.s32 $0xFFFFC000  }
0x1a8: {  	[hbm4b:s19+s2] =	stream.linear.scatter [tilespmem:s29], [sflag:$0x5], $0x4000, $0x38;
	[tilespmem:$0x15E80] =	vst v63  }
0x1a9: {  	s20 =	sadd.s32 $0x8000, s10  }
0x1aa: {  	[hbm4b:s20+s2] =	stream.linear.scatter [tilespmem:s7], [sflag:$0x7], $0x2000, $0x38;
	[tilespmem:$0x15E80] =	vst v63  }
.LBB2_8:
0x1ab: {  	_ =	sfence.sel $0x180000  }
0x1ac: {  	[bflag:$0x0] =	sbarrier.arrive $0xFFFF  }
0x1ad: {  	_ =	strace $0x90000047  }
0x1ae: {  	s0 =	stileid.u32;
	[bflag:$0x2] =	sbarrier.arrive $0xFFFF  }
0x1af: {  	p0 =	sne.s32 s0, $0x0;
	s0 =	rddreg [dreg:$0x2]  }
0x1b0: {  	s0 =	sadd.s32 @!p0 $0x100000, s0  }
0x1b1: {  	[sflag:s0] =	ssyncadd.tile.s32 @!p0 $0x1;
	_ =	shalt  }
.Lfunc_end2:
_tile_overlayer_lowered:
.L_overlay_start_2:
0x1b2: {  	(tag) =	ssettag $0x2  }
0x1b3: {  	s0 =	rddreg [dreg:$0x0];
	s2 =	stileid.u32  }
0x1b4: {  	s1 =	rddreg [dreg:$0x1];
	p0 =	sne.s32 s2, $0x0  }
0x1b5: {  	s3 =	rddreg [dreg:$0x2];
	[bflag:$0x3] =	sbarrier.arrive $0xFFFF;
	s2 =	simm.s32 @!p0 $0x1C08  }
0x1b6: {  	[timem:s3], [sflag:s2] =	dma.local @!p0 [hbm:s0], s1  }
0x1b7: {  	s0 =	simm.s32 @!p0 $0x8  }
0x1b8: {  	_ =	swait.ge @!p0 [sflag:s0], s1  }
0x1b9: {  	s1 =	ssub.s32 @!p0 $0x0, s1;
	[sflag:s0] =	ssyncset.done @!p0 $0x0  }
0x1ba: {  	[sflag:s0] =	ssyncadd.s32 @!p0 s1  }
0x1bb: {  	[bflag:$0x3] =	sbarrier.arrive $0xFFFF  }
0x1bc: {  	_ =	shalt  }

// kernel: kernel.18.cloned.1.call-start
scs
__scs_entry_jumppad:
0x0: {  	(pc) =	sbr.rel $0x88, $3  }
0x1: {  	(tag) =	ssettag $0x0;
	lr =	simm.s32 $0x1  }
0x2: {  	[smem:$0x3F94] =	sst lr;
	_ =	strace $0xD0000000  }
0x3: {  	_ = 	snop  }
0x4: {  	_ = 	snop  }
0x5: {  	_ = 	snop  }
0x6: {  	_ = 	snop  }
0x7: {  	_ = 	snop  }
__scs_overlays_trampoline_lowered:
0x8: {  	[smem:$0x3FA3] =	sst s0  }
0x9: {  	[smem:$0x3FA4] =	sst s1  }
0xa: {  	[smem:$0x3FA5] =	sst s2  }
0xb: {  	[smem:$0x3FA6] =	sst s3  }
0xc: {  	[smem:$0x3FA7] =	sst s4  }
0xd: {  	[smem:$0x3FA8] =	sst s5  }
0xe: {  	[smem:$0x3FA9] =	sst s6  }
0xf: {  	[smem:$0x3FAA] =	sst s7  }
0x10: {  	[smem:$0x3FAB] =	sst s8  }
0x11: {  	[smem:$0x3FAC] =	sst s9;
	s0 =	simm.s32 @!p0 $0x0  }
0x12: {  	s1 =	sld [smem:$0x3F92];
	s0 =	simm.s32 @p0 $0x1  }
0x13: {  	[smem:$0x3FAD] =	sst s0;
	s0 =	simm.s32 @!p1 $0x0  }
0x14: {  	s2 =	sld [smem:$0x3F91];
	s0 =	simm.s32 @p1 $0x1  }
0x15: {  	[smem:$0x3FAE] =	sst s0;
	s0 =	simm.s32 @!p2 $0x0  }
0x16: {  	s3 =	sld [smem:$0x3FDB];
	s0 =	simm.s32 @p2 $0x1  }
0x17: {  	s4 =	simm.s32 $0x1BF5;
	[smem:$0x3FB0] =	sst s0  }
0x18: {  	s0 =	sld [smem:$0x3F93];
	_ =	swait.ge [sflag:s4], $0x0  }
0x19: {  	s7 =	sld [smem:$0x3F94]  }
0x1a: {  	s8 =	sadd.s32 $0xFFFFE003, lr  }
0x1b: {  	s9 =	sadd.s32 $0xFFFFFEF7, lr;
	s5 =	simm.s32 $0xFFFFFFFF;
	p2 =	slt.u32 s8, $0xFFFFF086  }
0x1c: {  	p1 =	slt.u32 s9, $0xF7A;
	s5 =	simm.s32 @!p2 $0x0  }
0x1d: {  	s5 =	simm.s32 @p1 $0x1;
	p0 =	seq.s32 s7, s2  }
0x1e: {  	s7 =	smul.u32 @!p0 $0xF7A, s2;
	p2 =	seq.s32 @!p0 s5, $0x0  }
0x1f: {  	s9 =	smul.u32 $0xF7A, s1;
	s8 =	simm.s32 @!p0 $0x1BF5;
	p2 =	por !p2, p0  }
0x20: {  	[sflag:s8] =	ssyncset.s32 @!p0 $0xFFFFF086;
	s6 =	sadd.s32 @!p0 s3, s7;
	s7 =	simm.s32 @!p0 $0x108  }
0x21: {  	s3 =	sadd.s32 s3, s9;
	s6 =	sadd.s32 @!p0 $0x88, s6;
	s7 =	simm.s32 @p2 $0x1082  }
0x22: {  	[simem:s7], [sflag:s8] =	dma.local @!p0 [hbm:s6], $0xF7A  }
0x23: {  	s9 =	sor.u32 $0xD0000000, s2;
	s6 =	simm.s32 $0x108;
	_ =	swait.ge @!p0 [sflag:s8], $0x0  }
0x24: {  	s3 =	sadd.s32 $0x88, s3;
	s6 =	simm.s32 @!p1 $0x1082;
	[sflag:s4] =	ssyncset.s32 $0xFFFFF086  }
0x25: {  	[simem:s6], [sflag:s4] =	dma.local [hbm:s3], $0xF7A  }
0x26: {  	[smem:$0x3F94] =	sst s1;
	(tag) =	ssettag s2;
	_ =	strace s9  }
0x27: {  	s1 =	sld [smem:$0x3FA4]  }
0x28: {  	s2 =	sld [smem:$0x3FA5]  }
0x29: {  	s4 =	sld [smem:$0x3FA7]  }
0x2a: {  	p0 =	seq.s32 s5, $0x0;
	s5 =	sld [smem:$0x3FA8]  }
0x2b: {  	s6 =	sld [smem:$0x3FA9]  }
0x2c: {  	s7 =	sld [smem:$0x3FAA]  }
0x2d: {  	s3 =	simm.s32 $0x108;
	s8 =	sld [smem:$0x3FAB]  }
0x2e: {  	s3 =	simm.s32 @!p0 $0x1082;
	s9 =	sld [smem:$0x3FAC]  }
0x2f: {  	lr =	sadd.s32 s0, s3;
	s0 =	sld [smem:$0x3FA3]  }
0x30: {  	s3 =	sld [smem:$0x3FA6]  }
0x31: {  	[smem:$0x3FAF] =	sst s10  }
0x32: {  	s10 =	sld [smem:$0x3FAD];
	_ =	sdelay $0x3  }
0x33: {  	p0 =	seq.s32 s10, $0x1;
	s10 =	sld [smem:$0x3FAF];
	_ =	sdelay $0x3  }
0x34: {  	[smem:$0x3FAF] =	sst s10  }
0x35: {  	s10 =	sld [smem:$0x3FAE];
	_ =	sdelay $0x3  }
0x36: {  	p1 =	seq.s32 s10, $0x1;
	s10 =	sld [smem:$0x3FAF];
	_ =	sdelay $0x3  }
0x37: {  	[smem:$0x3FAF] =	sst s10  }
0x38: {  	s10 =	sld [smem:$0x3FB0]  }
0x39: {  	_ = 	snop;
	(pc) =	sbr.ind lr, $3  }
0x3a: {  	_ = 	snop  }
0x3b: {  	_ = 	snop  }
0x3c: {  	p2 =	seq.s32 s10, $0x1;
	s10 =	sld [smem:$0x3FAF]  }
0x3d: {  	_ =	shalt  }
0x3e: {  	_ =	shalt  }
0x3f: {  	_ =	shalt  }
0x40: {  	_ =	shalt  }
0x41: {  	_ =	shalt  }
0x42: {  	_ =	shalt  }
0x43: {  	_ =	shalt  }
0x44: {  	_ =	shalt  }
0x45: {  	_ =	shalt  }
0x46: {  	_ =	shalt  }
0x47: {  	_ =	shalt  }
0x48: {  	_ =	shalt  }
0x49: {  	_ =	shalt  }
0x4a: {  	_ =	shalt  }
0x4b: {  	_ =	shalt  }
0x4c: {  	_ =	shalt  }
0x4d: {  	_ =	shalt  }
0x4e: {  	_ =	shalt  }
0x4f: {  	_ =	shalt  }
0x50: {  	_ =	shalt  }
0x51: {  	_ =	shalt  }
0x52: {  	_ =	shalt  }
0x53: {  	_ =	shalt  }
0x54: {  	_ =	shalt  }
0x55: {  	_ =	shalt  }
0x56: {  	_ =	shalt  }
0x57: {  	_ =	shalt  }
0x58: {  	_ =	shalt  }
0x59: {  	_ =	shalt  }
0x5a: {  	_ =	shalt  }
0x5b: {  	_ =	shalt  }
0x5c: {  	_ =	shalt  }
0x5d: {  	_ =	shalt  }
0x5e: {  	_ =	shalt  }
0x5f: {  	_ =	shalt  }
0x60: {  	_ =	shalt  }
0x61: {  	_ =	shalt  }
0x62: {  	_ =	shalt  }
0x63: {  	_ =	shalt  }
0x64: {  	_ =	shalt  }
0x65: {  	_ =	shalt  }
0x66: {  	_ =	shalt  }
0x67: {  	_ =	shalt  }
0x68: {  	_ =	shalt  }
0x69: {  	_ =	shalt  }
0x6a: {  	_ =	shalt  }
0x6b: {  	_ =	shalt  }
0x6c: {  	_ =	shalt  }
0x6d: {  	_ =	shalt  }
0x6e: {  	_ =	shalt  }
0x6f: {  	_ =	shalt  }
0x70: {  	_ =	shalt  }
0x71: {  	_ =	shalt  }
0x72: {  	_ =	shalt  }
0x73: {  	_ =	shalt  }
0x74: {  	_ =	shalt  }
0x75: {  	_ =	shalt  }
0x76: {  	_ =	shalt  }
0x77: {  	_ =	shalt  }
0x78: {  	_ =	shalt  }
0x79: {  	_ =	shalt  }
0x7a: {  	_ =	shalt  }
0x7b: {  	_ =	shalt  }
0x7c: {  	_ =	shalt  }
0x7d: {  	_ =	shalt  }
0x7e: {  	_ =	shalt  }
0x7f: {  	_ =	shalt  }
0x80: {  	_ =	shalt  }
0x81: {  	_ =	shalt  }
0x82: {  	_ =	shalt  }
0x83: {  	_ =	shalt  }
0x84: {  	_ =	shalt  }
0x85: {  	_ =	shalt  }
0x86: {  	_ =	shalt  }
0x87: {  	_ =	shalt  }
.Lfunc_end0:
.L_simem_size_0:
called_computation.2_lowered:
.L_overlay_start_0:
0x88: {  	s2 =	sld [smem:$0x3FD9]  }
0x89: {  	s3 =	sld [smem:$0x3FFE];
	_ =	sdelay $0x1  }
0x8a: {  	s1 =	srdreg.scid  }
0x8b: {  	s0 =	sand.u32 $0x1, s1  }
0x8c: {  	s17 =	sshll.u32 s0, $0xA;
	s2 =	sadd.s32 s3, s2  }
0x8d: {  	s2 =	sadd.s32 s2, s17  }
0x8e: {  	[smem:$0x3FBB] =	sst s2  }
0x8f: {  	_ = 	snop  }
0x90: {  	s18 =	sld [smem:$0x3FD0];
	(tm) =	ssettm $0x1  }
0x91: {  	s19 =	sld [smem:$0x3FFB];
	_ =	sdelay $0x3  }
0x92: {  	_ =	strace s19  }
0x93: {  	s2 =	sld [smem:$0x3FFC];
	_ =	sdelay $0x3  }
0x94: {  	_ =	strace s2  }
0x95: {  	s2 =	sld [smem:$0x3FFD];
	_ =	sdelay $0x3  }
0x96: {  	_ =	strace s2  }
0x97: {  	_ =	strace $0x8FFFFFFF  }
0x98: {  	s20 =	sld [smem:$0x3FDB];
	_ =	sdelay $0x1  }
0x99: {  	s4 =	simm.s32 $_scs_section_size  }
0x9a: {  	s5 =	simm.s32 $_size__tile_overlayer_lowered;
	s6 =	simm.s32 $_tile_overlayer_lowered  }
0x9b: {  	s7 =	simm.s32 $0x1BFF;
	s21 =	sshll.u32 s6, $0x1;
	s4 =	sadd.s32 s4, s20  }
0x9c: {  	s22 =	simm.s32 $0x0;
	s5 =	sshll.u32 s5, $0x1;
	s6 =	sadd.s32 s21, s4  }
0x9d: {  	[timem:s22], [sflag:s7] =	dma.local [hbm:s6], s5  }
0x9e: {  	_ =	swait.ge [sflag:s7], s5  }
0x9f: {  	s5 =	ssub.s32 $0x0, s5;
	[sflag:s7] =	ssyncset.done $0x0  }
0xa0: {  	[sflag:s7] =	ssyncadd.s32 s5;
	_ =	sdelay $0x1  }
0xa1: {  	s23 =	simm.s32 $0x1B8B  }
0xa2: {  	_ =	swait.ge [sflag:s23], $0x1  }
0xa3: {  	[sflag:s23] =	ssyncset.done $0x0  }
0xa4: {  	[sflag:s23] =	ssyncadd.s32 $0xFFFFFFFF  }
0xa5: {  	s5 =	sld [smem:$0x0]  }
0xa6: {  	s6 =	sand.u32 $0xFFFFFFFE, s1  }
0xa7: {  	p0 =	sne.s32 s1, s6  }
0xa8: {  	s6 =	sshll.u32 @p0 s6, $0xE  }
0xa9: {  	s6 =	sadd.s32 @p0 $0x11B8D, s6;
	s7 =	sshll.u32 @p0 s5, $0x11  }
0xaa: {  	s6 =	sor.u32 @p0 s7, s6  }
0xab: {  	[sflag:s6] =	ssyncadd.remote.s32 @p0 $0x1;
	_ =	sdelay $0x1  }
0xac: {  	s6 =	simm.s32 @p0 $0x1B8D  }
0xad: {  	_ =	swait.eq @p0 [sflag:s6], $0x1  }
0xae: {  	[sflag:s6] =	ssyncadd.s32 @p0 $0xFFFFFFFF  }
0xaf: {  	s7 =	sshll.u32 @!p0 s1, $0xE  }
0xb0: {  	s7 =	sor.u32 @!p0 $0x4000, s7;
	s6 =	simm.s32 @!p0 $0x1B8D  }
0xb1: {  	s5 =	sshll.u32 @!p0 s5, $0x11;
	s7 =	sadd.s32 @!p0 $0x11B8D, s7;
	_ =	swait.eq @!p0 [sflag:s6], $0x1  }
0xb2: {  	s5 =	sor.u32 @!p0 s5, s7;
	[sflag:s6] =	ssyncadd.s32 @!p0 $0xFFFFFFFF  }
0xb3: {  	s25 =	simm.s32 $0x1B8E;
	s24 =	sld [smem:$0x3FFE];
	[sflag:s5] =	ssyncadd.remote.s32 @!p0 $0x1  }
0xb4: {  	s26 =	simm.s32 $execute0_lowered;
	[smem:$0x3FD2] =	sst s25  }
0xb5: {  	s6 =	sshll.u32 s26, $0x1;
	_ =	strace $0x8000004F;
	[dreg:$0x1] =	wrdreg $0xFFFFFFFF  }
0xb6: {  	s28 =	simm.s32 $_size_execute0_lowered;
	s4 =	sadd.s32 s4, s6;
	[dreg:$0x0] =	wrdreg $0x0  }
0xb7: {  	s6 =	sshll.u32 s28, $0x1;
	[dreg:$0x2] =	wrdreg s4  }
0xb8: {  	[dreg:$0x3] =	wrdreg s6  }
0xb9: {  	[dreg:$0x4] =	wrdreg $0xC0  }
0xba: {  	_ =	task [dreg:s22], $0x5FFFF  }
0xbb: {  	[dreg:$0x1] =	wrdreg $0xFFFFFFFF  }
0xbc: {  	[dreg:$0x0] =	wrdreg $0x60  }
0xbd: {  	[dreg:$0x2] =	wrdreg s24  }
0xbe: {  	[dreg:$0x3] =	wrdreg s18  }
0xbf: {  	[dreg:$0x4] =	wrdreg $0x9  }
0xc0: {  	_ =	task.clear_ibuf [dreg:s22], $0x5FFFF;
	_ =	strace $0x9000004F  }
0xc1: {  	s29 =	simm.s32 $0x9;
	_ =	strace $0x80000051  }
0xc2: {  	_ =	swait.ge [sflag:s29], $0x1  }
0xc3: {  	[sflag:s29] =	ssyncadd.s32 $0xFFFFFFFF  }
0xc4: {  	_ =	strace $0x90000051  }
0xc5: {  	_ =	sfence  }
0xc6: {  	s30 =	sld [smem:$0x0];
	_ =	sdelay $0x2  }
0xc7: {  	s31 =	sshll.u32 s1, $0xD;
	s1 =	sshrl.u32 s1, $0x2  }
0xc8: {  	s4 =	sand.u32 $0x4000, s31;
	s1 =	sadd.s32 s1, s30  }
0xc9: {  	s0 =	sor.u32 s4, s0;
	s1 =	sshll.u32 s1, $0x11  }
0xca: {  	s0 =	sor.u32 s1, s0  }
0xcb: {  	s0 =	sadd.s32 $0x8F2B, s0  }
0xcc: {  	[sflag:s0] =	ssyncadd.remote.s32 $0x1  }
0xcd: {  	_ =	sfence.sel $0xFFFF  }
0xce: {  	[dreg:$0x0] =	wrdreg $0xFFFFFFFF;
	(pc) =	sbr.abs _section_cstart, $3  }
0xcf: {  	[dreg:$0x1] =	wrdreg $0xFFFFFFFF  }
0xd0: {  	_ =	task.clear_ibuf [dreg:s22], $0x2FFFF;
	_ =	strace $0x9FFFFFFF  }
0xd1: {  	(tm) =	ssettm $0x7FFFFFFF  }
tec
execute0_lowered:
.L_overlay_start_1:
0x0: {  	(tag) =	ssettag $0x1  }
0x1: {  	s0 =	rddreg [dreg:$0x0]  }
0x2: {  	s11 =	rddreg [dreg:$0x1]  }
0x3: {  	s2 =	simm.s32 $0x0;
	s1 =	srdreg.scid;
	s12 =	stileid.u32  }
0x4: {  	s7 =	simm.s32 $0x9A00;
	s13 =	simm.s32 $0x4;
	s28 =	simm.s32 $0xD100  }
0x5: {  	s29 =	simm.s32 $0xD900;
	s30 =	simm.s32 $0xE100;
	s31 =	simm.s32 $0xE900  }
0x6: {  	[smem:$0x7FF] =	sst s2;
	s1 =	sand.u32 $0x1, s1;
	s6 =	smul.u32 $0x28000, s12  }
0x7: {  	s3 =	sadd.s32 $0x142200, s0;
	s5 =	sadd.s32 $0x5E00, s0;
	s10 =	smul.u32 $0x5000, s12  }
0x8: {  	s21 =	sshll.u32 s12, $0x7;
	s22 =	sshll.u32 s12, $0xC;
	_ =	strace $0x80000050  }
0x9: {  	s4 =	ssub.s32 $0x2, s1;
	[dreg:$0x3] =	wrdreg s5;
	s8 =	smul.u32 $0x139, s1  }
0xa: {  	p0 =	seq.s32 s1, $0x0;
	s15 =	sxor.u32 $0x9, s1;
	s17 =	smul.u32 $0x139000, s1  }
0xb: {  	s1 =	smul.u32 $0x9C80, s1;
	s14 =	sshrl.u32 s4, $0x1;
	s7 =	simm.s32 @!p0 $0x59A00  }
0xc: {  	s6 =	sshrl.u32 s6, $0x3;
	p0 =	slt.u32 s12, s15;
	s4 =	ssub.s32 s4, s14  }
0xd: {  	s5 =	sadd.s32 s7, s0;
	s16 =	sadd.s32 s12, s8;
	s1 =	sadd.s32 s21, s1  }
0xe: {  	s21 =	simm.s32 $0x1;
	s12 =	simm.s32 $0x2;
	s0 =	sadd.s32 s5, s6  }
0xf: {  	s6 =	simm.s32 $0x14;
	s8 =	sshll.u32 s16, $0x4;
	s7 =	sshll.u32 s16, $0xC  }
0x10: {  	s4 =	smax.u32 s4, $0x1;
	s18 =	sadd.s32 s5, s10;
	s24 =	sadd.s32 $0x800, s1  }
0x11: {  	s1 =	sadd.s32 $0x1000, s1;
	s6 =	simm.s32 @!p0 $0x13;
	[dreg:$0x6] =	wrdreg s4  }
0x12: {  	s8 =	sadd.s32 s11, s8;
	s7 =	sadd.s32 s3, s7;
	[dreg:$0x7] =	wrdreg s18  }
0x13: {  	s19 =	sadd.s32 $0x1000, s0;
	s20 =	sadd.s32 $0x2000, s0;
	[dreg:$0xd] =	wrdreg s1  }
0x14: {  	s3 =	sadd.s32 s17, s3;
	s23 =	sadd.s32 $0x3000, s0;
	[dreg:$0x4] =	wrdreg s8  }
0x15: {  	s0 =	sadd.s32 $0x4000, s0;
	s26 =	sshrl.u32 s24, $0x3;
	[dreg:$0x5] =	wrdreg s7  }
0x16: {  	s17 =	simm.s32 $0x9900;
	s18 =	simm.s32 $0xA100;
	[dreg:$0x8] =	wrdreg s19  }
0x17: {  	s1 =	simm.s32 $0xA900;
	s24 =	simm.s32 $0xB900;
	[dreg:$0x9] =	wrdreg s20  }
0x18: {  	s9 =	sadd.s32 $0xFFFFFFFF, s6;
	[dreg:$0xa] =	wrdreg s23;
	s3 =	sadd.s32 s22, s3  }
.Ltmp0:
0x19: {  	[dreg:$0xb] =	wrdreg s0;
	s0 =	sadd.s32 s26, s11;
	(pc) =	sbr.rel .LBB2_1-.Ltmp0, $4  }
0x1a: {  	s19 =	simm.s32 $0x100;
	s20 =	simm.s32 $0x7;
	s22 =	simm.s32 $0x3  }
0x1b: {  	v2 =	vlaneseq.u32;
	s23 =	simm.s32 $0xB100;
	s26 =	simm.s32 $0xC900;
	s8 =	simm.s32 $0x0  }
0x1c: {  	vm0 =	vmmov $0xffff;
	v1 =	vshrl.u32 v2, $0x3;
	s25 =	sadd.s32 $0x20000, s3;
	[dreg:$0xe] =	wrdreg s0;
	s0 =	simm.s32 $0xF100  }
0x1d: {  	v0 =	vand.u32 $0x7, v2;
	v2 =	vor.u32 $0x8, v2;
	v1 =	vmul.u32 $0x8, v1;
	s3 =	simm.s32 $0xF900;
	[dreg:$0xc] =	wrdreg s25;
	s25 =	simm.s32 $0xC100  }
.LBB2_7:
0x1e: {  	s4 =	simm.s32 $0x5  }
0x1f: {  	_ =	swait.ge [sflag:s4], $0x8000  }
0x20: {  	[sflag:s4] =	ssyncset.done $0x0  }
0x21: {  	s7 =	simm.s32 $0x6;
	[sflag:s4] =	ssyncadd.s32 $0xFFFF8000  }
0x22: {  	_ =	swait.ge [sflag:s7], $0x8000  }
0x23: {  	s8 =	rddreg [dreg:$0xf]  }
0x24: {  	s16 =	rddreg [dreg:$0x6];
	s8 =	sadd.s32 $0x1, s8  }
0x25: {  	p0 =	sne.s32 s8, s16  }
.Ltmp1:
0x26: {  	_ = 	snop;
	(pc) =	sbr.rel @!p0 .LBB2_8-.Ltmp1, $3  }
0x27: {  	_ =	sdelay $0x1  }
0x28: {  	[sflag:s7] =	ssyncset.done $0x0  }
0x29: {  	[sflag:s7] =	ssyncadd.s32 $0xFFFF8000  }
.LBB2_1:
0x2a: {  	[dreg:$0xf] =	wrdreg s8  }
0x2b: {  	s4 =	rddreg [dreg:$0x3]  }
0x2c: {  	[tilespmem:s19], [sflag:$0x7] =	stream.linear.gather [hbm4b:s4+s2], $0x8000, $0x38;
	[tilespmem:$0x10100] =	vst v63  }
0x2d: {  	_ =	swait.ge [sflag:s20], $0x8000  }
0x2e: {  	[sflag:s20] =	ssyncset.done $0x0  }
0x2f: {  	s7 =	rddreg [dreg:$0x7];
	[sflag:s20] =	ssyncadd.s32 $0xFFFF8000  }
0x30: {  	[hbm4b:s7+s2] =	stream.linear.scatter [tilespmem:s19], [sflag:$0x7], $0x8000, $0x38;
	[tilespmem:$0x10100] =	vst v63  }
0x31: {  	_ =	swait.ge [sflag:s20], $0x8000  }
0x32: {  	[sflag:s20] =	ssyncset.done $0x0  }
0x33: {  	s8 =	rddreg [dreg:$0x8];
	[sflag:s20] =	ssyncadd.s32 $0xFFFF8000  }
0x34: {  	[hbm4b:s8+s2] =	stream.linear.scatter [tilespmem:s19], [sflag:$0x7], $0x8000, $0x38;
	[tilespmem:$0x10100] =	vst v63  }
0x35: {  	_ =	swait.ge [sflag:s20], $0x8000  }
0x36: {  	[sflag:s20] =	ssyncset.done $0x0  }
0x37: {  	s10 =	rddreg [dreg:$0x9];
	[sflag:s20] =	ssyncadd.s32 $0xFFFF8000  }
0x38: {  	[hbm4b:s10+s2] =	stream.linear.scatter [tilespmem:s19], [sflag:$0x7], $0x8000, $0x38;
	[tilespmem:$0x10100] =	vst v63  }
0x39: {  	_ =	swait.ge [sflag:s20], $0x8000  }
0x3a: {  	[sflag:s20] =	ssyncset.done $0x0  }
0x3b: {  	s11 =	rddreg [dreg:$0xa];
	[sflag:s20] =	ssyncadd.s32 $0xFFFF8000  }
0x3c: {  	[hbm4b:s11+s2] =	stream.linear.scatter [tilespmem:s19], [sflag:$0x7], $0x8000, $0x38;
	[tilespmem:$0x10100] =	vst v63  }
0x3d: {  	_ =	swait.ge [sflag:s20], $0x8000  }
0x3e: {  	[sflag:s20] =	ssyncset.done $0x0  }
0x3f: {  	s14 =	rddreg [dreg:$0xb];
	[sflag:s20] =	ssyncadd.s32 $0xFFFF8000  }
0x40: {  	[hbm4b:s14+s2] =	stream.linear.scatter [tilespmem:s19], [sflag:$0x7], $0x8000, $0x38;
	[tilespmem:$0x10100] =	vst v63  }
0x41: {  	_ =	swait.ge [sflag:s20], $0x8000  }
0x42: {  	[sflag:s20] =	ssyncset.done $0x0  }
0x43: {  	[sflag:s20] =	ssyncadd.s32 $0xFFFF8000  }
0x44: {  	[bflag:$0x0] =	sbarrier.arrive $0xFFFF  }
0x45: {  	s15 =	rddreg [dreg:$0x4]  }
0x46: {  	s16 =	rddreg [dreg:$0x5]  }
.Ltmp2:
0x47: {  	s4 =	rddreg [dreg:$0xe];
	(pc) =	sbr.rel .LBB2_2-.Ltmp2, $4  }
0x48: {  	s7 =	rddreg [dreg:$0xd]  }
0x49: {  	[tilespmem:s2], [sflag:$0x1] =	stream.linear.gather [hbm4b:s15+s2], $0x80, $0x38;
	[tilespmem:$0x10100] =	vst v63  }
0x4a: {  	s10 =	simm.s32 $0x2;
	s8 =	rddreg [dreg:$0xc]  }
0x4b: {  	[tilespmem:s19], [sflag:$0x3] =	stream.linear.gather [hbm4b:s16+s2], $0x8000, $0x38;
	[tilespmem:$0x10100] =	vst v63  }
.LBB2_6:
0x4c: {  	s10 =	sadd.s32 $0x2, s10  }
0x4d: {  	p0 =	sne.s32 s10, $0x16  }
.Ltmp3:
0x4e: {  	_ = 	snop;
	(pc) =	sbr.rel @!p0 .LBB2_7-.Ltmp3, $2  }
0x4f: {  	_ =	sdelay $0x2  }
0x50: {  	s8 =	sadd.s32 $0x20000, s8;
	s7 =	sadd.s32 $0x1000, s7;
	s4 =	sadd.s32 $0x200, s4  }
.LBB2_2:
0x51: {  	s11 =	sadd.s32 $0xFFFFFFFE, s10  }
0x52: {  	p0 =	sge.u32 s11, s6  }
.Ltmp4:
0x53: {  	_ = 	snop;
	(pc) =	sbr.rel @p0 .LBB2_4-.Ltmp4, $1  }
0x54: {  	_ =	sdelay $0x3  }
0x55: {  	s14 =	sadd.s32 $0xFFFFFFFF, s10  }
0x56: {  	p0 =	sge.u32 s14, s6  }
0x57: {  	p1 =	seq.s32 @!p0 s10, $0x2  }
0x58: {  	p1 =	por p1, p0  }
0x59: {  	s14 =	simm.s32 @!p1 $0x6  }
0x5a: {  	_ =	swait.ge @!p1 [sflag:s14], $0x8000  }
0x5b: {  	[sflag:s14] =	ssyncset.done @!p1 $0x0  }
0x5c: {  	s15 =	simm.s32 @!p0 $0x80;
	[sflag:s14] =	ssyncadd.s32 @!p1 $0xFFFF8000;
	s14 =	simm.s32 @!p0 $0x0  }
0x5d: {  	[tilespmem:s15], [sflag:$0x2] =	stream.linear.gather @!p0 [hbm4b:s4+s14], $0x80, $0x38;
	[tilespmem:$0x10100] =	vst v63  }
0x5e: {  	s16 =	simm.s32 @!p0 $0x8100;
	s15 =	sadd.s32 @!p0 $0xFFFF0000, s8  }
0x5f: {  	[tilespmem:s16], [sflag:$0x4] =	stream.linear.gather @!p0 [hbm4b:s15+s14], $0x8000, $0x38;
	[tilespmem:$0x10100] =	vst v63  }
0x60: {  	_ =	swait.ge [sflag:s21], $0x80  }
0x61: {  	[sflag:s21] =	ssyncset.done $0x0  }
0x62: {  	[sflag:s21] =	ssyncadd.s32 $0xFFFFFF80  }
0x63: {  	_ =	swait.ge [sflag:s22], $0x8000  }
0x64: {  	[sflag:s22] =	ssyncset.done $0x0  }
0x65: {  	[sflag:s22] =	ssyncadd.s32 $0xFFFF8000  }
0x66: {  	v3 =	vld [tilespmem:$0x0];
	_ =	sdelay $0x4  }
0x67: {  	v4 =	vshll.u32 v3, $0x1  }
0x68: {  	v3 =	vand.u32 $0x7, v3;
	v4 =	vand.u32 $0xFFFFFFF0, v4  }
0x69: {  	v3 =	vor.u32 v3, v4  }
0x6a: {  	v4 =	vperm.xlane v3, v0;
	_ =	sdelay $0x1  }
0x6b: {  	v3 =	vperm.xlane v3, v2;
	v4 =	vadd.s32 v1, v4;
	_ =	sdelay $0x1  }
0x6c: {  	v3 =	vadd.s32 v1, v3;
	_ =	sdelay $0x2  }
0x6d: {  	[hbm4b:s5+s2] =	stream.indirect_vreg.scatter [tilespmem:s19], [sflag:$0x5], $0x80, v4, vm0, $0xb8;
	[tilespmem:$0x10100] =	vst v63  }
0x6e: {  	s16 =	simm.s32 $0x900  }
0x6f: {  	[hbm4b:s5+s2] =	stream.indirect_vreg.scatter [tilespmem:s16], [sflag:$0x5], $0x80, v3, vm0, $0xb8;
	[tilespmem:$0x10100] =	vst v63  }
0x70: {  	v3 =	vld [tilespmem:$0x10];
	_ =	sdelay $0x4  }
0x71: {  	v57 =	vshll.u32 v3, $0x1  }
0x72: {  	v3 =	vand.u32 $0x7, v3;
	v4 =	vand.u32 $0xFFFFFFF0, v57  }
0x73: {  	v3 =	vor.u32 v3, v4  }
0x74: {  	v4 =	vperm.xlane v3, v0;
	_ =	sdelay $0x1  }
0x75: {  	v3 =	vperm.xlane v3, v2;
	v4 =	vadd.s32 v1, v4;
	_ =	sdelay $0x1  }
0x76: {  	v3 =	vadd.s32 v1, v3;
	_ =	sdelay $0x1  }
0x77: {  	s15 =	simm.s32 $0x1100  }
0x78: {  	[hbm4b:s5+s2] =	stream.indirect_vreg.scatter [tilespmem:s15], [sflag:$0x5], $0x80, v4, vm0, $0xb8;
	[tilespmem:$0x10100] =	vst v63  }
0x79: {  	s16 =	simm.s32 $0x1900  }
0x7a: {  	[hbm4b:s5+s2] =	stream.indirect_vreg.scatter [tilespmem:s16], [sflag:$0x5], $0x80, v3, vm0, $0xb8;
	[tilespmem:$0x10100] =	vst v63  }
0x7b: {  	v3 =	vld [tilespmem:$0x20];
	_ =	sdelay $0x4  }
0x7c: {  	v58 =	vshll.u32 v3, $0x1  }
0x7d: {  	v3 =	vand.u32 $0x7, v3;
	v4 =	vand.u32 $0xFFFFFFF0, v58  }
0x7e: {  	v3 =	vor.u32 v3, v4  }
0x7f: {  	v4 =	vperm.xlane v3, v0;
	_ =	sdelay $0x1  }
0x80: {  	v3 =	vperm.xlane v3, v2;
	v4 =	vadd.s32 v1, v4;
	_ =	sdelay $0x1  }
0x81: {  	v3 =	vadd.s32 v1, v3;
	_ =	sdelay $0x1  }
0x82: {  	s15 =	simm.s32 $0x2100  }
0x83: {  	[hbm4b:s5+s2] =	stream.indirect_vreg.scatter [tilespmem:s15], [sflag:$0x5], $0x80, v4, vm0, $0xb8;
	[tilespmem:$0x10100] =	vst v63  }
0x84: {  	s16 =	simm.s32 $0x2900  }
0x85: {  	[hbm4b:s5+s2] =	stream.indirect_vreg.scatter [tilespmem:s16], [sflag:$0x5], $0x80, v3, vm0, $0xb8;
	[tilespmem:$0x10100] =	vst v63  }
0x86: {  	v3 =	vld [tilespmem:$0x30];
	_ =	sdelay $0x4  }
0x87: {  	v59 =	vshll.u32 v3, $0x1  }
0x88: {  	v3 =	vand.u32 $0x7, v3;
	v4 =	vand.u32 $0xFFFFFFF0, v59  }
0x89: {  	v3 =	vor.u32 v3, v4  }
0x8a: {  	v4 =	vperm.xlane v3, v0;
	_ =	sdelay $0x1  }
0x8b: {  	v3 =	vperm.xlane v3, v2;
	v4 =	vadd.s32 v1, v4;
	_ =	sdelay $0x1  }
0x8c: {  	v3 =	vadd.s32 v1, v3;
	_ =	sdelay $0x1  }
0x8d: {  	s15 =	simm.s32 $0x3100  }
0x8e: {  	[hbm4b:s5+s2] =	stream.indirect_vreg.scatter [tilespmem:s15], [sflag:$0x5], $0x80, v4, vm0, $0xb8;
	[tilespmem:$0x10100] =	vst v63  }
0x8f: {  	s16 =	simm.s32 $0x3900  }
0x90: {  	[hbm4b:s5+s2] =	stream.indirect_vreg.scatter [tilespmem:s16], [sflag:$0x5], $0x80, v3, vm0, $0xb8;
	[tilespmem:$0x10100] =	vst v63  }
0x91: {  	v3 =	vld [tilespmem:$0x40];
	_ =	sdelay $0x4  }
0x92: {  	v60 =	vshll.u32 v3, $0x1  }
0x93: {  	v3 =	vand.u32 $0x7, v3;
	v4 =	vand.u32 $0xFFFFFFF0, v60  }
0x94: {  	v3 =	vor.u32 v3, v4  }
0x95: {  	v4 =	vperm.xlane v3, v0;
	_ =	sdelay $0x1  }
0x96: {  	v3 =	vperm.xlane v3, v2;
	v4 =	vadd.s32 v1, v4;
	_ =	sdelay $0x1  }
0x97: {  	v3 =	vadd.s32 v1, v3;
	_ =	sdelay $0x1  }
0x98: {  	s15 =	simm.s32 $0x4100  }
0x99: {  	[hbm4b:s5+s2] =	stream.indirect_vreg.scatter [tilespmem:s15], [sflag:$0x5], $0x80, v4, vm0, $0xb8;
	[tilespmem:$0x10100] =	vst v63  }
0x9a: {  	s16 =	simm.s32 $0x4900  }
0x9b: {  	[hbm4b:s5+s2] =	stream.indirect_vreg.scatter [tilespmem:s16], [sflag:$0x5], $0x80, v3, vm0, $0xb8;
	[tilespmem:$0x10100] =	vst v63  }
0x9c: {  	v3 =	vld [tilespmem:$0x50];
	_ =	sdelay $0x4  }
0x9d: {  	v61 =	vshll.u32 v3, $0x1  }
0x9e: {  	v3 =	vand.u32 $0x7, v3;
	v4 =	vand.u32 $0xFFFFFFF0, v61  }
0x9f: {  	v3 =	vor.u32 v3, v4  }
0xa0: {  	v4 =	vperm.xlane v3, v0;
	_ =	sdelay $0x1  }
0xa1: {  	v3 =	vperm.xlane v3, v2;
	v4 =	vadd.s32 v1, v4;
	_ =	sdelay $0x1  }
0xa2: {  	v3 =	vadd.s32 v1, v3;
	_ =	sdelay $0x1  }
0xa3: {  	s15 =	simm.s32 $0x5100  }
0xa4: {  	[hbm4b:s5+s2] =	stream.indirect_vreg.scatter [tilespmem:s15], [sflag:$0x5], $0x80, v4, vm0, $0xb8;
	[tilespmem:$0x10100] =	vst v63  }
0xa5: {  	s16 =	simm.s32 $0x5900  }
0xa6: {  	[hbm4b:s5+s2] =	stream.indirect_vreg.scatter [tilespmem:s16], [sflag:$0x5], $0x80, v3, vm0, $0xb8;
	[tilespmem:$0x10100] =	vst v63  }
0xa7: {  	v3 =	vld [tilespmem:$0x60];
	_ =	sdelay $0x4  }
0xa8: {  	v62 =	vshll.u32 v3, $0x1  }
0xa9: {  	v3 =	vand.u32 $0x7, v3;
	v4 =	vand.u32 $0xFFFFFFF0, v62  }
0xaa: {  	v3 =	vor.u32 v3, v4  }
0xab: {  	v4 =	vperm.xlane v3, v0;
	_ =	sdelay $0x1  }
0xac: {  	v3 =	vperm.xlane v3, v2;
	v4 =	vadd.s32 v1, v4;
	_ =	sdelay $0x1  }
0xad: {  	v3 =	vadd.s32 v1, v3;
	_ =	sdelay $0x1  }
0xae: {  	s15 =	simm.s32 $0x6100  }
0xaf: {  	[hbm4b:s5+s2] =	stream.indirect_vreg.scatter [tilespmem:s15], [sflag:$0x5], $0x80, v4, vm0, $0xb8;
	[tilespmem:$0x10100] =	vst v63  }
0xb0: {  	s16 =	simm.s32 $0x6900  }
0xb1: {  	[hbm4b:s5+s2] =	stream.indirect_vreg.scatter [tilespmem:s16], [sflag:$0x5], $0x80, v3, vm0, $0xb8;
	[tilespmem:$0x10100] =	vst v63  }
0xb2: {  	v3 =	vld [tilespmem:$0x70];
	_ =	sdelay $0x4  }
0xb3: {  	v63 =	vshll.u32 v3, $0x1  }
0xb4: {  	v3 =	vand.u32 $0x7, v3;
	v4 =	vand.u32 $0xFFFFFFF0, v63  }
0xb5: {  	v3 =	vor.u32 v3, v4  }
0xb6: {  	v4 =	vperm.xlane v3, v0;
	_ =	sdelay $0x1  }
0xb7: {  	v3 =	vperm.xlane v3, v2;
	v4 =	vadd.s32 v1, v4;
	_ =	sdelay $0x1  }
0xb8: {  	v3 =	vadd.s32 v1, v3;
	_ =	sdelay $0x1  }
0xb9: {  	s15 =	simm.s32 $0x7100  }
0xba: {  	[hbm4b:s5+s2] =	stream.indirect_vreg.scatter [tilespmem:s15], [sflag:$0x5], $0x80, v4, vm0, $0xb8;
	[tilespmem:$0x10100] =	vst v63  }
0xbb: {  	s16 =	simm.s32 $0x7900  }
0xbc: {  	[hbm4b:s5+s2] =	stream.indirect_vreg.scatter [tilespmem:s16], [sflag:$0x5], $0x80, v3, vm0, $0xb8;
	[tilespmem:$0x10100] =	vst v63  }
.LBB2_4:
0xbd: {  	p0 =	sge.u32 s11, s9  }
.Ltmp5:
0xbe: {  	_ = 	snop;
	(pc) =	sbr.rel @p0 .LBB2_6-.Ltmp5, $1  }
0xbf: {  	_ =	sdelay $0x3  }
0xc0: {  	p0 =	sge.u32 s10, s6  }
0xc1: {  	s11 =	simm.s32 @!p0 $0x5  }
0xc2: {  	_ =	swait.ge @!p0 [sflag:s11], $0x8000  }
0xc3: {  	[sflag:s11] =	ssyncset.done @!p0 $0x0  }
0xc4: {  	[sflag:s11] =	ssyncadd.s32 @!p0 $0xFFFF8000  }
0xc5: {  	s14 =	sshrl.u32 @!p0 s7, $0x3;
	s11 =	rddreg [dreg:$0x1]  }
0xc6: {  	s11 =	sadd.s32 @!p0 s11, s14;
	s14 =	simm.s32 @!p0 $0x0  }
0xc7: {  	[tilespmem:s14], [sflag:$0x1] =	stream.linear.gather @!p0 [hbm4b:s11+s14], $0x80, $0x38;
	[tilespmem:$0x10100] =	vst v63  }
0xc8: {  	s11 =	simm.s32 @!p0 $0x100  }
0xc9: {  	[tilespmem:s11], [sflag:$0x3] =	stream.linear.gather @!p0 [hbm4b:s8+s14], $0x8000, $0x38;
	[tilespmem:$0x10100] =	vst v63  }
0xca: {  	_ =	swait.ge [sflag:s12], $0x80  }
0xcb: {  	[sflag:s12] =	ssyncset.done $0x0  }
0xcc: {  	[sflag:s12] =	ssyncadd.s32 $0xFFFFFF80  }
0xcd: {  	_ =	swait.ge [sflag:s13], $0x8000  }
0xce: {  	[sflag:s13] =	ssyncset.done $0x0  }
0xcf: {  	[sflag:s13] =	ssyncadd.s32 $0xFFFF8000  }
0xd0: {  	v3 =	vld [tilespmem:$0x80];
	_ =	sdelay $0x4  }
0xd1: {  	v4 =	vshll.u32 v3, $0x1  }
0xd2: {  	v3 =	vand.u32 $0x7, v3;
	v4 =	vand.u32 $0xFFFFFFF0, v4  }
0xd3: {  	v3 =	vor.u32 v3, v4  }
0xd4: {  	v4 =	vperm.xlane v3, v0;
	_ =	sdelay $0x1  }
0xd5: {  	v3 =	vperm.xlane v3, v2;
	v4 =	vadd.s32 v1, v4;
	_ =	sdelay $0x1  }
0xd6: {  	v3 =	vadd.s32 v1, v3;
	_ =	sdelay $0x1  }
0xd7: {  	s14 =	simm.s32 $0x8100  }
0xd8: {  	[hbm4b:s5+s2] =	stream.indirect_vreg.scatter [tilespmem:s14], [sflag:$0x6], $0x80, v4, vm0, $0xb8;
	[tilespmem:$0x10100] =	vst v63  }
0xd9: {  	s15 =	simm.s32 $0x8900  }
0xda: {  	[hbm4b:s5+s2] =	stream.indirect_vreg.scatter [tilespmem:s15], [sflag:$0x6], $0x80, v3, vm0, $0xb8;
	[tilespmem:$0x10100] =	vst v63  }
0xdb: {  	v3 =	vld [tilespmem:$0x90];
	_ =	sdelay $0x4  }
0xdc: {  	v57 =	vshll.u32 v3, $0x1  }
0xdd: {  	v3 =	vand.u32 $0x7, v3;
	v4 =	vand.u32 $0xFFFFFFF0, v57  }
0xde: {  	v3 =	vor.u32 v3, v4  }
0xdf: {  	v4 =	vperm.xlane v3, v0;
	_ =	sdelay $0x1  }
0xe0: {  	v3 =	vperm.xlane v3, v2;
	v4 =	vadd.s32 v1, v4;
	_ =	sdelay $0x1  }
0xe1: {  	v3 =	vadd.s32 v1, v3;
	_ =	sdelay $0x1  }
0xe2: {  	s16 =	simm.s32 $0x9100  }
0xe3: {  	[hbm4b:s5+s2] =	stream.indirect_vreg.scatter [tilespmem:s16], [sflag:$0x6], $0x80, v4, vm0, $0xb8;
	[tilespmem:$0x10100] =	vst v63  }
0xe4: {  	_ = 	snop  }
0xe5: {  	[hbm4b:s5+s2] =	stream.indirect_vreg.scatter [tilespmem:s17], [sflag:$0x6], $0x80, v3, vm0, $0xb8;
	[tilespmem:$0x10100] =	vst v63  }
0xe6: {  	v3 =	vld [tilespmem:$0xA0];
	_ =	sdelay $0x4  }
0xe7: {  	v58 =	vshll.u32 v3, $0x1  }
0xe8: {  	v3 =	vand.u32 $0x7, v3;
	v4 =	vand.u32 $0xFFFFFFF0, v58  }
0xe9: {  	v3 =	vor.u32 v3, v4  }
0xea: {  	v4 =	vperm.xlane v3, v0;
	_ =	sdelay $0x1  }
0xeb: {  	v3 =	vperm.xlane v3, v2;
	v4 =	vadd.s32 v1, v4;
	_ =	sdelay $0x1  }
0xec: {  	v3 =	vadd.s32 v1, v3;
	_ =	sdelay $0x2  }
0xed: {  	[hbm4b:s5+s2] =	stream.indirect_vreg.scatter [tilespmem:s18], [sflag:$0x6], $0x80, v4, vm0, $0xb8;
	[tilespmem:$0x10100] =	vst v63  }
0xee: {  	_ = 	snop  }
0xef: {  	[hbm4b:s5+s2] =	stream.indirect_vreg.scatter [tilespmem:s1], [sflag:$0x6], $0x80, v3, vm0, $0xb8;
	[tilespmem:$0x10100] =	vst v63  }
0xf0: {  	v3 =	vld [tilespmem:$0xB0];
	_ =	sdelay $0x4  }
0xf1: {  	v59 =	vshll.u32 v3, $0x1  }
0xf2: {  	v3 =	vand.u32 $0x7, v3;
	v4 =	vand.u32 $0xFFFFFFF0, v59  }
0xf3: {  	v3 =	vor.u32 v3, v4  }
0xf4: {  	v4 =	vperm.xlane v3, v0;
	_ =	sdelay $0x1  }
0xf5: {  	v3 =	vperm.xlane v3, v2;
	v4 =	vadd.s32 v1, v4;
	_ =	sdelay $0x1  }
0xf6: {  	v3 =	vadd.s32 v1, v3;
	_ =	sdelay $0x2  }
0xf7: {  	[hbm4b:s5+s2] =	stream.indirect_vreg.scatter [tilespmem:s23], [sflag:$0x6], $0x80, v4, vm0, $0xb8;
	[tilespmem:$0x10100] =	vst v63  }
0xf8: {  	_ = 	snop  }
0xf9: {  	[hbm4b:s5+s2] =	stream.indirect_vreg.scatter [tilespmem:s24], [sflag:$0x6], $0x80, v3, vm0, $0xb8;
	[tilespmem:$0x10100] =	vst v63  }
0xfa: {  	v3 =	vld [tilespmem:$0xC0];
	_ =	sdelay $0x4  }
0xfb: {  	v60 =	vshll.u32 v3, $0x1  }
0xfc: {  	v3 =	vand.u32 $0x7, v3;
	v4 =	vand.u32 $0xFFFFFFF0, v60  }
0xfd: {  	v3 =	vor.u32 v3, v4  }
0xfe: {  	v4 =	vperm.xlane v3, v0;
	_ =	sdelay $0x1  }
0xff: {  	v3 =	vperm.xlane v3, v2;
	v4 =	vadd.s32 v1, v4;
	_ =	sdelay $0x1  }
0x100: {  	v3 =	vadd.s32 v1, v3;
	_ =	sdelay $0x2  }
0x101: {  	[hbm4b:s5+s2] =	stream.indirect_vreg.scatter [tilespmem:s25], [sflag:$0x6], $0x80, v4, vm0, $0xb8;
	[tilespmem:$0x10100] =	vst v63  }
0x102: {  	_ = 	snop  }
0x103: {  	[hbm4b:s5+s2] =	stream.indirect_vreg.scatter [tilespmem:s26], [sflag:$0x6], $0x80, v3, vm0, $0xb8;
	[tilespmem:$0x10100] =	vst v63  }
0x104: {  	v3 =	vld [tilespmem:$0xD0];
	_ =	sdelay $0x4  }
0x105: {  	v61 =	vshll.u32 v3, $0x1  }
0x106: {  	v3 =	vand.u32 $0x7, v3;
	v4 =	vand.u32 $0xFFFFFFF0, v61  }
0x107: {  	v3 =	vor.u32 v3, v4  }
0x108: {  	v4 =	vperm.xlane v3, v0;
	_ =	sdelay $0x1  }
0x109: {  	v3 =	vperm.xlane v3, v2;
	v4 =	vadd.s32 v1, v4;
	_ =	sdelay $0x1  }
0x10a: {  	v3 =	vadd.s32 v1, v3;
	_ =	sdelay $0x2  }
0x10b: {  	[hbm4b:s5+s2] =	stream.indirect_vreg.scatter [tilespmem:s28], [sflag:$0x6], $0x80, v4, vm0, $0xb8;
	[tilespmem:$0x10100] =	vst v63  }
0x10c: {  	_ = 	snop  }
0x10d: {  	[hbm4b:s5+s2] =	stream.indirect_vreg.scatter [tilespmem:s29], [sflag:$0x6], $0x80, v3, vm0, $0xb8;
	[tilespmem:$0x10100] =	vst v63  }
0x10e: {  	v3 =	vld [tilespmem:$0xE0];
	_ =	sdelay $0x4  }
0x10f: {  	v62 =	vshll.u32 v3, $0x1  }
0x110: {  	v3 =	vand.u32 $0x7, v3;
	v4 =	vand.u32 $0xFFFFFFF0, v62  }
0x111: {  	v3 =	vor.u32 v3, v4  }
0x112: {  	v4 =	vperm.xlane v3, v0;
	_ =	sdelay $0x1  }
0x113: {  	v3 =	vperm.xlane v3, v2;
	v4 =	vadd.s32 v1, v4;
	_ =	sdelay $0x1  }
0x114: {  	v3 =	vadd.s32 v1, v3;
	_ =	sdelay $0x2  }
0x115: {  	[hbm4b:s5+s2] =	stream.indirect_vreg.scatter [tilespmem:s30], [sflag:$0x6], $0x80, v4, vm0, $0xb8;
	[tilespmem:$0x10100] =	vst v63  }
0x116: {  	_ = 	snop  }
0x117: {  	[hbm4b:s5+s2] =	stream.indirect_vreg.scatter [tilespmem:s31], [sflag:$0x6], $0x80, v3, vm0, $0xb8;
	[tilespmem:$0x10100] =	vst v63  }
0x118: {  	v3 =	vld [tilespmem:$0xF0];
	_ =	sdelay $0x4  }
0x119: {  	v63 =	vshll.u32 v3, $0x1  }
0x11a: {  	v3 =	vand.u32 $0x7, v3;
	v4 =	vand.u32 $0xFFFFFFF0, v63  }
0x11b: {  	v3 =	vor.u32 v3, v4  }
0x11c: {  	v4 =	vperm.xlane v3, v0;
	_ =	sdelay $0x1  }
0x11d: {  	v3 =	vperm.xlane v3, v2;
	v4 =	vadd.s32 v1, v4;
	_ =	sdelay $0x1  }
0x11e: {  	v3 =	vadd.s32 v1, v3  }
.Ltmp6:
0x11f: {  	_ = 	snop;
	(pc) =	sbr.rel .LBB2_6-.Ltmp6, $4  }
0x120: {  	_ = 	snop  }
0x121: {  	[hbm4b:s5+s2] =	stream.indirect_vreg.scatter [tilespmem:s0], [sflag:$0x6], $0x80, v4, vm0, $0xb8;
	[tilespmem:$0x10100] =	vst v63  }
0x122: {  	_ = 	snop  }
0x123: {  	[hbm4b:s5+s2] =	stream.indirect_vreg.scatter [tilespmem:s3], [sflag:$0x6], $0x80, v3, vm0, $0xb8;
	[tilespmem:$0x10100] =	vst v63  }
.LBB2_8:
0x124: {  	_ =	sfence.sel $0x180000  }
0x125: {  	[bflag:$0x0] =	sbarrier.arrive $0xFFFF  }
0x126: {  	_ =	strace $0x90000050  }
0x127: {  	s0 =	stileid.u32;
	[bflag:$0x2] =	sbarrier.arrive $0xFFFF  }
0x128: {  	p0 =	sne.s32 s0, $0x0;
	s0 =	rddreg [dreg:$0x2]  }
0x129: {  	s0 =	sadd.s32 @!p0 $0x100000, s0  }
0x12a: {  	[sflag:s0] =	ssyncadd.tile.s32 @!p0 $0x1;
	_ =	shalt  }
.Lfunc_end2:
_tile_overlayer_lowered:
.L_overlay_start_2:
0x12b: {  	(tag) =	ssettag $0x2  }
0x12c: {  	s0 =	rddreg [dreg:$0x0];
	s2 =	stileid.u32  }
0x12d: {  	s1 =	rddreg [dreg:$0x1];
	p0 =	sne.s32 s2, $0x0  }
0x12e: {  	s3 =	rddreg [dreg:$0x2];
	[bflag:$0x3] =	sbarrier.arrive $0xFFFF;
	s2 =	simm.s32 @!p0 $0x1C07  }
0x12f: {  	[timem:s3], [sflag:s2] =	dma.local @!p0 [hbm:s0], s1  }
0x130: {  	s0 =	simm.s32 @!p0 $0x7  }
0x131: {  	_ =	swait.ge @!p0 [sflag:s0], s1  }
0x132: {  	s1 =	ssub.s32 @!p0 $0x0, s1;
	[sflag:s0] =	ssyncset.done @!p0 $0x0  }
0x133: {  	[sflag:s0] =	ssyncadd.s32 @!p0 s1  }
0x134: {  	[bflag:$0x3] =	sbarrier.arrive $0xFFFF  }
0x135: {  	_ =	shalt  }

// kernel: kernel.21.cloned.1.call-start
scs
__scs_entry_jumppad:
0x0: {  	(pc) =	sbr.rel $0x88, $3  }
0x1: {  	(tag) =	ssettag $0x0;
	lr =	simm.s32 $0x1  }
0x2: {  	[smem:$0x3F94] =	sst lr;
	_ =	strace $0xD0000000  }
0x3: {  	_ = 	snop  }
0x4: {  	_ = 	snop  }
0x5: {  	_ = 	snop  }
0x6: {  	_ = 	snop  }
0x7: {  	_ = 	snop  }
__scs_overlays_trampoline_lowered:
0x8: {  	[smem:$0x3FA3] =	sst s0  }
0x9: {  	[smem:$0x3FA4] =	sst s1  }
0xa: {  	[smem:$0x3FA5] =	sst s2  }
0xb: {  	[smem:$0x3FA6] =	sst s3  }
0xc: {  	[smem:$0x3FA7] =	sst s4  }
0xd: {  	[smem:$0x3FA8] =	sst s5  }
0xe: {  	[smem:$0x3FA9] =	sst s6  }
0xf: {  	[smem:$0x3FAA] =	sst s7  }
0x10: {  	[smem:$0x3FAB] =	sst s8  }
0x11: {  	[smem:$0x3FAC] =	sst s9;
	s0 =	simm.s32 @!p0 $0x0  }
0x12: {  	s1 =	sld [smem:$0x3F92];
	s0 =	simm.s32 @p0 $0x1  }
0x13: {  	[smem:$0x3FAD] =	sst s0;
	s0 =	simm.s32 @!p1 $0x0  }
0x14: {  	s2 =	sld [smem:$0x3F91];
	s0 =	simm.s32 @p1 $0x1  }
0x15: {  	[smem:$0x3FAE] =	sst s0;
	s0 =	simm.s32 @!p2 $0x0  }
0x16: {  	s3 =	sld [smem:$0x3FDB];
	s0 =	simm.s32 @p2 $0x1  }
0x17: {  	s4 =	simm.s32 $0x1BF5;
	[smem:$0x3FB0] =	sst s0  }
0x18: {  	s0 =	sld [smem:$0x3F93];
	_ =	swait.ge [sflag:s4], $0x0  }
0x19: {  	s7 =	sld [smem:$0x3F94]  }
0x1a: {  	s8 =	sadd.s32 $0xFFFFE003, lr  }
0x1b: {  	s9 =	sadd.s32 $0xFFFFFEF7, lr;
	s5 =	simm.s32 $0xFFFFFFFF;
	p2 =	slt.u32 s8, $0xFFFFF086  }
0x1c: {  	p1 =	slt.u32 s9, $0xF7A;
	s5 =	simm.s32 @!p2 $0x0  }
0x1d: {  	s5 =	simm.s32 @p1 $0x1;
	p0 =	seq.s32 s7, s2  }
0x1e: {  	s7 =	smul.u32 @!p0 $0xF7A, s2;
	p2 =	seq.s32 @!p0 s5, $0x0  }
0x1f: {  	s9 =	smul.u32 $0xF7A, s1;
	s8 =	simm.s32 @!p0 $0x1BF5;
	p2 =	por !p2, p0  }
0x20: {  	[sflag:s8] =	ssyncset.s32 @!p0 $0xFFFFF086;
	s6 =	sadd.s32 @!p0 s3, s7;
	s7 =	simm.s32 @!p0 $0x108  }
0x21: {  	s3 =	sadd.s32 s3, s9;
	s6 =	sadd.s32 @!p0 $0x88, s6;
	s7 =	simm.s32 @p2 $0x1082  }
0x22: {  	[simem:s7], [sflag:s8] =	dma.local @!p0 [hbm:s6], $0xF7A  }
0x23: {  	s9 =	sor.u32 $0xD0000000, s2;
	s6 =	simm.s32 $0x108;
	_ =	swait.ge @!p0 [sflag:s8], $0x0  }
0x24: {  	s3 =	sadd.s32 $0x88, s3;
	s6 =	simm.s32 @!p1 $0x1082;
	[sflag:s4] =	ssyncset.s32 $0xFFFFF086  }
0x25: {  	[simem:s6], [sflag:s4] =	dma.local [hbm:s3], $0xF7A  }
0x26: {  	[smem:$0x3F94] =	sst s1;
	(tag) =	ssettag s2;
	_ =	strace s9  }
0x27: {  	s1 =	sld [smem:$0x3FA4]  }
0x28: {  	s2 =	sld [smem:$0x3FA5]  }
0x29: {  	s4 =	sld [smem:$0x3FA7]  }
0x2a: {  	p0 =	seq.s32 s5, $0x0;
	s5 =	sld [smem:$0x3FA8]  }
0x2b: {  	s6 =	sld [smem:$0x3FA9]  }
0x2c: {  	s7 =	sld [smem:$0x3FAA]  }
0x2d: {  	s3 =	simm.s32 $0x108;
	s8 =	sld [smem:$0x3FAB]  }
0x2e: {  	s3 =	simm.s32 @!p0 $0x1082;
	s9 =	sld [smem:$0x3FAC]  }
0x2f: {  	lr =	sadd.s32 s0, s3;
	s0 =	sld [smem:$0x3FA3]  }
0x30: {  	s3 =	sld [smem:$0x3FA6]  }
0x31: {  	[smem:$0x3FAF] =	sst s10  }
0x32: {  	s10 =	sld [smem:$0x3FAD];
	_ =	sdelay $0x3  }
0x33: {  	p0 =	seq.s32 s10, $0x1;
	s10 =	sld [smem:$0x3FAF];
	_ =	sdelay $0x3  }
0x34: {  	[smem:$0x3FAF] =	sst s10  }
0x35: {  	s10 =	sld [smem:$0x3FAE];
	_ =	sdelay $0x3  }
0x36: {  	p1 =	seq.s32 s10, $0x1;
	s10 =	sld [smem:$0x3FAF];
	_ =	sdelay $0x3  }
0x37: {  	[smem:$0x3FAF] =	sst s10  }
0x38: {  	s10 =	sld [smem:$0x3FB0]  }
0x39: {  	_ = 	snop;
	(pc) =	sbr.ind lr, $3  }
0x3a: {  	_ = 	snop  }
0x3b: {  	_ = 	snop  }
0x3c: {  	p2 =	seq.s32 s10, $0x1;
	s10 =	sld [smem:$0x3FAF]  }
0x3d: {  	_ =	shalt  }
0x3e: {  	_ =	shalt  }
0x3f: {  	_ =	shalt  }
0x40: {  	_ =	shalt  }
0x41: {  	_ =	shalt  }
0x42: {  	_ =	shalt  }
0x43: {  	_ =	shalt  }
0x44: {  	_ =	shalt  }
0x45: {  	_ =	shalt  }
0x46: {  	_ =	shalt  }
0x47: {  	_ =	shalt  }
0x48: {  	_ =	shalt  }
0x49: {  	_ =	shalt  }
0x4a: {  	_ =	shalt  }
0x4b: {  	_ =	shalt  }
0x4c: {  	_ =	shalt  }
0x4d: {  	_ =	shalt  }
0x4e: {  	_ =	shalt  }
0x4f: {  	_ =	shalt  }
0x50: {  	_ =	shalt  }
0x51: {  	_ =	shalt  }
0x52: {  	_ =	shalt  }
0x53: {  	_ =	shalt  }
0x54: {  	_ =	shalt  }
0x55: {  	_ =	shalt  }
0x56: {  	_ =	shalt  }
0x57: {  	_ =	shalt  }
0x58: {  	_ =	shalt  }
0x59: {  	_ =	shalt  }
0x5a: {  	_ =	shalt  }
0x5b: {  	_ =	shalt  }
0x5c: {  	_ =	shalt  }
0x5d: {  	_ =	shalt  }
0x5e: {  	_ =	shalt  }
0x5f: {  	_ =	shalt  }
0x60: {  	_ =	shalt  }
0x61: {  	_ =	shalt  }
0x62: {  	_ =	shalt  }
0x63: {  	_ =	shalt  }
0x64: {  	_ =	shalt  }
0x65: {  	_ =	shalt  }
0x66: {  	_ =	shalt  }
0x67: {  	_ =	shalt  }
0x68: {  	_ =	shalt  }
0x69: {  	_ =	shalt  }
0x6a: {  	_ =	shalt  }
0x6b: {  	_ =	shalt  }
0x6c: {  	_ =	shalt  }
0x6d: {  	_ =	shalt  }
0x6e: {  	_ =	shalt  }
0x6f: {  	_ =	shalt  }
0x70: {  	_ =	shalt  }
0x71: {  	_ =	shalt  }
0x72: {  	_ =	shalt  }
0x73: {  	_ =	shalt  }
0x74: {  	_ =	shalt  }
0x75: {  	_ =	shalt  }
0x76: {  	_ =	shalt  }
0x77: {  	_ =	shalt  }
0x78: {  	_ =	shalt  }
0x79: {  	_ =	shalt  }
0x7a: {  	_ =	shalt  }
0x7b: {  	_ =	shalt  }
0x7c: {  	_ =	shalt  }
0x7d: {  	_ =	shalt  }
0x7e: {  	_ =	shalt  }
0x7f: {  	_ =	shalt  }
0x80: {  	_ =	shalt  }
0x81: {  	_ =	shalt  }
0x82: {  	_ =	shalt  }
0x83: {  	_ =	shalt  }
0x84: {  	_ =	shalt  }
0x85: {  	_ =	shalt  }
0x86: {  	_ =	shalt  }
0x87: {  	_ =	shalt  }
.Lfunc_end0:
.L_simem_size_0:
called_computation.3_lowered:
.L_overlay_start_0:
0x88: {  	s2 =	sld [smem:$0x3FD9]  }
0x89: {  	s3 =	sld [smem:$0x3FFE];
	_ =	sdelay $0x1  }
0x8a: {  	s1 =	srdreg.scid  }
0x8b: {  	s0 =	sand.u32 $0x1, s1  }
0x8c: {  	s16 =	sshll.u32 s0, $0xA;
	s2 =	sadd.s32 s3, s2  }
0x8d: {  	s2 =	sadd.s32 s2, s16  }
0x8e: {  	[smem:$0x3FBB] =	sst s2  }
0x8f: {  	_ = 	snop  }
0x90: {  	(tm) =	ssettm $0x1  }
0x91: {  	s17 =	sld [smem:$0x3FFB];
	_ =	sdelay $0x3  }
0x92: {  	_ =	strace s17  }
0x93: {  	s2 =	sld [smem:$0x3FFC];
	_ =	sdelay $0x3  }
0x94: {  	_ =	strace s2  }
0x95: {  	s2 =	sld [smem:$0x3FFD];
	_ =	sdelay $0x3  }
0x96: {  	_ =	strace s2  }
0x97: {  	_ =	strace $0x8FFFFFFF  }
0x98: {  	s18 =	sld [smem:$0x3FDB];
	_ =	sdelay $0x1  }
0x99: {  	s19 =	simm.s32 $_scs_section_size  }
0x9a: {  	s4 =	simm.s32 $_size__tile_overlayer_lowered;
	s5 =	simm.s32 $_tile_overlayer_lowered  }
0x9b: {  	s22 =	simm.s32 $0x1BFF;
	s21 =	sshll.u32 s5, $0x1;
	s2 =	sadd.s32 s19, s18  }
0x9c: {  	s6 =	simm.s32 $0x0;
	s20 =	sshll.u32 s4, $0x1;
	s4 =	sadd.s32 s21, s2  }
0x9d: {  	[timem:s6], [sflag:s22] =	dma.local [hbm:s4], s20  }
0x9e: {  	_ =	swait.ge [sflag:s22], s20  }
0x9f: {  	s3 =	ssub.s32 $0x0, s20;
	[sflag:s22] =	ssyncset.done $0x0  }
0xa0: {  	[sflag:s22] =	ssyncadd.s32 s3;
	_ =	sdelay $0x1  }
0xa1: {  	s23 =	simm.s32 $0x1B8B  }
0xa2: {  	_ =	swait.ge [sflag:s23], $0x1  }
0xa3: {  	[sflag:s23] =	ssyncset.done $0x0  }
0xa4: {  	s25 =	simm.s32 $0x1B8E;
	s24 =	sld [smem:$0x3FFE];
	[sflag:s23] =	ssyncadd.s32 $0xFFFFFFFF  }
0xa5: {  	s26 =	simm.s32 $execute0_lowered;
	[smem:$0x3FD2] =	sst s25  }
0xa6: {  	s4 =	sshll.u32 s26, $0x1;
	_ =	strace $0x8000004C;
	[dreg:$0x1] =	wrdreg $0xFFFFFFFF  }
0xa7: {  	s28 =	simm.s32 $_size_execute0_lowered;
	s2 =	sadd.s32 s2, s4;
	[dreg:$0x0] =	wrdreg $0x0  }
0xa8: {  	s4 =	sshll.u32 s28, $0x1;
	[dreg:$0x2] =	wrdreg s2  }
0xa9: {  	[dreg:$0x3] =	wrdreg s4  }
0xaa: {  	[dreg:$0x4] =	wrdreg $0xC0  }
0xab: {  	_ =	task [dreg:s6], $0x5FFFF  }
0xac: {  	[dreg:$0x1] =	wrdreg $0xFFFFFFFF  }
0xad: {  	[dreg:$0x0] =	wrdreg $0x60  }
0xae: {  	[dreg:$0x2] =	wrdreg s24  }
0xaf: {  	[dreg:$0x3] =	wrdreg $0xA  }
0xb0: {  	_ =	task.clear_ibuf [dreg:s6], $0x4FFFF;
	_ =	strace $0x9000004C  }
0xb1: {  	s29 =	simm.s32 $0xA;
	_ =	strace $0x8000004E  }
0xb2: {  	_ =	swait.ge [sflag:s29], $0x1  }
0xb3: {  	[sflag:s29] =	ssyncadd.s32 $0xFFFFFFFF  }
0xb4: {  	_ =	strace $0x9000004E  }
0xb5: {  	_ =	sfence  }
0xb6: {  	s30 =	sld [smem:$0x0];
	_ =	sdelay $0x2  }
0xb7: {  	s31 =	sshll.u32 s1, $0xD;
	s1 =	sshrl.u32 s1, $0x2  }
0xb8: {  	s3 =	sand.u32 $0x4000, s31;
	s1 =	sadd.s32 s1, s30  }
0xb9: {  	s0 =	sor.u32 s3, s0;
	s1 =	sshll.u32 s1, $0x11  }
0xba: {  	s0 =	sor.u32 s1, s0  }
0xbb: {  	s0 =	sadd.s32 $0x8F2B, s0  }
0xbc: {  	[sflag:s0] =	ssyncadd.remote.s32 $0x1  }
0xbd: {  	_ =	sfence.sel $0xFFFF  }
0xbe: {  	[dreg:$0x0] =	wrdreg $0xFFFFFFFF;
	(pc) =	sbr.abs _section_cstart, $3  }
0xbf: {  	[dreg:$0x1] =	wrdreg $0xFFFFFFFF  }
0xc0: {  	_ =	task.clear_ibuf [dreg:s6], $0x2FFFF;
	_ =	strace $0x9FFFFFFF  }
0xc1: {  	(tm) =	ssettm $0x7FFFFFFF  }
tec
execute0_lowered:
.L_overlay_start_1:
0x0: {  	(tag) =	ssettag $0x1  }
0x1: {  	s0 =	rddreg [dreg:$0x0]  }
0x2: {  	s1 =	simm.s32 $0x0;
	s2 =	srdreg.scid;
	s12 =	stileid.u32  }
0x3: {  	s8 =	simm.s32 $0x761A00;
	s28 =	simm.s32 $0xC900;
	s29 =	simm.s32 $0xD100  }
0x4: {  	s30 =	simm.s32 $0xD900;
	s31 =	simm.s32 $0xE100;
	[smem:$0x7FF] =	sst s1  }
0x5: {  	s2 =	sand.u32 $0x1, s2;
	s4 =	sadd.s32 $0xA6EE00, s0;
	s7 =	smul.u32 $0x28000, s12  }
0x6: {  	s3 =	sadd.s32 $0x7200, s0;
	s6 =	sadd.s32 $0x5E00, s0;
	s11 =	smul.u32 $0x5000, s12  }
0x7: {  	s21 =	sshll.u32 s12, $0x7;
	s22 =	sshll.u32 s12, $0xC;
	_ =	strace $0x8000004D  }
0x8: {  	s5 =	ssub.s32 $0x2, s2;
	[dreg:$0x2] =	wrdreg s6;
	s26 =	smul.u32 $0x139, s2  }
0x9: {  	p0 =	seq.s32 s2, $0x0;
	s9 =	sxor.u32 $0x9, s2;
	s16 =	smul.u32 $0x139000, s2  }
0xa: {  	s6 =	simm.s32 $0x14;
	s2 =	smul.u32 $0x9C80, s2;
	s25 =	sshrl.u32 s5, $0x1  }
0xb: {  	s8 =	simm.s32 @!p0 $0x7B1A00;
	s7 =	sshrl.u32 s7, $0x3;
	p0 =	slt.u32 s12, s9  }
0xc: {  	s10 =	ssub.s32 s5, s25;
	s5 =	sadd.s32 s8, s0;
	s13 =	sadd.s32 s12, s26  }
0xd: {  	s6 =	simm.s32 @!p0 $0x13;
	s2 =	sadd.s32 s21, s2;
	s21 =	simm.s32 $0x1  }
0xe: {  	s12 =	simm.s32 $0x2;
	s0 =	sadd.s32 s5, s7;
	s14 =	sshll.u32 s13, $0x4  }
0xf: {  	s15 =	sshll.u32 s13, $0xC;
	s9 =	sadd.s32 $0xFFFFFFFF, s6;
	s17 =	smax.u32 s10, $0x1  }
0x10: {  	s18 =	sadd.s32 s5, s11;
	s24 =	sadd.s32 $0x800, s2;
	[dreg:$0x5] =	wrdreg s17  }
0x11: {  	s2 =	sadd.s32 $0x1000, s2;
	s13 =	simm.s32 $0x4;
	[dreg:$0x6] =	wrdreg s18  }
0x12: {  	s10 =	simm.s32 $0x0;
	s7 =	sadd.s32 s3, s14;
	[dreg:$0xc] =	wrdreg s2  }
0x13: {  	s19 =	sadd.s32 $0x1000, s0;
	s20 =	sadd.s32 $0x2000, s0;
	[dreg:$0x3] =	wrdreg s7  }
0x14: {  	s23 =	sadd.s32 $0x3000, s0;
	s0 =	sadd.s32 $0x4000, s0;
	[dreg:$0x7] =	wrdreg s19  }
0x15: {  	s26 =	sshrl.u32 s24, $0x3;
	s18 =	simm.s32 $0xA100;
	[dreg:$0x8] =	wrdreg s20  }
0x16: {  	s24 =	simm.s32 $0xB100;
	s2 =	simm.s32 $0xF100;
	[dreg:$0x9] =	wrdreg s23  }
0x17: {  	s7 =	sadd.s32 s4, s15;
	s4 =	sadd.s32 s16, s4;
	[dreg:$0xa] =	wrdreg s0  }
.Ltmp0:
0x18: {  	s0 =	sadd.s32 s26, s3;
	s19 =	simm.s32 $0x100;
	(pc) =	sbr.rel .LBB2_1-.Ltmp0, $4  }
0x19: {  	s20 =	simm.s32 $0x7;
	s23 =	simm.s32 $0xA900;
	[dreg:$0x4] =	wrdreg s7  }
0x1a: {  	v2 =	vlaneseq.u32;
	s26 =	simm.s32 $0xC100;
	s4 =	sadd.s32 s22, s4;
	[dreg:$0xd] =	wrdreg s0  }
0x1b: {  	vm0 =	vmmov $0xffff;
	v1 =	vshrl.u32 v2, $0x3;
	s22 =	simm.s32 $0x3;
	s0 =	simm.s32 $0xE900;
	s25 =	sadd.s32 $0x20000, s4  }
0x1c: {  	v0 =	vand.u32 $0x7, v2;
	v2 =	vor.u32 $0x8, v2;
	v1 =	vmul.u32 $0x8, v1;
	s4 =	simm.s32 $0xF900;
	[dreg:$0xb] =	wrdreg s25;
	s25 =	simm.s32 $0xB900  }
.LBB2_7:
0x1d: {  	s7 =	simm.s32 $0x5  }
0x1e: {  	_ =	swait.ge [sflag:s7], $0x8000  }
0x1f: {  	[sflag:s7] =	ssyncset.done $0x0  }
0x20: {  	s8 =	simm.s32 $0x6;
	[sflag:s7] =	ssyncadd.s32 $0xFFFF8000  }
0x21: {  	_ =	swait.ge [sflag:s8], $0x8000  }
0x22: {  	s10 =	rddreg [dreg:$0xe]  }
0x23: {  	s17 =	rddreg [dreg:$0x5];
	s10 =	sadd.s32 $0x1, s10  }
0x24: {  	p0 =	sne.s32 s10, s17  }
.Ltmp1:
0x25: {  	_ = 	snop;
	(pc) =	sbr.rel @!p0 .LBB2_8-.Ltmp1, $3  }
0x26: {  	_ =	sdelay $0x1  }
0x27: {  	[sflag:s8] =	ssyncset.done $0x0  }
0x28: {  	[sflag:s8] =	ssyncadd.s32 $0xFFFF8000  }
.LBB2_1:
0x29: {  	[dreg:$0xe] =	wrdreg s10  }
0x2a: {  	s7 =	rddreg [dreg:$0x2]  }
0x2b: {  	[tilespmem:s19], [sflag:$0x7] =	stream.linear.gather [hbm4b:s7+s1], $0x8000, $0x38;
	[tilespmem:$0x10100] =	vst v63  }
0x2c: {  	_ =	swait.ge [sflag:s20], $0x8000  }
0x2d: {  	[sflag:s20] =	ssyncset.done $0x0  }
0x2e: {  	s8 =	rddreg [dreg:$0x6];
	[sflag:s20] =	ssyncadd.s32 $0xFFFF8000  }
0x2f: {  	[hbm4b:s8+s1] =	stream.linear.scatter [tilespmem:s19], [sflag:$0x7], $0x8000, $0x38;
	[tilespmem:$0x10100] =	vst v63  }
0x30: {  	_ =	swait.ge [sflag:s20], $0x8000  }
0x31: {  	[sflag:s20] =	ssyncset.done $0x0  }
0x32: {  	s10 =	rddreg [dreg:$0x7];
	[sflag:s20] =	ssyncadd.s32 $0xFFFF8000  }
0x33: {  	[hbm4b:s10+s1] =	stream.linear.scatter [tilespmem:s19], [sflag:$0x7], $0x8000, $0x38;
	[tilespmem:$0x10100] =	vst v63  }
0x34: {  	_ =	swait.ge [sflag:s20], $0x8000  }
0x35: {  	[sflag:s20] =	ssyncset.done $0x0  }
0x36: {  	s11 =	rddreg [dreg:$0x8];
	[sflag:s20] =	ssyncadd.s32 $0xFFFF8000  }
0x37: {  	[hbm4b:s11+s1] =	stream.linear.scatter [tilespmem:s19], [sflag:$0x7], $0x8000, $0x38;
	[tilespmem:$0x10100] =	vst v63  }
0x38: {  	_ =	swait.ge [sflag:s20], $0x8000  }
0x39: {  	[sflag:s20] =	ssyncset.done $0x0  }
0x3a: {  	s14 =	rddreg [dreg:$0x9];
	[sflag:s20] =	ssyncadd.s32 $0xFFFF8000  }
0x3b: {  	[hbm4b:s14+s1] =	stream.linear.scatter [tilespmem:s19], [sflag:$0x7], $0x8000, $0x38;
	[tilespmem:$0x10100] =	vst v63  }
0x3c: {  	_ =	swait.ge [sflag:s20], $0x8000  }
0x3d: {  	[sflag:s20] =	ssyncset.done $0x0  }
0x3e: {  	s15 =	rddreg [dreg:$0xa];
	[sflag:s20] =	ssyncadd.s32 $0xFFFF8000  }
0x3f: {  	[hbm4b:s15+s1] =	stream.linear.scatter [tilespmem:s19], [sflag:$0x7], $0x8000, $0x38;
	[tilespmem:$0x10100] =	vst v63  }
0x40: {  	_ =	swait.ge [sflag:s20], $0x8000  }
0x41: {  	[sflag:s20] =	ssyncset.done $0x0  }
0x42: {  	[sflag:s20] =	ssyncadd.s32 $0xFFFF8000  }
0x43: {  	[bflag:$0x0] =	sbarrier.arrive $0xFFFF  }
0x44: {  	s16 =	rddreg [dreg:$0x3]  }
0x45: {  	s17 =	rddreg [dreg:$0x4]  }
.Ltmp2:
0x46: {  	s7 =	rddreg [dreg:$0xd];
	(pc) =	sbr.rel .LBB2_2-.Ltmp2, $4  }
0x47: {  	s8 =	rddreg [dreg:$0xc]  }
0x48: {  	[tilespmem:s1], [sflag:$0x1] =	stream.linear.gather [hbm4b:s16+s1], $0x80, $0x38;
	[tilespmem:$0x10100] =	vst v63  }
0x49: {  	s11 =	simm.s32 $0x2;
	s10 =	rddreg [dreg:$0xb]  }
0x4a: {  	[tilespmem:s19], [sflag:$0x3] =	stream.linear.gather [hbm4b:s17+s1], $0x8000, $0x38;
	[tilespmem:$0x10100] =	vst v63  }
.LBB2_6:
0x4b: {  	s11 =	sadd.s32 $0x2, s11  }
0x4c: {  	p0 =	sne.s32 s11, $0x16  }
.Ltmp3:
0x4d: {  	_ = 	snop;
	(pc) =	sbr.rel @!p0 .LBB2_7-.Ltmp3, $2  }
0x4e: {  	_ =	sdelay $0x2  }
0x4f: {  	s10 =	sadd.s32 $0x20000, s10;
	s8 =	sadd.s32 $0x1000, s8;
	s7 =	sadd.s32 $0x200, s7  }
.LBB2_2:
0x50: {  	s14 =	sadd.s32 $0xFFFFFFFE, s11  }
0x51: {  	p0 =	sge.u32 s14, s6  }
.Ltmp4:
0x52: {  	_ = 	snop;
	(pc) =	sbr.rel @p0 .LBB2_4-.Ltmp4, $1  }
0x53: {  	_ =	sdelay $0x3  }
0x54: {  	s15 =	sadd.s32 $0xFFFFFFFF, s11  }
0x55: {  	p0 =	sge.u32 s15, s6  }
0x56: {  	p1 =	seq.s32 @!p0 s11, $0x2  }
0x57: {  	p1 =	por p1, p0  }
0x58: {  	s15 =	simm.s32 @!p1 $0x6  }
0x59: {  	_ =	swait.ge @!p1 [sflag:s15], $0x8000  }
0x5a: {  	[sflag:s15] =	ssyncset.done @!p1 $0x0  }
0x5b: {  	s16 =	simm.s32 @!p0 $0x80;
	[sflag:s15] =	ssyncadd.s32 @!p1 $0xFFFF8000;
	s15 =	simm.s32 @!p0 $0x0  }
0x5c: {  	[tilespmem:s16], [sflag:$0x2] =	stream.linear.gather @!p0 [hbm4b:s7+s15], $0x80, $0x38;
	[tilespmem:$0x10100] =	vst v63  }
0x5d: {  	s17 =	simm.s32 @!p0 $0x8100;
	s16 =	sadd.s32 @!p0 $0xFFFF0000, s10  }
0x5e: {  	[tilespmem:s17], [sflag:$0x4] =	stream.linear.gather @!p0 [hbm4b:s16+s15], $0x8000, $0x38;
	[tilespmem:$0x10100] =	vst v63  }
0x5f: {  	_ =	swait.ge [sflag:s21], $0x80  }
0x60: {  	[sflag:s21] =	ssyncset.done $0x0  }
0x61: {  	[sflag:s21] =	ssyncadd.s32 $0xFFFFFF80  }
0x62: {  	_ =	swait.ge [sflag:s22], $0x8000  }
0x63: {  	[sflag:s22] =	ssyncset.done $0x0  }
0x64: {  	[sflag:s22] =	ssyncadd.s32 $0xFFFF8000  }
0x65: {  	v3 =	vld [tilespmem:$0x0];
	_ =	sdelay $0x4  }
0x66: {  	v4 =	vshll.u32 v3, $0x1  }
0x67: {  	v3 =	vand.u32 $0x7, v3;
	v4 =	vand.u32 $0xFFFFFFF0, v4  }
0x68: {  	v3 =	vor.u32 v3, v4  }
0x69: {  	v4 =	vperm.xlane v3, v0;
	_ =	sdelay $0x1  }
0x6a: {  	v3 =	vperm.xlane v3, v2;
	v4 =	vadd.s32 v1, v4;
	_ =	sdelay $0x1  }
0x6b: {  	v3 =	vadd.s32 v1, v3;
	_ =	sdelay $0x2  }
0x6c: {  	[hbm4b:s5+s1] =	stream.indirect_vreg.scatter [tilespmem:s19], [sflag:$0x5], $0x80, v4, vm0, $0xb8;
	[tilespmem:$0x10100] =	vst v63  }
0x6d: {  	s17 =	simm.s32 $0x900  }
0x6e: {  	[hbm4b:s5+s1] =	stream.indirect_vreg.scatter [tilespmem:s17], [sflag:$0x5], $0x80, v3, vm0, $0xb8;
	[tilespmem:$0x10100] =	vst v63  }
0x6f: {  	v3 =	vld [tilespmem:$0x10];
	_ =	sdelay $0x4  }
0x70: {  	v57 =	vshll.u32 v3, $0x1  }
0x71: {  	v3 =	vand.u32 $0x7, v3;
	v4 =	vand.u32 $0xFFFFFFF0, v57  }
0x72: {  	v3 =	vor.u32 v3, v4  }
0x73: {  	v4 =	vperm.xlane v3, v0;
	_ =	sdelay $0x1  }
0x74: {  	v3 =	vperm.xlane v3, v2;
	v4 =	vadd.s32 v1, v4;
	_ =	sdelay $0x1  }
0x75: {  	v3 =	vadd.s32 v1, v3;
	_ =	sdelay $0x1  }
0x76: {  	s16 =	simm.s32 $0x1100  }
0x77: {  	[hbm4b:s5+s1] =	stream.indirect_vreg.scatter [tilespmem:s16], [sflag:$0x5], $0x80, v4, vm0, $0xb8;
	[tilespmem:$0x10100] =	vst v63  }
0x78: {  	s17 =	simm.s32 $0x1900  }
0x79: {  	[hbm4b:s5+s1] =	stream.indirect_vreg.scatter [tilespmem:s17], [sflag:$0x5], $0x80, v3, vm0, $0xb8;
	[tilespmem:$0x10100] =	vst v63  }
0x7a: {  	v3 =	vld [tilespmem:$0x20];
	_ =	sdelay $0x4  }
0x7b: {  	v58 =	vshll.u32 v3, $0x1  }
0x7c: {  	v3 =	vand.u32 $0x7, v3;
	v4 =	vand.u32 $0xFFFFFFF0, v58  }
0x7d: {  	v3 =	vor.u32 v3, v4  }
0x7e: {  	v4 =	vperm.xlane v3, v0;
	_ =	sdelay $0x1  }
0x7f: {  	v3 =	vperm.xlane v3, v2;
	v4 =	vadd.s32 v1, v4;
	_ =	sdelay $0x1  }
0x80: {  	v3 =	vadd.s32 v1, v3;
	_ =	sdelay $0x1  }
0x81: {  	s16 =	simm.s32 $0x2100  }
0x82: {  	[hbm4b:s5+s1] =	stream.indirect_vreg.scatter [tilespmem:s16], [sflag:$0x5], $0x80, v4, vm0, $0xb8;
	[tilespmem:$0x10100] =	vst v63  }
0x83: {  	s17 =	simm.s32 $0x2900  }
0x84: {  	[hbm4b:s5+s1] =	stream.indirect_vreg.scatter [tilespmem:s17], [sflag:$0x5], $0x80, v3, vm0, $0xb8;
	[tilespmem:$0x10100] =	vst v63  }
0x85: {  	v3 =	vld [tilespmem:$0x30];
	_ =	sdelay $0x4  }
0x86: {  	v59 =	vshll.u32 v3, $0x1  }
0x87: {  	v3 =	vand.u32 $0x7, v3;
	v4 =	vand.u32 $0xFFFFFFF0, v59  }
0x88: {  	v3 =	vor.u32 v3, v4  }
0x89: {  	v4 =	vperm.xlane v3, v0;
	_ =	sdelay $0x1  }
0x8a: {  	v3 =	vperm.xlane v3, v2;
	v4 =	vadd.s32 v1, v4;
	_ =	sdelay $0x1  }
0x8b: {  	v3 =	vadd.s32 v1, v3;
	_ =	sdelay $0x1  }
0x8c: {  	s16 =	simm.s32 $0x3100  }
0x8d: {  	[hbm4b:s5+s1] =	stream.indirect_vreg.scatter [tilespmem:s16], [sflag:$0x5], $0x80, v4, vm0, $0xb8;
	[tilespmem:$0x10100] =	vst v63  }
0x8e: {  	s17 =	simm.s32 $0x3900  }
0x8f: {  	[hbm4b:s5+s1] =	stream.indirect_vreg.scatter [tilespmem:s17], [sflag:$0x5], $0x80, v3, vm0, $0xb8;
	[tilespmem:$0x10100] =	vst v63  }
0x90: {  	v3 =	vld [tilespmem:$0x40];
	_ =	sdelay $0x4  }
0x91: {  	v60 =	vshll.u32 v3, $0x1  }
0x92: {  	v3 =	vand.u32 $0x7, v3;
	v4 =	vand.u32 $0xFFFFFFF0, v60  }
0x93: {  	v3 =	vor.u32 v3, v4  }
0x94: {  	v4 =	vperm.xlane v3, v0;
	_ =	sdelay $0x1  }
0x95: {  	v3 =	vperm.xlane v3, v2;
	v4 =	vadd.s32 v1, v4;
	_ =	sdelay $0x1  }
0x96: {  	v3 =	vadd.s32 v1, v3;
	_ =	sdelay $0x1  }
0x97: {  	s16 =	simm.s32 $0x4100  }
0x98: {  	[hbm4b:s5+s1] =	stream.indirect_vreg.scatter [tilespmem:s16], [sflag:$0x5], $0x80, v4, vm0, $0xb8;
	[tilespmem:$0x10100] =	vst v63  }
0x99: {  	s17 =	simm.s32 $0x4900  }
0x9a: {  	[hbm4b:s5+s1] =	stream.indirect_vreg.scatter [tilespmem:s17], [sflag:$0x5], $0x80, v3, vm0, $0xb8;
	[tilespmem:$0x10100] =	vst v63  }
0x9b: {  	v3 =	vld [tilespmem:$0x50];
	_ =	sdelay $0x4  }
0x9c: {  	v61 =	vshll.u32 v3, $0x1  }
0x9d: {  	v3 =	vand.u32 $0x7, v3;
	v4 =	vand.u32 $0xFFFFFFF0, v61  }
0x9e: {  	v3 =	vor.u32 v3, v4  }
0x9f: {  	v4 =	vperm.xlane v3, v0;
	_ =	sdelay $0x1  }
0xa0: {  	v3 =	vperm.xlane v3, v2;
	v4 =	vadd.s32 v1, v4;
	_ =	sdelay $0x1  }
0xa1: {  	v3 =	vadd.s32 v1, v3;
	_ =	sdelay $0x1  }
0xa2: {  	s16 =	simm.s32 $0x5100  }
0xa3: {  	[hbm4b:s5+s1] =	stream.indirect_vreg.scatter [tilespmem:s16], [sflag:$0x5], $0x80, v4, vm0, $0xb8;
	[tilespmem:$0x10100] =	vst v63  }
0xa4: {  	s17 =	simm.s32 $0x5900  }
0xa5: {  	[hbm4b:s5+s1] =	stream.indirect_vreg.scatter [tilespmem:s17], [sflag:$0x5], $0x80, v3, vm0, $0xb8;
	[tilespmem:$0x10100] =	vst v63  }
0xa6: {  	v3 =	vld [tilespmem:$0x60];
	_ =	sdelay $0x4  }
0xa7: {  	v62 =	vshll.u32 v3, $0x1  }
0xa8: {  	v3 =	vand.u32 $0x7, v3;
	v4 =	vand.u32 $0xFFFFFFF0, v62  }
0xa9: {  	v3 =	vor.u32 v3, v4  }
0xaa: {  	v4 =	vperm.xlane v3, v0;
	_ =	sdelay $0x1  }
0xab: {  	v3 =	vperm.xlane v3, v2;
	v4 =	vadd.s32 v1, v4;
	_ =	sdelay $0x1  }
0xac: {  	v3 =	vadd.s32 v1, v3;
	_ =	sdelay $0x1  }
0xad: {  	s16 =	simm.s32 $0x6100  }
0xae: {  	[hbm4b:s5+s1] =	stream.indirect_vreg.scatter [tilespmem:s16], [sflag:$0x5], $0x80, v4, vm0, $0xb8;
	[tilespmem:$0x10100] =	vst v63  }
0xaf: {  	s17 =	simm.s32 $0x6900  }
0xb0: {  	[hbm4b:s5+s1] =	stream.indirect_vreg.scatter [tilespmem:s17], [sflag:$0x5], $0x80, v3, vm0, $0xb8;
	[tilespmem:$0x10100] =	vst v63  }
0xb1: {  	v3 =	vld [tilespmem:$0x70];
	_ =	sdelay $0x4  }
0xb2: {  	v63 =	vshll.u32 v3, $0x1  }
0xb3: {  	v3 =	vand.u32 $0x7, v3;
	v4 =	vand.u32 $0xFFFFFFF0, v63  }
0xb4: {  	v3 =	vor.u32 v3, v4  }
0xb5: {  	v4 =	vperm.xlane v3, v0;
	_ =	sdelay $0x1  }
0xb6: {  	v3 =	vperm.xlane v3, v2;
	v4 =	vadd.s32 v1, v4;
	_ =	sdelay $0x1  }
0xb7: {  	v3 =	vadd.s32 v1, v3;
	_ =	sdelay $0x1  }
0xb8: {  	s16 =	simm.s32 $0x7100  }
0xb9: {  	[hbm4b:s5+s1] =	stream.indirect_vreg.scatter [tilespmem:s16], [sflag:$0x5], $0x80, v4, vm0, $0xb8;
	[tilespmem:$0x10100] =	vst v63  }
0xba: {  	s17 =	simm.s32 $0x7900  }
0xbb: {  	[hbm4b:s5+s1] =	stream.indirect_vreg.scatter [tilespmem:s17], [sflag:$0x5], $0x80, v3, vm0, $0xb8;
	[tilespmem:$0x10100] =	vst v63  }
.LBB2_4:
0xbc: {  	p0 =	sge.u32 s14, s9  }
.Ltmp5:
0xbd: {  	_ = 	snop;
	(pc) =	sbr.rel @p0 .LBB2_6-.Ltmp5, $1  }
0xbe: {  	_ =	sdelay $0x3  }
0xbf: {  	p0 =	sge.u32 s11, s6  }
0xc0: {  	s14 =	simm.s32 @!p0 $0x5  }
0xc1: {  	_ =	swait.ge @!p0 [sflag:s14], $0x8000  }
0xc2: {  	s15 =	sshrl.u32 @!p0 s8, $0x3;
	[sflag:s14] =	ssyncset.done @!p0 $0x0  }
0xc3: {  	[sflag:s14] =	ssyncadd.s32 @!p0 $0xFFFF8000;
	s14 =	sadd.s32 @!p0 s3, s15;
	s15 =	simm.s32 @!p0 $0x0  }
0xc4: {  	[tilespmem:s15], [sflag:$0x1] =	stream.linear.gather @!p0 [hbm4b:s14+s15], $0x80, $0x38;
	[tilespmem:$0x10100] =	vst v63  }
0xc5: {  	s14 =	simm.s32 @!p0 $0x100  }
0xc6: {  	[tilespmem:s14], [sflag:$0x3] =	stream.linear.gather @!p0 [hbm4b:s10+s15], $0x8000, $0x38;
	[tilespmem:$0x10100] =	vst v63  }
0xc7: {  	_ =	swait.ge [sflag:s12], $0x80  }
0xc8: {  	[sflag:s12] =	ssyncset.done $0x0  }
0xc9: {  	[sflag:s12] =	ssyncadd.s32 $0xFFFFFF80  }
0xca: {  	_ =	swait.ge [sflag:s13], $0x8000  }
0xcb: {  	[sflag:s13] =	ssyncset.done $0x0  }
0xcc: {  	[sflag:s13] =	ssyncadd.s32 $0xFFFF8000  }
0xcd: {  	v3 =	vld [tilespmem:$0x80];
	_ =	sdelay $0x4  }
0xce: {  	v4 =	vshll.u32 v3, $0x1  }
0xcf: {  	v3 =	vand.u32 $0x7, v3;
	v4 =	vand.u32 $0xFFFFFFF0, v4  }
0xd0: {  	v3 =	vor.u32 v3, v4  }
0xd1: {  	v4 =	vperm.xlane v3, v0;
	_ =	sdelay $0x1  }
0xd2: {  	v3 =	vperm.xlane v3, v2;
	v4 =	vadd.s32 v1, v4;
	_ =	sdelay $0x1  }
0xd3: {  	v3 =	vadd.s32 v1, v3;
	_ =	sdelay $0x1  }
0xd4: {  	s17 =	simm.s32 $0x8100  }
0xd5: {  	[hbm4b:s5+s1] =	stream.indirect_vreg.scatter [tilespmem:s17], [sflag:$0x6], $0x80, v4, vm0, $0xb8;
	[tilespmem:$0x10100] =	vst v63  }
0xd6: {  	s15 =	simm.s32 $0x8900  }
0xd7: {  	[hbm4b:s5+s1] =	stream.indirect_vreg.scatter [tilespmem:s15], [sflag:$0x6], $0x80, v3, vm0, $0xb8;
	[tilespmem:$0x10100] =	vst v63  }
0xd8: {  	v3 =	vld [tilespmem:$0x90];
	_ =	sdelay $0x4  }
0xd9: {  	v57 =	vshll.u32 v3, $0x1  }
0xda: {  	v3 =	vand.u32 $0x7, v3;
	v4 =	vand.u32 $0xFFFFFFF0, v57  }
0xdb: {  	v3 =	vor.u32 v3, v4  }
0xdc: {  	v4 =	vperm.xlane v3, v0;
	_ =	sdelay $0x1  }
0xdd: {  	v3 =	vperm.xlane v3, v2;
	v4 =	vadd.s32 v1, v4;
	_ =	sdelay $0x1  }
0xde: {  	v3 =	vadd.s32 v1, v3;
	_ =	sdelay $0x1  }
0xdf: {  	s16 =	simm.s32 $0x9100  }
0xe0: {  	[hbm4b:s5+s1] =	stream.indirect_vreg.scatter [tilespmem:s16], [sflag:$0x6], $0x80, v4, vm0, $0xb8;
	[tilespmem:$0x10100] =	vst v63  }
0xe1: {  	s17 =	simm.s32 $0x9900  }
0xe2: {  	[hbm4b:s5+s1] =	stream.indirect_vreg.scatter [tilespmem:s17], [sflag:$0x6], $0x80, v3, vm0, $0xb8;
	[tilespmem:$0x10100] =	vst v63  }
0xe3: {  	v3 =	vld [tilespmem:$0xA0];
	_ =	sdelay $0x4  }
0xe4: {  	v58 =	vshll.u32 v3, $0x1  }
0xe5: {  	v3 =	vand.u32 $0x7, v3;
	v4 =	vand.u32 $0xFFFFFFF0, v58  }
0xe6: {  	v3 =	vor.u32 v3, v4  }
0xe7: {  	v4 =	vperm.xlane v3, v0;
	_ =	sdelay $0x1  }
0xe8: {  	v3 =	vperm.xlane v3, v2;
	v4 =	vadd.s32 v1, v4;
	_ =	sdelay $0x1  }
0xe9: {  	v3 =	vadd.s32 v1, v3;
	_ =	sdelay $0x2  }
0xea: {  	[hbm4b:s5+s1] =	stream.indirect_vreg.scatter [tilespmem:s18], [sflag:$0x6], $0x80, v4, vm0, $0xb8;
	[tilespmem:$0x10100] =	vst v63  }
0xeb: {  	_ = 	snop  }
0xec: {  	[hbm4b:s5+s1] =	stream.indirect_vreg.scatter [tilespmem:s23], [sflag:$0x6], $0x80, v3, vm0, $0xb8;
	[tilespmem:$0x10100] =	vst v63  }
0xed: {  	v3 =	vld [tilespmem:$0xB0];
	_ =	sdelay $0x4  }
0xee: {  	v59 =	vshll.u32 v3, $0x1  }
0xef: {  	v3 =	vand.u32 $0x7, v3;
	v4 =	vand.u32 $0xFFFFFFF0, v59  }
0xf0: {  	v3 =	vor.u32 v3, v4  }
0xf1: {  	v4 =	vperm.xlane v3, v0;
	_ =	sdelay $0x1  }
0xf2: {  	v3 =	vperm.xlane v3, v2;
	v4 =	vadd.s32 v1, v4;
	_ =	sdelay $0x1  }
0xf3: {  	v3 =	vadd.s32 v1, v3;
	_ =	sdelay $0x2  }
0xf4: {  	[hbm4b:s5+s1] =	stream.indirect_vreg.scatter [tilespmem:s24], [sflag:$0x6], $0x80, v4, vm0, $0xb8;
	[tilespmem:$0x10100] =	vst v63  }
0xf5: {  	_ = 	snop  }
0xf6: {  	[hbm4b:s5+s1] =	stream.indirect_vreg.scatter [tilespmem:s25], [sflag:$0x6], $0x80, v3, vm0, $0xb8;
	[tilespmem:$0x10100] =	vst v63  }
0xf7: {  	v3 =	vld [tilespmem:$0xC0];
	_ =	sdelay $0x4  }
0xf8: {  	v60 =	vshll.u32 v3, $0x1  }
0xf9: {  	v3 =	vand.u32 $0x7, v3;
	v4 =	vand.u32 $0xFFFFFFF0, v60  }
0xfa: {  	v3 =	vor.u32 v3, v4  }
0xfb: {  	v4 =	vperm.xlane v3, v0;
	_ =	sdelay $0x1  }
0xfc: {  	v3 =	vperm.xlane v3, v2;
	v4 =	vadd.s32 v1, v4;
	_ =	sdelay $0x1  }
0xfd: {  	v3 =	vadd.s32 v1, v3;
	_ =	sdelay $0x2  }
0xfe: {  	[hbm4b:s5+s1] =	stream.indirect_vreg.scatter [tilespmem:s26], [sflag:$0x6], $0x80, v4, vm0, $0xb8;
	[tilespmem:$0x10100] =	vst v63  }
0xff: {  	_ = 	snop  }
0x100: {  	[hbm4b:s5+s1] =	stream.indirect_vreg.scatter [tilespmem:s28], [sflag:$0x6], $0x80, v3, vm0, $0xb8;
	[tilespmem:$0x10100] =	vst v63  }
0x101: {  	v3 =	vld [tilespmem:$0xD0];
	_ =	sdelay $0x4  }
0x102: {  	v61 =	vshll.u32 v3, $0x1  }
0x103: {  	v3 =	vand.u32 $0x7, v3;
	v4 =	vand.u32 $0xFFFFFFF0, v61  }
0x104: {  	v3 =	vor.u32 v3, v4  }
0x105: {  	v4 =	vperm.xlane v3, v0;
	_ =	sdelay $0x1  }
0x106: {  	v3 =	vperm.xlane v3, v2;
	v4 =	vadd.s32 v1, v4;
	_ =	sdelay $0x1  }
0x107: {  	v3 =	vadd.s32 v1, v3;
	_ =	sdelay $0x2  }
0x108: {  	[hbm4b:s5+s1] =	stream.indirect_vreg.scatter [tilespmem:s29], [sflag:$0x6], $0x80, v4, vm0, $0xb8;
	[tilespmem:$0x10100] =	vst v63  }
0x109: {  	_ = 	snop  }
0x10a: {  	[hbm4b:s5+s1] =	stream.indirect_vreg.scatter [tilespmem:s30], [sflag:$0x6], $0x80, v3, vm0, $0xb8;
	[tilespmem:$0x10100] =	vst v63  }
0x10b: {  	v3 =	vld [tilespmem:$0xE0];
	_ =	sdelay $0x4  }
0x10c: {  	v62 =	vshll.u32 v3, $0x1  }
0x10d: {  	v3 =	vand.u32 $0x7, v3;
	v4 =	vand.u32 $0xFFFFFFF0, v62  }
0x10e: {  	v3 =	vor.u32 v3, v4  }
0x10f: {  	v4 =	vperm.xlane v3, v0;
	_ =	sdelay $0x1  }
0x110: {  	v3 =	vperm.xlane v3, v2;
	v4 =	vadd.s32 v1, v4;
	_ =	sdelay $0x1  }
0x111: {  	v3 =	vadd.s32 v1, v3;
	_ =	sdelay $0x2  }
0x112: {  	[hbm4b:s5+s1] =	stream.indirect_vreg.scatter [tilespmem:s31], [sflag:$0x6], $0x80, v4, vm0, $0xb8;
	[tilespmem:$0x10100] =	vst v63  }
0x113: {  	_ = 	snop  }
0x114: {  	[hbm4b:s5+s1] =	stream.indirect_vreg.scatter [tilespmem:s0], [sflag:$0x6], $0x80, v3, vm0, $0xb8;
	[tilespmem:$0x10100] =	vst v63  }
0x115: {  	v3 =	vld [tilespmem:$0xF0];
	_ =	sdelay $0x4  }
0x116: {  	v63 =	vshll.u32 v3, $0x1  }
0x117: {  	v3 =	vand.u32 $0x7, v3;
	v4 =	vand.u32 $0xFFFFFFF0, v63  }
0x118: {  	v3 =	vor.u32 v3, v4  }
0x119: {  	v4 =	vperm.xlane v3, v0;
	_ =	sdelay $0x1  }
0x11a: {  	v3 =	vperm.xlane v3, v2;
	v4 =	vadd.s32 v1, v4;
	_ =	sdelay $0x1  }
0x11b: {  	v3 =	vadd.s32 v1, v3  }
.Ltmp6:
0x11c: {  	_ = 	snop;
	(pc) =	sbr.rel .LBB2_6-.Ltmp6, $4  }
0x11d: {  	_ = 	snop  }
0x11e: {  	[hbm4b:s5+s1] =	stream.indirect_vreg.scatter [tilespmem:s2], [sflag:$0x6], $0x80, v4, vm0, $0xb8;
	[tilespmem:$0x10100] =	vst v63  }
0x11f: {  	_ = 	snop  }
0x120: {  	[hbm4b:s5+s1] =	stream.indirect_vreg.scatter [tilespmem:s4], [sflag:$0x6], $0x80, v3, vm0, $0xb8;
	[tilespmem:$0x10100] =	vst v63  }
.LBB2_8:
0x121: {  	_ =	sfence.sel $0x180000  }
0x122: {  	[bflag:$0x0] =	sbarrier.arrive $0xFFFF  }
0x123: {  	_ =	strace $0x9000004D  }
0x124: {  	s0 =	stileid.u32;
	[bflag:$0x2] =	sbarrier.arrive $0xFFFF  }
0x125: {  	p0 =	sne.s32 s0, $0x0;
	s0 =	rddreg [dreg:$0x1]  }
0x126: {  	s0 =	sadd.s32 @!p0 $0x100000, s0  }
0x127: {  	[sflag:s0] =	ssyncadd.tile.s32 @!p0 $0x1;
	_ =	shalt  }
.Lfunc_end2:
_tile_overlayer_lowered:
.L_overlay_start_2:
0x128: {  	(tag) =	ssettag $0x2  }
0x129: {  	s0 =	rddreg [dreg:$0x0];
	s2 =	stileid.u32  }
0x12a: {  	s1 =	rddreg [dreg:$0x1];
	p0 =	sne.s32 s2, $0x0  }
0x12b: {  	s3 =	rddreg [dreg:$0x2];
	[bflag:$0x3] =	sbarrier.arrive $0xFFFF;
	s2 =	simm.s32 @!p0 $0x1C07  }
0x12c: {  	[timem:s3], [sflag:s2] =	dma.local @!p0 [hbm:s0], s1  }
0x12d: {  	s0 =	simm.s32 @!p0 $0x7  }
0x12e: {  	_ =	swait.ge @!p0 [sflag:s0], s1  }
0x12f: {  	s1 =	ssub.s32 @!p0 $0x0, s1;
	[sflag:s0] =	ssyncset.done @!p0 $0x0  }
0x130: {  	[sflag:s0] =	ssyncadd.s32 @!p0 s1  }
0x131: {  	[bflag:$0x3] =	sbarrier.arrive $0xFFFF  }
0x132: {  	_ =	shalt  }

</sc_bundles>
